<compile_context>
chip_gen: v7x
topology: tpu7x:2x2x1
jax: 0.10.2.dev20260603
libtpu: 0.0.44.dev20260713+nightly
codegen_flags: <defaults>
</compile_context>

<pallas_src>
import functools

import jax
import jax.numpy as jnp
from jax import lax
from jax.experimental import pallas as pl
from jax.experimental.pallas import tpu as pltpu
from jax.experimental.pallas import tpu_sc as plsc

N = 9229
NMOD = 3
P = 32
H = 64
B = 4
E = 295328

N_PAD = 9344
ROWS_SUB = N_PAD // 16
E_PAD = 311296
K_AGG = 152
K_RES = 80
K_DEG = 76

@functools.lru_cache(maxsize=None)
def _sc_mesh():
    return plsc.VectorSubcoreMesh(core_axis_name="c", subcore_axis_name="s")


@functools.lru_cache(maxsize=None)
def _deg_kernel_build():
    @functools.partial(
        pl.kernel,
        out_type=jax.ShapeDtypeStruct((2 * N_PAD,), jnp.float32),
        mesh=_sc_mesh(),
        scratch_types=[
            pltpu.VMEM((K_DEG, 128), jnp.int32),
            pltpu.VMEM((128,), jnp.float32),
            pltpu.VMEM((ROWS_SUB + 8,), jnp.float32),
            pltpu.VMEM_SHARED((N_PAD,), jnp.float32),
        ],
    )
    def _deg(dstd, out, dst_v, ones_v, stage_v, acc):
        c = lax.axis_index("c")
        s = lax.axis_index("s")
        w = s * 2 + c
        sl = pl.ds(s * ROWS_SUB, ROWS_SUB)
        for j in range((ROWS_SUB + 8) // 16):
            stage_v[pl.ds(j * 16, 16)] = jnp.zeros((16,), jnp.float32)
        pltpu.sync_copy(stage_v.at[pl.ds(0, ROWS_SUB)], acc.at[sl])
        pltpu.sync_copy(dstd.at[w], dst_v)
        for j in range(8):
            ones_v[pl.ds(j * 16, 16)] = jnp.ones((16,), jnp.float32)
        plsc.subcore_barrier()

        def step(i, carry):
            pltpu.sync_copy(ones_v, acc.at[dst_v.at[i]], add=True)
            return carry

        lax.fori_loop(0, K_DEG, step, 0)
        plsc.subcore_barrier()
        pltpu.sync_copy(acc.at[sl], stage_v.at[pl.ds(0, ROWS_SUB)])
        pltpu.sync_copy(stage_v.at[pl.ds(0, ROWS_SUB)],
                        out.at[pl.ds(c * N_PAD + s * ROWS_SUB, ROWS_SUB)])

    return _deg


@functools.lru_cache(maxsize=None)
def _agg_kernel_build():
    @functools.partial(
        pl.kernel,
        out_type=jax.ShapeDtypeStruct((2 * N_PAD, 128), jnp.float32),
        mesh=_sc_mesh(),
        scratch_types=[
            pltpu.VMEM((K_RES, 128), jnp.int32),
            pltpu.VMEM((K_RES, 128), jnp.int32),
            pltpu.VMEM((128, 128), jnp.float32),
            pltpu.VMEM((128, 128), jnp.float32),
            pltpu.VMEM_SHARED((N_PAD, 128), jnp.float32),
            pltpu.SemaphoreType.DMA,
            pltpu.SemaphoreType.DMA,
        ],
    )
    def _agg(src4, dst3, g_cat, zeros2d, out, src_v, dst_v, rows_a, rows_b, acc,
             sem_a, sem_b):
        c = lax.axis_index("c")
        s = lax.axis_index("s")
        pltpu.sync_copy(zeros2d, rows_a)
        for k in range(4):
            pltpu.sync_copy(rows_a, acc.at[pl.ds(s * ROWS_SUB + k * 128, 128)])
        pltpu.sync_copy(rows_a.at[pl.ds(0, ROWS_SUB - 512)],
                        acc.at[pl.ds(s * ROWS_SUB + 512, ROWS_SUB - 512)])
        w = c * 16 + s
        plsc.subcore_barrier()

        def gather(i, buf, sem):
            return pltpu.make_async_copy(g_cat.at[src_v.at[i]], buf, sem)

        def gather_half(i, h, buf, sem):
            return pltpu.make_async_copy(
                g_cat.at[src_v.at[i, pl.ds(64 * h, 64)]],
                buf.at[pl.ds(64 * h, 64)], sem)

        for off, n_p in ((0, K_RES), (K_RES, K_AGG - K_RES)):
            pltpu.sync_copy(src4.at[w, pl.ds(off, n_p)], src_v.at[pl.ds(0, n_p)])
            pltpu.sync_copy(dst3.at[s, pl.ds(off, n_p)], dst_v.at[pl.ds(0, n_p)])
            for h in range(2):
                gather_half(0, h, rows_a, sem_a).start()
                gather_half(1, h, rows_b, sem_b).start()

            def step(i, carry):
                ia = 2 * i
                gather(ia, rows_a, sem_a).wait()
                pltpu.sync_copy(rows_a, acc.at[dst_v.at[ia]], add=True)

                @pl.when(i + 1 < n_p // 2)
                def _():
                    gather_half(ia + 2, 0, rows_a, sem_a).start()
                    gather_half(ia + 2, 1, rows_a, sem_a).start()

                gather(ia + 1, rows_b, sem_b).wait()
                pltpu.sync_copy(rows_b, acc.at[dst_v.at[ia + 1]], add=True)

                @pl.when(i + 1 < n_p // 2)
                def _():
                    gather_half(ia + 3, 0, rows_b, sem_b).start()
                    gather_half(ia + 3, 1, rows_b, sem_b).start()

                return carry

            lax.fori_loop(0, n_p // 2, step, 0)
        plsc.subcore_barrier()
        out_base = c * N_PAD + s * ROWS_SUB
        for k in range(4):
            pltpu.sync_copy(acc.at[pl.ds(s * ROWS_SUB + k * 128, 128)], rows_a)
            pltpu.sync_copy(rows_a, out.at[pl.ds(out_base + k * 128, 128)])
        pltpu.sync_copy(acc.at[pl.ds(s * ROWS_SUB + 512, ROWS_SUB - 512)],
                        rows_a.at[pl.ds(0, ROWS_SUB - 512)])
        pltpu.sync_copy(rows_a.at[pl.ds(0, ROWS_SUB - 512)],
                        out.at[pl.ds(out_base + 512, ROWS_SUB - 512)])

    return _agg


TCA_BN = 2336


def _tca_body(dp_ref, xt_ref, wp_ref, bp_ref, w1_ref, g_ref, dinv_ref):
    dp = dp_ref[...]
    deg = dp[:, 0:1] + dp[:, 1:2] + 1.0
    rows = (pl.program_id(0) * TCA_BN
            + lax.broadcasted_iota(jnp.int32, (TCA_BN, 1), 0))
    dinv = jnp.where(rows < N, 1.0 / jnp.sqrt(deg), 0.0)
    w1 = w1_ref[...]
    wp1 = jnp.dot(wp_ref[...], w1, preferred_element_type=jnp.float32)
    bp1 = jnp.dot(bp_ref[...], w1, preferred_element_type=jnp.float32)
    xt = xt_ref[...]
    gs = []
    for b in range(B):
        xb = xt[:, NMOD * b:NMOD * (b + 1)]
        hb = jnp.dot(xb, wp1, preferred_element_type=jnp.float32) + bp1
        gs.append(dinv * hb)
    g_ref[0] = jnp.concatenate([gs[0], gs[1]], axis=1)
    g_ref[1] = jnp.concatenate([gs[2], gs[3]], axis=1)
    dinv_ref[...] = dinv


_tca = pl.pallas_call(
    _tca_body,
    grid=(N_PAD // TCA_BN,),
    in_specs=[
        pl.BlockSpec((TCA_BN, 2), lambda i: (i, 0)),
        pl.BlockSpec((TCA_BN, 12), lambda i: (i, 0)),
        pl.BlockSpec((NMOD, P), lambda i: (0, 0)),
        pl.BlockSpec((1, P), lambda i: (0, 0)),
        pl.BlockSpec((P, H), lambda i: (0, 0)),
    ],
    out_specs=(
        pl.BlockSpec((2, TCA_BN, 128), lambda i: (0, i, 0)),
        pl.BlockSpec((TCA_BN, 1), lambda i: (i, 0)),
    ),
    out_shape=(
        jax.ShapeDtypeStruct((2, N_PAD, 128), jnp.float32),
        jax.ShapeDtypeStruct((N_PAD, 1), jnp.float32),
    ),
)


def _tcb_body(acc_ref, g_ref, dinv_ref, b1_ref, w2_ref, out_ref):
    dv = dinv_ref[...]
    b1 = b1_ref[...]
    w2 = w2_ref[...]
    for j in range(2):
        cs = slice(64 * j, 64 * (j + 1))
        t = jnp.maximum(dv * (acc_ref[:, cs] + g_ref[:, cs]) + b1, 0.0)
        h = jnp.dot(t, w2, preferred_element_type=jnp.float32)
        out_ref[:, cs] = dv * h


_tcb = pl.pallas_call(
    _tcb_body,
    grid=(2, N_PAD // TCA_BN),
    in_specs=[
        pl.BlockSpec((TCA_BN, 128), lambda c, i: (c * (N_PAD // TCA_BN) + i, 0)),
        pl.BlockSpec((TCA_BN, 128), lambda c, i: (c * (N_PAD // TCA_BN) + i, 0)),
        pl.BlockSpec((TCA_BN, 1), lambda c, i: (i, 0)),
        pl.BlockSpec((1, H), lambda c, i: (0, 0)),
        pl.BlockSpec((H, H), lambda c, i: (0, 0)),
    ],
    out_specs=pl.BlockSpec((TCA_BN, 128), lambda c, i: (c * (N_PAD // TCA_BN) + i, 0)),
    out_shape=jax.ShapeDtypeStruct((2 * N_PAD, 128), jnp.float32),
)


def _tcc_body(acc_ref, g_ref, dinv_ref, b2_ref, wc_ref, bc_ref, out_ref):
    dv = dinv_ref[...]
    b2 = b2_ref[...]
    wc = wc_ref[...]
    bc = bc_ref[...]
    rows = lax.broadcasted_iota(jnp.int32, (N_PAD, 1), 0)
    valid = rows < N
    outs = []
    for c in range(2):
        rs = slice(c * N_PAD, (c + 1) * N_PAD)
        a = acc_ref[rs, :]
        g = g_ref[rs, :]
        for j in range(2):
            cs = slice(64 * j, 64 * (j + 1))
            t = jnp.maximum(dv * (a[:, cs] + g[:, cs]) + b2, 0.0)
            t = jnp.where(valid, t, 0.0)
            sm = jnp.sum(t, axis=0, keepdims=True) * (1.0 / N)
            outs.append(jnp.dot(sm, wc, preferred_element_type=jnp.float32) + bc)
    out_ref[...] = jnp.concatenate(outs, axis=0)


_tcc = pl.pallas_call(
    _tcc_body,
    out_shape=jax.ShapeDtypeStruct((B, 1), jnp.float32),
)


def kernel(x, edge_index, W_proj, b_proj, W1, b1, W2, b2, Wc, bc):
    src = edge_index[0]
    dst = edge_index[1]
    padr = (N + (jnp.arange(E_PAD - E, dtype=jnp.int32) % (N_PAD - N))).astype(jnp.int32)
    src_p = jnp.concatenate([src, padr])
    dst_p = jnp.concatenate([dst, padr])
    src4 = jnp.concatenate([src_p, src_p + N_PAD]).reshape(32, K_AGG, 128)
    dst3 = dst_p.reshape(16, K_AGG, 128)
    dstd = dst_p.reshape(32, K_DEG, 128)
    zeros2d = jnp.zeros((128, 128), jnp.float32)
    xt = x.reshape(B, N, NMOD).transpose(1, 0, 2).reshape(N, B * NMOD)
    xt = jnp.pad(xt, ((0, N_PAD - N), (0, 0)))

    deg_k = _deg_kernel_build()
    agg_k = _agg_kernel_build()
    degcat = deg_k(dstd)
    dp = degcat.reshape(2, N_PAD).transpose(1, 0)
    g1, dinv = _tca(dp, xt, W_proj, b_proj.reshape(1, P), W1)
    g1 = g1.reshape(2 * N_PAD, 128)
    acc1 = agg_k(src4, dst3, g1, zeros2d)
    g2 = _tcb(acc1, g1, dinv, b1.reshape(1, H), W2)
    acc2 = agg_k(src4, dst3, g2, zeros2d)
    logits = _tcc(acc2, g2, dinv, b2.reshape(1, H), Wc, bc.reshape(1, 1))
    return logits

# --- scband reference (transcript-rebuilt; emitter-appended) ---
"""Pipeline reference for scband-reactome-gnn-6751688589916 (READ-ONLY COPY).

The authoritative reference and input builder live on the scoring server;
editing this copy changes nothing except your own understanding.
"""

import jax, jax.numpy as jnp
import numpy as np

N_GENES = 9229
N_MOD = 3
P = 32
H = 64
B = 4
E = 295328


def _xavier(k, shape):
    lim = (6.0 / (shape[0] + shape[1])) ** 0.5
    return jax.random.uniform(k, shape, jnp.float32, -lim, lim)


def setup_inputs(seed: int = 0) -> dict:
    key = jax.random.key(seed)
    ks = jax.random.split(key, 8)
    x = jax.random.normal(ks[0], (B, N_GENES * N_MOD), dtype=jnp.float32)
    edge_index = jax.random.randint(ks[1], (2, E), 0, N_GENES, dtype=jnp.int32)
    W_proj = _xavier(ks[2], (N_MOD, P))
    b_proj = jnp.zeros((P,), jnp.float32)
    W1 = _xavier(ks[3], (P, H))
    b1 = jnp.zeros((H,), jnp.float32)
    W2 = _xavier(ks[4], (H, H))
    b2 = jnp.zeros((H,), jnp.float32)
    Wc = _xavier(ks[5], (H, 1))
    bc = jnp.zeros((1,), jnp.float32)
    return {"x": x, "edge_index": edge_index, "W_proj": W_proj, "b_proj": b_proj,
            "W1": W1, "b1": b1, "W2": W2, "b2": b2, "Wc": Wc, "bc": bc}


def _gcn_conv(x, W, b, src, dst, n):
    # PyG-style GCNConv: linear transform, add self-loops, sym-normalized scatter-add
    h = x @ W
    loop = jnp.arange(n, dtype=src.dtype)
    src2 = jnp.concatenate([src, loop])
    dst2 = jnp.concatenate([dst, loop])
    deg = jax.ops.segment_sum(jnp.ones_like(dst2, dtype=h.dtype), dst2, num_segments=n)
    dinv = jnp.where(deg > 0, deg ** -0.5, 0.0)
    norm = dinv[src2] * dinv[dst2]
    msg = h[src2] * norm[:, None]
    out = jax.ops.segment_sum(msg, dst2, num_segments=n)
    return out + b


def reference(x, edge_index, W_proj, b_proj, W1, b1, W2, b2, Wc, bc):
    batch = x.shape[0]
    n = batch * N_GENES
    # ModalityFusionLayer.get_gnn_projected_features: per-gene projection of
    # n_modalities -> projection_dim (shared weights across genes)
    gene_features = x.reshape(batch, N_GENES, N_MOD) @ W_proj + b_proj
    nodes = gene_features.reshape(n, P)
    # batched edge index (per-sample offsets, batch-major concat like the torch cache)
    offsets = (jnp.arange(batch, dtype=edge_index.dtype) * N_GENES)
    be = (edge_index[:, None, :] + offsets[None, :, None]).reshape(2, -1)
    src, dst = be[0], be[1]
    h = jax.nn.relu(_gcn_conv(nodes, W1, b1, src, dst, n))
    h = jax.nn.relu(_gcn_conv(h, W2, b2, src, dst, n))
    graph_features = h.reshape(batch, N_GENES, H).mean(axis=1)
    logits = graph_features @ Wc + bc
    return logits

if __name__ == "__main__":
    import jax
    _d = setup_inputs()
    print(jax.jit(kernel)(*tuple(_d.values())))

</pallas_src>

<mosaic_0001>
#map = affine_map<(d0, d1) -> (0, 0, 0)>
#map1 = affine_map<(d0, d1) -> (0)>
module attributes {stable_mosaic.version = 14 : i64} {
  func.func @_deg(%arg0: i32, %arg1: i32, %arg2: memref<32x76x128xi32, #tpu.memory_space<hbm>>, %arg3: memref<18688xf32, #tpu.memory_space<hbm>>, %arg4: memref<76x128xi32, #tpu.memory_space<vmem>>, %arg5: memref<128xf32, #tpu.memory_space<vmem>>, %arg6: memref<592xf32, #tpu.memory_space<vmem>>, %arg7: memref<9344xf32, #tpu.memory_space<vmem_shared>>) attributes {dimension_semantics = [#tpu.dimension_semantics<core_parallel>, #tpu.dimension_semantics<subcore_parallel>], iteration_bounds = array<i64: 2, 16>, scalar_prefetch = 0 : i64, scratch_operands = 4 : i64, tpu.core_type = #tpu.core_type<sc_vector_subcore>, window_params = [{transform_indices = #map}, {transform_indices = #map1}]} {
    %mul3A = arith.constant 2 : i32
    %mul3A_0 = arith.muli %arg1, %mul3A : i32
    %add3A = arith.addi %mul3A_0, %arg0 : i32
    %mul3A_1 = arith.constant 584 : i32
    %mul3A_2 = arith.muli %arg1, %mul3A_1 : i32
    %broadcast_in_dim3A = arith.constant 0.000000e+00 : f32
    %broadcast_in_dim3A_3 = vector.broadcast %broadcast_in_dim3A : f32 to vector<16xf32>
    %swap3A = arith.constant 0 : index
    %swap3A_4 = tpu.vector_load %arg6[%swap3A] {strides = array<i32>} : memref<592xf32, #tpu.memory_space<vmem>>, vector<16xf32>,
    %swap3A_5 = vector.shape_cast %swap3A_4 : vector<16xf32> to vector<16xf32>
    %swap3A_6 = vector.shape_cast %broadcast_in_dim3A_3 : vector<16xf32> to vector<16xf32>
    tpu.vector_store %arg6[%swap3A], %swap3A_6 {strides = array<i32>} : memref<592xf32, #tpu.memory_space<vmem>>, vector<16xf32>,
    %broadcast_in_dim3A_7 = arith.constant 0.000000e+00 : f32
    %broadcast_in_dim3A_8 = vector.broadcast %broadcast_in_dim3A_7 : f32 to vector<16xf32>
    %swap3A_9 = arith.constant 16 : index
    %swap3A_10 = tpu.vector_load %arg6[%swap3A_9] {strides = array<i32>} : memref<592xf32, #tpu.memory_space<vmem>>, vector<16xf32>,
    %swap3A_11 = vector.shape_cast %swap3A_10 : vector<16xf32> to vector<16xf32>
    %swap3A_12 = vector.shape_cast %broadcast_in_dim3A_8 : vector<16xf32> to vector<16xf32>
    tpu.vector_store %arg6[%swap3A_9], %swap3A_12 {strides = array<i32>} : memref<592xf32, #tpu.memory_space<vmem>>, vector<16xf32>,
    %broadcast_in_dim3A_13 = arith.constant 0.000000e+00 : f32
    %broadcast_in_dim3A_14 = vector.broadcast %broadcast_in_dim3A_13 : f32 to vector<16xf32>
    %swap3A_15 = arith.constant 32 : index
    %swap3A_16 = tpu.vector_load %arg6[%swap3A_15] {strides = array<i32>} : memref<592xf32, #tpu.memory_space<vmem>>, vector<16xf32>,
    %swap3A_17 = vector.shape_cast %swap3A_16 : vector<16xf32> to vector<16xf32>
    %swap3A_18 = vector.shape_cast %broadcast_in_dim3A_14 : vector<16xf32> to vector<16xf32>
    tpu.vector_store %arg6[%swap3A_15], %swap3A_18 {strides = array<i32>} : memref<592xf32, #tpu.memory_space<vmem>>, vector<16xf32>,
    %broadcast_in_dim3A_19 = arith.constant 0.000000e+00 : f32
    %broadcast_in_dim3A_20 = vector.broadcast %broadcast_in_dim3A_19 : f32 to vector<16xf32>
    %swap3A_21 = arith.constant 48 : index
    %swap3A_22 = tpu.vector_load %arg6[%swap3A_21] {strides = array<i32>} : memref<592xf32, #tpu.memory_space<vmem>>, vector<16xf32>,
    %swap3A_23 = vector.shape_cast %swap3A_22 : vector<16xf32> to vector<16xf32>
    %swap3A_24 = vector.shape_cast %broadcast_in_dim3A_20 : vector<16xf32> to vector<16xf32>
    tpu.vector_store %arg6[%swap3A_21], %swap3A_24 {strides = array<i32>} : memref<592xf32, #tpu.memory_space<vmem>>, vector<16xf32>,
    %broadcast_in_dim3A_25 = arith.constant 0.000000e+00 : f32
    %broadcast_in_dim3A_26 = vector.broadcast %broadcast_in_dim3A_25 : f32 to vector<16xf32>
    %swap3A_27 = arith.constant 64 : index
    %swap3A_28 = tpu.vector_load %arg6[%swap3A_27] {strides = array<i32>} : memref<592xf32, #tpu.memory_space<vmem>>, vector<16xf32>,
    %swap3A_29 = vector.shape_cast %swap3A_28 : vector<16xf32> to vector<16xf32>
    %swap3A_30 = vector.shape_cast %broadcast_in_dim3A_26 : vector<16xf32> to vector<16xf32>
    tpu.vector_store %arg6[%swap3A_27], %swap3A_30 {strides = array<i32>} : memref<592xf32, #tpu.memory_space<vmem>>, vector<16xf32>,
    %broadcast_in_dim3A_31 = arith.constant 0.000000e+00 : f32
    %broadcast_in_dim3A_32 = vector.broadcast %broadcast_in_dim3A_31 : f32 to vector<16xf32>
    %swap3A_33 = arith.constant 80 : index
    %swap3A_34 = tpu.vector_load %arg6[%swap3A_33] {strides = array<i32>} : memref<592xf32, #tpu.memory_space<vmem>>, vector<16xf32>,
    %swap3A_35 = vector.shape_cast %swap3A_34 : vector<16xf32> to vector<16xf32>
    %swap3A_36 = vector.shape_cast %broadcast_in_dim3A_32 : vector<16xf32> to vector<16xf32>
    tpu.vector_store %arg6[%swap3A_33], %swap3A_36 {strides = array<i32>} : memref<592xf32, #tpu.memory_space<vmem>>, vector<16xf32>,
    %broadcast_in_dim3A_37 = arith.constant 0.000000e+00 : f32
    %broadcast_in_dim3A_38 = vector.broadcast %broadcast_in_dim3A_37 : f32 to vector<16xf32>
    %swap3A_39 = arith.constant 96 : index
    %swap3A_40 = tpu.vector_load %arg6[%swap3A_39] {strides = array<i32>} : memref<592xf32, #tpu.memory_space<vmem>>, vector<16xf32>,
    %swap3A_41 = vector.shape_cast %swap3A_40 : vector<16xf32> to vector<16xf32>
    %swap3A_42 = vector.shape_cast %broadcast_in_dim3A_38 : vector<16xf32> to vector<16xf32>
    tpu.vector_store %arg6[%swap3A_39], %swap3A_42 {strides = array<i32>} : memref<592xf32, #tpu.memory_space<vmem>>, vector<16xf32>,
    %broadcast_in_dim3A_43 = arith.constant 0.000000e+00 : f32
    %broadcast_in_dim3A_44 = vector.broadcast %broadcast_in_dim3A_43 : f32 to vector<16xf32>
    %swap3A_45 = arith.constant 112 : index
    %swap3A_46 = tpu.vector_load %arg6[%swap3A_45] {strides = array<i32>} : memref<592xf32, #tpu.memory_space<vmem>>, vector<16xf32>,
    %swap3A_47 = vector.shape_cast %swap3A_46 : vector<16xf32> to vector<16xf32>
    %swap3A_48 = vector.shape_cast %broadcast_in_dim3A_44 : vector<16xf32> to vector<16xf32>
    tpu.vector_store %arg6[%swap3A_45], %swap3A_48 {strides = array<i32>} : memref<592xf32, #tpu.memory_space<vmem>>, vector<16xf32>,
    %broadcast_in_dim3A_49 = arith.constant 0.000000e+00 : f32
    %broadcast_in_dim3A_50 = vector.broadcast %broadcast_in_dim3A_49 : f32 to vector<16xf32>
    %swap3A_51 = arith.constant 128 : index
    %swap3A_52 = tpu.vector_load %arg6[%swap3A_51] {strides = array<i32>} : memref<592xf32, #tpu.memory_space<vmem>>, vector<16xf32>,
    %swap3A_53 = vector.shape_cast %swap3A_52 : vector<16xf32> to vector<16xf32>
    %swap3A_54 = vector.shape_cast %broadcast_in_dim3A_50 : vector<16xf32> to vector<16xf32>
    tpu.vector_store %arg6[%swap3A_51], %swap3A_54 {strides = array<i32>} : memref<592xf32, #tpu.memory_space<vmem>>, vector<16xf32>,
    %broadcast_in_dim3A_55 = arith.constant 0.000000e+00 : f32
    %broadcast_in_dim3A_56 = vector.broadcast %broadcast_in_dim3A_55 : f32 to vector<16xf32>
    %swap3A_57 = arith.constant 144 : index
    %swap3A_58 = tpu.vector_load %arg6[%swap3A_57] {strides = array<i32>} : memref<592xf32, #tpu.memory_space<vmem>>, vector<16xf32>,
    %swap3A_59 = vector.shape_cast %swap3A_58 : vector<16xf32> to vector<16xf32>
    %swap3A_60 = vector.shape_cast %broadcast_in_dim3A_56 : vector<16xf32> to vector<16xf32>
    tpu.vector_store %arg6[%swap3A_57], %swap3A_60 {strides = array<i32>} : memref<592xf32, #tpu.memory_space<vmem>>, vector<16xf32>,
    %broadcast_in_dim3A_61 = arith.constant 0.000000e+00 : f32
    %broadcast_in_dim3A_62 = vector.broadcast %broadcast_in_dim3A_61 : f32 to vector<16xf32>
    %swap3A_63 = arith.constant 160 : index
    %swap3A_64 = tpu.vector_load %arg6[%swap3A_63] {strides = array<i32>} : memref<592xf32, #tpu.memory_space<vmem>>, vector<16xf32>,
    %swap3A_65 = vector.shape_cast %swap3A_64 : vector<16xf32> to vector<16xf32>
    %swap3A_66 = vector.shape_cast %broadcast_in_dim3A_62 : vector<16xf32> to vector<16xf32>
    tpu.vector_store %arg6[%swap3A_63], %swap3A_66 {strides = array<i32>} : memref<592xf32, #tpu.memory_space<vmem>>, vector<16xf32>,
    %broadcast_in_dim3A_67 = arith.constant 0.000000e+00 : f32
    %broadcast_in_dim3A_68 = vector.broadcast %broadcast_in_dim3A_67 : f32 to vector<16xf32>
    %swap3A_69 = arith.constant 176 : index
    %swap3A_70 = tpu.vector_load %arg6[%swap3A_69] {strides = array<i32>} : memref<592xf32, #tpu.memory_space<vmem>>, vector<16xf32>,
    %swap3A_71 = vector.shape_cast %swap3A_70 : vector<16xf32> to vector<16xf32>
    %swap3A_72 = vector.shape_cast %broadcast_in_dim3A_68 : vector<16xf32> to vector<16xf32>
    tpu.vector_store %arg6[%swap3A_69], %swap3A_72 {strides = array<i32>} : memref<592xf32, #tpu.memory_space<vmem>>, vector<16xf32>,
    %broadcast_in_dim3A_73 = arith.constant 0.000000e+00 : f32
    %broadcast_in_dim3A_74 = vector.broadcast %broadcast_in_dim3A_73 : f32 to vector<16xf32>
    %swap3A_75 = arith.constant 192 : index
    %swap3A_76 = tpu.vector_load %arg6[%swap3A_75] {strides = array<i32>} : memref<592xf32, #tpu.memory_space<vmem>>, vector<16xf32>,
    %swap3A_77 = vector.shape_cast %swap3A_76 : vector<16xf32> to vector<16xf32>
    %swap3A_78 = vector.shape_cast %broadcast_in_dim3A_74 : vector<16xf32> to vector<16xf32>
    tpu.vector_store %arg6[%swap3A_75], %swap3A_78 {strides = array<i32>} : memref<592xf32, #tpu.memory_space<vmem>>, vector<16xf32>,
    %broadcast_in_dim3A_79 = arith.constant 0.000000e+00 : f32
    %broadcast_in_dim3A_80 = vector.broadcast %broadcast_in_dim3A_79 : f32 to vector<16xf32>
    %swap3A_81 = arith.constant 208 : index
    %swap3A_82 = tpu.vector_load %arg6[%swap3A_81] {strides = array<i32>} : memref<592xf32, #tpu.memory_space<vmem>>, vector<16xf32>,
    %swap3A_83 = vector.shape_cast %swap3A_82 : vector<16xf32> to vector<16xf32>
    %swap3A_84 = vector.shape_cast %broadcast_in_dim3A_80 : vector<16xf32> to vector<16xf32>
    tpu.vector_store %arg6[%swap3A_81], %swap3A_84 {strides = array<i32>} : memref<592xf32, #tpu.memory_space<vmem>>, vector<16xf32>,
    %broadcast_in_dim3A_85 = arith.constant 0.000000e+00 : f32
    %broadcast_in_dim3A_86 = vector.broadcast %broadcast_in_dim3A_85 : f32 to vector<16xf32>
    %swap3A_87 = arith.constant 224 : index
    %swap3A_88 = tpu.vector_load %arg6[%swap3A_87] {strides = array<i32>} : memref<592xf32, #tpu.memory_space<vmem>>, vector<16xf32>,
    %swap3A_89 = vector.shape_cast %swap3A_88 : vector<16xf32> to vector<16xf32>
    %swap3A_90 = vector.shape_cast %broadcast_in_dim3A_86 : vector<16xf32> to vector<16xf32>
    tpu.vector_store %arg6[%swap3A_87], %swap3A_90 {strides = array<i32>} : memref<592xf32, #tpu.memory_space<vmem>>, vector<16xf32>,
    %broadcast_in_dim3A_91 = arith.constant 0.000000e+00 : f32
    %broadcast_in_dim3A_92 = vector.broadcast %broadcast_in_dim3A_91 : f32 to vector<16xf32>
    %swap3A_93 = arith.constant 240 : index
    %swap3A_94 = tpu.vector_load %arg6[%swap3A_93] {strides = array<i32>} : memref<592xf32, #tpu.memory_space<vmem>>, vector<16xf32>,
    %swap3A_95 = vector.shape_cast %swap3A_94 : vector<16xf32> to vector<16xf32>
    %swap3A_96 = vector.shape_cast %broadcast_in_dim3A_92 : vector<16xf32> to vector<16xf32>
    tpu.vector_store %arg6[%swap3A_93], %swap3A_96 {strides = array<i32>} : memref<592xf32, #tpu.memory_space<vmem>>, vector<16xf32>,
    %broadcast_in_dim3A_97 = arith.constant 0.000000e+00 : f32
    %broadcast_in_dim3A_98 = vector.broadcast %broadcast_in_dim3A_97 : f32 to vector<16xf32>
    %swap3A_99 = arith.constant 256 : index
    %swap3A_100 = tpu.vector_load %arg6[%swap3A_99] {strides = array<i32>} : memref<592xf32, #tpu.memory_space<vmem>>, vector<16xf32>,
    %swap3A_101 = vector.shape_cast %swap3A_100 : vector<16xf32> to vector<16xf32>
    %swap3A_102 = vector.shape_cast %broadcast_in_dim3A_98 : vector<16xf32> to vector<16xf32>
    tpu.vector_store %arg6[%swap3A_99], %swap3A_102 {strides = array<i32>} : memref<592xf32, #tpu.memory_space<vmem>>, vector<16xf32>,
    %broadcast_in_dim3A_103 = arith.constant 0.000000e+00 : f32
    %broadcast_in_dim3A_104 = vector.broadcast %broadcast_in_dim3A_103 : f32 to vector<16xf32>
    %swap3A_105 = arith.constant 272 : index
    %swap3A_106 = tpu.vector_load %arg6[%swap3A_105] {strides = array<i32>} : memref<592xf32, #tpu.memory_space<vmem>>, vector<16xf32>,
    %swap3A_107 = vector.shape_cast %swap3A_106 : vector<16xf32> to vector<16xf32>
    %swap3A_108 = vector.shape_cast %broadcast_in_dim3A_104 : vector<16xf32> to vector<16xf32>
    tpu.vector_store %arg6[%swap3A_105], %swap3A_108 {strides = array<i32>} : memref<592xf32, #tpu.memory_space<vmem>>, vector<16xf32>,
    %broadcast_in_dim3A_109 = arith.constant 0.000000e+00 : f32
    %broadcast_in_dim3A_110 = vector.broadcast %broadcast_in_dim3A_109 : f32 to vector<16xf32>
    %swap3A_111 = arith.constant 288 : index
    %swap3A_112 = tpu.vector_load %arg6[%swap3A_111] {strides = array<i32>} : memref<592xf32, #tpu.memory_space<vmem>>, vector<16xf32>,
    %swap3A_113 = vector.shape_cast %swap3A_112 : vector<16xf32> to vector<16xf32>
    %swap3A_114 = vector.shape_cast %broadcast_in_dim3A_110 : vector<16xf32> to vector<16xf32>
    tpu.vector_store %arg6[%swap3A_111], %swap3A_114 {strides = array<i32>} : memref<592xf32, #tpu.memory_space<vmem>>, vector<16xf32>,
    %broadcast_in_dim3A_115 = arith.constant 0.000000e+00 : f32
    %broadcast_in_dim3A_116 = vector.broadcast %broadcast_in_dim3A_115 : f32 to vector<16xf32>
    %swap3A_117 = arith.constant 304 : index
    %swap3A_118 = tpu.vector_load %arg6[%swap3A_117] {strides = array<i32>} : memref<592xf32, #tpu.memory_space<vmem>>, vector<16xf32>,
    %swap3A_119 = vector.shape_cast %swap3A_118 : vector<16xf32> to vector<16xf32>
    %swap3A_120 = vector.shape_cast %broadcast_in_dim3A_116 : vector<16xf32> to vector<16xf32>
    tpu.vector_store %arg6[%swap3A_117], %swap3A_120 {strides = array<i32>} : memref<592xf32, #tpu.memory_space<vmem>>, vector<16xf32>,
    %broadcast_in_dim3A_121 = arith.constant 0.000000e+00 : f32
    %broadcast_in_dim3A_122 = vector.broadcast %broadcast_in_dim3A_121 : f32 to vector<16xf32>
    %swap3A_123 = arith.constant 320 : index
    %swap3A_124 = tpu.vector_load %arg6[%swap3A_123] {strides = array<i32>} : memref<592xf32, #tpu.memory_space<vmem>>, vector<16xf32>,
    %swap3A_125 = vector.shape_cast %swap3A_124 : vector<16xf32> to vector<16xf32>
    %swap3A_126 = vector.shape_cast %broadcast_in_dim3A_122 : vector<16xf32> to vector<16xf32>
    tpu.vector_store %arg6[%swap3A_123], %swap3A_126 {strides = array<i32>} : memref<592xf32, #tpu.memory_space<vmem>>, vector<16xf32>,
    %broadcast_in_dim3A_127 = arith.constant 0.000000e+00 : f32
    %broadcast_in_dim3A_128 = vector.broadcast %broadcast_in_dim3A_127 : f32 to vector<16xf32>
    %swap3A_129 = arith.constant 336 : index
    %swap3A_130 = tpu.vector_load %arg6[%swap3A_129] {strides = array<i32>} : memref<592xf32, #tpu.memory_space<vmem>>, vector<16xf32>,
    %swap3A_131 = vector.shape_cast %swap3A_130 : vector<16xf32> to vector<16xf32>
    %swap3A_132 = vector.shape_cast %broadcast_in_dim3A_128 : vector<16xf32> to vector<16xf32>
    tpu.vector_store %arg6[%swap3A_129], %swap3A_132 {strides = array<i32>} : memref<592xf32, #tpu.memory_space<vmem>>, vector<16xf32>,
    %broadcast_in_dim3A_133 = arith.constant 0.000000e+00 : f32
    %broadcast_in_dim3A_134 = vector.broadcast %broadcast_in_dim3A_133 : f32 to vector<16xf32>
    %swap3A_135 = arith.constant 352 : index
    %swap3A_136 = tpu.vector_load %arg6[%swap3A_135] {strides = array<i32>} : memref<592xf32, #tpu.memory_space<vmem>>, vector<16xf32>,
    %swap3A_137 = vector.shape_cast %swap3A_136 : vector<16xf32> to vector<16xf32>
    %swap3A_138 = vector.shape_cast %broadcast_in_dim3A_134 : vector<16xf32> to vector<16xf32>
    tpu.vector_store %arg6[%swap3A_135], %swap3A_138 {strides = array<i32>} : memref<592xf32, #tpu.memory_space<vmem>>, vector<16xf32>,
    %broadcast_in_dim3A_139 = arith.constant 0.000000e+00 : f32
    %broadcast_in_dim3A_140 = vector.broadcast %broadcast_in_dim3A_139 : f32 to vector<16xf32>
    %swap3A_141 = arith.constant 368 : index
    %swap3A_142 = tpu.vector_load %arg6[%swap3A_141] {strides = array<i32>} : memref<592xf32, #tpu.memory_space<vmem>>, vector<16xf32>,
    %swap3A_143 = vector.shape_cast %swap3A_142 : vector<16xf32> to vector<16xf32>
    %swap3A_144 = vector.shape_cast %broadcast_in_dim3A_140 : vector<16xf32> to vector<16xf32>
    tpu.vector_store %arg6[%swap3A_141], %swap3A_144 {strides = array<i32>} : memref<592xf32, #tpu.memory_space<vmem>>, vector<16xf32>,
    %broadcast_in_dim3A_145 = arith.constant 0.000000e+00 : f32
    %broadcast_in_dim3A_146 = vector.broadcast %broadcast_in_dim3A_145 : f32 to vector<16xf32>
    %swap3A_147 = arith.constant 384 : index
    %swap3A_148 = tpu.vector_load %arg6[%swap3A_147] {strides = array<i32>} : memref<592xf32, #tpu.memory_space<vmem>>, vector<16xf32>,
    %swap3A_149 = vector.shape_cast %swap3A_148 : vector<16xf32> to vector<16xf32>
    %swap3A_150 = vector.shape_cast %broadcast_in_dim3A_146 : vector<16xf32> to vector<16xf32>
    tpu.vector_store %arg6[%swap3A_147], %swap3A_150 {strides = array<i32>} : memref<592xf32, #tpu.memory_space<vmem>>, vector<16xf32>,
    %broadcast_in_dim3A_151 = arith.constant 0.000000e+00 : f32
    %broadcast_in_dim3A_152 = vector.broadcast %broadcast_in_dim3A_151 : f32 to vector<16xf32>
    %swap3A_153 = arith.constant 400 : index
    %swap3A_154 = tpu.vector_load %arg6[%swap3A_153] {strides = array<i32>} : memref<592xf32, #tpu.memory_space<vmem>>, vector<16xf32>,
    %swap3A_155 = vector.shape_cast %swap3A_154 : vector<16xf32> to vector<16xf32>
    %swap3A_156 = vector.shape_cast %broadcast_in_dim3A_152 : vector<16xf32> to vector<16xf32>
    tpu.vector_store %arg6[%swap3A_153], %swap3A_156 {strides = array<i32>} : memref<592xf32, #tpu.memory_space<vmem>>, vector<16xf32>,
    %broadcast_in_dim3A_157 = arith.constant 0.000000e+00 : f32
    %broadcast_in_dim3A_158 = vector.broadcast %broadcast_in_dim3A_157 : f32 to vector<16xf32>
    %swap3A_159 = arith.constant 416 : index
    %swap3A_160 = tpu.vector_load %arg6[%swap3A_159] {strides = array<i32>} : memref<592xf32, #tpu.memory_space<vmem>>, vector<16xf32>,
    %swap3A_161 = vector.shape_cast %swap3A_160 : vector<16xf32> to vector<16xf32>
    %swap3A_162 = vector.shape_cast %broadcast_in_dim3A_158 : vector<16xf32> to vector<16xf32>
    tpu.vector_store %arg6[%swap3A_159], %swap3A_162 {strides = array<i32>} : memref<592xf32, #tpu.memory_space<vmem>>, vector<16xf32>,
    %broadcast_in_dim3A_163 = arith.constant 0.000000e+00 : f32
    %broadcast_in_dim3A_164 = vector.broadcast %broadcast_in_dim3A_163 : f32 to vector<16xf32>
    %swap3A_165 = arith.constant 432 : index
    %swap3A_166 = tpu.vector_load %arg6[%swap3A_165] {strides = array<i32>} : memref<592xf32, #tpu.memory_space<vmem>>, vector<16xf32>,
    %swap3A_167 = vector.shape_cast %swap3A_166 : vector<16xf32> to vector<16xf32>
    %swap3A_168 = vector.shape_cast %broadcast_in_dim3A_164 : vector<16xf32> to vector<16xf32>
    tpu.vector_store %arg6[%swap3A_165], %swap3A_168 {strides = array<i32>} : memref<592xf32, #tpu.memory_space<vmem>>, vector<16xf32>,
    %broadcast_in_dim3A_169 = arith.constant 0.000000e+00 : f32
    %broadcast_in_dim3A_170 = vector.broadcast %broadcast_in_dim3A_169 : f32 to vector<16xf32>
    %swap3A_171 = arith.constant 448 : index
    %swap3A_172 = tpu.vector_load %arg6[%swap3A_171] {strides = array<i32>} : memref<592xf32, #tpu.memory_space<vmem>>, vector<16xf32>,
    %swap3A_173 = vector.shape_cast %swap3A_172 : vector<16xf32> to vector<16xf32>
    %swap3A_174 = vector.shape_cast %broadcast_in_dim3A_170 : vector<16xf32> to vector<16xf32>
    tpu.vector_store %arg6[%swap3A_171], %swap3A_174 {strides = array<i32>} : memref<592xf32, #tpu.memory_space<vmem>>, vector<16xf32>,
    %broadcast_in_dim3A_175 = arith.constant 0.000000e+00 : f32
    %broadcast_in_dim3A_176 = vector.broadcast %broadcast_in_dim3A_175 : f32 to vector<16xf32>
    %swap3A_177 = arith.constant 464 : index
    %swap3A_178 = tpu.vector_load %arg6[%swap3A_177] {strides = array<i32>} : memref<592xf32, #tpu.memory_space<vmem>>, vector<16xf32>,
    %swap3A_179 = vector.shape_cast %swap3A_178 : vector<16xf32> to vector<16xf32>
    %swap3A_180 = vector.shape_cast %broadcast_in_dim3A_176 : vector<16xf32> to vector<16xf32>
    tpu.vector_store %arg6[%swap3A_177], %swap3A_180 {strides = array<i32>} : memref<592xf32, #tpu.memory_space<vmem>>, vector<16xf32>,
    %broadcast_in_dim3A_181 = arith.constant 0.000000e+00 : f32
    %broadcast_in_dim3A_182 = vector.broadcast %broadcast_in_dim3A_181 : f32 to vector<16xf32>
    %swap3A_183 = arith.constant 480 : index
    %swap3A_184 = tpu.vector_load %arg6[%swap3A_183] {strides = array<i32>} : memref<592xf32, #tpu.memory_space<vmem>>, vector<16xf32>,
    %swap3A_185 = vector.shape_cast %swap3A_184 : vector<16xf32> to vector<16xf32>
    %swap3A_186 = vector.shape_cast %broadcast_in_dim3A_182 : vector<16xf32> to vector<16xf32>
    tpu.vector_store %arg6[%swap3A_183], %swap3A_186 {strides = array<i32>} : memref<592xf32, #tpu.memory_space<vmem>>, vector<16xf32>,
    %broadcast_in_dim3A_187 = arith.constant 0.000000e+00 : f32
    %broadcast_in_dim3A_188 = vector.broadcast %broadcast_in_dim3A_187 : f32 to vector<16xf32>
    %swap3A_189 = arith.constant 496 : index
    %swap3A_190 = tpu.vector_load %arg6[%swap3A_189] {strides = array<i32>} : memref<592xf32, #tpu.memory_space<vmem>>, vector<16xf32>,
    %swap3A_191 = vector.shape_cast %swap3A_190 : vector<16xf32> to vector<16xf32>
    %swap3A_192 = vector.shape_cast %broadcast_in_dim3A_188 : vector<16xf32> to vector<16xf32>
    tpu.vector_store %arg6[%swap3A_189], %swap3A_192 {strides = array<i32>} : memref<592xf32, #tpu.memory_space<vmem>>, vector<16xf32>,
    %broadcast_in_dim3A_193 = arith.constant 0.000000e+00 : f32
    %broadcast_in_dim3A_194 = vector.broadcast %broadcast_in_dim3A_193 : f32 to vector<16xf32>
    %swap3A_195 = arith.constant 512 : index
    %swap3A_196 = tpu.vector_load %arg6[%swap3A_195] {strides = array<i32>} : memref<592xf32, #tpu.memory_space<vmem>>, vector<16xf32>,
    %swap3A_197 = vector.shape_cast %swap3A_196 : vector<16xf32> to vector<16xf32>
    %swap3A_198 = vector.shape_cast %broadcast_in_dim3A_194 : vector<16xf32> to vector<16xf32>
    tpu.vector_store %arg6[%swap3A_195], %swap3A_198 {strides = array<i32>} : memref<592xf32, #tpu.memory_space<vmem>>, vector<16xf32>,
    %broadcast_in_dim3A_199 = arith.constant 0.000000e+00 : f32
    %broadcast_in_dim3A_200 = vector.broadcast %broadcast_in_dim3A_199 : f32 to vector<16xf32>
    %swap3A_201 = arith.constant 528 : index
    %swap3A_202 = tpu.vector_load %arg6[%swap3A_201] {strides = array<i32>} : memref<592xf32, #tpu.memory_space<vmem>>, vector<16xf32>,
    %swap3A_203 = vector.shape_cast %swap3A_202 : vector<16xf32> to vector<16xf32>
    %swap3A_204 = vector.shape_cast %broadcast_in_dim3A_200 : vector<16xf32> to vector<16xf32>
    tpu.vector_store %arg6[%swap3A_201], %swap3A_204 {strides = array<i32>} : memref<592xf32, #tpu.memory_space<vmem>>, vector<16xf32>,
    %broadcast_in_dim3A_205 = arith.constant 0.000000e+00 : f32
    %broadcast_in_dim3A_206 = vector.broadcast %broadcast_in_dim3A_205 : f32 to vector<16xf32>
    %swap3A_207 = arith.constant 544 : index
    %swap3A_208 = tpu.vector_load %arg6[%swap3A_207] {strides = array<i32>} : memref<592xf32, #tpu.memory_space<vmem>>, vector<16xf32>,
    %swap3A_209 = vector.shape_cast %swap3A_208 : vector<16xf32> to vector<16xf32>
    %swap3A_210 = vector.shape_cast %broadcast_in_dim3A_206 : vector<16xf32> to vector<16xf32>
    tpu.vector_store %arg6[%swap3A_207], %swap3A_210 {strides = array<i32>} : memref<592xf32, #tpu.memory_space<vmem>>, vector<16xf32>,
    %broadcast_in_dim3A_211 = arith.constant 0.000000e+00 : f32
    %broadcast_in_dim3A_212 = vector.broadcast %broadcast_in_dim3A_211 : f32 to vector<16xf32>
    %swap3A_213 = arith.constant 560 : index
    %swap3A_214 = tpu.vector_load %arg6[%swap3A_213] {strides = array<i32>} : memref<592xf32, #tpu.memory_space<vmem>>, vector<16xf32>,
    %swap3A_215 = vector.shape_cast %swap3A_214 : vector<16xf32> to vector<16xf32>
    %swap3A_216 = vector.shape_cast %broadcast_in_dim3A_212 : vector<16xf32> to vector<16xf32>
    tpu.vector_store %arg6[%swap3A_213], %swap3A_216 {strides = array<i32>} : memref<592xf32, #tpu.memory_space<vmem>>, vector<16xf32>,
    %broadcast_in_dim3A_217 = arith.constant 0.000000e+00 : f32
    %broadcast_in_dim3A_218 = vector.broadcast %broadcast_in_dim3A_217 : f32 to vector<16xf32>
    %swap3A_219 = arith.constant 576 : index
    %swap3A_220 = tpu.vector_load %arg6[%swap3A_219] {strides = array<i32>} : memref<592xf32, #tpu.memory_space<vmem>>, vector<16xf32>,
    %swap3A_221 = vector.shape_cast %swap3A_220 : vector<16xf32> to vector<16xf32>
    %swap3A_222 = vector.shape_cast %broadcast_in_dim3A_218 : vector<16xf32> to vector<16xf32>
    tpu.vector_store %arg6[%swap3A_219], %swap3A_222 {strides = array<i32>} : memref<592xf32, #tpu.memory_space<vmem>>, vector<16xf32>,
    "tpu.region"() ({
      %run_scoped3A = tpu.sem_alloc : memref<!tpu.dma_semaphore, #tpu.memory_space<semaphore_mem>>
      %dma_start3A = arith.constant 0 : i32
      %dma_start3A_282 = tpu.memref_slice %arg6[%dma_start3A] : memref<592xf32, #tpu.memory_space<vmem>> -> memref<584xf32, #tpu.memory_space<vmem>>
      %dma_start3A_283 = tpu.memref_slice %arg7[%mul3A_2] : memref<9344xf32, #tpu.memory_space<vmem_shared>> -> memref<584xf32, #tpu.memory_space<vmem_shared>>
      %dma_start3A_284 = tpu.memref_slice %arg7[%mul3A_2] : memref<9344xf32, #tpu.memory_space<vmem_shared>> -> memref<584xf32, #tpu.memory_space<vmem_shared>>
      %dma_start3A_285 = arith.constant 0 : i32
      %dma_start3A_286 = tpu.memref_slice %arg6[%dma_start3A_285] : memref<592xf32, #tpu.memory_space<vmem>> -> memref<584xf32, #tpu.memory_space<vmem>>
      tpu.enqueue_dma source(%dma_start3A_286 : memref<584xf32, #tpu.memory_space<vmem>>) target(%dma_start3A_284 : memref<584xf32, #tpu.memory_space<vmem_shared>>) target_semaphore(%run_scoped3A : memref<!tpu.dma_semaphore, #tpu.memory_space<semaphore_mem>>)
      %dma_wait3A = arith.constant 0 : i32
      %dma_wait3A_287 = tpu.memref_slice %arg6[%dma_wait3A] : memref<592xf32, #tpu.memory_space<vmem>> -> memref<584xf32, #tpu.memory_space<vmem>>
      %dma_wait3A_288 = tpu.memref_slice %arg7[%mul3A_2] : memref<9344xf32, #tpu.memory_space<vmem_shared>> -> memref<584xf32, #tpu.memory_space<vmem_shared>>
      %dma_wait3A_289 = tpu.memref_slice %arg7[%mul3A_2] : memref<9344xf32, #tpu.memory_space<vmem_shared>> -> memref<584xf32, #tpu.memory_space<vmem_shared>>
      %dma_wait3A_290 = arith.constant 0 : i32
      %dma_wait3A_291 = tpu.memref_slice %arg6[%dma_wait3A_290] : memref<592xf32, #tpu.memory_space<vmem>> -> memref<584xf32, #tpu.memory_space<vmem>>
      tpu.wait_dma2 semaphore(%run_scoped3A : memref<!tpu.dma_semaphore, #tpu.memory_space<semaphore_mem>>) src(%dma_wait3A_291 : memref<584xf32, #tpu.memory_space<vmem>>) dst(%dma_wait3A_289 : memref<584xf32, #tpu.memory_space<vmem_shared>>)
      tpu.yield
    }) : () -> ()
    "tpu.region"() ({
      %run_scoped3A = tpu.sem_alloc : memref<!tpu.dma_semaphore, #tpu.memory_space<semaphore_mem>>
      %dma_start3A = arith.constant 0 : i32
      %dma_start3A_282 = arith.constant 0 : i32
      %dma_start3A_283 = tpu.memref_slice %arg2[%add3A, %dma_start3A, %dma_start3A_282] : memref<32x76x128xi32, #tpu.memory_space<hbm>> -> memref<1x76x128xi32, #tpu.memory_space<hbm>>
      %dma_start3A_284 = tpu.memref_squeeze %dma_start3A_283 : memref<1x76x128xi32, #tpu.memory_space<hbm>> -> memref<76x128xi32, #tpu.memory_space<hbm>>
      %dma_start3A_285 = arith.constant 0 : i32
      %dma_start3A_286 = arith.constant 0 : i32
      %dma_start3A_287 = tpu.memref_slice %arg2[%add3A, %dma_start3A_285, %dma_start3A_286] : memref<32x76x128xi32, #tpu.memory_space<hbm>> -> memref<1x76x128xi32, #tpu.memory_space<hbm>>
      %dma_start3A_288 = tpu.memref_squeeze %dma_start3A_287 : memref<1x76x128xi32, #tpu.memory_space<hbm>> -> memref<76x128xi32, #tpu.memory_space<hbm>>
      tpu.enqueue_dma source(%dma_start3A_288 : memref<76x128xi32, #tpu.memory_space<hbm>>) target(%arg4 : memref<76x128xi32, #tpu.memory_space<vmem>>) target_semaphore(%run_scoped3A : memref<!tpu.dma_semaphore, #tpu.memory_space<semaphore_mem>>)
      %dma_wait3A = arith.constant 0 : i32
      %dma_wait3A_289 = arith.constant 0 : i32
      %dma_wait3A_290 = tpu.memref_slice %arg2[%add3A, %dma_wait3A, %dma_wait3A_289] : memref<32x76x128xi32, #tpu.memory_space<hbm>> -> memref<1x76x128xi32, #tpu.memory_space<hbm>>
      %dma_wait3A_291 = tpu.memref_squeeze %dma_wait3A_290 : memref<1x76x128xi32, #tpu.memory_space<hbm>> -> memref<76x128xi32, #tpu.memory_space<hbm>>
      %dma_wait3A_292 = arith.constant 0 : i32
      %dma_wait3A_293 = arith.constant 0 : i32
      %dma_wait3A_294 = tpu.memref_slice %arg2[%add3A, %dma_wait3A_292, %dma_wait3A_293] : memref<32x76x128xi32, #tpu.memory_space<hbm>> -> memref<1x76x128xi32, #tpu.memory_space<hbm>>
      %dma_wait3A_295 = tpu.memref_squeeze %dma_wait3A_294 : memref<1x76x128xi32, #tpu.memory_space<hbm>> -> memref<76x128xi32, #tpu.memory_space<hbm>>
      tpu.wait_dma2 semaphore(%run_scoped3A : memref<!tpu.dma_semaphore, #tpu.memory_space<semaphore_mem>>) src(%dma_wait3A_295 : memref<76x128xi32, #tpu.memory_space<hbm>>) dst(%arg4 : memref<76x128xi32, #tpu.memory_space<vmem>>)
      tpu.yield
    }) : () -> ()
    %broadcast_in_dim3A_223 = arith.constant 1.000000e+00 : f32
    %broadcast_in_dim3A_224 = vector.broadcast %broadcast_in_dim3A_223 : f32 to vector<16xf32>
    %swap3A_225 = arith.constant 0 : index
    %swap3A_226 = tpu.vector_load %arg5[%swap3A_225] {strides = array<i32>} : memref<128xf32, #tpu.memory_space<vmem>>, vector<16xf32>,
    %swap3A_227 = vector.shape_cast %swap3A_226 : vector<16xf32> to vector<16xf32>
    %swap3A_228 = vector.shape_cast %broadcast_in_dim3A_224 : vector<16xf32> to vector<16xf32>
    tpu.vector_store %arg5[%swap3A_225], %swap3A_228 {strides = array<i32>} : memref<128xf32, #tpu.memory_space<vmem>>, vector<16xf32>,
    %broadcast_in_dim3A_229 = arith.constant 1.000000e+00 : f32
    %broadcast_in_dim3A_230 = vector.broadcast %broadcast_in_dim3A_229 : f32 to vector<16xf32>
    %swap3A_231 = arith.constant 16 : index
    %swap3A_232 = tpu.vector_load %arg5[%swap3A_231] {strides = array<i32>} : memref<128xf32, #tpu.memory_space<vmem>>, vector<16xf32>,
    %swap3A_233 = vector.shape_cast %swap3A_232 : vector<16xf32> to vector<16xf32>
    %swap3A_234 = vector.shape_cast %broadcast_in_dim3A_230 : vector<16xf32> to vector<16xf32>
    tpu.vector_store %arg5[%swap3A_231], %swap3A_234 {strides = array<i32>} : memref<128xf32, #tpu.memory_space<vmem>>, vector<16xf32>,
    %broadcast_in_dim3A_235 = arith.constant 1.000000e+00 : f32
    %broadcast_in_dim3A_236 = vector.broadcast %broadcast_in_dim3A_235 : f32 to vector<16xf32>
    %swap3A_237 = arith.constant 32 : index
    %swap3A_238 = tpu.vector_load %arg5[%swap3A_237] {strides = array<i32>} : memref<128xf32, #tpu.memory_space<vmem>>, vector<16xf32>,
    %swap3A_239 = vector.shape_cast %swap3A_238 : vector<16xf32> to vector<16xf32>
    %swap3A_240 = vector.shape_cast %broadcast_in_dim3A_236 : vector<16xf32> to vector<16xf32>
    tpu.vector_store %arg5[%swap3A_237], %swap3A_240 {strides = array<i32>} : memref<128xf32, #tpu.memory_space<vmem>>, vector<16xf32>,
    %broadcast_in_dim3A_241 = arith.constant 1.000000e+00 : f32
    %broadcast_in_dim3A_242 = vector.broadcast %broadcast_in_dim3A_241 : f32 to vector<16xf32>
    %swap3A_243 = arith.constant 48 : index
    %swap3A_244 = tpu.vector_load %arg5[%swap3A_243] {strides = array<i32>} : memref<128xf32, #tpu.memory_space<vmem>>, vector<16xf32>,
    %swap3A_245 = vector.shape_cast %swap3A_244 : vector<16xf32> to vector<16xf32>
    %swap3A_246 = vector.shape_cast %broadcast_in_dim3A_242 : vector<16xf32> to vector<16xf32>
    tpu.vector_store %arg5[%swap3A_243], %swap3A_246 {strides = array<i32>} : memref<128xf32, #tpu.memory_space<vmem>>, vector<16xf32>,
    %broadcast_in_dim3A_247 = arith.constant 1.000000e+00 : f32
    %broadcast_in_dim3A_248 = vector.broadcast %broadcast_in_dim3A_247 : f32 to vector<16xf32>
    %swap3A_249 = arith.constant 64 : index
    %swap3A_250 = tpu.vector_load %arg5[%swap3A_249] {strides = array<i32>} : memref<128xf32, #tpu.memory_space<vmem>>, vector<16xf32>,
    %swap3A_251 = vector.shape_cast %swap3A_250 : vector<16xf32> to vector<16xf32>
    %swap3A_252 = vector.shape_cast %broadcast_in_dim3A_248 : vector<16xf32> to vector<16xf32>
    tpu.vector_store %arg5[%swap3A_249], %swap3A_252 {strides = array<i32>} : memref<128xf32, #tpu.memory_space<vmem>>, vector<16xf32>,
    %broadcast_in_dim3A_253 = arith.constant 1.000000e+00 : f32
    %broadcast_in_dim3A_254 = vector.broadcast %broadcast_in_dim3A_253 : f32 to vector<16xf32>
    %swap3A_255 = arith.constant 80 : index
    %swap3A_256 = tpu.vector_load %arg5[%swap3A_255] {strides = array<i32>} : memref<128xf32, #tpu.memory_space<vmem>>, vector<16xf32>,
    %swap3A_257 = vector.shape_cast %swap3A_256 : vector<16xf32> to vector<16xf32>
    %swap3A_258 = vector.shape_cast %broadcast_in_dim3A_254 : vector<16xf32> to vector<16xf32>
    tpu.vector_store %arg5[%swap3A_255], %swap3A_258 {strides = array<i32>} : memref<128xf32, #tpu.memory_space<vmem>>, vector<16xf32>,
    %broadcast_in_dim3A_259 = arith.constant 1.000000e+00 : f32
    %broadcast_in_dim3A_260 = vector.broadcast %broadcast_in_dim3A_259 : f32 to vector<16xf32>
    %swap3A_261 = arith.constant 96 : index
    %swap3A_262 = tpu.vector_load %arg5[%swap3A_261] {strides = array<i32>} : memref<128xf32, #tpu.memory_space<vmem>>, vector<16xf32>,
    %swap3A_263 = vector.shape_cast %swap3A_262 : vector<16xf32> to vector<16xf32>
    %swap3A_264 = vector.shape_cast %broadcast_in_dim3A_260 : vector<16xf32> to vector<16xf32>
    tpu.vector_store %arg5[%swap3A_261], %swap3A_264 {strides = array<i32>} : memref<128xf32, #tpu.memory_space<vmem>>, vector<16xf32>,
    %broadcast_in_dim3A_265 = arith.constant 1.000000e+00 : f32
    %broadcast_in_dim3A_266 = vector.broadcast %broadcast_in_dim3A_265 : f32 to vector<16xf32>
    %swap3A_267 = arith.constant 112 : index
    %swap3A_268 = tpu.vector_load %arg5[%swap3A_267] {strides = array<i32>} : memref<128xf32, #tpu.memory_space<vmem>>, vector<16xf32>,
    %swap3A_269 = vector.shape_cast %swap3A_268 : vector<16xf32> to vector<16xf32>
    %swap3A_270 = vector.shape_cast %broadcast_in_dim3A_266 : vector<16xf32> to vector<16xf32>
    tpu.vector_store %arg5[%swap3A_267], %swap3A_270 {strides = array<i32>} : memref<128xf32, #tpu.memory_space<vmem>>, vector<16xf32>,
    %barrier3A = arith.constant 0 : index
    tpu.barrier barrier_id(%barrier3A)
    %scan3A = arith.constant 0 : i32
    %scan3A_271 = arith.constant 0 : i32
    %scan3A_272 = arith.constant 76 : i32
    %scan3A_273 = arith.addi %scan3A_271, %scan3A_272 : i32
    %scan3A_274 = arith.constant 1 : i32
    scf.for %scan3A_282 = %scan3A_271 to %scan3A_273 step %scan3A_274  : i32 {
      "tpu.region"() ({
        %run_scoped3A = tpu.sem_alloc : memref<!tpu.dma_semaphore, #tpu.memory_space<semaphore_mem>>
        %dma_start3A = arith.constant 0 : i32
        %dma_start3A_283 = tpu.memref_slice %arg4[%scan3A_282, %dma_start3A] : memref<76x128xi32, #tpu.memory_space<vmem>> -> memref<1x128xi32, #tpu.memory_space<vmem>>
        %dma_start3A_284 = tpu.memref_squeeze %dma_start3A_283 : memref<1x128xi32, #tpu.memory_space<vmem>> -> memref<128xi32, #tpu.memory_space<vmem>>
        %dma_start3A_285 = arith.constant 0 : i32
        %dma_start3A_286 = tpu.memref_slice %arg7[%dma_start3A_285] : memref<9344xf32, #tpu.memory_space<vmem_shared>> -> memref<9344xf32, #tpu.memory_space<vmem_shared>>
        tpu.enqueue_indirect_dma source(%arg5 : memref<128xf32, #tpu.memory_space<vmem>>) target(%dma_start3A_286 : memref<9344xf32, #tpu.memory_space<vmem_shared>>) offsets(%dma_start3A_284 : memref<128xi32, #tpu.memory_space<vmem>>) semaphore(%run_scoped3A : memref<!tpu.dma_semaphore, #tpu.memory_space<semaphore_mem>>) {add = true}
        %dma_wait3A = arith.constant 0 : i32
        %dma_wait3A_287 = tpu.memref_slice %arg4[%scan3A_282, %dma_wait3A] : memref<76x128xi32, #tpu.memory_space<vmem>> -> memref<1x128xi32, #tpu.memory_space<vmem>>
        %dma_wait3A_288 = tpu.memref_squeeze %dma_wait3A_287 : memref<1x128xi32, #tpu.memory_space<vmem>> -> memref<128xi32, #tpu.memory_space<vmem>>
        %dma_wait3A_289 = arith.constant 0 : i32
        %dma_wait3A_290 = tpu.memref_slice %arg7[%dma_wait3A_289] : memref<9344xf32, #tpu.memory_space<vmem_shared>> -> memref<9344xf32, #tpu.memory_space<vmem_shared>>
        tpu.wait_indirect_dma semaphore(%run_scoped3A : memref<!tpu.dma_semaphore, #tpu.memory_space<semaphore_mem>>) src(%arg5 : memref<128xf32, #tpu.memory_space<vmem>>) dst(%dma_wait3A_290 : memref<9344xf32, #tpu.memory_space<vmem_shared>>)
        tpu.yield
      }) : () -> ()
    }
    %scan3A_275 = arith.constant 76 : i32
    %barrier3A_276 = arith.constant 0 : index
    tpu.barrier barrier_id(%barrier3A_276)
    "tpu.region"() ({
      %run_scoped3A = tpu.sem_alloc : memref<!tpu.dma_semaphore, #tpu.memory_space<semaphore_mem>>
      %dma_start3A = arith.constant 0 : i32
      %dma_start3A_282 = tpu.memref_slice %arg6[%dma_start3A] : memref<592xf32, #tpu.memory_space<vmem>> -> memref<584xf32, #tpu.memory_space<vmem>>
      %dma_start3A_283 = tpu.memref_slice %arg7[%mul3A_2] : memref<9344xf32, #tpu.memory_space<vmem_shared>> -> memref<584xf32, #tpu.memory_space<vmem_shared>>
      %dma_start3A_284 = arith.constant 0 : i32
      %dma_start3A_285 = tpu.memref_slice %arg6[%dma_start3A_284] : memref<592xf32, #tpu.memory_space<vmem>> -> memref<584xf32, #tpu.memory_space<vmem>>
      %dma_start3A_286 = tpu.memref_slice %arg7[%mul3A_2] : memref<9344xf32, #tpu.memory_space<vmem_shared>> -> memref<584xf32, #tpu.memory_space<vmem_shared>>
      tpu.enqueue_dma source(%dma_start3A_286 : memref<584xf32, #tpu.memory_space<vmem_shared>>) target(%dma_start3A_285 : memref<584xf32, #tpu.memory_space<vmem>>) target_semaphore(%run_scoped3A : memref<!tpu.dma_semaphore, #tpu.memory_space<semaphore_mem>>)
      %dma_wait3A = arith.constant 0 : i32
      %dma_wait3A_287 = tpu.memref_slice %arg6[%dma_wait3A] : memref<592xf32, #tpu.memory_space<vmem>> -> memref<584xf32, #tpu.memory_space<vmem>>
      %dma_wait3A_288 = tpu.memref_slice %arg7[%mul3A_2] : memref<9344xf32, #tpu.memory_space<vmem_shared>> -> memref<584xf32, #tpu.memory_space<vmem_shared>>
      %dma_wait3A_289 = arith.constant 0 : i32
      %dma_wait3A_290 = tpu.memref_slice %arg6[%dma_wait3A_289] : memref<592xf32, #tpu.memory_space<vmem>> -> memref<584xf32, #tpu.memory_space<vmem>>
      %dma_wait3A_291 = tpu.memref_slice %arg7[%mul3A_2] : memref<9344xf32, #tpu.memory_space<vmem_shared>> -> memref<584xf32, #tpu.memory_space<vmem_shared>>
      tpu.wait_dma2 semaphore(%run_scoped3A : memref<!tpu.dma_semaphore, #tpu.memory_space<semaphore_mem>>) src(%dma_wait3A_291 : memref<584xf32, #tpu.memory_space<vmem_shared>>) dst(%dma_wait3A_290 : memref<584xf32, #tpu.memory_space<vmem>>)
      tpu.yield
    }) : () -> ()
    %mul3A_277 = arith.constant 9344 : i32
    %mul3A_278 = arith.muli %arg0, %mul3A_277 : i32
    %mul3A_279 = arith.constant 584 : i32
    %mul3A_280 = arith.muli %arg1, %mul3A_279 : i32
    %add3A_281 = arith.addi %mul3A_278, %mul3A_280 : i32
    "tpu.region"() ({
      %run_scoped3A = tpu.sem_alloc : memref<!tpu.dma_semaphore, #tpu.memory_space<semaphore_mem>>
      %dma_start3A = arith.constant 0 : i32
      %dma_start3A_282 = tpu.memref_slice %arg6[%dma_start3A] : memref<592xf32, #tpu.memory_space<vmem>> -> memref<584xf32, #tpu.memory_space<vmem>>
      %dma_start3A_283 = tpu.memref_slice %arg3[%add3A_281] : memref<18688xf32, #tpu.memory_space<hbm>> -> memref<584xf32, #tpu.memory_space<hbm>>
      %dma_start3A_284 = tpu.memref_slice %arg3[%add3A_281] : memref<18688xf32, #tpu.memory_space<hbm>> -> memref<584xf32, #tpu.memory_space<hbm>>
      %dma_start3A_285 = arith.constant 0 : i32
      %dma_start3A_286 = tpu.memref_slice %arg6[%dma_start3A_285] : memref<592xf32, #tpu.memory_space<vmem>> -> memref<584xf32, #tpu.memory_space<vmem>>
      tpu.enqueue_dma source(%dma_start3A_286 : memref<584xf32, #tpu.memory_space<vmem>>) target(%dma_start3A_284 : memref<584xf32, #tpu.memory_space<hbm>>) target_semaphore(%run_scoped3A : memref<!tpu.dma_semaphore, #tpu.memory_space<semaphore_mem>>)
      %dma_wait3A = arith.constant 0 : i32
      %dma_wait3A_287 = tpu.memref_slice %arg6[%dma_wait3A] : memref<592xf32, #tpu.memory_space<vmem>> -> memref<584xf32, #tpu.memory_space<vmem>>
      %dma_wait3A_288 = tpu.memref_slice %arg3[%add3A_281] : memref<18688xf32, #tpu.memory_space<hbm>> -> memref<584xf32, #tpu.memory_space<hbm>>
      %dma_wait3A_289 = tpu.memref_slice %arg3[%add3A_281] : memref<18688xf32, #tpu.memory_space<hbm>> -> memref<584xf32, #tpu.memory_space<hbm>>
      %dma_wait3A_290 = arith.constant 0 : i32
      %dma_wait3A_291 = tpu.memref_slice %arg6[%dma_wait3A_290] : memref<592xf32, #tpu.memory_space<vmem>> -> memref<584xf32, #tpu.memory_space<vmem>>
      tpu.wait_dma2 semaphore(%run_scoped3A : memref<!tpu.dma_semaphore, #tpu.memory_space<semaphore_mem>>) src(%dma_wait3A_291 : memref<584xf32, #tpu.memory_space<vmem>>) dst(%dma_wait3A_289 : memref<584xf32, #tpu.memory_space<hbm>>)
      tpu.yield
    }) : () -> ()
    return
  }
}

#map = affine_map<(d0, d1) -> (0, 0, 0)>
#map1 = affine_map<(d0, d1) -> (0, 0)>
module attributes {stable_mosaic.version = 14 : i64} {
  func.func @_agg(%arg0: i32, %arg1: i32, %arg2: memref<32x152x128xi32, #tpu.memory_space<hbm>>, %arg3: memref<16x152x128xi32, #tpu.memory_space<hbm>>, %arg4: memref<18688x128xf32, #tpu.memory_space<hbm>>, %arg5: memref<128x128xf32, #tpu.memory_space<hbm>>, %arg6: memref<18688x128xf32, #tpu.memory_space<hbm>>, %arg7: memref<80x128xi32, #tpu.memory_space<vmem>>, %arg8: memref<80x128xi32, #tpu.memory_space<vmem>>, %arg9: memref<128x128xf32, #tpu.memory_space<vmem>>, %arg10: memref<128x128xf32, #tpu.memory_space<vmem>>, %arg11: memref<9344x128xf32, #tpu.memory_space<vmem_shared>>, %arg12: memref<!tpu.dma_semaphore, #tpu.memory_space<semaphore_mem>>, %arg13: memref<!tpu.dma_semaphore, #tpu.memory_space<semaphore_mem>>) attributes {dimension_semantics = [#tpu.dimension_semantics<core_parallel>, #tpu.dimension_semantics<subcore_parallel>], iteration_bounds = array<i64: 2, 16>, scalar_prefetch = 0 : i64, scratch_operands = 7 : i64, tpu.core_type = #tpu.core_type<sc_vector_subcore>, window_params = [{transform_indices = #map}, {transform_indices = #map}, {transform_indices = #map1}, {transform_indices = #map1}, {transform_indices = #map1}]} {
    "tpu.region"() ({
      %run_scoped3A = tpu.sem_alloc : memref<!tpu.dma_semaphore, #tpu.memory_space<semaphore_mem>>
      tpu.enqueue_dma source(%arg5 : memref<128x128xf32, #tpu.memory_space<hbm>>) target(%arg9 : memref<128x128xf32, #tpu.memory_space<vmem>>) target_semaphore(%run_scoped3A : memref<!tpu.dma_semaphore, #tpu.memory_space<semaphore_mem>>)
      tpu.wait_dma2 semaphore(%run_scoped3A : memref<!tpu.dma_semaphore, #tpu.memory_space<semaphore_mem>>) src(%arg5 : memref<128x128xf32, #tpu.memory_space<hbm>>) dst(%arg9 : memref<128x128xf32, #tpu.memory_space<vmem>>)
      tpu.yield
    }) : () -> ()
    %mul3A = arith.constant 584 : i32
    %mul3A_0 = arith.muli %arg1, %mul3A : i32
    %add3A = arith.constant 0 : i32
    %add3A_1 = arith.addi %mul3A_0, %add3A : i32
    "tpu.region"() ({
      %run_scoped3A = tpu.sem_alloc : memref<!tpu.dma_semaphore, #tpu.memory_space<semaphore_mem>>
      %dma_start3A_147 = arith.constant 0 : i32
      %dma_start3A_148 = tpu.memref_slice %arg11[%add3A_1, %dma_start3A_147] : memref<9344x128xf32, #tpu.memory_space<vmem_shared>> -> memref<128x128xf32, #tpu.memory_space<vmem_shared>>
      %dma_start3A_149 = arith.constant 0 : i32
      %dma_start3A_150 = tpu.memref_slice %arg11[%add3A_1, %dma_start3A_149] : memref<9344x128xf32, #tpu.memory_space<vmem_shared>> -> memref<128x128xf32, #tpu.memory_space<vmem_shared>>
      tpu.enqueue_dma source(%arg9 : memref<128x128xf32, #tpu.memory_space<vmem>>) target(%dma_start3A_150 : memref<128x128xf32, #tpu.memory_space<vmem_shared>>) target_semaphore(%run_scoped3A : memref<!tpu.dma_semaphore, #tpu.memory_space<semaphore_mem>>)
      %dma_wait3A = arith.constant 0 : i32
      %dma_wait3A_151 = tpu.memref_slice %arg11[%add3A_1, %dma_wait3A] : memref<9344x128xf32, #tpu.memory_space<vmem_shared>> -> memref<128x128xf32, #tpu.memory_space<vmem_shared>>
      %dma_wait3A_152 = arith.constant 0 : i32
      %dma_wait3A_153 = tpu.memref_slice %arg11[%add3A_1, %dma_wait3A_152] : memref<9344x128xf32, #tpu.memory_space<vmem_shared>> -> memref<128x128xf32, #tpu.memory_space<vmem_shared>>
      tpu.wait_dma2 semaphore(%run_scoped3A : memref<!tpu.dma_semaphore, #tpu.memory_space<semaphore_mem>>) src(%arg9 : memref<128x128xf32, #tpu.memory_space<vmem>>) dst(%dma_wait3A_153 : memref<128x128xf32, #tpu.memory_space<vmem_shared>>)
      tpu.yield
    }) : () -> ()
    %mul3A_2 = arith.constant 584 : i32
    %mul3A_3 = arith.muli %arg1, %mul3A_2 : i32
    %add3A_4 = arith.constant 128 : i32
    %add3A_5 = arith.addi %mul3A_3, %add3A_4 : i32
    "tpu.region"() ({
      %run_scoped3A = tpu.sem_alloc : memref<!tpu.dma_semaphore, #tpu.memory_space<semaphore_mem>>
      %dma_start3A_147 = arith.constant 0 : i32
      %dma_start3A_148 = tpu.memref_slice %arg11[%add3A_5, %dma_start3A_147] : memref<9344x128xf32, #tpu.memory_space<vmem_shared>> -> memref<128x128xf32, #tpu.memory_space<vmem_shared>>
      %dma_start3A_149 = arith.constant 0 : i32
      %dma_start3A_150 = tpu.memref_slice %arg11[%add3A_5, %dma_start3A_149] : memref<9344x128xf32, #tpu.memory_space<vmem_shared>> -> memref<128x128xf32, #tpu.memory_space<vmem_shared>>
      tpu.enqueue_dma source(%arg9 : memref<128x128xf32, #tpu.memory_space<vmem>>) target(%dma_start3A_150 : memref<128x128xf32, #tpu.memory_space<vmem_shared>>) target_semaphore(%run_scoped3A : memref<!tpu.dma_semaphore, #tpu.memory_space<semaphore_mem>>)
      %dma_wait3A = arith.constant 0 : i32
      %dma_wait3A_151 = tpu.memref_slice %arg11[%add3A_5, %dma_wait3A] : memref<9344x128xf32, #tpu.memory_space<vmem_shared>> -> memref<128x128xf32, #tpu.memory_space<vmem_shared>>
      %dma_wait3A_152 = arith.constant 0 : i32
      %dma_wait3A_153 = tpu.memref_slice %arg11[%add3A_5, %dma_wait3A_152] : memref<9344x128xf32, #tpu.memory_space<vmem_shared>> -> memref<128x128xf32, #tpu.memory_space<vmem_shared>>
      tpu.wait_dma2 semaphore(%run_scoped3A : memref<!tpu.dma_semaphore, #tpu.memory_space<semaphore_mem>>) src(%arg9 : memref<128x128xf32, #tpu.memory_space<vmem>>) dst(%dma_wait3A_153 : memref<128x128xf32, #tpu.memory_space<vmem_shared>>)
      tpu.yield
    }) : () -> ()
    %mul3A_6 = arith.constant 584 : i32
    %mul3A_7 = arith.muli %arg1, %mul3A_6 : i32
    %add3A_8 = arith.constant 256 : i32
    %add3A_9 = arith.addi %mul3A_7, %add3A_8 : i32
    "tpu.region"() ({
      %run_scoped3A = tpu.sem_alloc : memref<!tpu.dma_semaphore, #tpu.memory_space<semaphore_mem>>
      %dma_start3A_147 = arith.constant 0 : i32
      %dma_start3A_148 = tpu.memref_slice %arg11[%add3A_9, %dma_start3A_147] : memref<9344x128xf32, #tpu.memory_space<vmem_shared>> -> memref<128x128xf32, #tpu.memory_space<vmem_shared>>
      %dma_start3A_149 = arith.constant 0 : i32
      %dma_start3A_150 = tpu.memref_slice %arg11[%add3A_9, %dma_start3A_149] : memref<9344x128xf32, #tpu.memory_space<vmem_shared>> -> memref<128x128xf32, #tpu.memory_space<vmem_shared>>
      tpu.enqueue_dma source(%arg9 : memref<128x128xf32, #tpu.memory_space<vmem>>) target(%dma_start3A_150 : memref<128x128xf32, #tpu.memory_space<vmem_shared>>) target_semaphore(%run_scoped3A : memref<!tpu.dma_semaphore, #tpu.memory_space<semaphore_mem>>)
      %dma_wait3A = arith.constant 0 : i32
      %dma_wait3A_151 = tpu.memref_slice %arg11[%add3A_9, %dma_wait3A] : memref<9344x128xf32, #tpu.memory_space<vmem_shared>> -> memref<128x128xf32, #tpu.memory_space<vmem_shared>>
      %dma_wait3A_152 = arith.constant 0 : i32
      %dma_wait3A_153 = tpu.memref_slice %arg11[%add3A_9, %dma_wait3A_152] : memref<9344x128xf32, #tpu.memory_space<vmem_shared>> -> memref<128x128xf32, #tpu.memory_space<vmem_shared>>
      tpu.wait_dma2 semaphore(%run_scoped3A : memref<!tpu.dma_semaphore, #tpu.memory_space<semaphore_mem>>) src(%arg9 : memref<128x128xf32, #tpu.memory_space<vmem>>) dst(%dma_wait3A_153 : memref<128x128xf32, #tpu.memory_space<vmem_shared>>)
      tpu.yield
    }) : () -> ()
    %mul3A_10 = arith.constant 584 : i32
    %mul3A_11 = arith.muli %arg1, %mul3A_10 : i32
    %add3A_12 = arith.constant 384 : i32
    %add3A_13 = arith.addi %mul3A_11, %add3A_12 : i32
    "tpu.region"() ({
      %run_scoped3A = tpu.sem_alloc : memref<!tpu.dma_semaphore, #tpu.memory_space<semaphore_mem>>
      %dma_start3A_147 = arith.constant 0 : i32
      %dma_start3A_148 = tpu.memref_slice %arg11[%add3A_13, %dma_start3A_147] : memref<9344x128xf32, #tpu.memory_space<vmem_shared>> -> memref<128x128xf32, #tpu.memory_space<vmem_shared>>
      %dma_start3A_149 = arith.constant 0 : i32
      %dma_start3A_150 = tpu.memref_slice %arg11[%add3A_13, %dma_start3A_149] : memref<9344x128xf32, #tpu.memory_space<vmem_shared>> -> memref<128x128xf32, #tpu.memory_space<vmem_shared>>
      tpu.enqueue_dma source(%arg9 : memref<128x128xf32, #tpu.memory_space<vmem>>) target(%dma_start3A_150 : memref<128x128xf32, #tpu.memory_space<vmem_shared>>) target_semaphore(%run_scoped3A : memref<!tpu.dma_semaphore, #tpu.memory_space<semaphore_mem>>)
      %dma_wait3A = arith.constant 0 : i32
      %dma_wait3A_151 = tpu.memref_slice %arg11[%add3A_13, %dma_wait3A] : memref<9344x128xf32, #tpu.memory_space<vmem_shared>> -> memref<128x128xf32, #tpu.memory_space<vmem_shared>>
      %dma_wait3A_152 = arith.constant 0 : i32
      %dma_wait3A_153 = tpu.memref_slice %arg11[%add3A_13, %dma_wait3A_152] : memref<9344x128xf32, #tpu.memory_space<vmem_shared>> -> memref<128x128xf32, #tpu.memory_space<vmem_shared>>
      tpu.wait_dma2 semaphore(%run_scoped3A : memref<!tpu.dma_semaphore, #tpu.memory_space<semaphore_mem>>) src(%arg9 : memref<128x128xf32, #tpu.memory_space<vmem>>) dst(%dma_wait3A_153 : memref<128x128xf32, #tpu.memory_space<vmem_shared>>)
      tpu.yield
    }) : () -> ()
    %mul3A_14 = arith.constant 584 : i32
    %mul3A_15 = arith.muli %arg1, %mul3A_14 : i32
    %add3A_16 = arith.constant 512 : i32
    %add3A_17 = arith.addi %mul3A_15, %add3A_16 : i32
    "tpu.region"() ({
      %run_scoped3A = tpu.sem_alloc : memref<!tpu.dma_semaphore, #tpu.memory_space<semaphore_mem>>
      %dma_start3A_147 = arith.constant 0 : i32
      %dma_start3A_148 = arith.constant 0 : i32
      %dma_start3A_149 = tpu.memref_slice %arg9[%dma_start3A_147, %dma_start3A_148] : memref<128x128xf32, #tpu.memory_space<vmem>> -> memref<72x128xf32, #tpu.memory_space<vmem>>
      %dma_start3A_150 = arith.constant 0 : i32
      %dma_start3A_151 = tpu.memref_slice %arg11[%add3A_17, %dma_start3A_150] : memref<9344x128xf32, #tpu.memory_space<vmem_shared>> -> memref<72x128xf32, #tpu.memory_space<vmem_shared>>
      %dma_start3A_152 = arith.constant 0 : i32
      %dma_start3A_153 = tpu.memref_slice %arg11[%add3A_17, %dma_start3A_152] : memref<9344x128xf32, #tpu.memory_space<vmem_shared>> -> memref<72x128xf32, #tpu.memory_space<vmem_shared>>
      %dma_start3A_154 = arith.constant 0 : i32
      %dma_start3A_155 = arith.constant 0 : i32
      %dma_start3A_156 = tpu.memref_slice %arg9[%dma_start3A_154, %dma_start3A_155] : memref<128x128xf32, #tpu.memory_space<vmem>> -> memref<72x128xf32, #tpu.memory_space<vmem>>
      tpu.enqueue_dma source(%dma_start3A_156 : memref<72x128xf32, #tpu.memory_space<vmem>>) target(%dma_start3A_153 : memref<72x128xf32, #tpu.memory_space<vmem_shared>>) target_semaphore(%run_scoped3A : memref<!tpu.dma_semaphore, #tpu.memory_space<semaphore_mem>>)
      %dma_wait3A = arith.constant 0 : i32
      %dma_wait3A_157 = arith.constant 0 : i32
      %dma_wait3A_158 = tpu.memref_slice %arg9[%dma_wait3A, %dma_wait3A_157] : memref<128x128xf32, #tpu.memory_space<vmem>> -> memref<72x128xf32, #tpu.memory_space<vmem>>
      %dma_wait3A_159 = arith.constant 0 : i32
      %dma_wait3A_160 = tpu.memref_slice %arg11[%add3A_17, %dma_wait3A_159] : memref<9344x128xf32, #tpu.memory_space<vmem_shared>> -> memref<72x128xf32, #tpu.memory_space<vmem_shared>>
      %dma_wait3A_161 = arith.constant 0 : i32
      %dma_wait3A_162 = tpu.memref_slice %arg11[%add3A_17, %dma_wait3A_161] : memref<9344x128xf32, #tpu.memory_space<vmem_shared>> -> memref<72x128xf32, #tpu.memory_space<vmem_shared>>
      %dma_wait3A_163 = arith.constant 0 : i32
      %dma_wait3A_164 = arith.constant 0 : i32
      %dma_wait3A_165 = tpu.memref_slice %arg9[%dma_wait3A_163, %dma_wait3A_164] : memref<128x128xf32, #tpu.memory_space<vmem>> -> memref<72x128xf32, #tpu.memory_space<vmem>>
      tpu.wait_dma2 semaphore(%run_scoped3A : memref<!tpu.dma_semaphore, #tpu.memory_space<semaphore_mem>>) src(%dma_wait3A_165 : memref<72x128xf32, #tpu.memory_space<vmem>>) dst(%dma_wait3A_162 : memref<72x128xf32, #tpu.memory_space<vmem_shared>>)
      tpu.yield
    }) : () -> ()
    %mul3A_18 = arith.constant 16 : i32
    %mul3A_19 = arith.muli %arg0, %mul3A_18 : i32
    %add3A_20 = arith.addi %mul3A_19, %arg1 : i32
    %barrier3A = arith.constant 0 : index
    tpu.barrier barrier_id(%barrier3A)
    "tpu.region"() ({
      %run_scoped3A = tpu.sem_alloc : memref<!tpu.dma_semaphore, #tpu.memory_space<semaphore_mem>>
      %dma_start3A_147 = arith.constant 0 : i32
      %dma_start3A_148 = arith.constant 0 : i32
      %dma_start3A_149 = tpu.memref_slice %arg7[%dma_start3A_147, %dma_start3A_148] : memref<80x128xi32, #tpu.memory_space<vmem>> -> memref<80x128xi32, #tpu.memory_space<vmem>>
      %dma_start3A_150 = arith.constant 0 : i32
      %dma_start3A_151 = arith.constant 0 : i32
      %dma_start3A_152 = tpu.memref_slice %arg2[%add3A_20, %dma_start3A_150, %dma_start3A_151] : memref<32x152x128xi32, #tpu.memory_space<hbm>> -> memref<1x80x128xi32, #tpu.memory_space<hbm>>
      %dma_start3A_153 = tpu.memref_squeeze %dma_start3A_152 : memref<1x80x128xi32, #tpu.memory_space<hbm>> -> memref<80x128xi32, #tpu.memory_space<hbm>>
      %dma_start3A_154 = arith.constant 0 : i32
      %dma_start3A_155 = arith.constant 0 : i32
      %dma_start3A_156 = tpu.memref_slice %arg7[%dma_start3A_154, %dma_start3A_155] : memref<80x128xi32, #tpu.memory_space<vmem>> -> memref<80x128xi32, #tpu.memory_space<vmem>>
      %dma_start3A_157 = arith.constant 0 : i32
      %dma_start3A_158 = arith.constant 0 : i32
      %dma_start3A_159 = tpu.memref_slice %arg2[%add3A_20, %dma_start3A_157, %dma_start3A_158] : memref<32x152x128xi32, #tpu.memory_space<hbm>> -> memref<1x80x128xi32, #tpu.memory_space<hbm>>
      %dma_start3A_160 = tpu.memref_squeeze %dma_start3A_159 : memref<1x80x128xi32, #tpu.memory_space<hbm>> -> memref<80x128xi32, #tpu.memory_space<hbm>>
      tpu.enqueue_dma source(%dma_start3A_160 : memref<80x128xi32, #tpu.memory_space<hbm>>) target(%dma_start3A_156 : memref<80x128xi32, #tpu.memory_space<vmem>>) target_semaphore(%run_scoped3A : memref<!tpu.dma_semaphore, #tpu.memory_space<semaphore_mem>>)
      %dma_wait3A = arith.constant 0 : i32
      %dma_wait3A_161 = arith.constant 0 : i32
      %dma_wait3A_162 = tpu.memref_slice %arg7[%dma_wait3A, %dma_wait3A_161] : memref<80x128xi32, #tpu.memory_space<vmem>> -> memref<80x128xi32, #tpu.memory_space<vmem>>
      %dma_wait3A_163 = arith.constant 0 : i32
      %dma_wait3A_164 = arith.constant 0 : i32
      %dma_wait3A_165 = tpu.memref_slice %arg2[%add3A_20, %dma_wait3A_163, %dma_wait3A_164] : memref<32x152x128xi32, #tpu.memory_space<hbm>> -> memref<1x80x128xi32, #tpu.memory_space<hbm>>
      %dma_wait3A_166 = tpu.memref_squeeze %dma_wait3A_165 : memref<1x80x128xi32, #tpu.memory_space<hbm>> -> memref<80x128xi32, #tpu.memory_space<hbm>>
      %dma_wait3A_167 = arith.constant 0 : i32
      %dma_wait3A_168 = arith.constant 0 : i32
      %dma_wait3A_169 = tpu.memref_slice %arg7[%dma_wait3A_167, %dma_wait3A_168] : memref<80x128xi32, #tpu.memory_space<vmem>> -> memref<80x128xi32, #tpu.memory_space<vmem>>
      %dma_wait3A_170 = arith.constant 0 : i32
      %dma_wait3A_171 = arith.constant 0 : i32
      %dma_wait3A_172 = tpu.memref_slice %arg2[%add3A_20, %dma_wait3A_170, %dma_wait3A_171] : memref<32x152x128xi32, #tpu.memory_space<hbm>> -> memref<1x80x128xi32, #tpu.memory_space<hbm>>
      %dma_wait3A_173 = tpu.memref_squeeze %dma_wait3A_172 : memref<1x80x128xi32, #tpu.memory_space<hbm>> -> memref<80x128xi32, #tpu.memory_space<hbm>>
      tpu.wait_dma2 semaphore(%run_scoped3A : memref<!tpu.dma_semaphore, #tpu.memory_space<semaphore_mem>>) src(%dma_wait3A_173 : memref<80x128xi32, #tpu.memory_space<hbm>>) dst(%dma_wait3A_169 : memref<80x128xi32, #tpu.memory_space<vmem>>)
      tpu.yield
    }) : () -> ()
    "tpu.region"() ({
      %run_scoped3A = tpu.sem_alloc : memref<!tpu.dma_semaphore, #tpu.memory_space<semaphore_mem>>
      %dma_start3A_147 = arith.constant 0 : i32
      %dma_start3A_148 = arith.constant 0 : i32
      %dma_start3A_149 = tpu.memref_slice %arg8[%dma_start3A_147, %dma_start3A_148] : memref<80x128xi32, #tpu.memory_space<vmem>> -> memref<80x128xi32, #tpu.memory_space<vmem>>
      %dma_start3A_150 = arith.constant 0 : i32
      %dma_start3A_151 = arith.constant 0 : i32
      %dma_start3A_152 = tpu.memref_slice %arg3[%arg1, %dma_start3A_150, %dma_start3A_151] : memref<16x152x128xi32, #tpu.memory_space<hbm>> -> memref<1x80x128xi32, #tpu.memory_space<hbm>>
      %dma_start3A_153 = tpu.memref_squeeze %dma_start3A_152 : memref<1x80x128xi32, #tpu.memory_space<hbm>> -> memref<80x128xi32, #tpu.memory_space<hbm>>
      %dma_start3A_154 = arith.constant 0 : i32
      %dma_start3A_155 = arith.constant 0 : i32
      %dma_start3A_156 = tpu.memref_slice %arg8[%dma_start3A_154, %dma_start3A_155] : memref<80x128xi32, #tpu.memory_space<vmem>> -> memref<80x128xi32, #tpu.memory_space<vmem>>
      %dma_start3A_157 = arith.constant 0 : i32
      %dma_start3A_158 = arith.constant 0 : i32
      %dma_start3A_159 = tpu.memref_slice %arg3[%arg1, %dma_start3A_157, %dma_start3A_158] : memref<16x152x128xi32, #tpu.memory_space<hbm>> -> memref<1x80x128xi32, #tpu.memory_space<hbm>>
      %dma_start3A_160 = tpu.memref_squeeze %dma_start3A_159 : memref<1x80x128xi32, #tpu.memory_space<hbm>> -> memref<80x128xi32, #tpu.memory_space<hbm>>
      tpu.enqueue_dma source(%dma_start3A_160 : memref<80x128xi32, #tpu.memory_space<hbm>>) target(%dma_start3A_156 : memref<80x128xi32, #tpu.memory_space<vmem>>) target_semaphore(%run_scoped3A : memref<!tpu.dma_semaphore, #tpu.memory_space<semaphore_mem>>)
      %dma_wait3A = arith.constant 0 : i32
      %dma_wait3A_161 = arith.constant 0 : i32
      %dma_wait3A_162 = tpu.memref_slice %arg8[%dma_wait3A, %dma_wait3A_161] : memref<80x128xi32, #tpu.memory_space<vmem>> -> memref<80x128xi32, #tpu.memory_space<vmem>>
      %dma_wait3A_163 = arith.constant 0 : i32
      %dma_wait3A_164 = arith.constant 0 : i32
      %dma_wait3A_165 = tpu.memref_slice %arg3[%arg1, %dma_wait3A_163, %dma_wait3A_164] : memref<16x152x128xi32, #tpu.memory_space<hbm>> -> memref<1x80x128xi32, #tpu.memory_space<hbm>>
      %dma_wait3A_166 = tpu.memref_squeeze %dma_wait3A_165 : memref<1x80x128xi32, #tpu.memory_space<hbm>> -> memref<80x128xi32, #tpu.memory_space<hbm>>
      %dma_wait3A_167 = arith.constant 0 : i32
      %dma_wait3A_168 = arith.constant 0 : i32
      %dma_wait3A_169 = tpu.memref_slice %arg8[%dma_wait3A_167, %dma_wait3A_168] : memref<80x128xi32, #tpu.memory_space<vmem>> -> memref<80x128xi32, #tpu.memory_space<vmem>>
      %dma_wait3A_170 = arith.constant 0 : i32
      %dma_wait3A_171 = arith.constant 0 : i32
      %dma_wait3A_172 = tpu.memref_slice %arg3[%arg1, %dma_wait3A_170, %dma_wait3A_171] : memref<16x152x128xi32, #tpu.memory_space<hbm>> -> memref<1x80x128xi32, #tpu.memory_space<hbm>>
      %dma_wait3A_173 = tpu.memref_squeeze %dma_wait3A_172 : memref<1x80x128xi32, #tpu.memory_space<hbm>> -> memref<80x128xi32, #tpu.memory_space<hbm>>
      tpu.wait_dma2 semaphore(%run_scoped3A : memref<!tpu.dma_semaphore, #tpu.memory_space<semaphore_mem>>) src(%dma_wait3A_173 : memref<80x128xi32, #tpu.memory_space<hbm>>) dst(%dma_wait3A_169 : memref<80x128xi32, #tpu.memory_space<vmem>>)
      tpu.yield
    }) : () -> ()
    %dma_start3A = arith.constant 0 : i32
    %dma_start3A_21 = arith.constant 0 : i32
    %dma_start3A_22 = arith.constant 0 : i32
    %dma_start3A_23 = tpu.memref_slice %arg9[%dma_start3A_21, %dma_start3A_22] : memref<128x128xf32, #tpu.memory_space<vmem>> -> memref<64x128xf32, #tpu.memory_space<vmem>>
    %dma_start3A_24 = arith.constant 0 : i32
    %dma_start3A_25 = tpu.memref_slice %arg7[%dma_start3A, %dma_start3A_24] : memref<80x128xi32, #tpu.memory_space<vmem>> -> memref<1x64xi32, #tpu.memory_space<vmem>>
    %dma_start3A_26 = tpu.memref_squeeze %dma_start3A_25 : memref<1x64xi32, #tpu.memory_space<vmem>> -> memref<64xi32, #tpu.memory_space<vmem>>
    %dma_start3A_27 = arith.constant 0 : i32
    %dma_start3A_28 = arith.constant 0 : i32
    %dma_start3A_29 = tpu.memref_slice %arg4[%dma_start3A_27, %dma_start3A_28] : memref<18688x128xf32, #tpu.memory_space<hbm>> -> memref<18688x128xf32, #tpu.memory_space<hbm>>
    tpu.enqueue_indirect_dma source(%dma_start3A_29 : memref<18688x128xf32, #tpu.memory_space<hbm>>) target(%dma_start3A_23 : memref<64x128xf32, #tpu.memory_space<vmem>>) offsets(%dma_start3A_26 : memref<64xi32, #tpu.memory_space<vmem>>) semaphore(%arg12 : memref<!tpu.dma_semaphore, #tpu.memory_space<semaphore_mem>>)
    %dma_start3A_30 = arith.constant 1 : i32
    %dma_start3A_31 = arith.constant 0 : i32
    %dma_start3A_32 = arith.constant 0 : i32
    %dma_start3A_33 = tpu.memref_slice %arg10[%dma_start3A_31, %dma_start3A_32] : memref<128x128xf32, #tpu.memory_space<vmem>> -> memref<64x128xf32, #tpu.memory_space<vmem>>
    %dma_start3A_34 = arith.constant 0 : i32
    %dma_start3A_35 = tpu.memref_slice %arg7[%dma_start3A_30, %dma_start3A_34] : memref<80x128xi32, #tpu.memory_space<vmem>> -> memref<1x64xi32, #tpu.memory_space<vmem>>
    %dma_start3A_36 = tpu.memref_squeeze %dma_start3A_35 : memref<1x64xi32, #tpu.memory_space<vmem>> -> memref<64xi32, #tpu.memory_space<vmem>>
    %dma_start3A_37 = arith.constant 0 : i32
    %dma_start3A_38 = arith.constant 0 : i32
    %dma_start3A_39 = tpu.memref_slice %arg4[%dma_start3A_37, %dma_start3A_38] : memref<18688x128xf32, #tpu.memory_space<hbm>> -> memref<18688x128xf32, #tpu.memory_space<hbm>>
    tpu.enqueue_indirect_dma source(%dma_start3A_39 : memref<18688x128xf32, #tpu.memory_space<hbm>>) target(%dma_start3A_33 : memref<64x128xf32, #tpu.memory_space<vmem>>) offsets(%dma_start3A_36 : memref<64xi32, #tpu.memory_space<vmem>>) semaphore(%arg13 : memref<!tpu.dma_semaphore, #tpu.memory_space<semaphore_mem>>)
    %dma_start3A_40 = arith.constant 0 : i32
    %dma_start3A_41 = arith.constant 64 : i32
    %dma_start3A_42 = arith.constant 0 : i32
    %dma_start3A_43 = tpu.memref_slice %arg9[%dma_start3A_41, %dma_start3A_42] : memref<128x128xf32, #tpu.memory_space<vmem>> -> memref<64x128xf32, #tpu.memory_space<vmem>>
    %dma_start3A_44 = arith.constant 64 : i32
    %dma_start3A_45 = tpu.memref_slice %arg7[%dma_start3A_40, %dma_start3A_44] : memref<80x128xi32, #tpu.memory_space<vmem>> -> memref<1x64xi32, #tpu.memory_space<vmem>>
    %dma_start3A_46 = tpu.memref_squeeze %dma_start3A_45 : memref<1x64xi32, #tpu.memory_space<vmem>> -> memref<64xi32, #tpu.memory_space<vmem>>
    %dma_start3A_47 = arith.constant 0 : i32
    %dma_start3A_48 = arith.constant 0 : i32
    %dma_start3A_49 = tpu.memref_slice %arg4[%dma_start3A_47, %dma_start3A_48] : memref<18688x128xf32, #tpu.memory_space<hbm>> -> memref<18688x128xf32, #tpu.memory_space<hbm>>
    tpu.enqueue_indirect_dma source(%dma_start3A_49 : memref<18688x128xf32, #tpu.memory_space<hbm>>) target(%dma_start3A_43 : memref<64x128xf32, #tpu.memory_space<vmem>>) offsets(%dma_start3A_46 : memref<64xi32, #tpu.memory_space<vmem>>) semaphore(%arg12 : memref<!tpu.dma_semaphore, #tpu.memory_space<semaphore_mem>>)
    %dma_start3A_50 = arith.constant 1 : i32
    %dma_start3A_51 = arith.constant 64 : i32
    %dma_start3A_52 = arith.constant 0 : i32
    %dma_start3A_53 = tpu.memref_slice %arg10[%dma_start3A_51, %dma_start3A_52] : memref<128x128xf32, #tpu.memory_space<vmem>> -> memref<64x128xf32, #tpu.memory_space<vmem>>
    %dma_start3A_54 = arith.constant 64 : i32
    %dma_start3A_55 = tpu.memref_slice %arg7[%dma_start3A_50, %dma_start3A_54] : memref<80x128xi32, #tpu.memory_space<vmem>> -> memref<1x64xi32, #tpu.memory_space<vmem>>
    %dma_start3A_56 = tpu.memref_squeeze %dma_start3A_55 : memref<1x64xi32, #tpu.memory_space<vmem>> -> memref<64xi32, #tpu.memory_space<vmem>>
    %dma_start3A_57 = arith.constant 0 : i32
    %dma_start3A_58 = arith.constant 0 : i32
    %dma_start3A_59 = tpu.memref_slice %arg4[%dma_start3A_57, %dma_start3A_58] : memref<18688x128xf32, #tpu.memory_space<hbm>> -> memref<18688x128xf32, #tpu.memory_space<hbm>>
    tpu.enqueue_indirect_dma source(%dma_start3A_59 : memref<18688x128xf32, #tpu.memory_space<hbm>>) target(%dma_start3A_53 : memref<64x128xf32, #tpu.memory_space<vmem>>) offsets(%dma_start3A_56 : memref<64xi32, #tpu.memory_space<vmem>>) semaphore(%arg13 : memref<!tpu.dma_semaphore, #tpu.memory_space<semaphore_mem>>)
    %scan3A = arith.constant 0 : i32
    %scan3A_60 = arith.constant 0 : i32
    %scan3A_61 = arith.constant 40 : i32
    %scan3A_62 = arith.addi %scan3A_60, %scan3A_61 : i32
    %scan3A_63 = arith.constant 1 : i32
    scf.for %scan3A_147 = %scan3A_60 to %scan3A_62 step %scan3A_63  : i32 {
      %mul3A_148 = arith.constant 2 : i32
      %mul3A_149 = arith.muli %mul3A_148, %scan3A_147 : i32
      %dma_wait3A = arith.constant 0 : i32
      %dma_wait3A_150 = tpu.memref_slice %arg7[%mul3A_149, %dma_wait3A] : memref<80x128xi32, #tpu.memory_space<vmem>> -> memref<1x128xi32, #tpu.memory_space<vmem>>
      %dma_wait3A_151 = tpu.memref_squeeze %dma_wait3A_150 : memref<1x128xi32, #tpu.memory_space<vmem>> -> memref<128xi32, #tpu.memory_space<vmem>>
      %dma_wait3A_152 = arith.constant 0 : i32
      %dma_wait3A_153 = arith.constant 0 : i32
      %dma_wait3A_154 = tpu.memref_slice %arg4[%dma_wait3A_152, %dma_wait3A_153] : memref<18688x128xf32, #tpu.memory_space<hbm>> -> memref<18688x128xf32, #tpu.memory_space<hbm>>
      tpu.wait_indirect_dma semaphore(%arg12 : memref<!tpu.dma_semaphore, #tpu.memory_space<semaphore_mem>>) src(%dma_wait3A_154 : memref<18688x128xf32, #tpu.memory_space<hbm>>) dst(%arg9 : memref<128x128xf32, #tpu.memory_space<vmem>>)
      "tpu.region"() ({
        %run_scoped3A = tpu.sem_alloc : memref<!tpu.dma_semaphore, #tpu.memory_space<semaphore_mem>>
        %dma_start3A_176 = arith.constant 0 : i32
        %dma_start3A_177 = tpu.memref_slice %arg8[%mul3A_149, %dma_start3A_176] : memref<80x128xi32, #tpu.memory_space<vmem>> -> memref<1x128xi32, #tpu.memory_space<vmem>>
        %dma_start3A_178 = tpu.memref_squeeze %dma_start3A_177 : memref<1x128xi32, #tpu.memory_space<vmem>> -> memref<128xi32, #tpu.memory_space<vmem>>
        %dma_start3A_179 = arith.constant 0 : i32
        %dma_start3A_180 = arith.constant 0 : i32
        %dma_start3A_181 = tpu.memref_slice %arg11[%dma_start3A_179, %dma_start3A_180] : memref<9344x128xf32, #tpu.memory_space<vmem_shared>> -> memref<9344x128xf32, #tpu.memory_space<vmem_shared>>
        tpu.enqueue_indirect_dma source(%arg9 : memref<128x128xf32, #tpu.memory_space<vmem>>) target(%dma_start3A_181 : memref<9344x128xf32, #tpu.memory_space<vmem_shared>>) offsets(%dma_start3A_178 : memref<128xi32, #tpu.memory_space<vmem>>) semaphore(%run_scoped3A : memref<!tpu.dma_semaphore, #tpu.memory_space<semaphore_mem>>) {add = true}
        %dma_wait3A_182 = arith.constant 0 : i32
        %dma_wait3A_183 = tpu.memref_slice %arg8[%mul3A_149, %dma_wait3A_182] : memref<80x128xi32, #tpu.memory_space<vmem>> -> memref<1x128xi32, #tpu.memory_space<vmem>>
        %dma_wait3A_184 = tpu.memref_squeeze %dma_wait3A_183 : memref<1x128xi32, #tpu.memory_space<vmem>> -> memref<128xi32, #tpu.memory_space<vmem>>
        %dma_wait3A_185 = arith.constant 0 : i32
        %dma_wait3A_186 = arith.constant 0 : i32
        %dma_wait3A_187 = tpu.memref_slice %arg11[%dma_wait3A_185, %dma_wait3A_186] : memref<9344x128xf32, #tpu.memory_space<vmem_shared>> -> memref<9344x128xf32, #tpu.memory_space<vmem_shared>>
        tpu.wait_indirect_dma semaphore(%run_scoped3A : memref<!tpu.dma_semaphore, #tpu.memory_space<semaphore_mem>>) src(%arg9 : memref<128x128xf32, #tpu.memory_space<vmem>>) dst(%dma_wait3A_187 : memref<9344x128xf32, #tpu.memory_space<vmem_shared>>)
        tpu.yield
      }) : () -> ()
      %add3A_155 = arith.constant 1 : i32
      %add3A_156 = arith.addi %scan3A_147, %add3A_155 : i32
      %lt3A = arith.constant 40 : i32
      %lt3A_157 = arith.cmpi slt, %add3A_156, %lt3A : i32
      %convert_element_type3A = arith.extui %lt3A_157 : i1 to i32
      %cond3A = arith.constant 0 : i32
      %cond3A_158 = arith.cmpi ne, %convert_element_type3A, %cond3A : i32
      scf.if %cond3A_158 {
        %add3A_176 = arith.constant 2 : i32
        %add3A_177 = arith.addi %mul3A_149, %add3A_176 : i32
        %dma_start3A_178 = arith.constant 0 : i32
        %dma_start3A_179 = arith.constant 0 : i32
        %dma_start3A_180 = tpu.memref_slice %arg9[%dma_start3A_178, %dma_start3A_179] : memref<128x128xf32, #tpu.memory_space<vmem>> -> memref<64x128xf32, #tpu.memory_space<vmem>>
        %dma_start3A_181 = arith.constant 0 : i32
        %dma_start3A_182 = tpu.memref_slice %arg7[%add3A_177, %dma_start3A_181] : memref<80x128xi32, #tpu.memory_space<vmem>> -> memref<1x64xi32, #tpu.memory_space<vmem>>
        %dma_start3A_183 = tpu.memref_squeeze %dma_start3A_182 : memref<1x64xi32, #tpu.memory_space<vmem>> -> memref<64xi32, #tpu.memory_space<vmem>>
        %dma_start3A_184 = arith.constant 0 : i32
        %dma_start3A_185 = arith.constant 0 : i32
        %dma_start3A_186 = tpu.memref_slice %arg4[%dma_start3A_184, %dma_start3A_185] : memref<18688x128xf32, #tpu.memory_space<hbm>> -> memref<18688x128xf32, #tpu.memory_space<hbm>>
        tpu.enqueue_indirect_dma source(%dma_start3A_186 : memref<18688x128xf32, #tpu.memory_space<hbm>>) target(%dma_start3A_180 : memref<64x128xf32, #tpu.memory_space<vmem>>) offsets(%dma_start3A_183 : memref<64xi32, #tpu.memory_space<vmem>>) semaphore(%arg12 : memref<!tpu.dma_semaphore, #tpu.memory_space<semaphore_mem>>)
        %add3A_187 = arith.constant 2 : i32
        %add3A_188 = arith.addi %mul3A_149, %add3A_187 : i32
        %dma_start3A_189 = arith.constant 64 : i32
        %dma_start3A_190 = arith.constant 0 : i32
        %dma_start3A_191 = tpu.memref_slice %arg9[%dma_start3A_189, %dma_start3A_190] : memref<128x128xf32, #tpu.memory_space<vmem>> -> memref<64x128xf32, #tpu.memory_space<vmem>>
        %dma_start3A_192 = arith.constant 64 : i32
        %dma_start3A_193 = tpu.memref_slice %arg7[%add3A_188, %dma_start3A_192] : memref<80x128xi32, #tpu.memory_space<vmem>> -> memref<1x64xi32, #tpu.memory_space<vmem>>
        %dma_start3A_194 = tpu.memref_squeeze %dma_start3A_193 : memref<1x64xi32, #tpu.memory_space<vmem>> -> memref<64xi32, #tpu.memory_space<vmem>>
        %dma_start3A_195 = arith.constant 0 : i32
        %dma_start3A_196 = arith.constant 0 : i32
        %dma_start3A_197 = tpu.memref_slice %arg4[%dma_start3A_195, %dma_start3A_196] : memref<18688x128xf32, #tpu.memory_space<hbm>> -> memref<18688x128xf32, #tpu.memory_space<hbm>>
        tpu.enqueue_indirect_dma source(%dma_start3A_197 : memref<18688x128xf32, #tpu.memory_space<hbm>>) target(%dma_start3A_191 : memref<64x128xf32, #tpu.memory_space<vmem>>) offsets(%dma_start3A_194 : memref<64xi32, #tpu.memory_space<vmem>>) semaphore(%arg12 : memref<!tpu.dma_semaphore, #tpu.memory_space<semaphore_mem>>)
      } else {
      }
      %add3A_159 = arith.constant 1 : i32
      %add3A_160 = arith.addi %mul3A_149, %add3A_159 : i32
      %dma_wait3A_161 = arith.constant 0 : i32
      %dma_wait3A_162 = tpu.memref_slice %arg7[%add3A_160, %dma_wait3A_161] : memref<80x128xi32, #tpu.memory_space<vmem>> -> memref<1x128xi32, #tpu.memory_space<vmem>>
      %dma_wait3A_163 = tpu.memref_squeeze %dma_wait3A_162 : memref<1x128xi32, #tpu.memory_space<vmem>> -> memref<128xi32, #tpu.memory_space<vmem>>
      %dma_wait3A_164 = arith.constant 0 : i32
      %dma_wait3A_165 = arith.constant 0 : i32
      %dma_wait3A_166 = tpu.memref_slice %arg4[%dma_wait3A_164, %dma_wait3A_165] : memref<18688x128xf32, #tpu.memory_space<hbm>> -> memref<18688x128xf32, #tpu.memory_space<hbm>>
      tpu.wait_indirect_dma semaphore(%arg13 : memref<!tpu.dma_semaphore, #tpu.memory_space<semaphore_mem>>) src(%dma_wait3A_166 : memref<18688x128xf32, #tpu.memory_space<hbm>>) dst(%arg10 : memref<128x128xf32, #tpu.memory_space<vmem>>)
      %add3A_167 = arith.constant 1 : i32
      %add3A_168 = arith.addi %mul3A_149, %add3A_167 : i32
      "tpu.region"() ({
        %run_scoped3A = tpu.sem_alloc : memref<!tpu.dma_semaphore, #tpu.memory_space<semaphore_mem>>
        %dma_start3A_176 = arith.constant 0 : i32
        %dma_start3A_177 = tpu.memref_slice %arg8[%add3A_168, %dma_start3A_176] : memref<80x128xi32, #tpu.memory_space<vmem>> -> memref<1x128xi32, #tpu.memory_space<vmem>>
        %dma_start3A_178 = tpu.memref_squeeze %dma_start3A_177 : memref<1x128xi32, #tpu.memory_space<vmem>> -> memref<128xi32, #tpu.memory_space<vmem>>
        %dma_start3A_179 = arith.constant 0 : i32
        %dma_start3A_180 = arith.constant 0 : i32
        %dma_start3A_181 = tpu.memref_slice %arg11[%dma_start3A_179, %dma_start3A_180] : memref<9344x128xf32, #tpu.memory_space<vmem_shared>> -> memref<9344x128xf32, #tpu.memory_space<vmem_shared>>
        tpu.enqueue_indirect_dma source(%arg10 : memref<128x128xf32, #tpu.memory_space<vmem>>) target(%dma_start3A_181 : memref<9344x128xf32, #tpu.memory_space<vmem_shared>>) offsets(%dma_start3A_178 : memref<128xi32, #tpu.memory_space<vmem>>) semaphore(%run_scoped3A : memref<!tpu.dma_semaphore, #tpu.memory_space<semaphore_mem>>) {add = true}
        %dma_wait3A_182 = arith.constant 0 : i32
        %dma_wait3A_183 = tpu.memref_slice %arg8[%add3A_168, %dma_wait3A_182] : memref<80x128xi32, #tpu.memory_space<vmem>> -> memref<1x128xi32, #tpu.memory_space<vmem>>
        %dma_wait3A_184 = tpu.memref_squeeze %dma_wait3A_183 : memref<1x128xi32, #tpu.memory_space<vmem>> -> memref<128xi32, #tpu.memory_space<vmem>>
        %dma_wait3A_185 = arith.constant 0 : i32
        %dma_wait3A_186 = arith.constant 0 : i32
        %dma_wait3A_187 = tpu.memref_slice %arg11[%dma_wait3A_185, %dma_wait3A_186] : memref<9344x128xf32, #tpu.memory_space<vmem_shared>> -> memref<9344x128xf32, #tpu.memory_space<vmem_shared>>
        tpu.wait_indirect_dma semaphore(%run_scoped3A : memref<!tpu.dma_semaphore, #tpu.memory_space<semaphore_mem>>) src(%arg10 : memref<128x128xf32, #tpu.memory_space<vmem>>) dst(%dma_wait3A_187 : memref<9344x128xf32, #tpu.memory_space<vmem_shared>>)
        tpu.yield
      }) : () -> ()
      %add3A_169 = arith.constant 1 : i32
      %add3A_170 = arith.addi %scan3A_147, %add3A_169 : i32
      %lt3A_171 = arith.constant 40 : i32
      %lt3A_172 = arith.cmpi slt, %add3A_170, %lt3A_171 : i32
      %convert_element_type3A_173 = arith.extui %lt3A_172 : i1 to i32
      %cond3A_174 = arith.constant 0 : i32
      %cond3A_175 = arith.cmpi ne, %convert_element_type3A_173, %cond3A_174 : i32
      scf.if %cond3A_175 {
        %add3A_176 = arith.constant 3 : i32
        %add3A_177 = arith.addi %mul3A_149, %add3A_176 : i32
        %dma_start3A_178 = arith.constant 0 : i32
        %dma_start3A_179 = arith.constant 0 : i32
        %dma_start3A_180 = tpu.memref_slice %arg10[%dma_start3A_178, %dma_start3A_179] : memref<128x128xf32, #tpu.memory_space<vmem>> -> memref<64x128xf32, #tpu.memory_space<vmem>>
        %dma_start3A_181 = arith.constant 0 : i32
        %dma_start3A_182 = tpu.memref_slice %arg7[%add3A_177, %dma_start3A_181] : memref<80x128xi32, #tpu.memory_space<vmem>> -> memref<1x64xi32, #tpu.memory_space<vmem>>
        %dma_start3A_183 = tpu.memref_squeeze %dma_start3A_182 : memref<1x64xi32, #tpu.memory_space<vmem>> -> memref<64xi32, #tpu.memory_space<vmem>>
        %dma_start3A_184 = arith.constant 0 : i32
        %dma_start3A_185 = arith.constant 0 : i32
        %dma_start3A_186 = tpu.memref_slice %arg4[%dma_start3A_184, %dma_start3A_185] : memref<18688x128xf32, #tpu.memory_space<hbm>> -> memref<18688x128xf32, #tpu.memory_space<hbm>>
        tpu.enqueue_indirect_dma source(%dma_start3A_186 : memref<18688x128xf32, #tpu.memory_space<hbm>>) target(%dma_start3A_180 : memref<64x128xf32, #tpu.memory_space<vmem>>) offsets(%dma_start3A_183 : memref<64xi32, #tpu.memory_space<vmem>>) semaphore(%arg13 : memref<!tpu.dma_semaphore, #tpu.memory_space<semaphore_mem>>)
        %add3A_187 = arith.constant 3 : i32
        %add3A_188 = arith.addi %mul3A_149, %add3A_187 : i32
        %dma_start3A_189 = arith.constant 64 : i32
        %dma_start3A_190 = arith.constant 0 : i32
        %dma_start3A_191 = tpu.memref_slice %arg10[%dma_start3A_189, %dma_start3A_190] : memref<128x128xf32, #tpu.memory_space<vmem>> -> memref<64x128xf32, #tpu.memory_space<vmem>>
        %dma_start3A_192 = arith.constant 64 : i32
        %dma_start3A_193 = tpu.memref_slice %arg7[%add3A_188, %dma_start3A_192] : memref<80x128xi32, #tpu.memory_space<vmem>> -> memref<1x64xi32, #tpu.memory_space<vmem>>
        %dma_start3A_194 = tpu.memref_squeeze %dma_start3A_193 : memref<1x64xi32, #tpu.memory_space<vmem>> -> memref<64xi32, #tpu.memory_space<vmem>>
        %dma_start3A_195 = arith.constant 0 : i32
        %dma_start3A_196 = arith.constant 0 : i32
        %dma_start3A_197 = tpu.memref_slice %arg4[%dma_start3A_195, %dma_start3A_196] : memref<18688x128xf32, #tpu.memory_space<hbm>> -> memref<18688x128xf32, #tpu.memory_space<hbm>>
        tpu.enqueue_indirect_dma source(%dma_start3A_197 : memref<18688x128xf32, #tpu.memory_space<hbm>>) target(%dma_start3A_191 : memref<64x128xf32, #tpu.memory_space<vmem>>) offsets(%dma_start3A_194 : memref<64xi32, #tpu.memory_space<vmem>>) semaphore(%arg13 : memref<!tpu.dma_semaphore, #tpu.memory_space<semaphore_mem>>)
      } else {
      }
    }
    %scan3A_64 = arith.constant 40 : i32
    "tpu.region"() ({
      %run_scoped3A = tpu.sem_alloc : memref<!tpu.dma_semaphore, #tpu.memory_space<semaphore_mem>>
      %dma_start3A_147 = arith.constant 0 : i32
      %dma_start3A_148 = arith.constant 0 : i32
      %dma_start3A_149 = tpu.memref_slice %arg7[%dma_start3A_147, %dma_start3A_148] : memref<80x128xi32, #tpu.memory_space<vmem>> -> memref<72x128xi32, #tpu.memory_space<vmem>>
      %dma_start3A_150 = arith.constant 80 : i32
      %dma_start3A_151 = arith.constant 0 : i32
      %dma_start3A_152 = tpu.memref_slice %arg2[%add3A_20, %dma_start3A_150, %dma_start3A_151] : memref<32x152x128xi32, #tpu.memory_space<hbm>> -> memref<1x72x128xi32, #tpu.memory_space<hbm>>
      %dma_start3A_153 = tpu.memref_squeeze %dma_start3A_152 : memref<1x72x128xi32, #tpu.memory_space<hbm>> -> memref<72x128xi32, #tpu.memory_space<hbm>>
      %dma_start3A_154 = arith.constant 0 : i32
      %dma_start3A_155 = arith.constant 0 : i32
      %dma_start3A_156 = tpu.memref_slice %arg7[%dma_start3A_154, %dma_start3A_155] : memref<80x128xi32, #tpu.memory_space<vmem>> -> memref<72x128xi32, #tpu.memory_space<vmem>>
      %dma_start3A_157 = arith.constant 80 : i32
      %dma_start3A_158 = arith.constant 0 : i32
      %dma_start3A_159 = tpu.memref_slice %arg2[%add3A_20, %dma_start3A_157, %dma_start3A_158] : memref<32x152x128xi32, #tpu.memory_space<hbm>> -> memref<1x72x128xi32, #tpu.memory_space<hbm>>
      %dma_start3A_160 = tpu.memref_squeeze %dma_start3A_159 : memref<1x72x128xi32, #tpu.memory_space<hbm>> -> memref<72x128xi32, #tpu.memory_space<hbm>>
      tpu.enqueue_dma source(%dma_start3A_160 : memref<72x128xi32, #tpu.memory_space<hbm>>) target(%dma_start3A_156 : memref<72x128xi32, #tpu.memory_space<vmem>>) target_semaphore(%run_scoped3A : memref<!tpu.dma_semaphore, #tpu.memory_space<semaphore_mem>>)
      %dma_wait3A = arith.constant 0 : i32
      %dma_wait3A_161 = arith.constant 0 : i32
      %dma_wait3A_162 = tpu.memref_slice %arg7[%dma_wait3A, %dma_wait3A_161] : memref<80x128xi32, #tpu.memory_space<vmem>> -> memref<72x128xi32, #tpu.memory_space<vmem>>
      %dma_wait3A_163 = arith.constant 80 : i32
      %dma_wait3A_164 = arith.constant 0 : i32
      %dma_wait3A_165 = tpu.memref_slice %arg2[%add3A_20, %dma_wait3A_163, %dma_wait3A_164] : memref<32x152x128xi32, #tpu.memory_space<hbm>> -> memref<1x72x128xi32, #tpu.memory_space<hbm>>
      %dma_wait3A_166 = tpu.memref_squeeze %dma_wait3A_165 : memref<1x72x128xi32, #tpu.memory_space<hbm>> -> memref<72x128xi32, #tpu.memory_space<hbm>>
      %dma_wait3A_167 = arith.constant 0 : i32
      %dma_wait3A_168 = arith.constant 0 : i32
      %dma_wait3A_169 = tpu.memref_slice %arg7[%dma_wait3A_167, %dma_wait3A_168] : memref<80x128xi32, #tpu.memory_space<vmem>> -> memref<72x128xi32, #tpu.memory_space<vmem>>
      %dma_wait3A_170 = arith.constant 80 : i32
      %dma_wait3A_171 = arith.constant 0 : i32
      %dma_wait3A_172 = tpu.memref_slice %arg2[%add3A_20, %dma_wait3A_170, %dma_wait3A_171] : memref<32x152x128xi32, #tpu.memory_space<hbm>> -> memref<1x72x128xi32, #tpu.memory_space<hbm>>
      %dma_wait3A_173 = tpu.memref_squeeze %dma_wait3A_172 : memref<1x72x128xi32, #tpu.memory_space<hbm>> -> memref<72x128xi32, #tpu.memory_space<hbm>>
      tpu.wait_dma2 semaphore(%run_scoped3A : memref<!tpu.dma_semaphore, #tpu.memory_space<semaphore_mem>>) src(%dma_wait3A_173 : memref<72x128xi32, #tpu.memory_space<hbm>>) dst(%dma_wait3A_169 : memref<72x128xi32, #tpu.memory_space<vmem>>)
      tpu.yield
    }) : () -> ()
    "tpu.region"() ({
      %run_scoped3A = tpu.sem_alloc : memref<!tpu.dma_semaphore, #tpu.memory_space<semaphore_mem>>
      %dma_start3A_147 = arith.constant 0 : i32
      %dma_start3A_148 = arith.constant 0 : i32
      %dma_start3A_149 = tpu.memref_slice %arg8[%dma_start3A_147, %dma_start3A_148] : memref<80x128xi32, #tpu.memory_space<vmem>> -> memref<72x128xi32, #tpu.memory_space<vmem>>
      %dma_start3A_150 = arith.constant 80 : i32
      %dma_start3A_151 = arith.constant 0 : i32
      %dma_start3A_152 = tpu.memref_slice %arg3[%arg1, %dma_start3A_150, %dma_start3A_151] : memref<16x152x128xi32, #tpu.memory_space<hbm>> -> memref<1x72x128xi32, #tpu.memory_space<hbm>>
      %dma_start3A_153 = tpu.memref_squeeze %dma_start3A_152 : memref<1x72x128xi32, #tpu.memory_space<hbm>> -> memref<72x128xi32, #tpu.memory_space<hbm>>
      %dma_start3A_154 = arith.constant 0 : i32
      %dma_start3A_155 = arith.constant 0 : i32
      %dma_start3A_156 = tpu.memref_slice %arg8[%dma_start3A_154, %dma_start3A_155] : memref<80x128xi32, #tpu.memory_space<vmem>> -> memref<72x128xi32, #tpu.memory_space<vmem>>
      %dma_start3A_157 = arith.constant 80 : i32
      %dma_start3A_158 = arith.constant 0 : i32
      %dma_start3A_159 = tpu.memref_slice %arg3[%arg1, %dma_start3A_157, %dma_start3A_158] : memref<16x152x128xi32, #tpu.memory_space<hbm>> -> memref<1x72x128xi32, #tpu.memory_space<hbm>>
      %dma_start3A_160 = tpu.memref_squeeze %dma_start3A_159 : memref<1x72x128xi32, #tpu.memory_space<hbm>> -> memref<72x128xi32, #tpu.memory_space<hbm>>
      tpu.enqueue_dma source(%dma_start3A_160 : memref<72x128xi32, #tpu.memory_space<hbm>>) target(%dma_start3A_156 : memref<72x128xi32, #tpu.memory_space<vmem>>) target_semaphore(%run_scoped3A : memref<!tpu.dma_semaphore, #tpu.memory_space<semaphore_mem>>)
      %dma_wait3A = arith.constant 0 : i32
      %dma_wait3A_161 = arith.constant 0 : i32
      %dma_wait3A_162 = tpu.memref_slice %arg8[%dma_wait3A, %dma_wait3A_161] : memref<80x128xi32, #tpu.memory_space<vmem>> -> memref<72x128xi32, #tpu.memory_space<vmem>>
      %dma_wait3A_163 = arith.constant 80 : i32
      %dma_wait3A_164 = arith.constant 0 : i32
      %dma_wait3A_165 = tpu.memref_slice %arg3[%arg1, %dma_wait3A_163, %dma_wait3A_164] : memref<16x152x128xi32, #tpu.memory_space<hbm>> -> memref<1x72x128xi32, #tpu.memory_space<hbm>>
      %dma_wait3A_166 = tpu.memref_squeeze %dma_wait3A_165 : memref<1x72x128xi32, #tpu.memory_space<hbm>> -> memref<72x128xi32, #tpu.memory_space<hbm>>
      %dma_wait3A_167 = arith.constant 0 : i32
      %dma_wait3A_168 = arith.constant 0 : i32
      %dma_wait3A_169 = tpu.memref_slice %arg8[%dma_wait3A_167, %dma_wait3A_168] : memref<80x128xi32, #tpu.memory_space<vmem>> -> memref<72x128xi32, #tpu.memory_space<vmem>>
      %dma_wait3A_170 = arith.constant 80 : i32
      %dma_wait3A_171 = arith.constant 0 : i32
      %dma_wait3A_172 = tpu.memref_slice %arg3[%arg1, %dma_wait3A_170, %dma_wait3A_171] : memref<16x152x128xi32, #tpu.memory_space<hbm>> -> memref<1x72x128xi32, #tpu.memory_space<hbm>>
      %dma_wait3A_173 = tpu.memref_squeeze %dma_wait3A_172 : memref<1x72x128xi32, #tpu.memory_space<hbm>> -> memref<72x128xi32, #tpu.memory_space<hbm>>
      tpu.wait_dma2 semaphore(%run_scoped3A : memref<!tpu.dma_semaphore, #tpu.memory_space<semaphore_mem>>) src(%dma_wait3A_173 : memref<72x128xi32, #tpu.memory_space<hbm>>) dst(%dma_wait3A_169 : memref<72x128xi32, #tpu.memory_space<vmem>>)
      tpu.yield
    }) : () -> ()
    %dma_start3A_65 = arith.constant 0 : i32
    %dma_start3A_66 = arith.constant 0 : i32
    %dma_start3A_67 = arith.constant 0 : i32
    %dma_start3A_68 = tpu.memref_slice %arg9[%dma_start3A_66, %dma_start3A_67] : memref<128x128xf32, #tpu.memory_space<vmem>> -> memref<64x128xf32, #tpu.memory_space<vmem>>
    %dma_start3A_69 = arith.constant 0 : i32
    %dma_start3A_70 = tpu.memref_slice %arg7[%dma_start3A_65, %dma_start3A_69] : memref<80x128xi32, #tpu.memory_space<vmem>> -> memref<1x64xi32, #tpu.memory_space<vmem>>
    %dma_start3A_71 = tpu.memref_squeeze %dma_start3A_70 : memref<1x64xi32, #tpu.memory_space<vmem>> -> memref<64xi32, #tpu.memory_space<vmem>>
    %dma_start3A_72 = arith.constant 0 : i32
    %dma_start3A_73 = arith.constant 0 : i32
    %dma_start3A_74 = tpu.memref_slice %arg4[%dma_start3A_72, %dma_start3A_73] : memref<18688x128xf32, #tpu.memory_space<hbm>> -> memref<18688x128xf32, #tpu.memory_space<hbm>>
    tpu.enqueue_indirect_dma source(%dma_start3A_74 : memref<18688x128xf32, #tpu.memory_space<hbm>>) target(%dma_start3A_68 : memref<64x128xf32, #tpu.memory_space<vmem>>) offsets(%dma_start3A_71 : memref<64xi32, #tpu.memory_space<vmem>>) semaphore(%arg12 : memref<!tpu.dma_semaphore, #tpu.memory_space<semaphore_mem>>)
    %dma_start3A_75 = arith.constant 1 : i32
    %dma_start3A_76 = arith.constant 0 : i32
    %dma_start3A_77 = arith.constant 0 : i32
    %dma_start3A_78 = tpu.memref_slice %arg10[%dma_start3A_76, %dma_start3A_77] : memref<128x128xf32, #tpu.memory_space<vmem>> -> memref<64x128xf32, #tpu.memory_space<vmem>>
    %dma_start3A_79 = arith.constant 0 : i32
    %dma_start3A_80 = tpu.memref_slice %arg7[%dma_start3A_75, %dma_start3A_79] : memref<80x128xi32, #tpu.memory_space<vmem>> -> memref<1x64xi32, #tpu.memory_space<vmem>>
    %dma_start3A_81 = tpu.memref_squeeze %dma_start3A_80 : memref<1x64xi32, #tpu.memory_space<vmem>> -> memref<64xi32, #tpu.memory_space<vmem>>
    %dma_start3A_82 = arith.constant 0 : i32
    %dma_start3A_83 = arith.constant 0 : i32
    %dma_start3A_84 = tpu.memref_slice %arg4[%dma_start3A_82, %dma_start3A_83] : memref<18688x128xf32, #tpu.memory_space<hbm>> -> memref<18688x128xf32, #tpu.memory_space<hbm>>
    tpu.enqueue_indirect_dma source(%dma_start3A_84 : memref<18688x128xf32, #tpu.memory_space<hbm>>) target(%dma_start3A_78 : memref<64x128xf32, #tpu.memory_space<vmem>>) offsets(%dma_start3A_81 : memref<64xi32, #tpu.memory_space<vmem>>) semaphore(%arg13 : memref<!tpu.dma_semaphore, #tpu.memory_space<semaphore_mem>>)
    %dma_start3A_85 = arith.constant 0 : i32
    %dma_start3A_86 = arith.constant 64 : i32
    %dma_start3A_87 = arith.constant 0 : i32
    %dma_start3A_88 = tpu.memref_slice %arg9[%dma_start3A_86, %dma_start3A_87] : memref<128x128xf32, #tpu.memory_space<vmem>> -> memref<64x128xf32, #tpu.memory_space<vmem>>
    %dma_start3A_89 = arith.constant 64 : i32
    %dma_start3A_90 = tpu.memref_slice %arg7[%dma_start3A_85, %dma_start3A_89] : memref<80x128xi32, #tpu.memory_space<vmem>> -> memref<1x64xi32, #tpu.memory_space<vmem>>
    %dma_start3A_91 = tpu.memref_squeeze %dma_start3A_90 : memref<1x64xi32, #tpu.memory_space<vmem>> -> memref<64xi32, #tpu.memory_space<vmem>>
    %dma_start3A_92 = arith.constant 0 : i32
    %dma_start3A_93 = arith.constant 0 : i32
    %dma_start3A_94 = tpu.memref_slice %arg4[%dma_start3A_92, %dma_start3A_93] : memref<18688x128xf32, #tpu.memory_space<hbm>> -> memref<18688x128xf32, #tpu.memory_space<hbm>>
    tpu.enqueue_indirect_dma source(%dma_start3A_94 : memref<18688x128xf32, #tpu.memory_space<hbm>>) target(%dma_start3A_88 : memref<64x128xf32, #tpu.memory_space<vmem>>) offsets(%dma_start3A_91 : memref<64xi32, #tpu.memory_space<vmem>>) semaphore(%arg12 : memref<!tpu.dma_semaphore, #tpu.memory_space<semaphore_mem>>)
    %dma_start3A_95 = arith.constant 1 : i32
    %dma_start3A_96 = arith.constant 64 : i32
    %dma_start3A_97 = arith.constant 0 : i32
    %dma_start3A_98 = tpu.memref_slice %arg10[%dma_start3A_96, %dma_start3A_97] : memref<128x128xf32, #tpu.memory_space<vmem>> -> memref<64x128xf32, #tpu.memory_space<vmem>>
    %dma_start3A_99 = arith.constant 64 : i32
    %dma_start3A_100 = tpu.memref_slice %arg7[%dma_start3A_95, %dma_start3A_99] : memref<80x128xi32, #tpu.memory_space<vmem>> -> memref<1x64xi32, #tpu.memory_space<vmem>>
    %dma_start3A_101 = tpu.memref_squeeze %dma_start3A_100 : memref<1x64xi32, #tpu.memory_space<vmem>> -> memref<64xi32, #tpu.memory_space<vmem>>
    %dma_start3A_102 = arith.constant 0 : i32
    %dma_start3A_103 = arith.constant 0 : i32
    %dma_start3A_104 = tpu.memref_slice %arg4[%dma_start3A_102, %dma_start3A_103] : memref<18688x128xf32, #tpu.memory_space<hbm>> -> memref<18688x128xf32, #tpu.memory_space<hbm>>
    tpu.enqueue_indirect_dma source(%dma_start3A_104 : memref<18688x128xf32, #tpu.memory_space<hbm>>) target(%dma_start3A_98 : memref<64x128xf32, #tpu.memory_space<vmem>>) offsets(%dma_start3A_101 : memref<64xi32, #tpu.memory_space<vmem>>) semaphore(%arg13 : memref<!tpu.dma_semaphore, #tpu.memory_space<semaphore_mem>>)
    %scan3A_105 = arith.constant 0 : i32
    %scan3A_106 = arith.constant 0 : i32
    %scan3A_107 = arith.constant 36 : i32
    %scan3A_108 = arith.addi %scan3A_106, %scan3A_107 : i32
    %scan3A_109 = arith.constant 1 : i32
    scf.for %scan3A_147 = %scan3A_106 to %scan3A_108 step %scan3A_109  : i32 {
      %mul3A_148 = arith.constant 2 : i32
      %mul3A_149 = arith.muli %mul3A_148, %scan3A_147 : i32
      %dma_wait3A = arith.constant 0 : i32
      %dma_wait3A_150 = tpu.memref_slice %arg7[%mul3A_149, %dma_wait3A] : memref<80x128xi32, #tpu.memory_space<vmem>> -> memref<1x128xi32, #tpu.memory_space<vmem>>
      %dma_wait3A_151 = tpu.memref_squeeze %dma_wait3A_150 : memref<1x128xi32, #tpu.memory_space<vmem>> -> memref<128xi32, #tpu.memory_space<vmem>>
      %dma_wait3A_152 = arith.constant 0 : i32
      %dma_wait3A_153 = arith.constant 0 : i32
      %dma_wait3A_154 = tpu.memref_slice %arg4[%dma_wait3A_152, %dma_wait3A_153] : memref<18688x128xf32, #tpu.memory_space<hbm>> -> memref<18688x128xf32, #tpu.memory_space<hbm>>
      tpu.wait_indirect_dma semaphore(%arg12 : memref<!tpu.dma_semaphore, #tpu.memory_space<semaphore_mem>>) src(%dma_wait3A_154 : memref<18688x128xf32, #tpu.memory_space<hbm>>) dst(%arg9 : memref<128x128xf32, #tpu.memory_space<vmem>>)
      "tpu.region"() ({
        %run_scoped3A = tpu.sem_alloc : memref<!tpu.dma_semaphore, #tpu.memory_space<semaphore_mem>>
        %dma_start3A_176 = arith.constant 0 : i32
        %dma_start3A_177 = tpu.memref_slice %arg8[%mul3A_149, %dma_start3A_176] : memref<80x128xi32, #tpu.memory_space<vmem>> -> memref<1x128xi32, #tpu.memory_space<vmem>>
        %dma_start3A_178 = tpu.memref_squeeze %dma_start3A_177 : memref<1x128xi32, #tpu.memory_space<vmem>> -> memref<128xi32, #tpu.memory_space<vmem>>
        %dma_start3A_179 = arith.constant 0 : i32
        %dma_start3A_180 = arith.constant 0 : i32
        %dma_start3A_181 = tpu.memref_slice %arg11[%dma_start3A_179, %dma_start3A_180] : memref<9344x128xf32, #tpu.memory_space<vmem_shared>> -> memref<9344x128xf32, #tpu.memory_space<vmem_shared>>
        tpu.enqueue_indirect_dma source(%arg9 : memref<128x128xf32, #tpu.memory_space<vmem>>) target(%dma_start3A_181 : memref<9344x128xf32, #tpu.memory_space<vmem_shared>>) offsets(%dma_start3A_178 : memref<128xi32, #tpu.memory_space<vmem>>) semaphore(%run_scoped3A : memref<!tpu.dma_semaphore, #tpu.memory_space<semaphore_mem>>) {add = true}
        %dma_wait3A_182 = arith.constant 0 : i32
        %dma_wait3A_183 = tpu.memref_slice %arg8[%mul3A_149, %dma_wait3A_182] : memref<80x128xi32, #tpu.memory_space<vmem>> -> memref<1x128xi32, #tpu.memory_space<vmem>>
        %dma_wait3A_184 = tpu.memref_squeeze %dma_wait3A_183 : memref<1x128xi32, #tpu.memory_space<vmem>> -> memref<128xi32, #tpu.memory_space<vmem>>
        %dma_wait3A_185 = arith.constant 0 : i32
        %dma_wait3A_186 = arith.constant 0 : i32
        %dma_wait3A_187 = tpu.memref_slice %arg11[%dma_wait3A_185, %dma_wait3A_186] : memref<9344x128xf32, #tpu.memory_space<vmem_shared>> -> memref<9344x128xf32, #tpu.memory_space<vmem_shared>>
        tpu.wait_indirect_dma semaphore(%run_scoped3A : memref<!tpu.dma_semaphore, #tpu.memory_space<semaphore_mem>>) src(%arg9 : memref<128x128xf32, #tpu.memory_space<vmem>>) dst(%dma_wait3A_187 : memref<9344x128xf32, #tpu.memory_space<vmem_shared>>)
        tpu.yield
      }) : () -> ()
      %add3A_155 = arith.constant 1 : i32
      %add3A_156 = arith.addi %scan3A_147, %add3A_155 : i32
      %lt3A = arith.constant 36 : i32
      %lt3A_157 = arith.cmpi slt, %add3A_156, %lt3A : i32
      %convert_element_type3A = arith.extui %lt3A_157 : i1 to i32
      %cond3A = arith.constant 0 : i32
      %cond3A_158 = arith.cmpi ne, %convert_element_type3A, %cond3A : i32
      scf.if %cond3A_158 {
        %add3A_176 = arith.constant 2 : i32
        %add3A_177 = arith.addi %mul3A_149, %add3A_176 : i32
        %dma_start3A_178 = arith.constant 0 : i32
        %dma_start3A_179 = arith.constant 0 : i32
        %dma_start3A_180 = tpu.memref_slice %arg9[%dma_start3A_178, %dma_start3A_179] : memref<128x128xf32, #tpu.memory_space<vmem>> -> memref<64x128xf32, #tpu.memory_space<vmem>>
        %dma_start3A_181 = arith.constant 0 : i32
        %dma_start3A_182 = tpu.memref_slice %arg7[%add3A_177, %dma_start3A_181] : memref<80x128xi32, #tpu.memory_space<vmem>> -> memref<1x64xi32, #tpu.memory_space<vmem>>
        %dma_start3A_183 = tpu.memref_squeeze %dma_start3A_182 : memref<1x64xi32, #tpu.memory_space<vmem>> -> memref<64xi32, #tpu.memory_space<vmem>>
        %dma_start3A_184 = arith.constant 0 : i32
        %dma_start3A_185 = arith.constant 0 : i32
        %dma_start3A_186 = tpu.memref_slice %arg4[%dma_start3A_184, %dma_start3A_185] : memref<18688x128xf32, #tpu.memory_space<hbm>> -> memref<18688x128xf32, #tpu.memory_space<hbm>>
        tpu.enqueue_indirect_dma source(%dma_start3A_186 : memref<18688x128xf32, #tpu.memory_space<hbm>>) target(%dma_start3A_180 : memref<64x128xf32, #tpu.memory_space<vmem>>) offsets(%dma_start3A_183 : memref<64xi32, #tpu.memory_space<vmem>>) semaphore(%arg12 : memref<!tpu.dma_semaphore, #tpu.memory_space<semaphore_mem>>)
        %add3A_187 = arith.constant 2 : i32
        %add3A_188 = arith.addi %mul3A_149, %add3A_187 : i32
        %dma_start3A_189 = arith.constant 64 : i32
        %dma_start3A_190 = arith.constant 0 : i32
        %dma_start3A_191 = tpu.memref_slice %arg9[%dma_start3A_189, %dma_start3A_190] : memref<128x128xf32, #tpu.memory_space<vmem>> -> memref<64x128xf32, #tpu.memory_space<vmem>>
        %dma_start3A_192 = arith.constant 64 : i32
        %dma_start3A_193 = tpu.memref_slice %arg7[%add3A_188, %dma_start3A_192] : memref<80x128xi32, #tpu.memory_space<vmem>> -> memref<1x64xi32, #tpu.memory_space<vmem>>
        %dma_start3A_194 = tpu.memref_squeeze %dma_start3A_193 : memref<1x64xi32, #tpu.memory_space<vmem>> -> memref<64xi32, #tpu.memory_space<vmem>>
        %dma_start3A_195 = arith.constant 0 : i32
        %dma_start3A_196 = arith.constant 0 : i32
        %dma_start3A_197 = tpu.memref_slice %arg4[%dma_start3A_195, %dma_start3A_196] : memref<18688x128xf32, #tpu.memory_space<hbm>> -> memref<18688x128xf32, #tpu.memory_space<hbm>>
        tpu.enqueue_indirect_dma source(%dma_start3A_197 : memref<18688x128xf32, #tpu.memory_space<hbm>>) target(%dma_start3A_191 : memref<64x128xf32, #tpu.memory_space<vmem>>) offsets(%dma_start3A_194 : memref<64xi32, #tpu.memory_space<vmem>>) semaphore(%arg12 : memref<!tpu.dma_semaphore, #tpu.memory_space<semaphore_mem>>)
      } else {
      }
      %add3A_159 = arith.constant 1 : i32
      %add3A_160 = arith.addi %mul3A_149, %add3A_159 : i32
      %dma_wait3A_161 = arith.constant 0 : i32
      %dma_wait3A_162 = tpu.memref_slice %arg7[%add3A_160, %dma_wait3A_161] : memref<80x128xi32, #tpu.memory_space<vmem>> -> memref<1x128xi32, #tpu.memory_space<vmem>>
      %dma_wait3A_163 = tpu.memref_squeeze %dma_wait3A_162 : memref<1x128xi32, #tpu.memory_space<vmem>> -> memref<128xi32, #tpu.memory_space<vmem>>
      %dma_wait3A_164 = arith.constant 0 : i32
      %dma_wait3A_165 = arith.constant 0 : i32
      %dma_wait3A_166 = tpu.memref_slice %arg4[%dma_wait3A_164, %dma_wait3A_165] : memref<18688x128xf32, #tpu.memory_space<hbm>> -> memref<18688x128xf32, #tpu.memory_space<hbm>>
      tpu.wait_indirect_dma semaphore(%arg13 : memref<!tpu.dma_semaphore, #tpu.memory_space<semaphore_mem>>) src(%dma_wait3A_166 : memref<18688x128xf32, #tpu.memory_space<hbm>>) dst(%arg10 : memref<128x128xf32, #tpu.memory_space<vmem>>)
      %add3A_167 = arith.constant 1 : i32
      %add3A_168 = arith.addi %mul3A_149, %add3A_167 : i32
      "tpu.region"() ({
        %run_scoped3A = tpu.sem_alloc : memref<!tpu.dma_semaphore, #tpu.memory_space<semaphore_mem>>
        %dma_start3A_176 = arith.constant 0 : i32
        %dma_start3A_177 = tpu.memref_slice %arg8[%add3A_168, %dma_start3A_176] : memref<80x128xi32, #tpu.memory_space<vmem>> -> memref<1x128xi32, #tpu.memory_space<vmem>>
        %dma_start3A_178 = tpu.memref_squeeze %dma_start3A_177 : memref<1x128xi32, #tpu.memory_space<vmem>> -> memref<128xi32, #tpu.memory_space<vmem>>
        %dma_start3A_179 = arith.constant 0 : i32
        %dma_start3A_180 = arith.constant 0 : i32
        %dma_start3A_181 = tpu.memref_slice %arg11[%dma_start3A_179, %dma_start3A_180] : memref<9344x128xf32, #tpu.memory_space<vmem_shared>> -> memref<9344x128xf32, #tpu.memory_space<vmem_shared>>
        tpu.enqueue_indirect_dma source(%arg10 : memref<128x128xf32, #tpu.memory_space<vmem>>) target(%dma_start3A_181 : memref<9344x128xf32, #tpu.memory_space<vmem_shared>>) offsets(%dma_start3A_178 : memref<128xi32, #tpu.memory_space<vmem>>) semaphore(%run_scoped3A : memref<!tpu.dma_semaphore, #tpu.memory_space<semaphore_mem>>) {add = true}
        %dma_wait3A_182 = arith.constant 0 : i32
        %dma_wait3A_183 = tpu.memref_slice %arg8[%add3A_168, %dma_wait3A_182] : memref<80x128xi32, #tpu.memory_space<vmem>> -> memref<1x128xi32, #tpu.memory_space<vmem>>
        %dma_wait3A_184 = tpu.memref_squeeze %dma_wait3A_183 : memref<1x128xi32, #tpu.memory_space<vmem>> -> memref<128xi32, #tpu.memory_space<vmem>>
        %dma_wait3A_185 = arith.constant 0 : i32
        %dma_wait3A_186 = arith.constant 0 : i32
        %dma_wait3A_187 = tpu.memref_slice %arg11[%dma_wait3A_185, %dma_wait3A_186] : memref<9344x128xf32, #tpu.memory_space<vmem_shared>> -> memref<9344x128xf32, #tpu.memory_space<vmem_shared>>
        tpu.wait_indirect_dma semaphore(%run_scoped3A : memref<!tpu.dma_semaphore, #tpu.memory_space<semaphore_mem>>) src(%arg10 : memref<128x128xf32, #tpu.memory_space<vmem>>) dst(%dma_wait3A_187 : memref<9344x128xf32, #tpu.memory_space<vmem_shared>>)
        tpu.yield
      }) : () -> ()
      %add3A_169 = arith.constant 1 : i32
      %add3A_170 = arith.addi %scan3A_147, %add3A_169 : i32
      %lt3A_171 = arith.constant 36 : i32
      %lt3A_172 = arith.cmpi slt, %add3A_170, %lt3A_171 : i32
      %convert_element_type3A_173 = arith.extui %lt3A_172 : i1 to i32
      %cond3A_174 = arith.constant 0 : i32
      %cond3A_175 = arith.cmpi ne, %convert_element_type3A_173, %cond3A_174 : i32
      scf.if %cond3A_175 {
        %add3A_176 = arith.constant 3 : i32
        %add3A_177 = arith.addi %mul3A_149, %add3A_176 : i32
        %dma_start3A_178 = arith.constant 0 : i32
        %dma_start3A_179 = arith.constant 0 : i32
        %dma_start3A_180 = tpu.memref_slice %arg10[%dma_start3A_178, %dma_start3A_179] : memref<128x128xf32, #tpu.memory_space<vmem>> -> memref<64x128xf32, #tpu.memory_space<vmem>>
        %dma_start3A_181 = arith.constant 0 : i32
        %dma_start3A_182 = tpu.memref_slice %arg7[%add3A_177, %dma_start3A_181] : memref<80x128xi32, #tpu.memory_space<vmem>> -> memref<1x64xi32, #tpu.memory_space<vmem>>
        %dma_start3A_183 = tpu.memref_squeeze %dma_start3A_182 : memref<1x64xi32, #tpu.memory_space<vmem>> -> memref<64xi32, #tpu.memory_space<vmem>>
        %dma_start3A_184 = arith.constant 0 : i32
        %dma_start3A_185 = arith.constant 0 : i32
        %dma_start3A_186 = tpu.memref_slice %arg4[%dma_start3A_184, %dma_start3A_185] : memref<18688x128xf32, #tpu.memory_space<hbm>> -> memref<18688x128xf32, #tpu.memory_space<hbm>>
        tpu.enqueue_indirect_dma source(%dma_start3A_186 : memref<18688x128xf32, #tpu.memory_space<hbm>>) target(%dma_start3A_180 : memref<64x128xf32, #tpu.memory_space<vmem>>) offsets(%dma_start3A_183 : memref<64xi32, #tpu.memory_space<vmem>>) semaphore(%arg13 : memref<!tpu.dma_semaphore, #tpu.memory_space<semaphore_mem>>)
        %add3A_187 = arith.constant 3 : i32
        %add3A_188 = arith.addi %mul3A_149, %add3A_187 : i32
        %dma_start3A_189 = arith.constant 64 : i32
        %dma_start3A_190 = arith.constant 0 : i32
        %dma_start3A_191 = tpu.memref_slice %arg10[%dma_start3A_189, %dma_start3A_190] : memref<128x128xf32, #tpu.memory_space<vmem>> -> memref<64x128xf32, #tpu.memory_space<vmem>>
        %dma_start3A_192 = arith.constant 64 : i32
        %dma_start3A_193 = tpu.memref_slice %arg7[%add3A_188, %dma_start3A_192] : memref<80x128xi32, #tpu.memory_space<vmem>> -> memref<1x64xi32, #tpu.memory_space<vmem>>
        %dma_start3A_194 = tpu.memref_squeeze %dma_start3A_193 : memref<1x64xi32, #tpu.memory_space<vmem>> -> memref<64xi32, #tpu.memory_space<vmem>>
        %dma_start3A_195 = arith.constant 0 : i32
        %dma_start3A_196 = arith.constant 0 : i32
        %dma_start3A_197 = tpu.memref_slice %arg4[%dma_start3A_195, %dma_start3A_196] : memref<18688x128xf32, #tpu.memory_space<hbm>> -> memref<18688x128xf32, #tpu.memory_space<hbm>>
        tpu.enqueue_indirect_dma source(%dma_start3A_197 : memref<18688x128xf32, #tpu.memory_space<hbm>>) target(%dma_start3A_191 : memref<64x128xf32, #tpu.memory_space<vmem>>) offsets(%dma_start3A_194 : memref<64xi32, #tpu.memory_space<vmem>>) semaphore(%arg13 : memref<!tpu.dma_semaphore, #tpu.memory_space<semaphore_mem>>)
      } else {
      }
    }
    %scan3A_110 = arith.constant 36 : i32
    %barrier3A_111 = arith.constant 0 : index
    tpu.barrier barrier_id(%barrier3A_111)
    %mul3A_112 = arith.constant 9344 : i32
    %mul3A_113 = arith.muli %arg0, %mul3A_112 : i32
    %mul3A_114 = arith.constant 584 : i32
    %mul3A_115 = arith.muli %arg1, %mul3A_114 : i32
    %add3A_116 = arith.addi %mul3A_113, %mul3A_115 : i32
    %mul3A_117 = arith.constant 584 : i32
    %mul3A_118 = arith.muli %arg1, %mul3A_117 : i32
    %add3A_119 = arith.constant 0 : i32
    %add3A_120 = arith.addi %mul3A_118, %add3A_119 : i32
    "tpu.region"() ({
      %run_scoped3A = tpu.sem_alloc : memref<!tpu.dma_semaphore, #tpu.memory_space<semaphore_mem>>
      %dma_start3A_147 = arith.constant 0 : i32
      %dma_start3A_148 = tpu.memref_slice %arg11[%add3A_120, %dma_start3A_147] : memref<9344x128xf32, #tpu.memory_space<vmem_shared>> -> memref<128x128xf32, #tpu.memory_space<vmem_shared>>
      %dma_start3A_149 = arith.constant 0 : i32
      %dma_start3A_150 = tpu.memref_slice %arg11[%add3A_120, %dma_start3A_149] : memref<9344x128xf32, #tpu.memory_space<vmem_shared>> -> memref<128x128xf32, #tpu.memory_space<vmem_shared>>
      tpu.enqueue_dma source(%dma_start3A_150 : memref<128x128xf32, #tpu.memory_space<vmem_shared>>) target(%arg9 : memref<128x128xf32, #tpu.memory_space<vmem>>) target_semaphore(%run_scoped3A : memref<!tpu.dma_semaphore, #tpu.memory_space<semaphore_mem>>)
      %dma_wait3A = arith.constant 0 : i32
      %dma_wait3A_151 = tpu.memref_slice %arg11[%add3A_120, %dma_wait3A] : memref<9344x128xf32, #tpu.memory_space<vmem_shared>> -> memref<128x128xf32, #tpu.memory_space<vmem_shared>>
      %dma_wait3A_152 = arith.constant 0 : i32
      %dma_wait3A_153 = tpu.memref_slice %arg11[%add3A_120, %dma_wait3A_152] : memref<9344x128xf32, #tpu.memory_space<vmem_shared>> -> memref<128x128xf32, #tpu.memory_space<vmem_shared>>
      tpu.wait_dma2 semaphore(%run_scoped3A : memref<!tpu.dma_semaphore, #tpu.memory_space<semaphore_mem>>) src(%dma_wait3A_153 : memref<128x128xf32, #tpu.memory_space<vmem_shared>>) dst(%arg9 : memref<128x128xf32, #tpu.memory_space<vmem>>)
      tpu.yield
    }) : () -> ()
    %add3A_121 = arith.constant 0 : i32
    %add3A_122 = arith.addi %add3A_116, %add3A_121 : i32
    "tpu.region"() ({
      %run_scoped3A = tpu.sem_alloc : memref<!tpu.dma_semaphore, #tpu.memory_space<semaphore_mem>>
      %dma_start3A_147 = arith.constant 0 : i32
      %dma_start3A_148 = tpu.memref_slice %arg6[%add3A_122, %dma_start3A_147] : memref<18688x128xf32, #tpu.memory_space<hbm>> -> memref<128x128xf32, #tpu.memory_space<hbm>>
      %dma_start3A_149 = arith.constant 0 : i32
      %dma_start3A_150 = tpu.memref_slice %arg6[%add3A_122, %dma_start3A_149] : memref<18688x128xf32, #tpu.memory_space<hbm>> -> memref<128x128xf32, #tpu.memory_space<hbm>>
      tpu.enqueue_dma source(%arg9 : memref<128x128xf32, #tpu.memory_space<vmem>>) target(%dma_start3A_150 : memref<128x128xf32, #tpu.memory_space<hbm>>) target_semaphore(%run_scoped3A : memref<!tpu.dma_semaphore, #tpu.memory_space<semaphore_mem>>)
      %dma_wait3A = arith.constant 0 : i32
      %dma_wait3A_151 = tpu.memref_slice %arg6[%add3A_122, %dma_wait3A] : memref<18688x128xf32, #tpu.memory_space<hbm>> -> memref<128x128xf32, #tpu.memory_space<hbm>>
      %dma_wait3A_152 = arith.constant 0 : i32
      %dma_wait3A_153 = tpu.memref_slice %arg6[%add3A_122, %dma_wait3A_152] : memref<18688x128xf32, #tpu.memory_space<hbm>> -> memref<128x128xf32, #tpu.memory_space<hbm>>
      tpu.wait_dma2 semaphore(%run_scoped3A : memref<!tpu.dma_semaphore, #tpu.memory_space<semaphore_mem>>) src(%arg9 : memref<128x128xf32, #tpu.memory_space<vmem>>) dst(%dma_wait3A_153 : memref<128x128xf32, #tpu.memory_space<hbm>>)
      tpu.yield
    }) : () -> ()
    %mul3A_123 = arith.constant 584 : i32
    %mul3A_124 = arith.muli %arg1, %mul3A_123 : i32
    %add3A_125 = arith.constant 128 : i32
    %add3A_126 = arith.addi %mul3A_124, %add3A_125 : i32
    "tpu.region"() ({
      %run_scoped3A = tpu.sem_alloc : memref<!tpu.dma_semaphore, #tpu.memory_space<semaphore_mem>>
      %dma_start3A_147 = arith.constant 0 : i32
      %dma_start3A_148 = tpu.memref_slice %arg11[%add3A_126, %dma_start3A_147] : memref<9344x128xf32, #tpu.memory_space<vmem_shared>> -> memref<128x128xf32, #tpu.memory_space<vmem_shared>>
      %dma_start3A_149 = arith.constant 0 : i32
      %dma_start3A_150 = tpu.memref_slice %arg11[%add3A_126, %dma_start3A_149] : memref<9344x128xf32, #tpu.memory_space<vmem_shared>> -> memref<128x128xf32, #tpu.memory_space<vmem_shared>>
      tpu.enqueue_dma source(%dma_start3A_150 : memref<128x128xf32, #tpu.memory_space<vmem_shared>>) target(%arg9 : memref<128x128xf32, #tpu.memory_space<vmem>>) target_semaphore(%run_scoped3A : memref<!tpu.dma_semaphore, #tpu.memory_space<semaphore_mem>>)
      %dma_wait3A = arith.constant 0 : i32
      %dma_wait3A_151 = tpu.memref_slice %arg11[%add3A_126, %dma_wait3A] : memref<9344x128xf32, #tpu.memory_space<vmem_shared>> -> memref<128x128xf32, #tpu.memory_space<vmem_shared>>
      %dma_wait3A_152 = arith.constant 0 : i32
      %dma_wait3A_153 = tpu.memref_slice %arg11[%add3A_126, %dma_wait3A_152] : memref<9344x128xf32, #tpu.memory_space<vmem_shared>> -> memref<128x128xf32, #tpu.memory_space<vmem_shared>>
      tpu.wait_dma2 semaphore(%run_scoped3A : memref<!tpu.dma_semaphore, #tpu.memory_space<semaphore_mem>>) src(%dma_wait3A_153 : memref<128x128xf32, #tpu.memory_space<vmem_shared>>) dst(%arg9 : memref<128x128xf32, #tpu.memory_space<vmem>>)
      tpu.yield
    }) : () -> ()
    %add3A_127 = arith.constant 128 : i32
    %add3A_128 = arith.addi %add3A_116, %add3A_127 : i32
    "tpu.region"() ({
      %run_scoped3A = tpu.sem_alloc : memref<!tpu.dma_semaphore, #tpu.memory_space<semaphore_mem>>
      %dma_start3A_147 = arith.constant 0 : i32
      %dma_start3A_148 = tpu.memref_slice %arg6[%add3A_128, %dma_start3A_147] : memref<18688x128xf32, #tpu.memory_space<hbm>> -> memref<128x128xf32, #tpu.memory_space<hbm>>
      %dma_start3A_149 = arith.constant 0 : i32
      %dma_start3A_150 = tpu.memref_slice %arg6[%add3A_128, %dma_start3A_149] : memref<18688x128xf32, #tpu.memory_space<hbm>> -> memref<128x128xf32, #tpu.memory_space<hbm>>
      tpu.enqueue_dma source(%arg9 : memref<128x128xf32, #tpu.memory_space<vmem>>) target(%dma_start3A_150 : memref<128x128xf32, #tpu.memory_space<hbm>>) target_semaphore(%run_scoped3A : memref<!tpu.dma_semaphore, #tpu.memory_space<semaphore_mem>>)
      %dma_wait3A = arith.constant 0 : i32
      %dma_wait3A_151 = tpu.memref_slice %arg6[%add3A_128, %dma_wait3A] : memref<18688x128xf32, #tpu.memory_space<hbm>> -> memref<128x128xf32, #tpu.memory_space<hbm>>
      %dma_wait3A_152 = arith.constant 0 : i32
      %dma_wait3A_153 = tpu.memref_slice %arg6[%add3A_128, %dma_wait3A_152] : memref<18688x128xf32, #tpu.memory_space<hbm>> -> memref<128x128xf32, #tpu.memory_space<hbm>>
      tpu.wait_dma2 semaphore(%run_scoped3A : memref<!tpu.dma_semaphore, #tpu.memory_space<semaphore_mem>>) src(%arg9 : memref<128x128xf32, #tpu.memory_space<vmem>>) dst(%dma_wait3A_153 : memref<128x128xf32, #tpu.memory_space<hbm>>)
      tpu.yield
    }) : () -> ()
    %mul3A_129 = arith.constant 584 : i32
    %mul3A_130 = arith.muli %arg1, %mul3A_129 : i32
    %add3A_131 = arith.constant 256 : i32
    %add3A_132 = arith.addi %mul3A_130, %add3A_131 : i32
    "tpu.region"() ({
      %run_scoped3A = tpu.sem_alloc : memref<!tpu.dma_semaphore, #tpu.memory_space<semaphore_mem>>
      %dma_start3A_147 = arith.constant 0 : i32
      %dma_start3A_148 = tpu.memref_slice %arg11[%add3A_132, %dma_start3A_147] : memref<9344x128xf32, #tpu.memory_space<vmem_shared>> -> memref<128x128xf32, #tpu.memory_space<vmem_shared>>
      %dma_start3A_149 = arith.constant 0 : i32
      %dma_start3A_150 = tpu.memref_slice %arg11[%add3A_132, %dma_start3A_149] : memref<9344x128xf32, #tpu.memory_space<vmem_shared>> -> memref<128x128xf32, #tpu.memory_space<vmem_shared>>
      tpu.enqueue_dma source(%dma_start3A_150 : memref<128x128xf32, #tpu.memory_space<vmem_shared>>) target(%arg9 : memref<128x128xf32, #tpu.memory_space<vmem>>) target_semaphore(%run_scoped3A : memref<!tpu.dma_semaphore, #tpu.memory_space<semaphore_mem>>)
      %dma_wait3A = arith.constant 0 : i32
      %dma_wait3A_151 = tpu.memref_slice %arg11[%add3A_132, %dma_wait3A] : memref<9344x128xf32, #tpu.memory_space<vmem_shared>> -> memref<128x128xf32, #tpu.memory_space<vmem_shared>>
      %dma_wait3A_152 = arith.constant 0 : i32
      %dma_wait3A_153 = tpu.memref_slice %arg11[%add3A_132, %dma_wait3A_152] : memref<9344x128xf32, #tpu.memory_space<vmem_shared>> -> memref<128x128xf32, #tpu.memory_space<vmem_shared>>
      tpu.wait_dma2 semaphore(%run_scoped3A : memref<!tpu.dma_semaphore, #tpu.memory_space<semaphore_mem>>) src(%dma_wait3A_153 : memref<128x128xf32, #tpu.memory_space<vmem_shared>>) dst(%arg9 : memref<128x128xf32, #tpu.memory_space<vmem>>)
      tpu.yield
    }) : () -> ()
    %add3A_133 = arith.constant 256 : i32
    %add3A_134 = arith.addi %add3A_116, %add3A_133 : i32
    "tpu.region"() ({
      %run_scoped3A = tpu.sem_alloc : memref<!tpu.dma_semaphore, #tpu.memory_space<semaphore_mem>>
      %dma_start3A_147 = arith.constant 0 : i32
      %dma_start3A_148 = tpu.memref_slice %arg6[%add3A_134, %dma_start3A_147] : memref<18688x128xf32, #tpu.memory_space<hbm>> -> memref<128x128xf32, #tpu.memory_space<hbm>>
      %dma_start3A_149 = arith.constant 0 : i32
      %dma_start3A_150 = tpu.memref_slice %arg6[%add3A_134, %dma_start3A_149] : memref<18688x128xf32, #tpu.memory_space<hbm>> -> memref<128x128xf32, #tpu.memory_space<hbm>>
      tpu.enqueue_dma source(%arg9 : memref<128x128xf32, #tpu.memory_space<vmem>>) target(%dma_start3A_150 : memref<128x128xf32, #tpu.memory_space<hbm>>) target_semaphore(%run_scoped3A : memref<!tpu.dma_semaphore, #tpu.memory_space<semaphore_mem>>)
      %dma_wait3A = arith.constant 0 : i32
      %dma_wait3A_151 = tpu.memref_slice %arg6[%add3A_134, %dma_wait3A] : memref<18688x128xf32, #tpu.memory_space<hbm>> -> memref<128x128xf32, #tpu.memory_space<hbm>>
      %dma_wait3A_152 = arith.constant 0 : i32
      %dma_wait3A_153 = tpu.memref_slice %arg6[%add3A_134, %dma_wait3A_152] : memref<18688x128xf32, #tpu.memory_space<hbm>> -> memref<128x128xf32, #tpu.memory_space<hbm>>
      tpu.wait_dma2 semaphore(%run_scoped3A : memref<!tpu.dma_semaphore, #tpu.memory_space<semaphore_mem>>) src(%arg9 : memref<128x128xf32, #tpu.memory_space<vmem>>) dst(%dma_wait3A_153 : memref<128x128xf32, #tpu.memory_space<hbm>>)
      tpu.yield
    }) : () -> ()
    %mul3A_135 = arith.constant 584 : i32
    %mul3A_136 = arith.muli %arg1, %mul3A_135 : i32
    %add3A_137 = arith.constant 384 : i32
    %add3A_138 = arith.addi %mul3A_136, %add3A_137 : i32
    "tpu.region"() ({
      %run_scoped3A = tpu.sem_alloc : memref<!tpu.dma_semaphore, #tpu.memory_space<semaphore_mem>>
      %dma_start3A_147 = arith.constant 0 : i32
      %dma_start3A_148 = tpu.memref_slice %arg11[%add3A_138, %dma_start3A_147] : memref<9344x128xf32, #tpu.memory_space<vmem_shared>> -> memref<128x128xf32, #tpu.memory_space<vmem_shared>>
      %dma_start3A_149 = arith.constant 0 : i32
      %dma_start3A_150 = tpu.memref_slice %arg11[%add3A_138, %dma_start3A_149] : memref<9344x128xf32, #tpu.memory_space<vmem_shared>> -> memref<128x128xf32, #tpu.memory_space<vmem_shared>>
      tpu.enqueue_dma source(%dma_start3A_150 : memref<128x128xf32, #tpu.memory_space<vmem_shared>>) target(%arg9 : memref<128x128xf32, #tpu.memory_space<vmem>>) target_semaphore(%run_scoped3A : memref<!tpu.dma_semaphore, #tpu.memory_space<semaphore_mem>>)
      %dma_wait3A = arith.constant 0 : i32
      %dma_wait3A_151 = tpu.memref_slice %arg11[%add3A_138, %dma_wait3A] : memref<9344x128xf32, #tpu.memory_space<vmem_shared>> -> memref<128x128xf32, #tpu.memory_space<vmem_shared>>
      %dma_wait3A_152 = arith.constant 0 : i32
      %dma_wait3A_153 = tpu.memref_slice %arg11[%add3A_138, %dma_wait3A_152] : memref<9344x128xf32, #tpu.memory_space<vmem_shared>> -> memref<128x128xf32, #tpu.memory_space<vmem_shared>>
      tpu.wait_dma2 semaphore(%run_scoped3A : memref<!tpu.dma_semaphore, #tpu.memory_space<semaphore_mem>>) src(%dma_wait3A_153 : memref<128x128xf32, #tpu.memory_space<vmem_shared>>) dst(%arg9 : memref<128x128xf32, #tpu.memory_space<vmem>>)
      tpu.yield
    }) : () -> ()
    %add3A_139 = arith.constant 384 : i32
    %add3A_140 = arith.addi %add3A_116, %add3A_139 : i32
    "tpu.region"() ({
      %run_scoped3A = tpu.sem_alloc : memref<!tpu.dma_semaphore, #tpu.memory_space<semaphore_mem>>
      %dma_start3A_147 = arith.constant 0 : i32
      %dma_start3A_148 = tpu.memref_slice %arg6[%add3A_140, %dma_start3A_147] : memref<18688x128xf32, #tpu.memory_space<hbm>> -> memref<128x128xf32, #tpu.memory_space<hbm>>
      %dma_start3A_149 = arith.constant 0 : i32
      %dma_start3A_150 = tpu.memref_slice %arg6[%add3A_140, %dma_start3A_149] : memref<18688x128xf32, #tpu.memory_space<hbm>> -> memref<128x128xf32, #tpu.memory_space<hbm>>
      tpu.enqueue_dma source(%arg9 : memref<128x128xf32, #tpu.memory_space<vmem>>) target(%dma_start3A_150 : memref<128x128xf32, #tpu.memory_space<hbm>>) target_semaphore(%run_scoped3A : memref<!tpu.dma_semaphore, #tpu.memory_space<semaphore_mem>>)
      %dma_wait3A = arith.constant 0 : i32
      %dma_wait3A_151 = tpu.memref_slice %arg6[%add3A_140, %dma_wait3A] : memref<18688x128xf32, #tpu.memory_space<hbm>> -> memref<128x128xf32, #tpu.memory_space<hbm>>
      %dma_wait3A_152 = arith.constant 0 : i32
      %dma_wait3A_153 = tpu.memref_slice %arg6[%add3A_140, %dma_wait3A_152] : memref<18688x128xf32, #tpu.memory_space<hbm>> -> memref<128x128xf32, #tpu.memory_space<hbm>>
      tpu.wait_dma2 semaphore(%run_scoped3A : memref<!tpu.dma_semaphore, #tpu.memory_space<semaphore_mem>>) src(%arg9 : memref<128x128xf32, #tpu.memory_space<vmem>>) dst(%dma_wait3A_153 : memref<128x128xf32, #tpu.memory_space<hbm>>)
      tpu.yield
    }) : () -> ()
    %mul3A_141 = arith.constant 584 : i32
    %mul3A_142 = arith.muli %arg1, %mul3A_141 : i32
    %add3A_143 = arith.constant 512 : i32
    %add3A_144 = arith.addi %mul3A_142, %add3A_143 : i32
    "tpu.region"() ({
      %run_scoped3A = tpu.sem_alloc : memref<!tpu.dma_semaphore, #tpu.memory_space<semaphore_mem>>
      %dma_start3A_147 = arith.constant 0 : i32
      %dma_start3A_148 = arith.constant 0 : i32
      %dma_start3A_149 = tpu.memref_slice %arg9[%dma_start3A_147, %dma_start3A_148] : memref<128x128xf32, #tpu.memory_space<vmem>> -> memref<72x128xf32, #tpu.memory_space<vmem>>
      %dma_start3A_150 = arith.constant 0 : i32
      %dma_start3A_151 = tpu.memref_slice %arg11[%add3A_144, %dma_start3A_150] : memref<9344x128xf32, #tpu.memory_space<vmem_shared>> -> memref<72x128xf32, #tpu.memory_space<vmem_shared>>
      %dma_start3A_152 = arith.constant 0 : i32
      %dma_start3A_153 = arith.constant 0 : i32
      %dma_start3A_154 = tpu.memref_slice %arg9[%dma_start3A_152, %dma_start3A_153] : memref<128x128xf32, #tpu.memory_space<vmem>> -> memref<72x128xf32, #tpu.memory_space<vmem>>
      %dma_start3A_155 = arith.constant 0 : i32
      %dma_start3A_156 = tpu.memref_slice %arg11[%add3A_144, %dma_start3A_155] : memref<9344x128xf32, #tpu.memory_space<vmem_shared>> -> memref<72x128xf32, #tpu.memory_space<vmem_shared>>
      tpu.enqueue_dma source(%dma_start3A_156 : memref<72x128xf32, #tpu.memory_space<vmem_shared>>) target(%dma_start3A_154 : memref<72x128xf32, #tpu.memory_space<vmem>>) target_semaphore(%run_scoped3A : memref<!tpu.dma_semaphore, #tpu.memory_space<semaphore_mem>>)
      %dma_wait3A = arith.constant 0 : i32
      %dma_wait3A_157 = arith.constant 0 : i32
      %dma_wait3A_158 = tpu.memref_slice %arg9[%dma_wait3A, %dma_wait3A_157] : memref<128x128xf32, #tpu.memory_space<vmem>> -> memref<72x128xf32, #tpu.memory_space<vmem>>
      %dma_wait3A_159 = arith.constant 0 : i32
      %dma_wait3A_160 = tpu.memref_slice %arg11[%add3A_144, %dma_wait3A_159] : memref<9344x128xf32, #tpu.memory_space<vmem_shared>> -> memref<72x128xf32, #tpu.memory_space<vmem_shared>>
      %dma_wait3A_161 = arith.constant 0 : i32
      %dma_wait3A_162 = arith.constant 0 : i32
      %dma_wait3A_163 = tpu.memref_slice %arg9[%dma_wait3A_161, %dma_wait3A_162] : memref<128x128xf32, #tpu.memory_space<vmem>> -> memref<72x128xf32, #tpu.memory_space<vmem>>
      %dma_wait3A_164 = arith.constant 0 : i32
      %dma_wait3A_165 = tpu.memref_slice %arg11[%add3A_144, %dma_wait3A_164] : memref<9344x128xf32, #tpu.memory_space<vmem_shared>> -> memref<72x128xf32, #tpu.memory_space<vmem_shared>>
      tpu.wait_dma2 semaphore(%run_scoped3A : memref<!tpu.dma_semaphore, #tpu.memory_space<semaphore_mem>>) src(%dma_wait3A_165 : memref<72x128xf32, #tpu.memory_space<vmem_shared>>) dst(%dma_wait3A_163 : memref<72x128xf32, #tpu.memory_space<vmem>>)
      tpu.yield
    }) : () -> ()
    %add3A_145 = arith.constant 512 : i32
    %add3A_146 = arith.addi %add3A_116, %add3A_145 : i32
    "tpu.region"() ({
      %run_scoped3A = tpu.sem_alloc : memref<!tpu.dma_semaphore, #tpu.memory_space<semaphore_mem>>
      %dma_start3A_147 = arith.constant 0 : i32
      %dma_start3A_148 = arith.constant 0 : i32
      %dma_start3A_149 = tpu.memref_slice %arg9[%dma_start3A_147, %dma_start3A_148] : memref<128x128xf32, #tpu.memory_space<vmem>> -> memref<72x128xf32, #tpu.memory_space<vmem>>
      %dma_start3A_150 = arith.constant 0 : i32
      %dma_start3A_151 = tpu.memref_slice %arg6[%add3A_146, %dma_start3A_150] : memref<18688x128xf32, #tpu.memory_space<hbm>> -> memref<72x128xf32, #tpu.memory_space<hbm>>
      %dma_start3A_152 = arith.constant 0 : i32
      %dma_start3A_153 = tpu.memref_slice %arg6[%add3A_146, %dma_start3A_152] : memref<18688x128xf32, #tpu.memory_space<hbm>> -> memref<72x128xf32, #tpu.memory_space<hbm>>
      %dma_start3A_154 = arith.constant 0 : i32
      %dma_start3A_155 = arith.constant 0 : i32
      %dma_start3A_156 = tpu.memref_slice %arg9[%dma_start3A_154, %dma_start3A_155] : memref<128x128xf32, #tpu.memory_space<vmem>> -> memref<72x128xf32, #tpu.memory_space<vmem>>
      tpu.enqueue_dma source(%dma_start3A_156 : memref<72x128xf32, #tpu.memory_space<vmem>>) target(%dma_start3A_153 : memref<72x128xf32, #tpu.memory_space<hbm>>) target_semaphore(%run_scoped3A : memref<!tpu.dma_semaphore, #tpu.memory_space<semaphore_mem>>)
      %dma_wait3A = arith.constant 0 : i32
      %dma_wait3A_157 = arith.constant 0 : i32
      %dma_wait3A_158 = tpu.memref_slice %arg9[%dma_wait3A, %dma_wait3A_157] : memref<128x128xf32, #tpu.memory_space<vmem>> -> memref<72x128xf32, #tpu.memory_space<vmem>>
      %dma_wait3A_159 = arith.constant 0 : i32
      %dma_wait3A_160 = tpu.memref_slice %arg6[%add3A_146, %dma_wait3A_159] : memref<18688x128xf32, #tpu.memory_space<hbm>> -> memref<72x128xf32, #tpu.memory_space<hbm>>
      %dma_wait3A_161 = arith.constant 0 : i32
      %dma_wait3A_162 = tpu.memref_slice %arg6[%add3A_146, %dma_wait3A_161] : memref<18688x128xf32, #tpu.memory_space<hbm>> -> memref<72x128xf32, #tpu.memory_space<hbm>>
      %dma_wait3A_163 = arith.constant 0 : i32
      %dma_wait3A_164 = arith.constant 0 : i32
      %dma_wait3A_165 = tpu.memref_slice %arg9[%dma_wait3A_163, %dma_wait3A_164] : memref<128x128xf32, #tpu.memory_space<vmem>> -> memref<72x128xf32, #tpu.memory_space<vmem>>
      tpu.wait_dma2 semaphore(%run_scoped3A : memref<!tpu.dma_semaphore, #tpu.memory_space<semaphore_mem>>) src(%dma_wait3A_165 : memref<72x128xf32, #tpu.memory_space<vmem>>) dst(%dma_wait3A_162 : memref<72x128xf32, #tpu.memory_space<hbm>>)
      tpu.yield
    }) : () -> ()
    return
  }
}

#map = affine_map<(d0, d1) -> (0, 0, 0)>
#map1 = affine_map<(d0, d1) -> (0, 0)>
module attributes {stable_mosaic.version = 14 : i64} {
  func.func @_agg(%arg0: i32, %arg1: i32, %arg2: memref<32x152x128xi32, #tpu.memory_space<hbm>>, %arg3: memref<16x152x128xi32, #tpu.memory_space<hbm>>, %arg4: memref<18688x128xf32, #tpu.memory_space<hbm>>, %arg5: memref<128x128xf32, #tpu.memory_space<hbm>>, %arg6: memref<18688x128xf32, #tpu.memory_space<hbm>>, %arg7: memref<80x128xi32, #tpu.memory_space<vmem>>, %arg8: memref<80x128xi32, #tpu.memory_space<vmem>>, %arg9: memref<128x128xf32, #tpu.memory_space<vmem>>, %arg10: memref<128x128xf32, #tpu.memory_space<vmem>>, %arg11: memref<9344x128xf32, #tpu.memory_space<vmem_shared>>, %arg12: memref<!tpu.dma_semaphore, #tpu.memory_space<semaphore_mem>>, %arg13: memref<!tpu.dma_semaphore, #tpu.memory_space<semaphore_mem>>) attributes {dimension_semantics = [#tpu.dimension_semantics<core_parallel>, #tpu.dimension_semantics<subcore_parallel>], iteration_bounds = array<i64: 2, 16>, scalar_prefetch = 0 : i64, scratch_operands = 7 : i64, tpu.core_type = #tpu.core_type<sc_vector_subcore>, window_params = [{transform_indices = #map}, {transform_indices = #map}, {transform_indices = #map1}, {transform_indices = #map1}, {transform_indices = #map1}]} {
    "tpu.region"() ({
      %run_scoped3A = tpu.sem_alloc : memref<!tpu.dma_semaphore, #tpu.memory_space<semaphore_mem>>
      tpu.enqueue_dma source(%arg5 : memref<128x128xf32, #tpu.memory_space<hbm>>) target(%arg9 : memref<128x128xf32, #tpu.memory_space<vmem>>) target_semaphore(%run_scoped3A : memref<!tpu.dma_semaphore, #tpu.memory_space<semaphore_mem>>)
      tpu.wait_dma2 semaphore(%run_scoped3A : memref<!tpu.dma_semaphore, #tpu.memory_space<semaphore_mem>>) src(%arg5 : memref<128x128xf32, #tpu.memory_space<hbm>>) dst(%arg9 : memref<128x128xf32, #tpu.memory_space<vmem>>)
      tpu.yield
    }) : () -> ()
    %mul3A = arith.constant 584 : i32
    %mul3A_0 = arith.muli %arg1, %mul3A : i32
    %add3A = arith.constant 0 : i32
    %add3A_1 = arith.addi %mul3A_0, %add3A : i32
    "tpu.region"() ({
      %run_scoped3A = tpu.sem_alloc : memref<!tpu.dma_semaphore, #tpu.memory_space<semaphore_mem>>
      %dma_start3A_147 = arith.constant 0 : i32
      %dma_start3A_148 = tpu.memref_slice %arg11[%add3A_1, %dma_start3A_147] : memref<9344x128xf32, #tpu.memory_space<vmem_shared>> -> memref<128x128xf32, #tpu.memory_space<vmem_shared>>
      %dma_start3A_149 = arith.constant 0 : i32
      %dma_start3A_150 = tpu.memref_slice %arg11[%add3A_1, %dma_start3A_149] : memref<9344x128xf32, #tpu.memory_space<vmem_shared>> -> memref<128x128xf32, #tpu.memory_space<vmem_shared>>
      tpu.enqueue_dma source(%arg9 : memref<128x128xf32, #tpu.memory_space<vmem>>) target(%dma_start3A_150 : memref<128x128xf32, #tpu.memory_space<vmem_shared>>) target_semaphore(%run_scoped3A : memref<!tpu.dma_semaphore, #tpu.memory_space<semaphore_mem>>)
      %dma_wait3A = arith.constant 0 : i32
      %dma_wait3A_151 = tpu.memref_slice %arg11[%add3A_1, %dma_wait3A] : memref<9344x128xf32, #tpu.memory_space<vmem_shared>> -> memref<128x128xf32, #tpu.memory_space<vmem_shared>>
      %dma_wait3A_152 = arith.constant 0 : i32
      %dma_wait3A_153 = tpu.memref_slice %arg11[%add3A_1, %dma_wait3A_152] : memref<9344x128xf32, #tpu.memory_space<vmem_shared>> -> memref<128x128xf32, #tpu.memory_space<vmem_shared>>
      tpu.wait_dma2 semaphore(%run_scoped3A : memref<!tpu.dma_semaphore, #tpu.memory_space<semaphore_mem>>) src(%arg9 : memref<128x128xf32, #tpu.memory_space<vmem>>) dst(%dma_wait3A_153 : memref<128x128xf32, #tpu.memory_space<vmem_shared>>)
      tpu.yield
    }) : () -> ()
    %mul3A_2 = arith.constant 584 : i32
    %mul3A_3 = arith.muli %arg1, %mul3A_2 : i32
    %add3A_4 = arith.constant 128 : i32
    %add3A_5 = arith.addi %mul3A_3, %add3A_4 : i32
    "tpu.region"() ({
      %run_scoped3A = tpu.sem_alloc : memref<!tpu.dma_semaphore, #tpu.memory_space<semaphore_mem>>
      %dma_start3A_147 = arith.constant 0 : i32
      %dma_start3A_148 = tpu.memref_slice %arg11[%add3A_5, %dma_start3A_147] : memref<9344x128xf32, #tpu.memory_space<vmem_shared>> -> memref<128x128xf32, #tpu.memory_space<vmem_shared>>
      %dma_start3A_149 = arith.constant 0 : i32
      %dma_start3A_150 = tpu.memref_slice %arg11[%add3A_5, %dma_start3A_149] : memref<9344x128xf32, #tpu.memory_space<vmem_shared>> -> memref<128x128xf32, #tpu.memory_space<vmem_shared>>
      tpu.enqueue_dma source(%arg9 : memref<128x128xf32, #tpu.memory_space<vmem>>) target(%dma_start3A_150 : memref<128x128xf32, #tpu.memory_space<vmem_shared>>) target_semaphore(%run_scoped3A : memref<!tpu.dma_semaphore, #tpu.memory_space<semaphore_mem>>)
      %dma_wait3A = arith.constant 0 : i32
      %dma_wait3A_151 = tpu.memref_slice %arg11[%add3A_5, %dma_wait3A] : memref<9344x128xf32, #tpu.memory_space<vmem_shared>> -> memref<128x128xf32, #tpu.memory_space<vmem_shared>>
      %dma_wait3A_152 = arith.constant 0 : i32
      %dma_wait3A_153 = tpu.memref_slice %arg11[%add3A_5, %dma_wait3A_152] : memref<9344x128xf32, #tpu.memory_space<vmem_shared>> -> memref<128x128xf32, #tpu.memory_space<vmem_shared>>
      tpu.wait_dma2 semaphore(%run_scoped3A : memref<!tpu.dma_semaphore, #tpu.memory_space<semaphore_mem>>) src(%arg9 : memref<128x128xf32, #tpu.memory_space<vmem>>) dst(%dma_wait3A_153 : memref<128x128xf32, #tpu.memory_space<vmem_shared>>)
      tpu.yield
    }) : () -> ()
    %mul3A_6 = arith.constant 584 : i32
    %mul3A_7 = arith.muli %arg1, %mul3A_6 : i32
    %add3A_8 = arith.constant 256 : i32
    %add3A_9 = arith.addi %mul3A_7, %add3A_8 : i32
    "tpu.region"() ({
      %run_scoped3A = tpu.sem_alloc : memref<!tpu.dma_semaphore, #tpu.memory_space<semaphore_mem>>
      %dma_start3A_147 = arith.constant 0 : i32
      %dma_start3A_148 = tpu.memref_slice %arg11[%add3A_9, %dma_start3A_147] : memref<9344x128xf32, #tpu.memory_space<vmem_shared>> -> memref<128x128xf32, #tpu.memory_space<vmem_shared>>
      %dma_start3A_149 = arith.constant 0 : i32
      %dma_start3A_150 = tpu.memref_slice %arg11[%add3A_9, %dma_start3A_149] : memref<9344x128xf32, #tpu.memory_space<vmem_shared>> -> memref<128x128xf32, #tpu.memory_space<vmem_shared>>
      tpu.enqueue_dma source(%arg9 : memref<128x128xf32, #tpu.memory_space<vmem>>) target(%dma_start3A_150 : memref<128x128xf32, #tpu.memory_space<vmem_shared>>) target_semaphore(%run_scoped3A : memref<!tpu.dma_semaphore, #tpu.memory_space<semaphore_mem>>)
      %dma_wait3A = arith.constant 0 : i32
      %dma_wait3A_151 = tpu.memref_slice %arg11[%add3A_9, %dma_wait3A] : memref<9344x128xf32, #tpu.memory_space<vmem_shared>> -> memref<128x128xf32, #tpu.memory_space<vmem_shared>>
      %dma_wait3A_152 = arith.constant 0 : i32
      %dma_wait3A_153 = tpu.memref_slice %arg11[%add3A_9, %dma_wait3A_152] : memref<9344x128xf32, #tpu.memory_space<vmem_shared>> -> memref<128x128xf32, #tpu.memory_space<vmem_shared>>
      tpu.wait_dma2 semaphore(%run_scoped3A : memref<!tpu.dma_semaphore, #tpu.memory_space<semaphore_mem>>) src(%arg9 : memref<128x128xf32, #tpu.memory_space<vmem>>) dst(%dma_wait3A_153 : memref<128x128xf32, #tpu.memory_space<vmem_shared>>)
      tpu.yield
    }) : () -> ()
    %mul3A_10 = arith.constant 584 : i32
    %mul3A_11 = arith.muli %arg1, %mul3A_10 : i32
    %add3A_12 = arith.constant 384 : i32
    %add3A_13 = arith.addi %mul3A_11, %add3A_12 : i32
    "tpu.region"() ({
      %run_scoped3A = tpu.sem_alloc : memref<!tpu.dma_semaphore, #tpu.memory_space<semaphore_mem>>
      %dma_start3A_147 = arith.constant 0 : i32
      %dma_start3A_148 = tpu.memref_slice %arg11[%add3A_13, %dma_start3A_147] : memref<9344x128xf32, #tpu.memory_space<vmem_shared>> -> memref<128x128xf32, #tpu.memory_space<vmem_shared>>
      %dma_start3A_149 = arith.constant 0 : i32
      %dma_start3A_150 = tpu.memref_slice %arg11[%add3A_13, %dma_start3A_149] : memref<9344x128xf32, #tpu.memory_space<vmem_shared>> -> memref<128x128xf32, #tpu.memory_space<vmem_shared>>
      tpu.enqueue_dma source(%arg9 : memref<128x128xf32, #tpu.memory_space<vmem>>) target(%dma_start3A_150 : memref<128x128xf32, #tpu.memory_space<vmem_shared>>) target_semaphore(%run_scoped3A : memref<!tpu.dma_semaphore, #tpu.memory_space<semaphore_mem>>)
      %dma_wait3A = arith.constant 0 : i32
      %dma_wait3A_151 = tpu.memref_slice %arg11[%add3A_13, %dma_wait3A] : memref<9344x128xf32, #tpu.memory_space<vmem_shared>> -> memref<128x128xf32, #tpu.memory_space<vmem_shared>>
      %dma_wait3A_152 = arith.constant 0 : i32
      %dma_wait3A_153 = tpu.memref_slice %arg11[%add3A_13, %dma_wait3A_152] : memref<9344x128xf32, #tpu.memory_space<vmem_shared>> -> memref<128x128xf32, #tpu.memory_space<vmem_shared>>
      tpu.wait_dma2 semaphore(%run_scoped3A : memref<!tpu.dma_semaphore, #tpu.memory_space<semaphore_mem>>) src(%arg9 : memref<128x128xf32, #tpu.memory_space<vmem>>) dst(%dma_wait3A_153 : memref<128x128xf32, #tpu.memory_space<vmem_shared>>)
      tpu.yield
    }) : () -> ()
    %mul3A_14 = arith.constant 584 : i32
    %mul3A_15 = arith.muli %arg1, %mul3A_14 : i32
    %add3A_16 = arith.constant 512 : i32
    %add3A_17 = arith.addi %mul3A_15, %add3A_16 : i32
    "tpu.region"() ({
      %run_scoped3A = tpu.sem_alloc : memref<!tpu.dma_semaphore, #tpu.memory_space<semaphore_mem>>
      %dma_start3A_147 = arith.constant 0 : i32
      %dma_start3A_148 = arith.constant 0 : i32
      %dma_start3A_149 = tpu.memref_slice %arg9[%dma_start3A_147, %dma_start3A_148] : memref<128x128xf32, #tpu.memory_space<vmem>> -> memref<72x128xf32, #tpu.memory_space<vmem>>
      %dma_start3A_150 = arith.constant 0 : i32
      %dma_start3A_151 = tpu.memref_slice %arg11[%add3A_17, %dma_start3A_150] : memref<9344x128xf32, #tpu.memory_space<vmem_shared>> -> memref<72x128xf32, #tpu.memory_space<vmem_shared>>
      %dma_start3A_152 = arith.constant 0 : i32
      %dma_start3A_153 = tpu.memref_slice %arg11[%add3A_17, %dma_start3A_152] : memref<9344x128xf32, #tpu.memory_space<vmem_shared>> -> memref<72x128xf32, #tpu.memory_space<vmem_shared>>
      %dma_start3A_154 = arith.constant 0 : i32
      %dma_start3A_155 = arith.constant 0 : i32
      %dma_start3A_156 = tpu.memref_slice %arg9[%dma_start3A_154, %dma_start3A_155] : memref<128x128xf32, #tpu.memory_space<vmem>> -> memref<72x128xf32, #tpu.memory_space<vmem>>
      tpu.enqueue_dma source(%dma_start3A_156 : memref<72x128xf32, #tpu.memory_space<vmem>>) target(%dma_start3A_153 : memref<72x128xf32, #tpu.memory_space<vmem_shared>>) target_semaphore(%run_scoped3A : memref<!tpu.dma_semaphore, #tpu.memory_space<semaphore_mem>>)
      %dma_wait3A = arith.constant 0 : i32
      %dma_wait3A_157 = arith.constant 0 : i32
      %dma_wait3A_158 = tpu.memref_slice %arg9[%dma_wait3A, %dma_wait3A_157] : memref<128x128xf32, #tpu.memory_space<vmem>> -> memref<72x128xf32, #tpu.memory_space<vmem>>
      %dma_wait3A_159 = arith.constant 0 : i32
      %dma_wait3A_160 = tpu.memref_slice %arg11[%add3A_17, %dma_wait3A_159] : memref<9344x128xf32, #tpu.memory_space<vmem_shared>> -> memref<72x128xf32, #tpu.memory_space<vmem_shared>>
      %dma_wait3A_161 = arith.constant 0 : i32
      %dma_wait3A_162 = tpu.memref_slice %arg11[%add3A_17, %dma_wait3A_161] : memref<9344x128xf32, #tpu.memory_space<vmem_shared>> -> memref<72x128xf32, #tpu.memory_space<vmem_shared>>
      %dma_wait3A_163 = arith.constant 0 : i32
      %dma_wait3A_164 = arith.constant 0 : i32
      %dma_wait3A_165 = tpu.memref_slice %arg9[%dma_wait3A_163, %dma_wait3A_164] : memref<128x128xf32, #tpu.memory_space<vmem>> -> memref<72x128xf32, #tpu.memory_space<vmem>>
      tpu.wait_dma2 semaphore(%run_scoped3A : memref<!tpu.dma_semaphore, #tpu.memory_space<semaphore_mem>>) src(%dma_wait3A_165 : memref<72x128xf32, #tpu.memory_space<vmem>>) dst(%dma_wait3A_162 : memref<72x128xf32, #tpu.memory_space<vmem_shared>>)
      tpu.yield
    }) : () -> ()
    %mul3A_18 = arith.constant 16 : i32
    %mul3A_19 = arith.muli %arg0, %mul3A_18 : i32
    %add3A_20 = arith.addi %mul3A_19, %arg1 : i32
    %barrier3A = arith.constant 0 : index
    tpu.barrier barrier_id(%barrier3A)
    "tpu.region"() ({
      %run_scoped3A = tpu.sem_alloc : memref<!tpu.dma_semaphore, #tpu.memory_space<semaphore_mem>>
      %dma_start3A_147 = arith.constant 0 : i32
      %dma_start3A_148 = arith.constant 0 : i32
      %dma_start3A_149 = tpu.memref_slice %arg7[%dma_start3A_147, %dma_start3A_148] : memref<80x128xi32, #tpu.memory_space<vmem>> -> memref<80x128xi32, #tpu.memory_space<vmem>>
      %dma_start3A_150 = arith.constant 0 : i32
      %dma_start3A_151 = arith.constant 0 : i32
      %dma_start3A_152 = tpu.memref_slice %arg2[%add3A_20, %dma_start3A_150, %dma_start3A_151] : memref<32x152x128xi32, #tpu.memory_space<hbm>> -> memref<1x80x128xi32, #tpu.memory_space<hbm>>
      %dma_start3A_153 = tpu.memref_squeeze %dma_start3A_152 : memref<1x80x128xi32, #tpu.memory_space<hbm>> -> memref<80x128xi32, #tpu.memory_space<hbm>>
      %dma_start3A_154 = arith.constant 0 : i32
      %dma_start3A_155 = arith.constant 0 : i32
      %dma_start3A_156 = tpu.memref_slice %arg7[%dma_start3A_154, %dma_start3A_155] : memref<80x128xi32, #tpu.memory_space<vmem>> -> memref<80x128xi32, #tpu.memory_space<vmem>>
      %dma_start3A_157 = arith.constant 0 : i32
      %dma_start3A_158 = arith.constant 0 : i32
      %dma_start3A_159 = tpu.memref_slice %arg2[%add3A_20, %dma_start3A_157, %dma_start3A_158] : memref<32x152x128xi32, #tpu.memory_space<hbm>> -> memref<1x80x128xi32, #tpu.memory_space<hbm>>
      %dma_start3A_160 = tpu.memref_squeeze %dma_start3A_159 : memref<1x80x128xi32, #tpu.memory_space<hbm>> -> memref<80x128xi32, #tpu.memory_space<hbm>>
      tpu.enqueue_dma source(%dma_start3A_160 : memref<80x128xi32, #tpu.memory_space<hbm>>) target(%dma_start3A_156 : memref<80x128xi32, #tpu.memory_space<vmem>>) target_semaphore(%run_scoped3A : memref<!tpu.dma_semaphore, #tpu.memory_space<semaphore_mem>>)
      %dma_wait3A = arith.constant 0 : i32
      %dma_wait3A_161 = arith.constant 0 : i32
      %dma_wait3A_162 = tpu.memref_slice %arg7[%dma_wait3A, %dma_wait3A_161] : memref<80x128xi32, #tpu.memory_space<vmem>> -> memref<80x128xi32, #tpu.memory_space<vmem>>
      %dma_wait3A_163 = arith.constant 0 : i32
      %dma_wait3A_164 = arith.constant 0 : i32
      %dma_wait3A_165 = tpu.memref_slice %arg2[%add3A_20, %dma_wait3A_163, %dma_wait3A_164] : memref<32x152x128xi32, #tpu.memory_space<hbm>> -> memref<1x80x128xi32, #tpu.memory_space<hbm>>
      %dma_wait3A_166 = tpu.memref_squeeze %dma_wait3A_165 : memref<1x80x128xi32, #tpu.memory_space<hbm>> -> memref<80x128xi32, #tpu.memory_space<hbm>>
      %dma_wait3A_167 = arith.constant 0 : i32
      %dma_wait3A_168 = arith.constant 0 : i32
      %dma_wait3A_169 = tpu.memref_slice %arg7[%dma_wait3A_167, %dma_wait3A_168] : memref<80x128xi32, #tpu.memory_space<vmem>> -> memref<80x128xi32, #tpu.memory_space<vmem>>
      %dma_wait3A_170 = arith.constant 0 : i32
      %dma_wait3A_171 = arith.constant 0 : i32
      %dma_wait3A_172 = tpu.memref_slice %arg2[%add3A_20, %dma_wait3A_170, %dma_wait3A_171] : memref<32x152x128xi32, #tpu.memory_space<hbm>> -> memref<1x80x128xi32, #tpu.memory_space<hbm>>
      %dma_wait3A_173 = tpu.memref_squeeze %dma_wait3A_172 : memref<1x80x128xi32, #tpu.memory_space<hbm>> -> memref<80x128xi32, #tpu.memory_space<hbm>>
      tpu.wait_dma2 semaphore(%run_scoped3A : memref<!tpu.dma_semaphore, #tpu.memory_space<semaphore_mem>>) src(%dma_wait3A_173 : memref<80x128xi32, #tpu.memory_space<hbm>>) dst(%dma_wait3A_169 : memref<80x128xi32, #tpu.memory_space<vmem>>)
      tpu.yield
    }) : () -> ()
    "tpu.region"() ({
      %run_scoped3A = tpu.sem_alloc : memref<!tpu.dma_semaphore, #tpu.memory_space<semaphore_mem>>
      %dma_start3A_147 = arith.constant 0 : i32
      %dma_start3A_148 = arith.constant 0 : i32
      %dma_start3A_149 = tpu.memref_slice %arg8[%dma_start3A_147, %dma_start3A_148] : memref<80x128xi32, #tpu.memory_space<vmem>> -> memref<80x128xi32, #tpu.memory_space<vmem>>
      %dma_start3A_150 = arith.constant 0 : i32
      %dma_start3A_151 = arith.constant 0 : i32
      %dma_start3A_152 = tpu.memref_slice %arg3[%arg1, %dma_start3A_150, %dma_start3A_151] : memref<16x152x128xi32, #tpu.memory_space<hbm>> -> memref<1x80x128xi32, #tpu.memory_space<hbm>>
      %dma_start3A_153 = tpu.memref_squeeze %dma_start3A_152 : memref<1x80x128xi32, #tpu.memory_space<hbm>> -> memref<80x128xi32, #tpu.memory_space<hbm>>
      %dma_start3A_154 = arith.constant 0 : i32
      %dma_start3A_155 = arith.constant 0 : i32
      %dma_start3A_156 = tpu.memref_slice %arg8[%dma_start3A_154, %dma_start3A_155] : memref<80x128xi32, #tpu.memory_space<vmem>> -> memref<80x128xi32, #tpu.memory_space<vmem>>
      %dma_start3A_157 = arith.constant 0 : i32
      %dma_start3A_158 = arith.constant 0 : i32
      %dma_start3A_159 = tpu.memref_slice %arg3[%arg1, %dma_start3A_157, %dma_start3A_158] : memref<16x152x128xi32, #tpu.memory_space<hbm>> -> memref<1x80x128xi32, #tpu.memory_space<hbm>>
      %dma_start3A_160 = tpu.memref_squeeze %dma_start3A_159 : memref<1x80x128xi32, #tpu.memory_space<hbm>> -> memref<80x128xi32, #tpu.memory_space<hbm>>
      tpu.enqueue_dma source(%dma_start3A_160 : memref<80x128xi32, #tpu.memory_space<hbm>>) target(%dma_start3A_156 : memref<80x128xi32, #tpu.memory_space<vmem>>) target_semaphore(%run_scoped3A : memref<!tpu.dma_semaphore, #tpu.memory_space<semaphore_mem>>)
      %dma_wait3A = arith.constant 0 : i32
      %dma_wait3A_161 = arith.constant 0 : i32
      %dma_wait3A_162 = tpu.memref_slice %arg8[%dma_wait3A, %dma_wait3A_161] : memref<80x128xi32, #tpu.memory_space<vmem>> -> memref<80x128xi32, #tpu.memory_space<vmem>>
      %dma_wait3A_163 = arith.constant 0 : i32
      %dma_wait3A_164 = arith.constant 0 : i32
      %dma_wait3A_165 = tpu.memref_slice %arg3[%arg1, %dma_wait3A_163, %dma_wait3A_164] : memref<16x152x128xi32, #tpu.memory_space<hbm>> -> memref<1x80x128xi32, #tpu.memory_space<hbm>>
      %dma_wait3A_166 = tpu.memref_squeeze %dma_wait3A_165 : memref<1x80x128xi32, #tpu.memory_space<hbm>> -> memref<80x128xi32, #tpu.memory_space<hbm>>
      %dma_wait3A_167 = arith.constant 0 : i32
      %dma_wait3A_168 = arith.constant 0 : i32
      %dma_wait3A_169 = tpu.memref_slice %arg8[%dma_wait3A_167, %dma_wait3A_168] : memref<80x128xi32, #tpu.memory_space<vmem>> -> memref<80x128xi32, #tpu.memory_space<vmem>>
      %dma_wait3A_170 = arith.constant 0 : i32
      %dma_wait3A_171 = arith.constant 0 : i32
      %dma_wait3A_172 = tpu.memref_slice %arg3[%arg1, %dma_wait3A_170, %dma_wait3A_171] : memref<16x152x128xi32, #tpu.memory_space<hbm>> -> memref<1x80x128xi32, #tpu.memory_space<hbm>>
      %dma_wait3A_173 = tpu.memref_squeeze %dma_wait3A_172 : memref<1x80x128xi32, #tpu.memory_space<hbm>> -> memref<80x128xi32, #tpu.memory_space<hbm>>
      tpu.wait_dma2 semaphore(%run_scoped3A : memref<!tpu.dma_semaphore, #tpu.memory_space<semaphore_mem>>) src(%dma_wait3A_173 : memref<80x128xi32, #tpu.memory_space<hbm>>) dst(%dma_wait3A_169 : memref<80x128xi32, #tpu.memory_space<vmem>>)
      tpu.yield
    }) : () -> ()
    %dma_start3A = arith.constant 0 : i32
    %dma_start3A_21 = arith.constant 0 : i32
    %dma_start3A_22 = arith.constant 0 : i32
    %dma_start3A_23 = tpu.memref_slice %arg9[%dma_start3A_21, %dma_start3A_22] : memref<128x128xf32, #tpu.memory_space<vmem>> -> memref<64x128xf32, #tpu.memory_space<vmem>>
    %dma_start3A_24 = arith.constant 0 : i32
    %dma_start3A_25 = tpu.memref_slice %arg7[%dma_start3A, %dma_start3A_24] : memref<80x128xi32, #tpu.memory_space<vmem>> -> memref<1x64xi32, #tpu.memory_space<vmem>>
    %dma_start3A_26 = tpu.memref_squeeze %dma_start3A_25 : memref<1x64xi32, #tpu.memory_space<vmem>> -> memref<64xi32, #tpu.memory_space<vmem>>
    %dma_start3A_27 = arith.constant 0 : i32
    %dma_start3A_28 = arith.constant 0 : i32
    %dma_start3A_29 = tpu.memref_slice %arg4[%dma_start3A_27, %dma_start3A_28] : memref<18688x128xf32, #tpu.memory_space<hbm>> -> memref<18688x128xf32, #tpu.memory_space<hbm>>
    tpu.enqueue_indirect_dma source(%dma_start3A_29 : memref<18688x128xf32, #tpu.memory_space<hbm>>) target(%dma_start3A_23 : memref<64x128xf32, #tpu.memory_space<vmem>>) offsets(%dma_start3A_26 : memref<64xi32, #tpu.memory_space<vmem>>) semaphore(%arg12 : memref<!tpu.dma_semaphore, #tpu.memory_space<semaphore_mem>>)
    %dma_start3A_30 = arith.constant 1 : i32
    %dma_start3A_31 = arith.constant 0 : i32
    %dma_start3A_32 = arith.constant 0 : i32
    %dma_start3A_33 = tpu.memref_slice %arg10[%dma_start3A_31, %dma_start3A_32] : memref<128x128xf32, #tpu.memory_space<vmem>> -> memref<64x128xf32, #tpu.memory_space<vmem>>
    %dma_start3A_34 = arith.constant 0 : i32
    %dma_start3A_35 = tpu.memref_slice %arg7[%dma_start3A_30, %dma_start3A_34] : memref<80x128xi32, #tpu.memory_space<vmem>> -> memref<1x64xi32, #tpu.memory_space<vmem>>
    %dma_start3A_36 = tpu.memref_squeeze %dma_start3A_35 : memref<1x64xi32, #tpu.memory_space<vmem>> -> memref<64xi32, #tpu.memory_space<vmem>>
    %dma_start3A_37 = arith.constant 0 : i32
    %dma_start3A_38 = arith.constant 0 : i32
    %dma_start3A_39 = tpu.memref_slice %arg4[%dma_start3A_37, %dma_start3A_38] : memref<18688x128xf32, #tpu.memory_space<hbm>> -> memref<18688x128xf32, #tpu.memory_space<hbm>>
    tpu.enqueue_indirect_dma source(%dma_start3A_39 : memref<18688x128xf32, #tpu.memory_space<hbm>>) target(%dma_start3A_33 : memref<64x128xf32, #tpu.memory_space<vmem>>) offsets(%dma_start3A_36 : memref<64xi32, #tpu.memory_space<vmem>>) semaphore(%arg13 : memref<!tpu.dma_semaphore, #tpu.memory_space<semaphore_mem>>)
    %dma_start3A_40 = arith.constant 0 : i32
    %dma_start3A_41 = arith.constant 64 : i32
    %dma_start3A_42 = arith.constant 0 : i32
    %dma_start3A_43 = tpu.memref_slice %arg9[%dma_start3A_41, %dma_start3A_42] : memref<128x128xf32, #tpu.memory_space<vmem>> -> memref<64x128xf32, #tpu.memory_space<vmem>>
    %dma_start3A_44 = arith.constant 64 : i32
    %dma_start3A_45 = tpu.memref_slice %arg7[%dma_start3A_40, %dma_start3A_44] : memref<80x128xi32, #tpu.memory_space<vmem>> -> memref<1x64xi32, #tpu.memory_space<vmem>>
    %dma_start3A_46 = tpu.memref_squeeze %dma_start3A_45 : memref<1x64xi32, #tpu.memory_space<vmem>> -> memref<64xi32, #tpu.memory_space<vmem>>
    %dma_start3A_47 = arith.constant 0 : i32
    %dma_start3A_48 = arith.constant 0 : i32
    %dma_start3A_49 = tpu.memref_slice %arg4[%dma_start3A_47, %dma_start3A_48] : memref<18688x128xf32, #tpu.memory_space<hbm>> -> memref<18688x128xf32, #tpu.memory_space<hbm>>
    tpu.enqueue_indirect_dma source(%dma_start3A_49 : memref<18688x128xf32, #tpu.memory_space<hbm>>) target(%dma_start3A_43 : memref<64x128xf32, #tpu.memory_space<vmem>>) offsets(%dma_start3A_46 : memref<64xi32, #tpu.memory_space<vmem>>) semaphore(%arg12 : memref<!tpu.dma_semaphore, #tpu.memory_space<semaphore_mem>>)
    %dma_start3A_50 = arith.constant 1 : i32
    %dma_start3A_51 = arith.constant 64 : i32
    %dma_start3A_52 = arith.constant 0 : i32
    %dma_start3A_53 = tpu.memref_slice %arg10[%dma_start3A_51, %dma_start3A_52] : memref<128x128xf32, #tpu.memory_space<vmem>> -> memref<64x128xf32, #tpu.memory_space<vmem>>
    %dma_start3A_54 = arith.constant 64 : i32
    %dma_start3A_55 = tpu.memref_slice %arg7[%dma_start3A_50, %dma_start3A_54] : memref<80x128xi32, #tpu.memory_space<vmem>> -> memref<1x64xi32, #tpu.memory_space<vmem>>
    %dma_start3A_56 = tpu.memref_squeeze %dma_start3A_55 : memref<1x64xi32, #tpu.memory_space<vmem>> -> memref<64xi32, #tpu.memory_space<vmem>>
    %dma_start3A_57 = arith.constant 0 : i32
    %dma_start3A_58 = arith.constant 0 : i32
    %dma_start3A_59 = tpu.memref_slice %arg4[%dma_start3A_57, %dma_start3A_58] : memref<18688x128xf32, #tpu.memory_space<hbm>> -> memref<18688x128xf32, #tpu.memory_space<hbm>>
    tpu.enqueue_indirect_dma source(%dma_start3A_59 : memref<18688x128xf32, #tpu.memory_space<hbm>>) target(%dma_start3A_53 : memref<64x128xf32, #tpu.memory_space<vmem>>) offsets(%dma_start3A_56 : memref<64xi32, #tpu.memory_space<vmem>>) semaphore(%arg13 : memref<!tpu.dma_semaphore, #tpu.memory_space<semaphore_mem>>)
    %scan3A = arith.constant 0 : i32
    %scan3A_60 = arith.constant 0 : i32
    %scan3A_61 = arith.constant 40 : i32
    %scan3A_62 = arith.addi %scan3A_60, %scan3A_61 : i32
    %scan3A_63 = arith.constant 1 : i32
    scf.for %scan3A_147 = %scan3A_60 to %scan3A_62 step %scan3A_63  : i32 {
      %mul3A_148 = arith.constant 2 : i32
      %mul3A_149 = arith.muli %mul3A_148, %scan3A_147 : i32
      %dma_wait3A = arith.constant 0 : i32
      %dma_wait3A_150 = tpu.memref_slice %arg7[%mul3A_149, %dma_wait3A] : memref<80x128xi32, #tpu.memory_space<vmem>> -> memref<1x128xi32, #tpu.memory_space<vmem>>
      %dma_wait3A_151 = tpu.memref_squeeze %dma_wait3A_150 : memref<1x128xi32, #tpu.memory_space<vmem>> -> memref<128xi32, #tpu.memory_space<vmem>>
      %dma_wait3A_152 = arith.constant 0 : i32
      %dma_wait3A_153 = arith.constant 0 : i32
      %dma_wait3A_154 = tpu.memref_slice %arg4[%dma_wait3A_152, %dma_wait3A_153] : memref<18688x128xf32, #tpu.memory_space<hbm>> -> memref<18688x128xf32, #tpu.memory_space<hbm>>
      tpu.wait_indirect_dma semaphore(%arg12 : memref<!tpu.dma_semaphore, #tpu.memory_space<semaphore_mem>>) src(%dma_wait3A_154 : memref<18688x128xf32, #tpu.memory_space<hbm>>) dst(%arg9 : memref<128x128xf32, #tpu.memory_space<vmem>>)
      "tpu.region"() ({
        %run_scoped3A = tpu.sem_alloc : memref<!tpu.dma_semaphore, #tpu.memory_space<semaphore_mem>>
        %dma_start3A_176 = arith.constant 0 : i32
        %dma_start3A_177 = tpu.memref_slice %arg8[%mul3A_149, %dma_start3A_176] : memref<80x128xi32, #tpu.memory_space<vmem>> -> memref<1x128xi32, #tpu.memory_space<vmem>>
        %dma_start3A_178 = tpu.memref_squeeze %dma_start3A_177 : memref<1x128xi32, #tpu.memory_space<vmem>> -> memref<128xi32, #tpu.memory_space<vmem>>
        %dma_start3A_179 = arith.constant 0 : i32
        %dma_start3A_180 = arith.constant 0 : i32
        %dma_start3A_181 = tpu.memref_slice %arg11[%dma_start3A_179, %dma_start3A_180] : memref<9344x128xf32, #tpu.memory_space<vmem_shared>> -> memref<9344x128xf32, #tpu.memory_space<vmem_shared>>
        tpu.enqueue_indirect_dma source(%arg9 : memref<128x128xf32, #tpu.memory_space<vmem>>) target(%dma_start3A_181 : memref<9344x128xf32, #tpu.memory_space<vmem_shared>>) offsets(%dma_start3A_178 : memref<128xi32, #tpu.memory_space<vmem>>) semaphore(%run_scoped3A : memref<!tpu.dma_semaphore, #tpu.memory_space<semaphore_mem>>) {add = true}
        %dma_wait3A_182 = arith.constant 0 : i32
        %dma_wait3A_183 = tpu.memref_slice %arg8[%mul3A_149, %dma_wait3A_182] : memref<80x128xi32, #tpu.memory_space<vmem>> -> memref<1x128xi32, #tpu.memory_space<vmem>>
        %dma_wait3A_184 = tpu.memref_squeeze %dma_wait3A_183 : memref<1x128xi32, #tpu.memory_space<vmem>> -> memref<128xi32, #tpu.memory_space<vmem>>
        %dma_wait3A_185 = arith.constant 0 : i32
        %dma_wait3A_186 = arith.constant 0 : i32
        %dma_wait3A_187 = tpu.memref_slice %arg11[%dma_wait3A_185, %dma_wait3A_186] : memref<9344x128xf32, #tpu.memory_space<vmem_shared>> -> memref<9344x128xf32, #tpu.memory_space<vmem_shared>>
        tpu.wait_indirect_dma semaphore(%run_scoped3A : memref<!tpu.dma_semaphore, #tpu.memory_space<semaphore_mem>>) src(%arg9 : memref<128x128xf32, #tpu.memory_space<vmem>>) dst(%dma_wait3A_187 : memref<9344x128xf32, #tpu.memory_space<vmem_shared>>)
        tpu.yield
      }) : () -> ()
      %add3A_155 = arith.constant 1 : i32
      %add3A_156 = arith.addi %scan3A_147, %add3A_155 : i32
      %lt3A = arith.constant 40 : i32
      %lt3A_157 = arith.cmpi slt, %add3A_156, %lt3A : i32
      %convert_element_type3A = arith.extui %lt3A_157 : i1 to i32
      %cond3A = arith.constant 0 : i32
      %cond3A_158 = arith.cmpi ne, %convert_element_type3A, %cond3A : i32
      scf.if %cond3A_158 {
        %add3A_176 = arith.constant 2 : i32
        %add3A_177 = arith.addi %mul3A_149, %add3A_176 : i32
        %dma_start3A_178 = arith.constant 0 : i32
        %dma_start3A_179 = arith.constant 0 : i32
        %dma_start3A_180 = tpu.memref_slice %arg9[%dma_start3A_178, %dma_start3A_179] : memref<128x128xf32, #tpu.memory_space<vmem>> -> memref<64x128xf32, #tpu.memory_space<vmem>>
        %dma_start3A_181 = arith.constant 0 : i32
        %dma_start3A_182 = tpu.memref_slice %arg7[%add3A_177, %dma_start3A_181] : memref<80x128xi32, #tpu.memory_space<vmem>> -> memref<1x64xi32, #tpu.memory_space<vmem>>
        %dma_start3A_183 = tpu.memref_squeeze %dma_start3A_182 : memref<1x64xi32, #tpu.memory_space<vmem>> -> memref<64xi32, #tpu.memory_space<vmem>>
        %dma_start3A_184 = arith.constant 0 : i32
        %dma_start3A_185 = arith.constant 0 : i32
        %dma_start3A_186 = tpu.memref_slice %arg4[%dma_start3A_184, %dma_start3A_185] : memref<18688x128xf32, #tpu.memory_space<hbm>> -> memref<18688x128xf32, #tpu.memory_space<hbm>>
        tpu.enqueue_indirect_dma source(%dma_start3A_186 : memref<18688x128xf32, #tpu.memory_space<hbm>>) target(%dma_start3A_180 : memref<64x128xf32, #tpu.memory_space<vmem>>) offsets(%dma_start3A_183 : memref<64xi32, #tpu.memory_space<vmem>>) semaphore(%arg12 : memref<!tpu.dma_semaphore, #tpu.memory_space<semaphore_mem>>)
        %add3A_187 = arith.constant 2 : i32
        %add3A_188 = arith.addi %mul3A_149, %add3A_187 : i32
        %dma_start3A_189 = arith.constant 64 : i32
        %dma_start3A_190 = arith.constant 0 : i32
        %dma_start3A_191 = tpu.memref_slice %arg9[%dma_start3A_189, %dma_start3A_190] : memref<128x128xf32, #tpu.memory_space<vmem>> -> memref<64x128xf32, #tpu.memory_space<vmem>>
        %dma_start3A_192 = arith.constant 64 : i32
        %dma_start3A_193 = tpu.memref_slice %arg7[%add3A_188, %dma_start3A_192] : memref<80x128xi32, #tpu.memory_space<vmem>> -> memref<1x64xi32, #tpu.memory_space<vmem>>
        %dma_start3A_194 = tpu.memref_squeeze %dma_start3A_193 : memref<1x64xi32, #tpu.memory_space<vmem>> -> memref<64xi32, #tpu.memory_space<vmem>>
        %dma_start3A_195 = arith.constant 0 : i32
        %dma_start3A_196 = arith.constant 0 : i32
        %dma_start3A_197 = tpu.memref_slice %arg4[%dma_start3A_195, %dma_start3A_196] : memref<18688x128xf32, #tpu.memory_space<hbm>> -> memref<18688x128xf32, #tpu.memory_space<hbm>>
        tpu.enqueue_indirect_dma source(%dma_start3A_197 : memref<18688x128xf32, #tpu.memory_space<hbm>>) target(%dma_start3A_191 : memref<64x128xf32, #tpu.memory_space<vmem>>) offsets(%dma_start3A_194 : memref<64xi32, #tpu.memory_space<vmem>>) semaphore(%arg12 : memref<!tpu.dma_semaphore, #tpu.memory_space<semaphore_mem>>)
      } else {
      }
      %add3A_159 = arith.constant 1 : i32
      %add3A_160 = arith.addi %mul3A_149, %add3A_159 : i32
      %dma_wait3A_161 = arith.constant 0 : i32
      %dma_wait3A_162 = tpu.memref_slice %arg7[%add3A_160, %dma_wait3A_161] : memref<80x128xi32, #tpu.memory_space<vmem>> -> memref<1x128xi32, #tpu.memory_space<vmem>>
      %dma_wait3A_163 = tpu.memref_squeeze %dma_wait3A_162 : memref<1x128xi32, #tpu.memory_space<vmem>> -> memref<128xi32, #tpu.memory_space<vmem>>
      %dma_wait3A_164 = arith.constant 0 : i32
      %dma_wait3A_165 = arith.constant 0 : i32
      %dma_wait3A_166 = tpu.memref_slice %arg4[%dma_wait3A_164, %dma_wait3A_165] : memref<18688x128xf32, #tpu.memory_space<hbm>> -> memref<18688x128xf32, #tpu.memory_space<hbm>>
      tpu.wait_indirect_dma semaphore(%arg13 : memref<!tpu.dma_semaphore, #tpu.memory_space<semaphore_mem>>) src(%dma_wait3A_166 : memref<18688x128xf32, #tpu.memory_space<hbm>>) dst(%arg10 : memref<128x128xf32, #tpu.memory_space<vmem>>)
      %add3A_167 = arith.constant 1 : i32
      %add3A_168 = arith.addi %mul3A_149, %add3A_167 : i32
      "tpu.region"() ({
        %run_scoped3A = tpu.sem_alloc : memref<!tpu.dma_semaphore, #tpu.memory_space<semaphore_mem>>
        %dma_start3A_176 = arith.constant 0 : i32
        %dma_start3A_177 = tpu.memref_slice %arg8[%add3A_168, %dma_start3A_176] : memref<80x128xi32, #tpu.memory_space<vmem>> -> memref<1x128xi32, #tpu.memory_space<vmem>>
        %dma_start3A_178 = tpu.memref_squeeze %dma_start3A_177 : memref<1x128xi32, #tpu.memory_space<vmem>> -> memref<128xi32, #tpu.memory_space<vmem>>
        %dma_start3A_179 = arith.constant 0 : i32
        %dma_start3A_180 = arith.constant 0 : i32
        %dma_start3A_181 = tpu.memref_slice %arg11[%dma_start3A_179, %dma_start3A_180] : memref<9344x128xf32, #tpu.memory_space<vmem_shared>> -> memref<9344x128xf32, #tpu.memory_space<vmem_shared>>
        tpu.enqueue_indirect_dma source(%arg10 : memref<128x128xf32, #tpu.memory_space<vmem>>) target(%dma_start3A_181 : memref<9344x128xf32, #tpu.memory_space<vmem_shared>>) offsets(%dma_start3A_178 : memref<128xi32, #tpu.memory_space<vmem>>) semaphore(%run_scoped3A : memref<!tpu.dma_semaphore, #tpu.memory_space<semaphore_mem>>) {add = true}
        %dma_wait3A_182 = arith.constant 0 : i32
        %dma_wait3A_183 = tpu.memref_slice %arg8[%add3A_168, %dma_wait3A_182] : memref<80x128xi32, #tpu.memory_space<vmem>> -> memref<1x128xi32, #tpu.memory_space<vmem>>
        %dma_wait3A_184 = tpu.memref_squeeze %dma_wait3A_183 : memref<1x128xi32, #tpu.memory_space<vmem>> -> memref<128xi32, #tpu.memory_space<vmem>>
        %dma_wait3A_185 = arith.constant 0 : i32
        %dma_wait3A_186 = arith.constant 0 : i32
        %dma_wait3A_187 = tpu.memref_slice %arg11[%dma_wait3A_185, %dma_wait3A_186] : memref<9344x128xf32, #tpu.memory_space<vmem_shared>> -> memref<9344x128xf32, #tpu.memory_space<vmem_shared>>
        tpu.wait_indirect_dma semaphore(%run_scoped3A : memref<!tpu.dma_semaphore, #tpu.memory_space<semaphore_mem>>) src(%arg10 : memref<128x128xf32, #tpu.memory_space<vmem>>) dst(%dma_wait3A_187 : memref<9344x128xf32, #tpu.memory_space<vmem_shared>>)
        tpu.yield
      }) : () -> ()
      %add3A_169 = arith.constant 1 : i32
      %add3A_170 = arith.addi %scan3A_147, %add3A_169 : i32
      %lt3A_171 = arith.constant 40 : i32
      %lt3A_172 = arith.cmpi slt, %add3A_170, %lt3A_171 : i32
      %convert_element_type3A_173 = arith.extui %lt3A_172 : i1 to i32
      %cond3A_174 = arith.constant 0 : i32
      %cond3A_175 = arith.cmpi ne, %convert_element_type3A_173, %cond3A_174 : i32
      scf.if %cond3A_175 {
        %add3A_176 = arith.constant 3 : i32
        %add3A_177 = arith.addi %mul3A_149, %add3A_176 : i32
        %dma_start3A_178 = arith.constant 0 : i32
        %dma_start3A_179 = arith.constant 0 : i32
        %dma_start3A_180 = tpu.memref_slice %arg10[%dma_start3A_178, %dma_start3A_179] : memref<128x128xf32, #tpu.memory_space<vmem>> -> memref<64x128xf32, #tpu.memory_space<vmem>>
        %dma_start3A_181 = arith.constant 0 : i32
        %dma_start3A_182 = tpu.memref_slice %arg7[%add3A_177, %dma_start3A_181] : memref<80x128xi32, #tpu.memory_space<vmem>> -> memref<1x64xi32, #tpu.memory_space<vmem>>
        %dma_start3A_183 = tpu.memref_squeeze %dma_start3A_182 : memref<1x64xi32, #tpu.memory_space<vmem>> -> memref<64xi32, #tpu.memory_space<vmem>>
        %dma_start3A_184 = arith.constant 0 : i32
        %dma_start3A_185 = arith.constant 0 : i32
        %dma_start3A_186 = tpu.memref_slice %arg4[%dma_start3A_184, %dma_start3A_185] : memref<18688x128xf32, #tpu.memory_space<hbm>> -> memref<18688x128xf32, #tpu.memory_space<hbm>>
        tpu.enqueue_indirect_dma source(%dma_start3A_186 : memref<18688x128xf32, #tpu.memory_space<hbm>>) target(%dma_start3A_180 : memref<64x128xf32, #tpu.memory_space<vmem>>) offsets(%dma_start3A_183 : memref<64xi32, #tpu.memory_space<vmem>>) semaphore(%arg13 : memref<!tpu.dma_semaphore, #tpu.memory_space<semaphore_mem>>)
        %add3A_187 = arith.constant 3 : i32
        %add3A_188 = arith.addi %mul3A_149, %add3A_187 : i32
        %dma_start3A_189 = arith.constant 64 : i32
        %dma_start3A_190 = arith.constant 0 : i32
        %dma_start3A_191 = tpu.memref_slice %arg10[%dma_start3A_189, %dma_start3A_190] : memref<128x128xf32, #tpu.memory_space<vmem>> -> memref<64x128xf32, #tpu.memory_space<vmem>>
        %dma_start3A_192 = arith.constant 64 : i32
        %dma_start3A_193 = tpu.memref_slice %arg7[%add3A_188, %dma_start3A_192] : memref<80x128xi32, #tpu.memory_space<vmem>> -> memref<1x64xi32, #tpu.memory_space<vmem>>
        %dma_start3A_194 = tpu.memref_squeeze %dma_start3A_193 : memref<1x64xi32, #tpu.memory_space<vmem>> -> memref<64xi32, #tpu.memory_space<vmem>>
        %dma_start3A_195 = arith.constant 0 : i32
        %dma_start3A_196 = arith.constant 0 : i32
        %dma_start3A_197 = tpu.memref_slice %arg4[%dma_start3A_195, %dma_start3A_196] : memref<18688x128xf32, #tpu.memory_space<hbm>> -> memref<18688x128xf32, #tpu.memory_space<hbm>>
        tpu.enqueue_indirect_dma source(%dma_start3A_197 : memref<18688x128xf32, #tpu.memory_space<hbm>>) target(%dma_start3A_191 : memref<64x128xf32, #tpu.memory_space<vmem>>) offsets(%dma_start3A_194 : memref<64xi32, #tpu.memory_space<vmem>>) semaphore(%arg13 : memref<!tpu.dma_semaphore, #tpu.memory_space<semaphore_mem>>)
      } else {
      }
    }
    %scan3A_64 = arith.constant 40 : i32
    "tpu.region"() ({
      %run_scoped3A = tpu.sem_alloc : memref<!tpu.dma_semaphore, #tpu.memory_space<semaphore_mem>>
      %dma_start3A_147 = arith.constant 0 : i32
      %dma_start3A_148 = arith.constant 0 : i32
      %dma_start3A_149 = tpu.memref_slice %arg7[%dma_start3A_147, %dma_start3A_148] : memref<80x128xi32, #tpu.memory_space<vmem>> -> memref<72x128xi32, #tpu.memory_space<vmem>>
      %dma_start3A_150 = arith.constant 80 : i32
      %dma_start3A_151 = arith.constant 0 : i32
      %dma_start3A_152 = tpu.memref_slice %arg2[%add3A_20, %dma_start3A_150, %dma_start3A_151] : memref<32x152x128xi32, #tpu.memory_space<hbm>> -> memref<1x72x128xi32, #tpu.memory_space<hbm>>
      %dma_start3A_153 = tpu.memref_squeeze %dma_start3A_152 : memref<1x72x128xi32, #tpu.memory_space<hbm>> -> memref<72x128xi32, #tpu.memory_space<hbm>>
      %dma_start3A_154 = arith.constant 0 : i32
      %dma_start3A_155 = arith.constant 0 : i32
      %dma_start3A_156 = tpu.memref_slice %arg7[%dma_start3A_154, %dma_start3A_155] : memref<80x128xi32, #tpu.memory_space<vmem>> -> memref<72x128xi32, #tpu.memory_space<vmem>>
      %dma_start3A_157 = arith.constant 80 : i32
      %dma_start3A_158 = arith.constant 0 : i32
      %dma_start3A_159 = tpu.memref_slice %arg2[%add3A_20, %dma_start3A_157, %dma_start3A_158] : memref<32x152x128xi32, #tpu.memory_space<hbm>> -> memref<1x72x128xi32, #tpu.memory_space<hbm>>
      %dma_start3A_160 = tpu.memref_squeeze %dma_start3A_159 : memref<1x72x128xi32, #tpu.memory_space<hbm>> -> memref<72x128xi32, #tpu.memory_space<hbm>>
      tpu.enqueue_dma source(%dma_start3A_160 : memref<72x128xi32, #tpu.memory_space<hbm>>) target(%dma_start3A_156 : memref<72x128xi32, #tpu.memory_space<vmem>>) target_semaphore(%run_scoped3A : memref<!tpu.dma_semaphore, #tpu.memory_space<semaphore_mem>>)
      %dma_wait3A = arith.constant 0 : i32
      %dma_wait3A_161 = arith.constant 0 : i32
      %dma_wait3A_162 = tpu.memref_slice %arg7[%dma_wait3A, %dma_wait3A_161] : memref<80x128xi32, #tpu.memory_space<vmem>> -> memref<72x128xi32, #tpu.memory_space<vmem>>
      %dma_wait3A_163 = arith.constant 80 : i32
      %dma_wait3A_164 = arith.constant 0 : i32
      %dma_wait3A_165 = tpu.memref_slice %arg2[%add3A_20, %dma_wait3A_163, %dma_wait3A_164] : memref<32x152x128xi32, #tpu.memory_space<hbm>> -> memref<1x72x128xi32, #tpu.memory_space<hbm>>
      %dma_wait3A_166 = tpu.memref_squeeze %dma_wait3A_165 : memref<1x72x128xi32, #tpu.memory_space<hbm>> -> memref<72x128xi32, #tpu.memory_space<hbm>>
      %dma_wait3A_167 = arith.constant 0 : i32
      %dma_wait3A_168 = arith.constant 0 : i32
      %dma_wait3A_169 = tpu.memref_slice %arg7[%dma_wait3A_167, %dma_wait3A_168] : memref<80x128xi32, #tpu.memory_space<vmem>> -> memref<72x128xi32, #tpu.memory_space<vmem>>
      %dma_wait3A_170 = arith.constant 80 : i32
      %dma_wait3A_171 = arith.constant 0 : i32
      %dma_wait3A_172 = tpu.memref_slice %arg2[%add3A_20, %dma_wait3A_170, %dma_wait3A_171] : memref<32x152x128xi32, #tpu.memory_space<hbm>> -> memref<1x72x128xi32, #tpu.memory_space<hbm>>
      %dma_wait3A_173 = tpu.memref_squeeze %dma_wait3A_172 : memref<1x72x128xi32, #tpu.memory_space<hbm>> -> memref<72x128xi32, #tpu.memory_space<hbm>>
      tpu.wait_dma2 semaphore(%run_scoped3A : memref<!tpu.dma_semaphore, #tpu.memory_space<semaphore_mem>>) src(%dma_wait3A_173 : memref<72x128xi32, #tpu.memory_space<hbm>>) dst(%dma_wait3A_169 : memref<72x128xi32, #tpu.memory_space<vmem>>)
      tpu.yield
    }) : () -> ()
    "tpu.region"() ({
      %run_scoped3A = tpu.sem_alloc : memref<!tpu.dma_semaphore, #tpu.memory_space<semaphore_mem>>
      %dma_start3A_147 = arith.constant 0 : i32
      %dma_start3A_148 = arith.constant 0 : i32
      %dma_start3A_149 = tpu.memref_slice %arg8[%dma_start3A_147, %dma_start3A_148] : memref<80x128xi32, #tpu.memory_space<vmem>> -> memref<72x128xi32, #tpu.memory_space<vmem>>
      %dma_start3A_150 = arith.constant 80 : i32
      %dma_start3A_151 = arith.constant 0 : i32
      %dma_start3A_152 = tpu.memref_slice %arg3[%arg1, %dma_start3A_150, %dma_start3A_151] : memref<16x152x128xi32, #tpu.memory_space<hbm>> -> memref<1x72x128xi32, #tpu.memory_space<hbm>>
      %dma_start3A_153 = tpu.memref_squeeze %dma_start3A_152 : memref<1x72x128xi32, #tpu.memory_space<hbm>> -> memref<72x128xi32, #tpu.memory_space<hbm>>
      %dma_start3A_154 = arith.constant 0 : i32
      %dma_start3A_155 = arith.constant 0 : i32
      %dma_start3A_156 = tpu.memref_slice %arg8[%dma_start3A_154, %dma_start3A_155] : memref<80x128xi32, #tpu.memory_space<vmem>> -> memref<72x128xi32, #tpu.memory_space<vmem>>
      %dma_start3A_157 = arith.constant 80 : i32
      %dma_start3A_158 = arith.constant 0 : i32
      %dma_start3A_159 = tpu.memref_slice %arg3[%arg1, %dma_start3A_157, %dma_start3A_158] : memref<16x152x128xi32, #tpu.memory_space<hbm>> -> memref<1x72x128xi32, #tpu.memory_space<hbm>>
      %dma_start3A_160 = tpu.memref_squeeze %dma_start3A_159 : memref<1x72x128xi32, #tpu.memory_space<hbm>> -> memref<72x128xi32, #tpu.memory_space<hbm>>
      tpu.enqueue_dma source(%dma_start3A_160 : memref<72x128xi32, #tpu.memory_space<hbm>>) target(%dma_start3A_156 : memref<72x128xi32, #tpu.memory_space<vmem>>) target_semaphore(%run_scoped3A : memref<!tpu.dma_semaphore, #tpu.memory_space<semaphore_mem>>)
      %dma_wait3A = arith.constant 0 : i32
      %dma_wait3A_161 = arith.constant 0 : i32
      %dma_wait3A_162 = tpu.memref_slice %arg8[%dma_wait3A, %dma_wait3A_161] : memref<80x128xi32, #tpu.memory_space<vmem>> -> memref<72x128xi32, #tpu.memory_space<vmem>>
      %dma_wait3A_163 = arith.constant 80 : i32
      %dma_wait3A_164 = arith.constant 0 : i32
      %dma_wait3A_165 = tpu.memref_slice %arg3[%arg1, %dma_wait3A_163, %dma_wait3A_164] : memref<16x152x128xi32, #tpu.memory_space<hbm>> -> memref<1x72x128xi32, #tpu.memory_space<hbm>>
      %dma_wait3A_166 = tpu.memref_squeeze %dma_wait3A_165 : memref<1x72x128xi32, #tpu.memory_space<hbm>> -> memref<72x128xi32, #tpu.memory_space<hbm>>
      %dma_wait3A_167 = arith.constant 0 : i32
      %dma_wait3A_168 = arith.constant 0 : i32
      %dma_wait3A_169 = tpu.memref_slice %arg8[%dma_wait3A_167, %dma_wait3A_168] : memref<80x128xi32, #tpu.memory_space<vmem>> -> memref<72x128xi32, #tpu.memory_space<vmem>>
      %dma_wait3A_170 = arith.constant 80 : i32
      %dma_wait3A_171 = arith.constant 0 : i32
      %dma_wait3A_172 = tpu.memref_slice %arg3[%arg1, %dma_wait3A_170, %dma_wait3A_171] : memref<16x152x128xi32, #tpu.memory_space<hbm>> -> memref<1x72x128xi32, #tpu.memory_space<hbm>>
      %dma_wait3A_173 = tpu.memref_squeeze %dma_wait3A_172 : memref<1x72x128xi32, #tpu.memory_space<hbm>> -> memref<72x128xi32, #tpu.memory_space<hbm>>
      tpu.wait_dma2 semaphore(%run_scoped3A : memref<!tpu.dma_semaphore, #tpu.memory_space<semaphore_mem>>) src(%dma_wait3A_173 : memref<72x128xi32, #tpu.memory_space<hbm>>) dst(%dma_wait3A_169 : memref<72x128xi32, #tpu.memory_space<vmem>>)
      tpu.yield
    }) : () -> ()
    %dma_start3A_65 = arith.constant 0 : i32
    %dma_start3A_66 = arith.constant 0 : i32
    %dma_start3A_67 = arith.constant 0 : i32
    %dma_start3A_68 = tpu.memref_slice %arg9[%dma_start3A_66, %dma_start3A_67] : memref<128x128xf32, #tpu.memory_space<vmem>> -> memref<64x128xf32, #tpu.memory_space<vmem>>
    %dma_start3A_69 = arith.constant 0 : i32
    %dma_start3A_70 = tpu.memref_slice %arg7[%dma_start3A_65, %dma_start3A_69] : memref<80x128xi32, #tpu.memory_space<vmem>> -> memref<1x64xi32, #tpu.memory_space<vmem>>
    %dma_start3A_71 = tpu.memref_squeeze %dma_start3A_70 : memref<1x64xi32, #tpu.memory_space<vmem>> -> memref<64xi32, #tpu.memory_space<vmem>>
    %dma_start3A_72 = arith.constant 0 : i32
    %dma_start3A_73 = arith.constant 0 : i32
    %dma_start3A_74 = tpu.memref_slice %arg4[%dma_start3A_72, %dma_start3A_73] : memref<18688x128xf32, #tpu.memory_space<hbm>> -> memref<18688x128xf32, #tpu.memory_space<hbm>>
    tpu.enqueue_indirect_dma source(%dma_start3A_74 : memref<18688x128xf32, #tpu.memory_space<hbm>>) target(%dma_start3A_68 : memref<64x128xf32, #tpu.memory_space<vmem>>) offsets(%dma_start3A_71 : memref<64xi32, #tpu.memory_space<vmem>>) semaphore(%arg12 : memref<!tpu.dma_semaphore, #tpu.memory_space<semaphore_mem>>)
    %dma_start3A_75 = arith.constant 1 : i32
    %dma_start3A_76 = arith.constant 0 : i32
    %dma_start3A_77 = arith.constant 0 : i32
    %dma_start3A_78 = tpu.memref_slice %arg10[%dma_start3A_76, %dma_start3A_77] : memref<128x128xf32, #tpu.memory_space<vmem>> -> memref<64x128xf32, #tpu.memory_space<vmem>>
    %dma_start3A_79 = arith.constant 0 : i32
    %dma_start3A_80 = tpu.memref_slice %arg7[%dma_start3A_75, %dma_start3A_79] : memref<80x128xi32, #tpu.memory_space<vmem>> -> memref<1x64xi32, #tpu.memory_space<vmem>>
    %dma_start3A_81 = tpu.memref_squeeze %dma_start3A_80 : memref<1x64xi32, #tpu.memory_space<vmem>> -> memref<64xi32, #tpu.memory_space<vmem>>
    %dma_start3A_82 = arith.constant 0 : i32
    %dma_start3A_83 = arith.constant 0 : i32
    %dma_start3A_84 = tpu.memref_slice %arg4[%dma_start3A_82, %dma_start3A_83] : memref<18688x128xf32, #tpu.memory_space<hbm>> -> memref<18688x128xf32, #tpu.memory_space<hbm>>
    tpu.enqueue_indirect_dma source(%dma_start3A_84 : memref<18688x128xf32, #tpu.memory_space<hbm>>) target(%dma_start3A_78 : memref<64x128xf32, #tpu.memory_space<vmem>>) offsets(%dma_start3A_81 : memref<64xi32, #tpu.memory_space<vmem>>) semaphore(%arg13 : memref<!tpu.dma_semaphore, #tpu.memory_space<semaphore_mem>>)
    %dma_start3A_85 = arith.constant 0 : i32
    %dma_start3A_86 = arith.constant 64 : i32
    %dma_start3A_87 = arith.constant 0 : i32
    %dma_start3A_88 = tpu.memref_slice %arg9[%dma_start3A_86, %dma_start3A_87] : memref<128x128xf32, #tpu.memory_space<vmem>> -> memref<64x128xf32, #tpu.memory_space<vmem>>
    %dma_start3A_89 = arith.constant 64 : i32
    %dma_start3A_90 = tpu.memref_slice %arg7[%dma_start3A_85, %dma_start3A_89] : memref<80x128xi32, #tpu.memory_space<vmem>> -> memref<1x64xi32, #tpu.memory_space<vmem>>
    %dma_start3A_91 = tpu.memref_squeeze %dma_start3A_90 : memref<1x64xi32, #tpu.memory_space<vmem>> -> memref<64xi32, #tpu.memory_space<vmem>>
    %dma_start3A_92 = arith.constant 0 : i32
    %dma_start3A_93 = arith.constant 0 : i32
    %dma_start3A_94 = tpu.memref_slice %arg4[%dma_start3A_92, %dma_start3A_93] : memref<18688x128xf32, #tpu.memory_space<hbm>> -> memref<18688x128xf32, #tpu.memory_space<hbm>>
    tpu.enqueue_indirect_dma source(%dma_start3A_94 : memref<18688x128xf32, #tpu.memory_space<hbm>>) target(%dma_start3A_88 : memref<64x128xf32, #tpu.memory_space<vmem>>) offsets(%dma_start3A_91 : memref<64xi32, #tpu.memory_space<vmem>>) semaphore(%arg12 : memref<!tpu.dma_semaphore, #tpu.memory_space<semaphore_mem>>)
    %dma_start3A_95 = arith.constant 1 : i32
    %dma_start3A_96 = arith.constant 64 : i32
    %dma_start3A_97 = arith.constant 0 : i32
    %dma_start3A_98 = tpu.memref_slice %arg10[%dma_start3A_96, %dma_start3A_97] : memref<128x128xf32, #tpu.memory_space<vmem>> -> memref<64x128xf32, #tpu.memory_space<vmem>>
    %dma_start3A_99 = arith.constant 64 : i32
    %dma_start3A_100 = tpu.memref_slice %arg7[%dma_start3A_95, %dma_start3A_99] : memref<80x128xi32, #tpu.memory_space<vmem>> -> memref<1x64xi32, #tpu.memory_space<vmem>>
    %dma_start3A_101 = tpu.memref_squeeze %dma_start3A_100 : memref<1x64xi32, #tpu.memory_space<vmem>> -> memref<64xi32, #tpu.memory_space<vmem>>
    %dma_start3A_102 = arith.constant 0 : i32
    %dma_start3A_103 = arith.constant 0 : i32
    %dma_start3A_104 = tpu.memref_slice %arg4[%dma_start3A_102, %dma_start3A_103] : memref<18688x128xf32, #tpu.memory_space<hbm>> -> memref<18688x128xf32, #tpu.memory_space<hbm>>
    tpu.enqueue_indirect_dma source(%dma_start3A_104 : memref<18688x128xf32, #tpu.memory_space<hbm>>) target(%dma_start3A_98 : memref<64x128xf32, #tpu.memory_space<vmem>>) offsets(%dma_start3A_101 : memref<64xi32, #tpu.memory_space<vmem>>) semaphore(%arg13 : memref<!tpu.dma_semaphore, #tpu.memory_space<semaphore_mem>>)
    %scan3A_105 = arith.constant 0 : i32
    %scan3A_106 = arith.constant 0 : i32
    %scan3A_107 = arith.constant 36 : i32
    %scan3A_108 = arith.addi %scan3A_106, %scan3A_107 : i32
    %scan3A_109 = arith.constant 1 : i32
    scf.for %scan3A_147 = %scan3A_106 to %scan3A_108 step %scan3A_109  : i32 {
      %mul3A_148 = arith.constant 2 : i32
      %mul3A_149 = arith.muli %mul3A_148, %scan3A_147 : i32
      %dma_wait3A = arith.constant 0 : i32
      %dma_wait3A_150 = tpu.memref_slice %arg7[%mul3A_149, %dma_wait3A] : memref<80x128xi32, #tpu.memory_space<vmem>> -> memref<1x128xi32, #tpu.memory_space<vmem>>
      %dma_wait3A_151 = tpu.memref_squeeze %dma_wait3A_150 : memref<1x128xi32, #tpu.memory_space<vmem>> -> memref<128xi32, #tpu.memory_space<vmem>>
      %dma_wait3A_152 = arith.constant 0 : i32
      %dma_wait3A_153 = arith.constant 0 : i32
      %dma_wait3A_154 = tpu.memref_slice %arg4[%dma_wait3A_152, %dma_wait3A_153] : memref<18688x128xf32, #tpu.memory_space<hbm>> -> memref<18688x128xf32, #tpu.memory_space<hbm>>
      tpu.wait_indirect_dma semaphore(%arg12 : memref<!tpu.dma_semaphore, #tpu.memory_space<semaphore_mem>>) src(%dma_wait3A_154 : memref<18688x128xf32, #tpu.memory_space<hbm>>) dst(%arg9 : memref<128x128xf32, #tpu.memory_space<vmem>>)
      "tpu.region"() ({
        %run_scoped3A = tpu.sem_alloc : memref<!tpu.dma_semaphore, #tpu.memory_space<semaphore_mem>>
        %dma_start3A_176 = arith.constant 0 : i32
        %dma_start3A_177 = tpu.memref_slice %arg8[%mul3A_149, %dma_start3A_176] : memref<80x128xi32, #tpu.memory_space<vmem>> -> memref<1x128xi32, #tpu.memory_space<vmem>>
        %dma_start3A_178 = tpu.memref_squeeze %dma_start3A_177 : memref<1x128xi32, #tpu.memory_space<vmem>> -> memref<128xi32, #tpu.memory_space<vmem>>
        %dma_start3A_179 = arith.constant 0 : i32
        %dma_start3A_180 = arith.constant 0 : i32
        %dma_start3A_181 = tpu.memref_slice %arg11[%dma_start3A_179, %dma_start3A_180] : memref<9344x128xf32, #tpu.memory_space<vmem_shared>> -> memref<9344x128xf32, #tpu.memory_space<vmem_shared>>
        tpu.enqueue_indirect_dma source(%arg9 : memref<128x128xf32, #tpu.memory_space<vmem>>) target(%dma_start3A_181 : memref<9344x128xf32, #tpu.memory_space<vmem_shared>>) offsets(%dma_start3A_178 : memref<128xi32, #tpu.memory_space<vmem>>) semaphore(%run_scoped3A : memref<!tpu.dma_semaphore, #tpu.memory_space<semaphore_mem>>) {add = true}
        %dma_wait3A_182 = arith.constant 0 : i32
        %dma_wait3A_183 = tpu.memref_slice %arg8[%mul3A_149, %dma_wait3A_182] : memref<80x128xi32, #tpu.memory_space<vmem>> -> memref<1x128xi32, #tpu.memory_space<vmem>>
        %dma_wait3A_184 = tpu.memref_squeeze %dma_wait3A_183 : memref<1x128xi32, #tpu.memory_space<vmem>> -> memref<128xi32, #tpu.memory_space<vmem>>
        %dma_wait3A_185 = arith.constant 0 : i32
        %dma_wait3A_186 = arith.constant 0 : i32
        %dma_wait3A_187 = tpu.memref_slice %arg11[%dma_wait3A_185, %dma_wait3A_186] : memref<9344x128xf32, #tpu.memory_space<vmem_shared>> -> memref<9344x128xf32, #tpu.memory_space<vmem_shared>>
        tpu.wait_indirect_dma semaphore(%run_scoped3A : memref<!tpu.dma_semaphore, #tpu.memory_space<semaphore_mem>>) src(%arg9 : memref<128x128xf32, #tpu.memory_space<vmem>>) dst(%dma_wait3A_187 : memref<9344x128xf32, #tpu.memory_space<vmem_shared>>)
        tpu.yield
      }) : () -> ()
      %add3A_155 = arith.constant 1 : i32
      %add3A_156 = arith.addi %scan3A_147, %add3A_155 : i32
      %lt3A = arith.constant 36 : i32
      %lt3A_157 = arith.cmpi slt, %add3A_156, %lt3A : i32
      %convert_element_type3A = arith.extui %lt3A_157 : i1 to i32
      %cond3A = arith.constant 0 : i32
      %cond3A_158 = arith.cmpi ne, %convert_element_type3A, %cond3A : i32
      scf.if %cond3A_158 {
        %add3A_176 = arith.constant 2 : i32
        %add3A_177 = arith.addi %mul3A_149, %add3A_176 : i32
        %dma_start3A_178 = arith.constant 0 : i32
        %dma_start3A_179 = arith.constant 0 : i32
        %dma_start3A_180 = tpu.memref_slice %arg9[%dma_start3A_178, %dma_start3A_179] : memref<128x128xf32, #tpu.memory_space<vmem>> -> memref<64x128xf32, #tpu.memory_space<vmem>>
        %dma_start3A_181 = arith.constant 0 : i32
        %dma_start3A_182 = tpu.memref_slice %arg7[%add3A_177, %dma_start3A_181] : memref<80x128xi32, #tpu.memory_space<vmem>> -> memref<1x64xi32, #tpu.memory_space<vmem>>
        %dma_start3A_183 = tpu.memref_squeeze %dma_start3A_182 : memref<1x64xi32, #tpu.memory_space<vmem>> -> memref<64xi32, #tpu.memory_space<vmem>>
        %dma_start3A_184 = arith.constant 0 : i32
        %dma_start3A_185 = arith.constant 0 : i32
        %dma_start3A_186 = tpu.memref_slice %arg4[%dma_start3A_184, %dma_start3A_185] : memref<18688x128xf32, #tpu.memory_space<hbm>> -> memref<18688x128xf32, #tpu.memory_space<hbm>>
        tpu.enqueue_indirect_dma source(%dma_start3A_186 : memref<18688x128xf32, #tpu.memory_space<hbm>>) target(%dma_start3A_180 : memref<64x128xf32, #tpu.memory_space<vmem>>) offsets(%dma_start3A_183 : memref<64xi32, #tpu.memory_space<vmem>>) semaphore(%arg12 : memref<!tpu.dma_semaphore, #tpu.memory_space<semaphore_mem>>)
        %add3A_187 = arith.constant 2 : i32
        %add3A_188 = arith.addi %mul3A_149, %add3A_187 : i32
        %dma_start3A_189 = arith.constant 64 : i32
        %dma_start3A_190 = arith.constant 0 : i32
        %dma_start3A_191 = tpu.memref_slice %arg9[%dma_start3A_189, %dma_start3A_190] : memref<128x128xf32, #tpu.memory_space<vmem>> -> memref<64x128xf32, #tpu.memory_space<vmem>>
        %dma_start3A_192 = arith.constant 64 : i32
        %dma_start3A_193 = tpu.memref_slice %arg7[%add3A_188, %dma_start3A_192] : memref<80x128xi32, #tpu.memory_space<vmem>> -> memref<1x64xi32, #tpu.memory_space<vmem>>
        %dma_start3A_194 = tpu.memref_squeeze %dma_start3A_193 : memref<1x64xi32, #tpu.memory_space<vmem>> -> memref<64xi32, #tpu.memory_space<vmem>>
        %dma_start3A_195 = arith.constant 0 : i32
        %dma_start3A_196 = arith.constant 0 : i32
        %dma_start3A_197 = tpu.memref_slice %arg4[%dma_start3A_195, %dma_start3A_196] : memref<18688x128xf32, #tpu.memory_space<hbm>> -> memref<18688x128xf32, #tpu.memory_space<hbm>>
        tpu.enqueue_indirect_dma source(%dma_start3A_197 : memref<18688x128xf32, #tpu.memory_space<hbm>>) target(%dma_start3A_191 : memref<64x128xf32, #tpu.memory_space<vmem>>) offsets(%dma_start3A_194 : memref<64xi32, #tpu.memory_space<vmem>>) semaphore(%arg12 : memref<!tpu.dma_semaphore, #tpu.memory_space<semaphore_mem>>)
      } else {
      }
      %add3A_159 = arith.constant 1 : i32
      %add3A_160 = arith.addi %mul3A_149, %add3A_159 : i32
      %dma_wait3A_161 = arith.constant 0 : i32
      %dma_wait3A_162 = tpu.memref_slice %arg7[%add3A_160, %dma_wait3A_161] : memref<80x128xi32, #tpu.memory_space<vmem>> -> memref<1x128xi32, #tpu.memory_space<vmem>>
      %dma_wait3A_163 = tpu.memref_squeeze %dma_wait3A_162 : memref<1x128xi32, #tpu.memory_space<vmem>> -> memref<128xi32, #tpu.memory_space<vmem>>
      %dma_wait3A_164 = arith.constant 0 : i32
      %dma_wait3A_165 = arith.constant 0 : i32
      %dma_wait3A_166 = tpu.memref_slice %arg4[%dma_wait3A_164, %dma_wait3A_165] : memref<18688x128xf32, #tpu.memory_space<hbm>> -> memref<18688x128xf32, #tpu.memory_space<hbm>>
      tpu.wait_indirect_dma semaphore(%arg13 : memref<!tpu.dma_semaphore, #tpu.memory_space<semaphore_mem>>) src(%dma_wait3A_166 : memref<18688x128xf32, #tpu.memory_space<hbm>>) dst(%arg10 : memref<128x128xf32, #tpu.memory_space<vmem>>)
      %add3A_167 = arith.constant 1 : i32
      %add3A_168 = arith.addi %mul3A_149, %add3A_167 : i32
      "tpu.region"() ({
        %run_scoped3A = tpu.sem_alloc : memref<!tpu.dma_semaphore, #tpu.memory_space<semaphore_mem>>
        %dma_start3A_176 = arith.constant 0 : i32
        %dma_start3A_177 = tpu.memref_slice %arg8[%add3A_168, %dma_start3A_176] : memref<80x128xi32, #tpu.memory_space<vmem>> -> memref<1x128xi32, #tpu.memory_space<vmem>>
        %dma_start3A_178 = tpu.memref_squeeze %dma_start3A_177 : memref<1x128xi32, #tpu.memory_space<vmem>> -> memref<128xi32, #tpu.memory_space<vmem>>
        %dma_start3A_179 = arith.constant 0 : i32
        %dma_start3A_180 = arith.constant 0 : i32
        %dma_start3A_181 = tpu.memref_slice %arg11[%dma_start3A_179, %dma_start3A_180] : memref<9344x128xf32, #tpu.memory_space<vmem_shared>> -> memref<9344x128xf32, #tpu.memory_space<vmem_shared>>
        tpu.enqueue_indirect_dma source(%arg10 : memref<128x128xf32, #tpu.memory_space<vmem>>) target(%dma_start3A_181 : memref<9344x128xf32, #tpu.memory_space<vmem_shared>>) offsets(%dma_start3A_178 : memref<128xi32, #tpu.memory_space<vmem>>) semaphore(%run_scoped3A : memref<!tpu.dma_semaphore, #tpu.memory_space<semaphore_mem>>) {add = true}
        %dma_wait3A_182 = arith.constant 0 : i32
        %dma_wait3A_183 = tpu.memref_slice %arg8[%add3A_168, %dma_wait3A_182] : memref<80x128xi32, #tpu.memory_space<vmem>> -> memref<1x128xi32, #tpu.memory_space<vmem>>
        %dma_wait3A_184 = tpu.memref_squeeze %dma_wait3A_183 : memref<1x128xi32, #tpu.memory_space<vmem>> -> memref<128xi32, #tpu.memory_space<vmem>>
        %dma_wait3A_185 = arith.constant 0 : i32
        %dma_wait3A_186 = arith.constant 0 : i32
        %dma_wait3A_187 = tpu.memref_slice %arg11[%dma_wait3A_185, %dma_wait3A_186] : memref<9344x128xf32, #tpu.memory_space<vmem_shared>> -> memref<9344x128xf32, #tpu.memory_space<vmem_shared>>
        tpu.wait_indirect_dma semaphore(%run_scoped3A : memref<!tpu.dma_semaphore, #tpu.memory_space<semaphore_mem>>) src(%arg10 : memref<128x128xf32, #tpu.memory_space<vmem>>) dst(%dma_wait3A_187 : memref<9344x128xf32, #tpu.memory_space<vmem_shared>>)
        tpu.yield
      }) : () -> ()
      %add3A_169 = arith.constant 1 : i32
      %add3A_170 = arith.addi %scan3A_147, %add3A_169 : i32
      %lt3A_171 = arith.constant 36 : i32
      %lt3A_172 = arith.cmpi slt, %add3A_170, %lt3A_171 : i32
      %convert_element_type3A_173 = arith.extui %lt3A_172 : i1 to i32
      %cond3A_174 = arith.constant 0 : i32
      %cond3A_175 = arith.cmpi ne, %convert_element_type3A_173, %cond3A_174 : i32
      scf.if %cond3A_175 {
        %add3A_176 = arith.constant 3 : i32
        %add3A_177 = arith.addi %mul3A_149, %add3A_176 : i32
        %dma_start3A_178 = arith.constant 0 : i32
        %dma_start3A_179 = arith.constant 0 : i32
        %dma_start3A_180 = tpu.memref_slice %arg10[%dma_start3A_178, %dma_start3A_179] : memref<128x128xf32, #tpu.memory_space<vmem>> -> memref<64x128xf32, #tpu.memory_space<vmem>>
        %dma_start3A_181 = arith.constant 0 : i32
        %dma_start3A_182 = tpu.memref_slice %arg7[%add3A_177, %dma_start3A_181] : memref<80x128xi32, #tpu.memory_space<vmem>> -> memref<1x64xi32, #tpu.memory_space<vmem>>
        %dma_start3A_183 = tpu.memref_squeeze %dma_start3A_182 : memref<1x64xi32, #tpu.memory_space<vmem>> -> memref<64xi32, #tpu.memory_space<vmem>>
        %dma_start3A_184 = arith.constant 0 : i32
        %dma_start3A_185 = arith.constant 0 : i32
        %dma_start3A_186 = tpu.memref_slice %arg4[%dma_start3A_184, %dma_start3A_185] : memref<18688x128xf32, #tpu.memory_space<hbm>> -> memref<18688x128xf32, #tpu.memory_space<hbm>>
        tpu.enqueue_indirect_dma source(%dma_start3A_186 : memref<18688x128xf32, #tpu.memory_space<hbm>>) target(%dma_start3A_180 : memref<64x128xf32, #tpu.memory_space<vmem>>) offsets(%dma_start3A_183 : memref<64xi32, #tpu.memory_space<vmem>>) semaphore(%arg13 : memref<!tpu.dma_semaphore, #tpu.memory_space<semaphore_mem>>)
        %add3A_187 = arith.constant 3 : i32
        %add3A_188 = arith.addi %mul3A_149, %add3A_187 : i32
        %dma_start3A_189 = arith.constant 64 : i32
        %dma_start3A_190 = arith.constant 0 : i32
        %dma_start3A_191 = tpu.memref_slice %arg10[%dma_start3A_189, %dma_start3A_190] : memref<128x128xf32, #tpu.memory_space<vmem>> -> memref<64x128xf32, #tpu.memory_space<vmem>>
        %dma_start3A_192 = arith.constant 64 : i32
        %dma_start3A_193 = tpu.memref_slice %arg7[%add3A_188, %dma_start3A_192] : memref<80x128xi32, #tpu.memory_space<vmem>> -> memref<1x64xi32, #tpu.memory_space<vmem>>
        %dma_start3A_194 = tpu.memref_squeeze %dma_start3A_193 : memref<1x64xi32, #tpu.memory_space<vmem>> -> memref<64xi32, #tpu.memory_space<vmem>>
        %dma_start3A_195 = arith.constant 0 : i32
        %dma_start3A_196 = arith.constant 0 : i32
        %dma_start3A_197 = tpu.memref_slice %arg4[%dma_start3A_195, %dma_start3A_196] : memref<18688x128xf32, #tpu.memory_space<hbm>> -> memref<18688x128xf32, #tpu.memory_space<hbm>>
        tpu.enqueue_indirect_dma source(%dma_start3A_197 : memref<18688x128xf32, #tpu.memory_space<hbm>>) target(%dma_start3A_191 : memref<64x128xf32, #tpu.memory_space<vmem>>) offsets(%dma_start3A_194 : memref<64xi32, #tpu.memory_space<vmem>>) semaphore(%arg13 : memref<!tpu.dma_semaphore, #tpu.memory_space<semaphore_mem>>)
      } else {
      }
    }
    %scan3A_110 = arith.constant 36 : i32
    %barrier3A_111 = arith.constant 0 : index
    tpu.barrier barrier_id(%barrier3A_111)
    %mul3A_112 = arith.constant 9344 : i32
    %mul3A_113 = arith.muli %arg0, %mul3A_112 : i32
    %mul3A_114 = arith.constant 584 : i32
    %mul3A_115 = arith.muli %arg1, %mul3A_114 : i32
    %add3A_116 = arith.addi %mul3A_113, %mul3A_115 : i32
    %mul3A_117 = arith.constant 584 : i32
    %mul3A_118 = arith.muli %arg1, %mul3A_117 : i32
    %add3A_119 = arith.constant 0 : i32
    %add3A_120 = arith.addi %mul3A_118, %add3A_119 : i32
    "tpu.region"() ({
      %run_scoped3A = tpu.sem_alloc : memref<!tpu.dma_semaphore, #tpu.memory_space<semaphore_mem>>
      %dma_start3A_147 = arith.constant 0 : i32
      %dma_start3A_148 = tpu.memref_slice %arg11[%add3A_120, %dma_start3A_147] : memref<9344x128xf32, #tpu.memory_space<vmem_shared>> -> memref<128x128xf32, #tpu.memory_space<vmem_shared>>
      %dma_start3A_149 = arith.constant 0 : i32
      %dma_start3A_150 = tpu.memref_slice %arg11[%add3A_120, %dma_start3A_149] : memref<9344x128xf32, #tpu.memory_space<vmem_shared>> -> memref<128x128xf32, #tpu.memory_space<vmem_shared>>
      tpu.enqueue_dma source(%dma_start3A_150 : memref<128x128xf32, #tpu.memory_space<vmem_shared>>) target(%arg9 : memref<128x128xf32, #tpu.memory_space<vmem>>) target_semaphore(%run_scoped3A : memref<!tpu.dma_semaphore, #tpu.memory_space<semaphore_mem>>)
      %dma_wait3A = arith.constant 0 : i32
      %dma_wait3A_151 = tpu.memref_slice %arg11[%add3A_120, %dma_wait3A] : memref<9344x128xf32, #tpu.memory_space<vmem_shared>> -> memref<128x128xf32, #tpu.memory_space<vmem_shared>>
      %dma_wait3A_152 = arith.constant 0 : i32
      %dma_wait3A_153 = tpu.memref_slice %arg11[%add3A_120, %dma_wait3A_152] : memref<9344x128xf32, #tpu.memory_space<vmem_shared>> -> memref<128x128xf32, #tpu.memory_space<vmem_shared>>
      tpu.wait_dma2 semaphore(%run_scoped3A : memref<!tpu.dma_semaphore, #tpu.memory_space<semaphore_mem>>) src(%dma_wait3A_153 : memref<128x128xf32, #tpu.memory_space<vmem_shared>>) dst(%arg9 : memref<128x128xf32, #tpu.memory_space<vmem>>)
      tpu.yield
    }) : () -> ()
    %add3A_121 = arith.constant 0 : i32
    %add3A_122 = arith.addi %add3A_116, %add3A_121 : i32
    "tpu.region"() ({
      %run_scoped3A = tpu.sem_alloc : memref<!tpu.dma_semaphore, #tpu.memory_space<semaphore_mem>>
      %dma_start3A_147 = arith.constant 0 : i32
      %dma_start3A_148 = tpu.memref_slice %arg6[%add3A_122, %dma_start3A_147] : memref<18688x128xf32, #tpu.memory_space<hbm>> -> memref<128x128xf32, #tpu.memory_space<hbm>>
      %dma_start3A_149 = arith.constant 0 : i32
      %dma_start3A_150 = tpu.memref_slice %arg6[%add3A_122, %dma_start3A_149] : memref<18688x128xf32, #tpu.memory_space<hbm>> -> memref<128x128xf32, #tpu.memory_space<hbm>>
      tpu.enqueue_dma source(%arg9 : memref<128x128xf32, #tpu.memory_space<vmem>>) target(%dma_start3A_150 : memref<128x128xf32, #tpu.memory_space<hbm>>) target_semaphore(%run_scoped3A : memref<!tpu.dma_semaphore, #tpu.memory_space<semaphore_mem>>)
      %dma_wait3A = arith.constant 0 : i32
      %dma_wait3A_151 = tpu.memref_slice %arg6[%add3A_122, %dma_wait3A] : memref<18688x128xf32, #tpu.memory_space<hbm>> -> memref<128x128xf32, #tpu.memory_space<hbm>>
      %dma_wait3A_152 = arith.constant 0 : i32
      %dma_wait3A_153 = tpu.memref_slice %arg6[%add3A_122, %dma_wait3A_152] : memref<18688x128xf32, #tpu.memory_space<hbm>> -> memref<128x128xf32, #tpu.memory_space<hbm>>
      tpu.wait_dma2 semaphore(%run_scoped3A : memref<!tpu.dma_semaphore, #tpu.memory_space<semaphore_mem>>) src(%arg9 : memref<128x128xf32, #tpu.memory_space<vmem>>) dst(%dma_wait3A_153 : memref<128x128xf32, #tpu.memory_space<hbm>>)
      tpu.yield
    }) : () -> ()
    %mul3A_123 = arith.constant 584 : i32
    %mul3A_124 = arith.muli %arg1, %mul3A_123 : i32
    %add3A_125 = arith.constant 128 : i32
    %add3A_126 = arith.addi %mul3A_124, %add3A_125 : i32
    "tpu.region"() ({
      %run_scoped3A = tpu.sem_alloc : memref<!tpu.dma_semaphore, #tpu.memory_space<semaphore_mem>>
      %dma_start3A_147 = arith.constant 0 : i32
      %dma_start3A_148 = tpu.memref_slice %arg11[%add3A_126, %dma_start3A_147] : memref<9344x128xf32, #tpu.memory_space<vmem_shared>> -> memref<128x128xf32, #tpu.memory_space<vmem_shared>>
      %dma_start3A_149 = arith.constant 0 : i32
      %dma_start3A_150 = tpu.memref_slice %arg11[%add3A_126, %dma_start3A_149] : memref<9344x128xf32, #tpu.memory_space<vmem_shared>> -> memref<128x128xf32, #tpu.memory_space<vmem_shared>>
      tpu.enqueue_dma source(%dma_start3A_150 : memref<128x128xf32, #tpu.memory_space<vmem_shared>>) target(%arg9 : memref<128x128xf32, #tpu.memory_space<vmem>>) target_semaphore(%run_scoped3A : memref<!tpu.dma_semaphore, #tpu.memory_space<semaphore_mem>>)
      %dma_wait3A = arith.constant 0 : i32
      %dma_wait3A_151 = tpu.memref_slice %arg11[%add3A_126, %dma_wait3A] : memref<9344x128xf32, #tpu.memory_space<vmem_shared>> -> memref<128x128xf32, #tpu.memory_space<vmem_shared>>
      %dma_wait3A_152 = arith.constant 0 : i32
      %dma_wait3A_153 = tpu.memref_slice %arg11[%add3A_126, %dma_wait3A_152] : memref<9344x128xf32, #tpu.memory_space<vmem_shared>> -> memref<128x128xf32, #tpu.memory_space<vmem_shared>>
      tpu.wait_dma2 semaphore(%run_scoped3A : memref<!tpu.dma_semaphore, #tpu.memory_space<semaphore_mem>>) src(%dma_wait3A_153 : memref<128x128xf32, #tpu.memory_space<vmem_shared>>) dst(%arg9 : memref<128x128xf32, #tpu.memory_space<vmem>>)
      tpu.yield
    }) : () -> ()
    %add3A_127 = arith.constant 128 : i32
    %add3A_128 = arith.addi %add3A_116, %add3A_127 : i32
    "tpu.region"() ({
      %run_scoped3A = tpu.sem_alloc : memref<!tpu.dma_semaphore, #tpu.memory_space<semaphore_mem>>
      %dma_start3A_147 = arith.constant 0 : i32
      %dma_start3A_148 = tpu.memref_slice %arg6[%add3A_128, %dma_start3A_147] : memref<18688x128xf32, #tpu.memory_space<hbm>> -> memref<128x128xf32, #tpu.memory_space<hbm>>
      %dma_start3A_149 = arith.constant 0 : i32
      %dma_start3A_150 = tpu.memref_slice %arg6[%add3A_128, %dma_start3A_149] : memref<18688x128xf32, #tpu.memory_space<hbm>> -> memref<128x128xf32, #tpu.memory_space<hbm>>
      tpu.enqueue_dma source(%arg9 : memref<128x128xf32, #tpu.memory_space<vmem>>) target(%dma_start3A_150 : memref<128x128xf32, #tpu.memory_space<hbm>>) target_semaphore(%run_scoped3A : memref<!tpu.dma_semaphore, #tpu.memory_space<semaphore_mem>>)
      %dma_wait3A = arith.constant 0 : i32
      %dma_wait3A_151 = tpu.memref_slice %arg6[%add3A_128, %dma_wait3A] : memref<18688x128xf32, #tpu.memory_space<hbm>> -> memref<128x128xf32, #tpu.memory_space<hbm>>
      %dma_wait3A_152 = arith.constant 0 : i32
      %dma_wait3A_153 = tpu.memref_slice %arg6[%add3A_128, %dma_wait3A_152] : memref<18688x128xf32, #tpu.memory_space<hbm>> -> memref<128x128xf32, #tpu.memory_space<hbm>>
      tpu.wait_dma2 semaphore(%run_scoped3A : memref<!tpu.dma_semaphore, #tpu.memory_space<semaphore_mem>>) src(%arg9 : memref<128x128xf32, #tpu.memory_space<vmem>>) dst(%dma_wait3A_153 : memref<128x128xf32, #tpu.memory_space<hbm>>)
      tpu.yield
    }) : () -> ()
    %mul3A_129 = arith.constant 584 : i32
    %mul3A_130 = arith.muli %arg1, %mul3A_129 : i32
    %add3A_131 = arith.constant 256 : i32
    %add3A_132 = arith.addi %mul3A_130, %add3A_131 : i32
    "tpu.region"() ({
      %run_scoped3A = tpu.sem_alloc : memref<!tpu.dma_semaphore, #tpu.memory_space<semaphore_mem>>
      %dma_start3A_147 = arith.constant 0 : i32
      %dma_start3A_148 = tpu.memref_slice %arg11[%add3A_132, %dma_start3A_147] : memref<9344x128xf32, #tpu.memory_space<vmem_shared>> -> memref<128x128xf32, #tpu.memory_space<vmem_shared>>
      %dma_start3A_149 = arith.constant 0 : i32
      %dma_start3A_150 = tpu.memref_slice %arg11[%add3A_132, %dma_start3A_149] : memref<9344x128xf32, #tpu.memory_space<vmem_shared>> -> memref<128x128xf32, #tpu.memory_space<vmem_shared>>
      tpu.enqueue_dma source(%dma_start3A_150 : memref<128x128xf32, #tpu.memory_space<vmem_shared>>) target(%arg9 : memref<128x128xf32, #tpu.memory_space<vmem>>) target_semaphore(%run_scoped3A : memref<!tpu.dma_semaphore, #tpu.memory_space<semaphore_mem>>)
      %dma_wait3A = arith.constant 0 : i32
      %dma_wait3A_151 = tpu.memref_slice %arg11[%add3A_132, %dma_wait3A] : memref<9344x128xf32, #tpu.memory_space<vmem_shared>> -> memref<128x128xf32, #tpu.memory_space<vmem_shared>>
      %dma_wait3A_152 = arith.constant 0 : i32
      %dma_wait3A_153 = tpu.memref_slice %arg11[%add3A_132, %dma_wait3A_152] : memref<9344x128xf32, #tpu.memory_space<vmem_shared>> -> memref<128x128xf32, #tpu.memory_space<vmem_shared>>
      tpu.wait_dma2 semaphore(%run_scoped3A : memref<!tpu.dma_semaphore, #tpu.memory_space<semaphore_mem>>) src(%dma_wait3A_153 : memref<128x128xf32, #tpu.memory_space<vmem_shared>>) dst(%arg9 : memref<128x128xf32, #tpu.memory_space<vmem>>)
      tpu.yield
    }) : () -> ()
    %add3A_133 = arith.constant 256 : i32
    %add3A_134 = arith.addi %add3A_116, %add3A_133 : i32
    "tpu.region"() ({
      %run_scoped3A = tpu.sem_alloc : memref<!tpu.dma_semaphore, #tpu.memory_space<semaphore_mem>>
      %dma_start3A_147 = arith.constant 0 : i32
      %dma_start3A_148 = tpu.memref_slice %arg6[%add3A_134, %dma_start3A_147] : memref<18688x128xf32, #tpu.memory_space<hbm>> -> memref<128x128xf32, #tpu.memory_space<hbm>>
      %dma_start3A_149 = arith.constant 0 : i32
      %dma_start3A_150 = tpu.memref_slice %arg6[%add3A_134, %dma_start3A_149] : memref<18688x128xf32, #tpu.memory_space<hbm>> -> memref<128x128xf32, #tpu.memory_space<hbm>>
      tpu.enqueue_dma source(%arg9 : memref<128x128xf32, #tpu.memory_space<vmem>>) target(%dma_start3A_150 : memref<128x128xf32, #tpu.memory_space<hbm>>) target_semaphore(%run_scoped3A : memref<!tpu.dma_semaphore, #tpu.memory_space<semaphore_mem>>)
      %dma_wait3A = arith.constant 0 : i32
      %dma_wait3A_151 = tpu.memref_slice %arg6[%add3A_134, %dma_wait3A] : memref<18688x128xf32, #tpu.memory_space<hbm>> -> memref<128x128xf32, #tpu.memory_space<hbm>>
      %dma_wait3A_152 = arith.constant 0 : i32
      %dma_wait3A_153 = tpu.memref_slice %arg6[%add3A_134, %dma_wait3A_152] : memref<18688x128xf32, #tpu.memory_space<hbm>> -> memref<128x128xf32, #tpu.memory_space<hbm>>
      tpu.wait_dma2 semaphore(%run_scoped3A : memref<!tpu.dma_semaphore, #tpu.memory_space<semaphore_mem>>) src(%arg9 : memref<128x128xf32, #tpu.memory_space<vmem>>) dst(%dma_wait3A_153 : memref<128x128xf32, #tpu.memory_space<hbm>>)
      tpu.yield
    }) : () -> ()
    %mul3A_135 = arith.constant 584 : i32
    %mul3A_136 = arith.muli %arg1, %mul3A_135 : i32
    %add3A_137 = arith.constant 384 : i32
    %add3A_138 = arith.addi %mul3A_136, %add3A_137 : i32
    "tpu.region"() ({
      %run_scoped3A = tpu.sem_alloc : memref<!tpu.dma_semaphore, #tpu.memory_space<semaphore_mem>>
      %dma_start3A_147 = arith.constant 0 : i32
      %dma_start3A_148 = tpu.memref_slice %arg11[%add3A_138, %dma_start3A_147] : memref<9344x128xf32, #tpu.memory_space<vmem_shared>> -> memref<128x128xf32, #tpu.memory_space<vmem_shared>>
      %dma_start3A_149 = arith.constant 0 : i32
      %dma_start3A_150 = tpu.memref_slice %arg11[%add3A_138, %dma_start3A_149] : memref<9344x128xf32, #tpu.memory_space<vmem_shared>> -> memref<128x128xf32, #tpu.memory_space<vmem_shared>>
      tpu.enqueue_dma source(%dma_start3A_150 : memref<128x128xf32, #tpu.memory_space<vmem_shared>>) target(%arg9 : memref<128x128xf32, #tpu.memory_space<vmem>>) target_semaphore(%run_scoped3A : memref<!tpu.dma_semaphore, #tpu.memory_space<semaphore_mem>>)
      %dma_wait3A = arith.constant 0 : i32
      %dma_wait3A_151 = tpu.memref_slice %arg11[%add3A_138, %dma_wait3A] : memref<9344x128xf32, #tpu.memory_space<vmem_shared>> -> memref<128x128xf32, #tpu.memory_space<vmem_shared>>
      %dma_wait3A_152 = arith.constant 0 : i32
      %dma_wait3A_153 = tpu.memref_slice %arg11[%add3A_138, %dma_wait3A_152] : memref<9344x128xf32, #tpu.memory_space<vmem_shared>> -> memref<128x128xf32, #tpu.memory_space<vmem_shared>>
      tpu.wait_dma2 semaphore(%run_scoped3A : memref<!tpu.dma_semaphore, #tpu.memory_space<semaphore_mem>>) src(%dma_wait3A_153 : memref<128x128xf32, #tpu.memory_space<vmem_shared>>) dst(%arg9 : memref<128x128xf32, #tpu.memory_space<vmem>>)
      tpu.yield
    }) : () -> ()
    %add3A_139 = arith.constant 384 : i32
    %add3A_140 = arith.addi %add3A_116, %add3A_139 : i32
    "tpu.region"() ({
      %run_scoped3A = tpu.sem_alloc : memref<!tpu.dma_semaphore, #tpu.memory_space<semaphore_mem>>
      %dma_start3A_147 = arith.constant 0 : i32
      %dma_start3A_148 = tpu.memref_slice %arg6[%add3A_140, %dma_start3A_147] : memref<18688x128xf32, #tpu.memory_space<hbm>> -> memref<128x128xf32, #tpu.memory_space<hbm>>
      %dma_start3A_149 = arith.constant 0 : i32
      %dma_start3A_150 = tpu.memref_slice %arg6[%add3A_140, %dma_start3A_149] : memref<18688x128xf32, #tpu.memory_space<hbm>> -> memref<128x128xf32, #tpu.memory_space<hbm>>
      tpu.enqueue_dma source(%arg9 : memref<128x128xf32, #tpu.memory_space<vmem>>) target(%dma_start3A_150 : memref<128x128xf32, #tpu.memory_space<hbm>>) target_semaphore(%run_scoped3A : memref<!tpu.dma_semaphore, #tpu.memory_space<semaphore_mem>>)
      %dma_wait3A = arith.constant 0 : i32
      %dma_wait3A_151 = tpu.memref_slice %arg6[%add3A_140, %dma_wait3A] : memref<18688x128xf32, #tpu.memory_space<hbm>> -> memref<128x128xf32, #tpu.memory_space<hbm>>
      %dma_wait3A_152 = arith.constant 0 : i32
      %dma_wait3A_153 = tpu.memref_slice %arg6[%add3A_140, %dma_wait3A_152] : memref<18688x128xf32, #tpu.memory_space<hbm>> -> memref<128x128xf32, #tpu.memory_space<hbm>>
      tpu.wait_dma2 semaphore(%run_scoped3A : memref<!tpu.dma_semaphore, #tpu.memory_space<semaphore_mem>>) src(%arg9 : memref<128x128xf32, #tpu.memory_space<vmem>>) dst(%dma_wait3A_153 : memref<128x128xf32, #tpu.memory_space<hbm>>)
      tpu.yield
    }) : () -> ()
    %mul3A_141 = arith.constant 584 : i32
    %mul3A_142 = arith.muli %arg1, %mul3A_141 : i32
    %add3A_143 = arith.constant 512 : i32
    %add3A_144 = arith.addi %mul3A_142, %add3A_143 : i32
    "tpu.region"() ({
      %run_scoped3A = tpu.sem_alloc : memref<!tpu.dma_semaphore, #tpu.memory_space<semaphore_mem>>
      %dma_start3A_147 = arith.constant 0 : i32
      %dma_start3A_148 = arith.constant 0 : i32
      %dma_start3A_149 = tpu.memref_slice %arg9[%dma_start3A_147, %dma_start3A_148] : memref<128x128xf32, #tpu.memory_space<vmem>> -> memref<72x128xf32, #tpu.memory_space<vmem>>
      %dma_start3A_150 = arith.constant 0 : i32
      %dma_start3A_151 = tpu.memref_slice %arg11[%add3A_144, %dma_start3A_150] : memref<9344x128xf32, #tpu.memory_space<vmem_shared>> -> memref<72x128xf32, #tpu.memory_space<vmem_shared>>
      %dma_start3A_152 = arith.constant 0 : i32
      %dma_start3A_153 = arith.constant 0 : i32
      %dma_start3A_154 = tpu.memref_slice %arg9[%dma_start3A_152, %dma_start3A_153] : memref<128x128xf32, #tpu.memory_space<vmem>> -> memref<72x128xf32, #tpu.memory_space<vmem>>
      %dma_start3A_155 = arith.constant 0 : i32
      %dma_start3A_156 = tpu.memref_slice %arg11[%add3A_144, %dma_start3A_155] : memref<9344x128xf32, #tpu.memory_space<vmem_shared>> -> memref<72x128xf32, #tpu.memory_space<vmem_shared>>
      tpu.enqueue_dma source(%dma_start3A_156 : memref<72x128xf32, #tpu.memory_space<vmem_shared>>) target(%dma_start3A_154 : memref<72x128xf32, #tpu.memory_space<vmem>>) target_semaphore(%run_scoped3A : memref<!tpu.dma_semaphore, #tpu.memory_space<semaphore_mem>>)
      %dma_wait3A = arith.constant 0 : i32
      %dma_wait3A_157 = arith.constant 0 : i32
      %dma_wait3A_158 = tpu.memref_slice %arg9[%dma_wait3A, %dma_wait3A_157] : memref<128x128xf32, #tpu.memory_space<vmem>> -> memref<72x128xf32, #tpu.memory_space<vmem>>
      %dma_wait3A_159 = arith.constant 0 : i32
      %dma_wait3A_160 = tpu.memref_slice %arg11[%add3A_144, %dma_wait3A_159] : memref<9344x128xf32, #tpu.memory_space<vmem_shared>> -> memref<72x128xf32, #tpu.memory_space<vmem_shared>>
      %dma_wait3A_161 = arith.constant 0 : i32
      %dma_wait3A_162 = arith.constant 0 : i32
      %dma_wait3A_163 = tpu.memref_slice %arg9[%dma_wait3A_161, %dma_wait3A_162] : memref<128x128xf32, #tpu.memory_space<vmem>> -> memref<72x128xf32, #tpu.memory_space<vmem>>
      %dma_wait3A_164 = arith.constant 0 : i32
      %dma_wait3A_165 = tpu.memref_slice %arg11[%add3A_144, %dma_wait3A_164] : memref<9344x128xf32, #tpu.memory_space<vmem_shared>> -> memref<72x128xf32, #tpu.memory_space<vmem_shared>>
      tpu.wait_dma2 semaphore(%run_scoped3A : memref<!tpu.dma_semaphore, #tpu.memory_space<semaphore_mem>>) src(%dma_wait3A_165 : memref<72x128xf32, #tpu.memory_space<vmem_shared>>) dst(%dma_wait3A_163 : memref<72x128xf32, #tpu.memory_space<vmem>>)
      tpu.yield
    }) : () -> ()
    %add3A_145 = arith.constant 512 : i32
    %add3A_146 = arith.addi %add3A_116, %add3A_145 : i32
    "tpu.region"() ({
      %run_scoped3A = tpu.sem_alloc : memref<!tpu.dma_semaphore, #tpu.memory_space<semaphore_mem>>
      %dma_start3A_147 = arith.constant 0 : i32
      %dma_start3A_148 = arith.constant 0 : i32
      %dma_start3A_149 = tpu.memref_slice %arg9[%dma_start3A_147, %dma_start3A_148] : memref<128x128xf32, #tpu.memory_space<vmem>> -> memref<72x128xf32, #tpu.memory_space<vmem>>
      %dma_start3A_150 = arith.constant 0 : i32
      %dma_start3A_151 = tpu.memref_slice %arg6[%add3A_146, %dma_start3A_150] : memref<18688x128xf32, #tpu.memory_space<hbm>> -> memref<72x128xf32, #tpu.memory_space<hbm>>
      %dma_start3A_152 = arith.constant 0 : i32
      %dma_start3A_153 = tpu.memref_slice %arg6[%add3A_146, %dma_start3A_152] : memref<18688x128xf32, #tpu.memory_space<hbm>> -> memref<72x128xf32, #tpu.memory_space<hbm>>
      %dma_start3A_154 = arith.constant 0 : i32
      %dma_start3A_155 = arith.constant 0 : i32
      %dma_start3A_156 = tpu.memref_slice %arg9[%dma_start3A_154, %dma_start3A_155] : memref<128x128xf32, #tpu.memory_space<vmem>> -> memref<72x128xf32, #tpu.memory_space<vmem>>
      tpu.enqueue_dma source(%dma_start3A_156 : memref<72x128xf32, #tpu.memory_space<vmem>>) target(%dma_start3A_153 : memref<72x128xf32, #tpu.memory_space<hbm>>) target_semaphore(%run_scoped3A : memref<!tpu.dma_semaphore, #tpu.memory_space<semaphore_mem>>)
      %dma_wait3A = arith.constant 0 : i32
      %dma_wait3A_157 = arith.constant 0 : i32
      %dma_wait3A_158 = tpu.memref_slice %arg9[%dma_wait3A, %dma_wait3A_157] : memref<128x128xf32, #tpu.memory_space<vmem>> -> memref<72x128xf32, #tpu.memory_space<vmem>>
      %dma_wait3A_159 = arith.constant 0 : i32
      %dma_wait3A_160 = tpu.memref_slice %arg6[%add3A_146, %dma_wait3A_159] : memref<18688x128xf32, #tpu.memory_space<hbm>> -> memref<72x128xf32, #tpu.memory_space<hbm>>
      %dma_wait3A_161 = arith.constant 0 : i32
      %dma_wait3A_162 = tpu.memref_slice %arg6[%add3A_146, %dma_wait3A_161] : memref<18688x128xf32, #tpu.memory_space<hbm>> -> memref<72x128xf32, #tpu.memory_space<hbm>>
      %dma_wait3A_163 = arith.constant 0 : i32
      %dma_wait3A_164 = arith.constant 0 : i32
      %dma_wait3A_165 = tpu.memref_slice %arg9[%dma_wait3A_163, %dma_wait3A_164] : memref<128x128xf32, #tpu.memory_space<vmem>> -> memref<72x128xf32, #tpu.memory_space<vmem>>
      tpu.wait_dma2 semaphore(%run_scoped3A : memref<!tpu.dma_semaphore, #tpu.memory_space<semaphore_mem>>) src(%dma_wait3A_165 : memref<72x128xf32, #tpu.memory_space<vmem>>) dst(%dma_wait3A_162 : memref<72x128xf32, #tpu.memory_space<hbm>>)
      tpu.yield
    }) : () -> ()
    return
  }
}

module attributes {stable_mosaic.version = 14 : i64} {
  func.func @_tca_body(%arg0: i32, %arg1: memref<2336x2xf32, #tpu.memory_space<vmem>>, %arg2: memref<2336x12xf32, #tpu.memory_space<vmem>>, %arg3: memref<3x32xf32, #tpu.memory_space<vmem>>, %arg4: memref<1x32xf32, #tpu.memory_space<vmem>>, %arg5: memref<32x64xf32, #tpu.memory_space<vmem>>, %arg6: memref<2x2336x128xf32, #tpu.memory_space<vmem>>, %arg7: memref<2336x1xf32, #tpu.memory_space<vmem>>) attributes {dimension_semantics = [#tpu.dimension_semantics<arbitrary>], iteration_bounds = array<i64: 4>, scalar_prefetch = 0 : i64, scratch_operands = 0 : i64, tpu.core_type = #tpu.core_type<tc>, window_params = [{transform_indices = @transform_0, window_bounds = array<i64: 2336, 2>}, {transform_indices = @transform_1, window_bounds = array<i64: 2336, 12>}, {pipeline_mode = #tpu.pipeline_mode<synchronous>, transform_indices = @transform_2, window_bounds = array<i64: 3, 32>}, {pipeline_mode = #tpu.pipeline_mode<synchronous>, transform_indices = @transform_3, window_bounds = array<i64: 1, 32>}, {pipeline_mode = #tpu.pipeline_mode<synchronous>, transform_indices = @transform_4, window_bounds = array<i64: 32, 64>}, {transform_indices = @transform_5, window_bounds = array<i64: 2, 2336, 128>}, {transform_indices = @transform_6, window_bounds = array<i64: 2336, 1>}]} {
    %get3A = arith.constant 0 : index
    %get3A_0 = arith.constant 0 : index
    %get3A_1 = vector.load %arg1[%get3A, %get3A_0] : memref<2336x2xf32, #tpu.memory_space<vmem>>, vector<2336x2xf32>
    %slice3A = vector.extract_strided_slice %get3A_1 {offsets = [0, 0], sizes = [2336, 1], strides = [1, 1]} : vector<2336x2xf32> to vector<2336x1xf32>
    %slice3A_2 = vector.extract_strided_slice %get3A_1 {offsets = [0, 1], sizes = [2336, 1], strides = [1, 1]} : vector<2336x2xf32> to vector<2336x1xf32>
    %add3A = arith.addf %slice3A, %slice3A_2 : vector<2336x1xf32>
    %add3A_3 = arith.constant 1.000000e+00 : f32
    %add3A_4 = vector.broadcast %add3A_3 : f32 to vector<2336x1xf32>
    %add3A_5 = arith.addf %add3A, %add3A_4 : vector<2336x1xf32>
    %mul3A = arith.constant 2336 : i32
    %mul3A_6 = arith.muli %arg0, %mul3A : i32
    %iota3A = tpu.iota {dimensions = array<i32: 0>} : vector<2336x1xi32>
    %add3A_7 = vector.broadcast %mul3A_6 : i32 to vector<2336x1xi32>
    %add3A_8 = arith.addi %add3A_7, %iota3A : vector<2336x1xi32>
    %lt3A = arith.constant 9229 : i32
    %lt3A_9 = vector.broadcast %lt3A : i32 to vector<2336x1xi32>
    %lt3A_10 = arith.cmpi slt, %add3A_8, %lt3A_9 : vector<2336x1xi32>
    %sqrt3A = math.sqrt %add3A_5 : vector<2336x1xf32>
    %div3A = arith.constant 1.000000e+00 : f32
    %div3A_11 = vector.broadcast %div3A : f32 to vector<2336x1xf32>
    %div3A_12 = arith.divf %div3A_11, %sqrt3A : vector<2336x1xf32>
    %jit3A = arith.constant 0.000000e+00 : f32
    %broadcast_in_dim3A = vector.broadcast %jit3A : f32 to vector<2336x1xf32>
    %select_n3A = arith.select %lt3A_10, %div3A_12, %broadcast_in_dim3A : vector<2336x1xi1>, vector<2336x1xf32>
    %get3A_13 = arith.constant 0 : index
    %get3A_14 = arith.constant 0 : index
    %get3A_15 = vector.load %arg5[%get3A_13, %get3A_14] : memref<32x64xf32, #tpu.memory_space<vmem>>, vector<32x64xf32>
    %get3A_16 = arith.constant 0 : index
    %get3A_17 = arith.constant 0 : index
    %get3A_18 = vector.load %arg3[%get3A_16, %get3A_17] : memref<3x32xf32, #tpu.memory_space<vmem>>, vector<3x32xf32>
    %dot_general3A = arith.constant dense<0.000000e+00> : vector<3x64xf32>
    %dot_general3A_19 = tpu.matmul %get3A_18, %get3A_15, %dot_general3A {dimension_numbers = #tpu.dot_dimension_numbers<[1], [0], [0], [1], [0, 0, 1, 1], [], []>, transpose_lhs_hint = false} : vector<3x32xf32>, vector<32x64xf32>, vector<3x64xf32> -> vector<3x64xf32>
    %get3A_20 = arith.constant 0 : index
    %get3A_21 = arith.constant 0 : index
    %get3A_22 = vector.load %arg4[%get3A_20, %get3A_21] : memref<1x32xf32, #tpu.memory_space<vmem>>, vector<1x32xf32>
    %dot_general3A_23 = arith.constant dense<0.000000e+00> : vector<1x64xf32>
    %dot_general3A_24 = tpu.matmul %get3A_22, %get3A_15, %dot_general3A_23 {dimension_numbers = #tpu.dot_dimension_numbers<[1], [0], [0], [1], [0, 0, 1, 1], [], []>, transpose_lhs_hint = false} : vector<1x32xf32>, vector<32x64xf32>, vector<1x64xf32> -> vector<1x64xf32>
    %get3A_25 = arith.constant 0 : index
    %get3A_26 = arith.constant 0 : index
    %get3A_27 = vector.load %arg2[%get3A_25, %get3A_26] : memref<2336x12xf32, #tpu.memory_space<vmem>>, vector<2336x12xf32>
    %slice3A_28 = vector.extract_strided_slice %get3A_27 {offsets = [0, 0], sizes = [2336, 3], strides = [1, 1]} : vector<2336x12xf32> to vector<2336x3xf32>
    %dot_general3A_29 = arith.constant dense<0.000000e+00> : vector<2336x64xf32>
    %dot_general3A_30 = tpu.matmul %slice3A_28, %dot_general3A_19, %dot_general3A_29 {dimension_numbers = #tpu.dot_dimension_numbers<[1], [0], [0], [1], [0, 0, 1, 1], [], []>, transpose_lhs_hint = false} : vector<2336x3xf32>, vector<3x64xf32>, vector<2336x64xf32> -> vector<2336x64xf32>
    %add3A_31 = vector.broadcast %dot_general3A_24 : vector<1x64xf32> to vector<2336x64xf32>
    %add3A_32 = arith.addf %dot_general3A_30, %add3A_31 : vector<2336x64xf32>
    %mul3A_33 = vector.broadcast %select_n3A : vector<2336x1xf32> to vector<2336x64xf32>
    %mul3A_34 = arith.mulf %mul3A_33, %add3A_32 : vector<2336x64xf32>
    %slice3A_35 = vector.extract_strided_slice %get3A_27 {offsets = [0, 3], sizes = [2336, 3], strides = [1, 1]} : vector<2336x12xf32> to vector<2336x3xf32>
    %dot_general3A_36 = arith.constant dense<0.000000e+00> : vector<2336x64xf32>
    %dot_general3A_37 = tpu.matmul %slice3A_35, %dot_general3A_19, %dot_general3A_36 {dimension_numbers = #tpu.dot_dimension_numbers<[1], [0], [0], [1], [0, 0, 1, 1], [], []>, transpose_lhs_hint = false} : vector<2336x3xf32>, vector<3x64xf32>, vector<2336x64xf32> -> vector<2336x64xf32>
    %add3A_38 = vector.broadcast %dot_general3A_24 : vector<1x64xf32> to vector<2336x64xf32>
    %add3A_39 = arith.addf %dot_general3A_37, %add3A_38 : vector<2336x64xf32>
    %mul3A_40 = vector.broadcast %select_n3A : vector<2336x1xf32> to vector<2336x64xf32>
    %mul3A_41 = arith.mulf %mul3A_40, %add3A_39 : vector<2336x64xf32>
    %slice3A_42 = vector.extract_strided_slice %get3A_27 {offsets = [0, 6], sizes = [2336, 3], strides = [1, 1]} : vector<2336x12xf32> to vector<2336x3xf32>
    %dot_general3A_43 = arith.constant dense<0.000000e+00> : vector<2336x64xf32>
    %dot_general3A_44 = tpu.matmul %slice3A_42, %dot_general3A_19, %dot_general3A_43 {dimension_numbers = #tpu.dot_dimension_numbers<[1], [0], [0], [1], [0, 0, 1, 1], [], []>, transpose_lhs_hint = false} : vector<2336x3xf32>, vector<3x64xf32>, vector<2336x64xf32> -> vector<2336x64xf32>
    %add3A_45 = vector.broadcast %dot_general3A_24 : vector<1x64xf32> to vector<2336x64xf32>
    %add3A_46 = arith.addf %dot_general3A_44, %add3A_45 : vector<2336x64xf32>
    %mul3A_47 = vector.broadcast %select_n3A : vector<2336x1xf32> to vector<2336x64xf32>
    %mul3A_48 = arith.mulf %mul3A_47, %add3A_46 : vector<2336x64xf32>
    %slice3A_49 = vector.extract_strided_slice %get3A_27 {offsets = [0, 9], sizes = [2336, 3], strides = [1, 1]} : vector<2336x12xf32> to vector<2336x3xf32>
    %dot_general3A_50 = arith.constant dense<0.000000e+00> : vector<2336x64xf32>
    %dot_general3A_51 = tpu.matmul %slice3A_49, %dot_general3A_19, %dot_general3A_50 {dimension_numbers = #tpu.dot_dimension_numbers<[1], [0], [0], [1], [0, 0, 1, 1], [], []>, transpose_lhs_hint = false} : vector<2336x3xf32>, vector<3x64xf32>, vector<2336x64xf32> -> vector<2336x64xf32>
    %add3A_52 = vector.broadcast %dot_general3A_24 : vector<1x64xf32> to vector<2336x64xf32>
    %add3A_53 = arith.addf %dot_general3A_51, %add3A_52 : vector<2336x64xf32>
    %mul3A_54 = vector.broadcast %select_n3A : vector<2336x1xf32> to vector<2336x64xf32>
    %mul3A_55 = arith.mulf %mul3A_54, %add3A_53 : vector<2336x64xf32>
    %concatenate3A = tpu.concatenate %mul3A_34, %mul3A_41 in 1 : vector<2336x64xf32>, vector<2336x64xf32> -> vector<2336x128xf32>
    %swap3A = arith.constant 0 : index
    %swap3A_56 = arith.constant 0 : index
    %swap3A_57 = arith.constant 0 : index
    %swap3A_58 = vector.load %arg6[%swap3A, %swap3A_56, %swap3A_57] : memref<2x2336x128xf32, #tpu.memory_space<vmem>>, vector<1x2336x128xf32>
    %swap3A_59 = vector.shape_cast %swap3A_58 : vector<1x2336x128xf32> to vector<2336x128xf32>
    %swap3A_60 = vector.shape_cast %concatenate3A : vector<2336x128xf32> to vector<1x2336x128xf32>
    tpu.vector_store %arg6[%swap3A, %swap3A_56, %swap3A_57], %swap3A_60 {strides = array<i32>} : memref<2x2336x128xf32, #tpu.memory_space<vmem>>, vector<1x2336x128xf32>,
    %concatenate3A_61 = tpu.concatenate %mul3A_48, %mul3A_55 in 1 : vector<2336x64xf32>, vector<2336x64xf32> -> vector<2336x128xf32>
    %swap3A_62 = arith.constant 1 : index
    %swap3A_63 = arith.constant 0 : index
    %swap3A_64 = arith.constant 0 : index
    %swap3A_65 = vector.load %arg6[%swap3A_62, %swap3A_63, %swap3A_64] : memref<2x2336x128xf32, #tpu.memory_space<vmem>>, vector<1x2336x128xf32>
    %swap3A_66 = vector.shape_cast %swap3A_65 : vector<1x2336x128xf32> to vector<2336x128xf32>
    %swap3A_67 = vector.shape_cast %concatenate3A_61 : vector<2336x128xf32> to vector<1x2336x128xf32>
    tpu.vector_store %arg6[%swap3A_62, %swap3A_63, %swap3A_64], %swap3A_67 {strides = array<i32>} : memref<2x2336x128xf32, #tpu.memory_space<vmem>>, vector<1x2336x128xf32>,
    %swap3A_68 = arith.constant 0 : index
    %swap3A_69 = arith.constant 0 : index
    %swap3A_70 = vector.load %arg7[%swap3A_68, %swap3A_69] : memref<2336x1xf32, #tpu.memory_space<vmem>>, vector<2336x1xf32>
    tpu.vector_store %arg7[%swap3A_68, %swap3A_69], %select_n3A {strides = array<i32>} : memref<2336x1xf32, #tpu.memory_space<vmem>>, vector<2336x1xf32>,
    return
  }
  func.func @transform_0(%arg0: i32) -> (i32, i32) {
    %c0_i32 = arith.constant 0 : i32
    %c0_i32_0 = arith.constant 0 : i32
    return %arg0, %c0_i32 : i32, i32
  }
  func.func @transform_1(%arg0: i32) -> (i32, i32) {
    %c0_i32 = arith.constant 0 : i32
    %c0_i32_0 = arith.constant 0 : i32
    return %arg0, %c0_i32 : i32, i32
  }
  func.func @transform_2(%arg0: i32) -> (i32, i32) {
    %c0_i32 = arith.constant 0 : i32
    %c0_i32_0 = arith.constant 0 : i32
    %c0_i32_1 = arith.constant 0 : i32
    return %c0_i32, %c0_i32_0 : i32, i32
  }
  func.func @transform_3(%arg0: i32) -> (i32, i32) {
    %c0_i32 = arith.constant 0 : i32
    %c0_i32_0 = arith.constant 0 : i32
    %c0_i32_1 = arith.constant 0 : i32
    return %c0_i32, %c0_i32_0 : i32, i32
  }
  func.func @transform_4(%arg0: i32) -> (i32, i32) {
    %c0_i32 = arith.constant 0 : i32
    %c0_i32_0 = arith.constant 0 : i32
    %c0_i32_1 = arith.constant 0 : i32
    return %c0_i32, %c0_i32_0 : i32, i32
  }
  func.func @transform_5(%arg0: i32) -> (i32, i32, i32) {
    %c0_i32 = arith.constant 0 : i32
    %c0_i32_0 = arith.constant 0 : i32
    %c0_i32_1 = arith.constant 0 : i32
    return %c0_i32, %arg0, %c0_i32_0 : i32, i32, i32
  }
  func.func @transform_6(%arg0: i32) -> (i32, i32) {
    %c0_i32 = arith.constant 0 : i32
    %c0_i32_0 = arith.constant 0 : i32
    return %arg0, %c0_i32 : i32, i32
  }
}

module attributes {stable_mosaic.version = 14 : i64} {
  func.func @_tcb_body(%arg0: i32, %arg1: i32, %arg2: memref<2336x128xf32, #tpu.memory_space<vmem>>, %arg3: memref<2336x128xf32, #tpu.memory_space<vmem>>, %arg4: memref<2336x1xf32, #tpu.memory_space<vmem>>, %arg5: memref<1x64xf32, #tpu.memory_space<vmem>>, %arg6: memref<64x64xf32, #tpu.memory_space<vmem>>, %arg7: memref<2336x128xf32, #tpu.memory_space<vmem>>) attributes {dimension_semantics = [#tpu.dimension_semantics<arbitrary>, #tpu.dimension_semantics<arbitrary>], iteration_bounds = array<i64: 2, 4>, scalar_prefetch = 0 : i64, scratch_operands = 0 : i64, tpu.core_type = #tpu.core_type<tc>, window_params = [{transform_indices = @transform_0, window_bounds = array<i64: 2336, 128>}, {transform_indices = @transform_1, window_bounds = array<i64: 2336, 128>}, {transform_indices = @transform_2, window_bounds = array<i64: 2336, 1>}, {pipeline_mode = #tpu.pipeline_mode<synchronous>, transform_indices = @transform_3, window_bounds = array<i64: 1, 64>}, {pipeline_mode = #tpu.pipeline_mode<synchronous>, transform_indices = @transform_4, window_bounds = array<i64: 64, 64>}, {transform_indices = @transform_5, window_bounds = array<i64: 2336, 128>}]} {
    %get3A = arith.constant 0 : index
    %get3A_0 = arith.constant 0 : index
    %get3A_1 = vector.load %arg4[%get3A, %get3A_0] : memref<2336x1xf32, #tpu.memory_space<vmem>>, vector<2336x1xf32>
    %get3A_2 = arith.constant 0 : index
    %get3A_3 = arith.constant 0 : index
    %get3A_4 = vector.load %arg5[%get3A_2, %get3A_3] : memref<1x64xf32, #tpu.memory_space<vmem>>, vector<1x64xf32>
    %get3A_5 = arith.constant 0 : index
    %get3A_6 = arith.constant 0 : index
    %get3A_7 = vector.load %arg6[%get3A_5, %get3A_6] : memref<64x64xf32, #tpu.memory_space<vmem>>, vector<64x64xf32>
    %get3A_8 = arith.constant 0 : index
    %get3A_9 = arith.constant 0 : index
    %get3A_10 = vector.load %arg2[%get3A_8, %get3A_9] : memref<2336x128xf32, #tpu.memory_space<vmem>>, vector<2336x64xf32>
    %get3A_11 = arith.constant 0 : index
    %get3A_12 = arith.constant 0 : index
    %get3A_13 = vector.load %arg3[%get3A_11, %get3A_12] : memref<2336x128xf32, #tpu.memory_space<vmem>>, vector<2336x64xf32>
    %add3A = arith.addf %get3A_10, %get3A_13 : vector<2336x64xf32>
    %mul3A = vector.broadcast %get3A_1 : vector<2336x1xf32> to vector<2336x64xf32>
    %mul3A_14 = arith.mulf %mul3A, %add3A : vector<2336x64xf32>
    %add3A_15 = vector.broadcast %get3A_4 : vector<1x64xf32> to vector<2336x64xf32>
    %add3A_16 = arith.addf %mul3A_14, %add3A_15 : vector<2336x64xf32>
    %max3A = arith.constant 0.000000e+00 : f32
    %max3A_17 = vector.broadcast %max3A : f32 to vector<2336x64xf32>
    %max3A_18 = arith.maximumf %add3A_16, %max3A_17 : vector<2336x64xf32>
    %dot_general3A = arith.constant dense<0.000000e+00> : vector<2336x64xf32>
    %dot_general3A_19 = tpu.matmul %max3A_18, %get3A_7, %dot_general3A {dimension_numbers = #tpu.dot_dimension_numbers<[1], [0], [0], [1], [0, 0, 1, 1], [], []>, transpose_lhs_hint = false} : vector<2336x64xf32>, vector<64x64xf32>, vector<2336x64xf32> -> vector<2336x64xf32>
    %mul3A_20 = vector.broadcast %get3A_1 : vector<2336x1xf32> to vector<2336x64xf32>
    %mul3A_21 = arith.mulf %mul3A_20, %dot_general3A_19 : vector<2336x64xf32>
    %swap3A = arith.constant 0 : index
    %swap3A_22 = arith.constant 0 : index
    %swap3A_23 = vector.load %arg7[%swap3A, %swap3A_22] : memref<2336x128xf32, #tpu.memory_space<vmem>>, vector<2336x64xf32>
    tpu.vector_store %arg7[%swap3A, %swap3A_22], %mul3A_21 {strides = array<i32>} : memref<2336x128xf32, #tpu.memory_space<vmem>>, vector<2336x64xf32>,
    %get3A_24 = arith.constant 0 : index
    %get3A_25 = arith.constant 64 : index
    %get3A_26 = vector.load %arg2[%get3A_24, %get3A_25] : memref<2336x128xf32, #tpu.memory_space<vmem>>, vector<2336x64xf32>
    %get3A_27 = arith.constant 0 : index
    %get3A_28 = arith.constant 64 : index
    %get3A_29 = vector.load %arg3[%get3A_27, %get3A_28] : memref<2336x128xf32, #tpu.memory_space<vmem>>, vector<2336x64xf32>
    %add3A_30 = arith.addf %get3A_26, %get3A_29 : vector<2336x64xf32>
    %mul3A_31 = vector.broadcast %get3A_1 : vector<2336x1xf32> to vector<2336x64xf32>
    %mul3A_32 = arith.mulf %mul3A_31, %add3A_30 : vector<2336x64xf32>
    %add3A_33 = vector.broadcast %get3A_4 : vector<1x64xf32> to vector<2336x64xf32>
    %add3A_34 = arith.addf %mul3A_32, %add3A_33 : vector<2336x64xf32>
    %max3A_35 = arith.constant 0.000000e+00 : f32
    %max3A_36 = vector.broadcast %max3A_35 : f32 to vector<2336x64xf32>
    %max3A_37 = arith.maximumf %add3A_34, %max3A_36 : vector<2336x64xf32>
    %dot_general3A_38 = arith.constant dense<0.000000e+00> : vector<2336x64xf32>
    %dot_general3A_39 = tpu.matmul %max3A_37, %get3A_7, %dot_general3A_38 {dimension_numbers = #tpu.dot_dimension_numbers<[1], [0], [0], [1], [0, 0, 1, 1], [], []>, transpose_lhs_hint = false} : vector<2336x64xf32>, vector<64x64xf32>, vector<2336x64xf32> -> vector<2336x64xf32>
    %mul3A_40 = vector.broadcast %get3A_1 : vector<2336x1xf32> to vector<2336x64xf32>
    %mul3A_41 = arith.mulf %mul3A_40, %dot_general3A_39 : vector<2336x64xf32>
    %swap3A_42 = arith.constant 0 : index
    %swap3A_43 = arith.constant 64 : index
    %swap3A_44 = vector.load %arg7[%swap3A_42, %swap3A_43] : memref<2336x128xf32, #tpu.memory_space<vmem>>, vector<2336x64xf32>
    tpu.vector_store %arg7[%swap3A_42, %swap3A_43], %mul3A_41 {strides = array<i32>} : memref<2336x128xf32, #tpu.memory_space<vmem>>, vector<2336x64xf32>,
    return
  }
  func.func @transform_0(%arg0: i32, %arg1: i32) -> (i32, i32) {
    %mul3A = arith.constant 4 : i32
    %mul3A_0 = arith.muli %arg0, %mul3A : i32
    %add3A = arith.addi %mul3A_0, %arg1 : i32
    %c0_i32 = arith.constant 0 : i32
    %c0_i32_1 = arith.constant 0 : i32
    return %add3A, %c0_i32 : i32, i32
  }
  func.func @transform_1(%arg0: i32, %arg1: i32) -> (i32, i32) {
    %mul3A = arith.constant 4 : i32
    %mul3A_0 = arith.muli %arg0, %mul3A : i32
    %add3A = arith.addi %mul3A_0, %arg1 : i32
    %c0_i32 = arith.constant 0 : i32
    %c0_i32_1 = arith.constant 0 : i32
    return %add3A, %c0_i32 : i32, i32
  }
  func.func @transform_2(%arg0: i32, %arg1: i32) -> (i32, i32) {
    %c0_i32 = arith.constant 0 : i32
    %c0_i32_0 = arith.constant 0 : i32
    return %arg1, %c0_i32 : i32, i32
  }
  func.func @transform_3(%arg0: i32, %arg1: i32) -> (i32, i32) {
    %c0_i32 = arith.constant 0 : i32
    %c0_i32_0 = arith.constant 0 : i32
    %c0_i32_1 = arith.constant 0 : i32
    return %c0_i32, %c0_i32_0 : i32, i32
  }
  func.func @transform_4(%arg0: i32, %arg1: i32) -> (i32, i32) {
    %c0_i32 = arith.constant 0 : i32
    %c0_i32_0 = arith.constant 0 : i32
    %c0_i32_1 = arith.constant 0 : i32
    return %c0_i32, %c0_i32_0 : i32, i32
  }
  func.func @transform_5(%arg0: i32, %arg1: i32) -> (i32, i32) {
    %mul3A = arith.constant 4 : i32
    %mul3A_0 = arith.muli %arg0, %mul3A : i32
    %add3A = arith.addi %mul3A_0, %arg1 : i32
    %c0_i32 = arith.constant 0 : i32
    %c0_i32_1 = arith.constant 0 : i32
    return %add3A, %c0_i32 : i32, i32
  }
}

module attributes {stable_mosaic.version = 14 : i64} {
  func.func @_tcc_body(%arg0: memref<18688x128xf32, #tpu.memory_space<vmem>>, %arg1: memref<18688x128xf32, #tpu.memory_space<vmem>>, %arg2: memref<9344x1xf32, #tpu.memory_space<vmem>>, %arg3: memref<1x64xf32, #tpu.memory_space<vmem>>, %arg4: memref<64x1xf32, #tpu.memory_space<vmem>>, %arg5: memref<1x1xf32, #tpu.memory_space<vmem>>, %arg6: memref<4x1xf32, #tpu.memory_space<vmem>>) attributes {dimension_semantics = [], scalar_prefetch = 0 : i64, scratch_operands = 0 : i64, tpu.core_type = #tpu.core_type<tc>} {
    %get3A = arith.constant 0 : index
    %get3A_0 = arith.constant 0 : index
    %get3A_1 = vector.load %arg2[%get3A, %get3A_0] : memref<9344x1xf32, #tpu.memory_space<vmem>>, vector<9344x1xf32>
    %get3A_2 = arith.constant 0 : index
    %get3A_3 = arith.constant 0 : index
    %get3A_4 = vector.load %arg3[%get3A_2, %get3A_3] : memref<1x64xf32, #tpu.memory_space<vmem>>, vector<1x64xf32>
    %get3A_5 = arith.constant 0 : index
    %get3A_6 = arith.constant 0 : index
    %get3A_7 = vector.load %arg4[%get3A_5, %get3A_6] : memref<64x1xf32, #tpu.memory_space<vmem>>, vector<64x1xf32>
    %get3A_8 = arith.constant 0 : index
    %get3A_9 = arith.constant 0 : index
    %get3A_10 = vector.load %arg5[%get3A_8, %get3A_9] : memref<1x1xf32, #tpu.memory_space<vmem>>, vector<1x1xf32>
    %iota3A = tpu.iota {dimensions = array<i32: 0>} : vector<9344x1xi32>
    %lt3A = arith.constant 9229 : i32
    %lt3A_11 = vector.broadcast %lt3A : i32 to vector<9344x1xi32>
    %lt3A_12 = arith.cmpi slt, %iota3A, %lt3A_11 : vector<9344x1xi32>
    %get3A_13 = arith.constant 0 : index
    %get3A_14 = arith.constant 0 : index
    %get3A_15 = vector.load %arg0[%get3A_13, %get3A_14] : memref<18688x128xf32, #tpu.memory_space<vmem>>, vector<9344x128xf32>
    %get3A_16 = arith.constant 0 : index
    %get3A_17 = arith.constant 0 : index
    %get3A_18 = vector.load %arg1[%get3A_16, %get3A_17] : memref<18688x128xf32, #tpu.memory_space<vmem>>, vector<9344x128xf32>
    %slice3A = vector.extract_strided_slice %get3A_15 {offsets = [0, 0], sizes = [9344, 64], strides = [1, 1]} : vector<9344x128xf32> to vector<9344x64xf32>
    %slice3A_19 = vector.extract_strided_slice %get3A_18 {offsets = [0, 0], sizes = [9344, 64], strides = [1, 1]} : vector<9344x128xf32> to vector<9344x64xf32>
    %add3A = arith.addf %slice3A, %slice3A_19 : vector<9344x64xf32>
    %mul3A = vector.broadcast %get3A_1 : vector<9344x1xf32> to vector<9344x64xf32>
    %mul3A_20 = arith.mulf %mul3A, %add3A : vector<9344x64xf32>
    %add3A_21 = vector.broadcast %get3A_4 : vector<1x64xf32> to vector<9344x64xf32>
    %add3A_22 = arith.addf %mul3A_20, %add3A_21 : vector<9344x64xf32>
    %max3A = arith.constant 0.000000e+00 : f32
    %max3A_23 = vector.broadcast %max3A : f32 to vector<9344x64xf32>
    %max3A_24 = arith.maximumf %add3A_22, %max3A_23 : vector<9344x64xf32>
    %jit3A = arith.constant 0.000000e+00 : f32
    %broadcast_in_dim3A = vector.shape_cast %lt3A_12 : vector<9344x1xi1> to vector<9344x1xi1>
    %broadcast_in_dim3A_25 = vector.broadcast %broadcast_in_dim3A : vector<9344x1xi1> to vector<9344x64xi1>
    %broadcast_in_dim3A_26 = vector.broadcast %jit3A : f32 to vector<9344x64xf32>
    %select_n3A = arith.select %broadcast_in_dim3A_25, %max3A_24, %broadcast_in_dim3A_26 : vector<9344x64xi1>, vector<9344x64xf32>
    %reduce_sum3A = arith.constant dense<0.000000e+00> : vector<64xf32>
    %reduce_sum3A_27 = vector.multi_reduction <add>, %select_n3A, %reduce_sum3A [0] : vector<9344x64xf32> to vector<64xf32>
    %broadcast_in_dim3A_28 = vector.shape_cast %reduce_sum3A_27 : vector<64xf32> to vector<1x64xf32>
    %mul3A_29 = arith.constant 1.08354099E-4 : f32
    %mul3A_30 = vector.broadcast %mul3A_29 : f32 to vector<1x64xf32>
    %mul3A_31 = arith.mulf %broadcast_in_dim3A_28, %mul3A_30 : vector<1x64xf32>
    %dot_general3A = arith.constant dense<0.000000e+00> : vector<1x1xf32>
    %dot_general3A_32 = tpu.matmul %mul3A_31, %get3A_7, %dot_general3A {dimension_numbers = #tpu.dot_dimension_numbers<[1], [0], [0], [1], [0, 0, 1, 1], [], []>, transpose_lhs_hint = false} : vector<1x64xf32>, vector<64x1xf32>, vector<1x1xf32> -> vector<1x1xf32>
    %add3A_33 = arith.addf %dot_general3A_32, %get3A_10 : vector<1x1xf32>
    %slice3A_34 = vector.extract_strided_slice %get3A_15 {offsets = [0, 64], sizes = [9344, 64], strides = [1, 1]} : vector<9344x128xf32> to vector<9344x64xf32>
    %slice3A_35 = vector.extract_strided_slice %get3A_18 {offsets = [0, 64], sizes = [9344, 64], strides = [1, 1]} : vector<9344x128xf32> to vector<9344x64xf32>
    %add3A_36 = arith.addf %slice3A_34, %slice3A_35 : vector<9344x64xf32>
    %mul3A_37 = vector.broadcast %get3A_1 : vector<9344x1xf32> to vector<9344x64xf32>
    %mul3A_38 = arith.mulf %mul3A_37, %add3A_36 : vector<9344x64xf32>
    %add3A_39 = vector.broadcast %get3A_4 : vector<1x64xf32> to vector<9344x64xf32>
    %add3A_40 = arith.addf %mul3A_38, %add3A_39 : vector<9344x64xf32>
    %max3A_41 = arith.constant 0.000000e+00 : f32
    %max3A_42 = vector.broadcast %max3A_41 : f32 to vector<9344x64xf32>
    %max3A_43 = arith.maximumf %add3A_40, %max3A_42 : vector<9344x64xf32>
    %jit3A_44 = arith.constant 0.000000e+00 : f32
    %broadcast_in_dim3A_45 = vector.shape_cast %lt3A_12 : vector<9344x1xi1> to vector<9344x1xi1>
    %broadcast_in_dim3A_46 = vector.broadcast %broadcast_in_dim3A_45 : vector<9344x1xi1> to vector<9344x64xi1>
    %broadcast_in_dim3A_47 = vector.broadcast %jit3A_44 : f32 to vector<9344x64xf32>
    %select_n3A_48 = arith.select %broadcast_in_dim3A_46, %max3A_43, %broadcast_in_dim3A_47 : vector<9344x64xi1>, vector<9344x64xf32>
    %reduce_sum3A_49 = arith.constant dense<0.000000e+00> : vector<64xf32>
    %reduce_sum3A_50 = vector.multi_reduction <add>, %select_n3A_48, %reduce_sum3A_49 [0] : vector<9344x64xf32> to vector<64xf32>
    %broadcast_in_dim3A_51 = vector.shape_cast %reduce_sum3A_50 : vector<64xf32> to vector<1x64xf32>
    %mul3A_52 = arith.constant 1.08354099E-4 : f32
    %mul3A_53 = vector.broadcast %mul3A_52 : f32 to vector<1x64xf32>
    %mul3A_54 = arith.mulf %broadcast_in_dim3A_51, %mul3A_53 : vector<1x64xf32>
    %dot_general3A_55 = arith.constant dense<0.000000e+00> : vector<1x1xf32>
    %dot_general3A_56 = tpu.matmul %mul3A_54, %get3A_7, %dot_general3A_55 {dimension_numbers = #tpu.dot_dimension_numbers<[1], [0], [0], [1], [0, 0, 1, 1], [], []>, transpose_lhs_hint = false} : vector<1x64xf32>, vector<64x1xf32>, vector<1x1xf32> -> vector<1x1xf32>
    %add3A_57 = arith.addf %dot_general3A_56, %get3A_10 : vector<1x1xf32>
    %get3A_58 = arith.constant 9344 : index
    %get3A_59 = arith.constant 0 : index
    %get3A_60 = vector.load %arg0[%get3A_58, %get3A_59] : memref<18688x128xf32, #tpu.memory_space<vmem>>, vector<9344x128xf32>
    %get3A_61 = arith.constant 9344 : index
    %get3A_62 = arith.constant 0 : index
    %get3A_63 = vector.load %arg1[%get3A_61, %get3A_62] : memref<18688x128xf32, #tpu.memory_space<vmem>>, vector<9344x128xf32>
    %slice3A_64 = vector.extract_strided_slice %get3A_60 {offsets = [0, 0], sizes = [9344, 64], strides = [1, 1]} : vector<9344x128xf32> to vector<9344x64xf32>
    %slice3A_65 = vector.extract_strided_slice %get3A_63 {offsets = [0, 0], sizes = [9344, 64], strides = [1, 1]} : vector<9344x128xf32> to vector<9344x64xf32>
    %add3A_66 = arith.addf %slice3A_64, %slice3A_65 : vector<9344x64xf32>
    %mul3A_67 = vector.broadcast %get3A_1 : vector<9344x1xf32> to vector<9344x64xf32>
    %mul3A_68 = arith.mulf %mul3A_67, %add3A_66 : vector<9344x64xf32>
    %add3A_69 = vector.broadcast %get3A_4 : vector<1x64xf32> to vector<9344x64xf32>
    %add3A_70 = arith.addf %mul3A_68, %add3A_69 : vector<9344x64xf32>
    %max3A_71 = arith.constant 0.000000e+00 : f32
    %max3A_72 = vector.broadcast %max3A_71 : f32 to vector<9344x64xf32>
    %max3A_73 = arith.maximumf %add3A_70, %max3A_72 : vector<9344x64xf32>
    %jit3A_74 = arith.constant 0.000000e+00 : f32
    %broadcast_in_dim3A_75 = vector.shape_cast %lt3A_12 : vector<9344x1xi1> to vector<9344x1xi1>
    %broadcast_in_dim3A_76 = vector.broadcast %broadcast_in_dim3A_75 : vector<9344x1xi1> to vector<9344x64xi1>
    %broadcast_in_dim3A_77 = vector.broadcast %jit3A_74 : f32 to vector<9344x64xf32>
    %select_n3A_78 = arith.select %broadcast_in_dim3A_76, %max3A_73, %broadcast_in_dim3A_77 : vector<9344x64xi1>, vector<9344x64xf32>
    %reduce_sum3A_79 = arith.constant dense<0.000000e+00> : vector<64xf32>
    %reduce_sum3A_80 = vector.multi_reduction <add>, %select_n3A_78, %reduce_sum3A_79 [0] : vector<9344x64xf32> to vector<64xf32>
    %broadcast_in_dim3A_81 = vector.shape_cast %reduce_sum3A_80 : vector<64xf32> to vector<1x64xf32>
    %mul3A_82 = arith.constant 1.08354099E-4 : f32
    %mul3A_83 = vector.broadcast %mul3A_82 : f32 to vector<1x64xf32>
    %mul3A_84 = arith.mulf %broadcast_in_dim3A_81, %mul3A_83 : vector<1x64xf32>
    %dot_general3A_85 = arith.constant dense<0.000000e+00> : vector<1x1xf32>
    %dot_general3A_86 = tpu.matmul %mul3A_84, %get3A_7, %dot_general3A_85 {dimension_numbers = #tpu.dot_dimension_numbers<[1], [0], [0], [1], [0, 0, 1, 1], [], []>, transpose_lhs_hint = false} : vector<1x64xf32>, vector<64x1xf32>, vector<1x1xf32> -> vector<1x1xf32>
    %add3A_87 = arith.addf %dot_general3A_86, %get3A_10 : vector<1x1xf32>
    %slice3A_88 = vector.extract_strided_slice %get3A_60 {offsets = [0, 64], sizes = [9344, 64], strides = [1, 1]} : vector<9344x128xf32> to vector<9344x64xf32>
    %slice3A_89 = vector.extract_strided_slice %get3A_63 {offsets = [0, 64], sizes = [9344, 64], strides = [1, 1]} : vector<9344x128xf32> to vector<9344x64xf32>
    %add3A_90 = arith.addf %slice3A_88, %slice3A_89 : vector<9344x64xf32>
    %mul3A_91 = vector.broadcast %get3A_1 : vector<9344x1xf32> to vector<9344x64xf32>
    %mul3A_92 = arith.mulf %mul3A_91, %add3A_90 : vector<9344x64xf32>
    %add3A_93 = vector.broadcast %get3A_4 : vector<1x64xf32> to vector<9344x64xf32>
    %add3A_94 = arith.addf %mul3A_92, %add3A_93 : vector<9344x64xf32>
    %max3A_95 = arith.constant 0.000000e+00 : f32
    %max3A_96 = vector.broadcast %max3A_95 : f32 to vector<9344x64xf32>
    %max3A_97 = arith.maximumf %add3A_94, %max3A_96 : vector<9344x64xf32>
    %jit3A_98 = arith.constant 0.000000e+00 : f32
    %broadcast_in_dim3A_99 = vector.shape_cast %lt3A_12 : vector<9344x1xi1> to vector<9344x1xi1>
    %broadcast_in_dim3A_100 = vector.broadcast %broadcast_in_dim3A_99 : vector<9344x1xi1> to vector<9344x64xi1>
    %broadcast_in_dim3A_101 = vector.broadcast %jit3A_98 : f32 to vector<9344x64xf32>
    %select_n3A_102 = arith.select %broadcast_in_dim3A_100, %max3A_97, %broadcast_in_dim3A_101 : vector<9344x64xi1>, vector<9344x64xf32>
    %reduce_sum3A_103 = arith.constant dense<0.000000e+00> : vector<64xf32>
    %reduce_sum3A_104 = vector.multi_reduction <add>, %select_n3A_102, %reduce_sum3A_103 [0] : vector<9344x64xf32> to vector<64xf32>
    %broadcast_in_dim3A_105 = vector.shape_cast %reduce_sum3A_104 : vector<64xf32> to vector<1x64xf32>
    %mul3A_106 = arith.constant 1.08354099E-4 : f32
    %mul3A_107 = vector.broadcast %mul3A_106 : f32 to vector<1x64xf32>
    %mul3A_108 = arith.mulf %broadcast_in_dim3A_105, %mul3A_107 : vector<1x64xf32>
    %dot_general3A_109 = arith.constant dense<0.000000e+00> : vector<1x1xf32>
    %dot_general3A_110 = tpu.matmul %mul3A_108, %get3A_7, %dot_general3A_109 {dimension_numbers = #tpu.dot_dimension_numbers<[1], [0], [0], [1], [0, 0, 1, 1], [], []>, transpose_lhs_hint = false} : vector<1x64xf32>, vector<64x1xf32>, vector<1x1xf32> -> vector<1x1xf32>
    %add3A_111 = arith.addf %dot_general3A_110, %get3A_10 : vector<1x1xf32>
    %concatenate3A = tpu.concatenate %add3A_33, %add3A_57, %add3A_87, %add3A_111 in 0 : vector<1x1xf32>, vector<1x1xf32>, vector<1x1xf32>, vector<1x1xf32> -> vector<4x1xf32>
    %swap3A = arith.constant 0 : index
    %swap3A_112 = arith.constant 0 : index
    %swap3A_113 = vector.load %arg6[%swap3A, %swap3A_112] : memref<4x1xf32, #tpu.memory_space<vmem>>, vector<4x1xf32>
    tpu.vector_store %arg6[%swap3A, %swap3A_112], %concatenate3A {strides = array<i32>} : memref<4x1xf32, #tpu.memory_space<vmem>>, vector<4x1xf32>,
    return
  }
}

</mosaic_0001>

<sc_bundles>
// kernel: kernel.11.cloned.1.call-start
scs
__scs_entry_jumppad:
0x0: {  	(pc) =	sbr.rel $0x88, $3  }
0x1: {  	(tag) =	ssettag $0x0;
	lr =	simm.s32 $0x1  }
0x2: {  	[smem:$0x3F97] =	sst lr;
	_ =	strace $0xD0000000  }
0x3: {  	_ = 	snop  }
0x4: {  	_ = 	snop  }
0x5: {  	_ = 	snop  }
0x6: {  	_ = 	snop  }
0x7: {  	_ = 	snop  }
__scs_overlays_trampoline_lowered:
0x8: {  	[smem:$0x3FA6] =	sst s0  }
0x9: {  	[smem:$0x3FA7] =	sst s1  }
0xa: {  	[smem:$0x3FA8] =	sst s2  }
0xb: {  	[smem:$0x3FA9] =	sst s3  }
0xc: {  	[smem:$0x3FAA] =	sst s4  }
0xd: {  	[smem:$0x3FAB] =	sst s5  }
0xe: {  	[smem:$0x3FAC] =	sst s6  }
0xf: {  	[smem:$0x3FAD] =	sst s7  }
0x10: {  	[smem:$0x3FAE] =	sst s8  }
0x11: {  	[smem:$0x3FAF] =	sst s9;
	s0 =	simm.s32 @!p0 $0x0  }
0x12: {  	s1 =	sld [smem:$0x3F95];
	s0 =	simm.s32 @p0 $0x1  }
0x13: {  	[smem:$0x3FB0] =	sst s0;
	s0 =	simm.s32 @!p1 $0x0  }
0x14: {  	s2 =	sld [smem:$0x3F94];
	s0 =	simm.s32 @p1 $0x1  }
0x15: {  	[smem:$0x3FB1] =	sst s0;
	s0 =	simm.s32 @!p2 $0x0  }
0x16: {  	s3 =	sld [smem:$0x3FDB];
	s0 =	simm.s32 @p2 $0x1  }
0x17: {  	s4 =	simm.s32 $0x1BF5;
	[smem:$0x3FB3] =	sst s0  }
0x18: {  	s0 =	sld [smem:$0x3F96];
	_ =	swait.ge [sflag:s4], $0x0  }
0x19: {  	s7 =	sld [smem:$0x3F97]  }
0x1a: {  	s8 =	sadd.s32 $0xFFFFE003, lr  }
0x1b: {  	s9 =	sadd.s32 $0xFFFFFEF7, lr;
	s5 =	simm.s32 $0xFFFFFFFF;
	p2 =	slt.u32 s8, $0xFFFFF086  }
0x1c: {  	p1 =	slt.u32 s9, $0xF7A;
	s5 =	simm.s32 @!p2 $0x0  }
0x1d: {  	s5 =	simm.s32 @p1 $0x1;
	p0 =	seq.s32 s7, s2  }
0x1e: {  	s7 =	smul.u32 @!p0 $0xF7A, s2;
	p2 =	seq.s32 @!p0 s5, $0x0  }
0x1f: {  	s9 =	smul.u32 $0xF7A, s1;
	s8 =	simm.s32 @!p0 $0x1BF5;
	p2 =	por !p2, p0  }
0x20: {  	[sflag:s8] =	ssyncset.s32 @!p0 $0xFFFFF086;
	s6 =	sadd.s32 @!p0 s3, s7;
	s7 =	simm.s32 @!p0 $0x108  }
0x21: {  	s3 =	sadd.s32 s3, s9;
	s6 =	sadd.s32 @!p0 $0x88, s6;
	s7 =	simm.s32 @p2 $0x1082  }
0x22: {  	[simem:s7], [sflag:s8] =	dma.local @!p0 [hbm:s6], $0xF7A  }
0x23: {  	s9 =	sor.u32 $0xD0000000, s2;
	s6 =	simm.s32 $0x108;
	_ =	swait.ge @!p0 [sflag:s8], $0x0  }
0x24: {  	s3 =	sadd.s32 $0x88, s3;
	s6 =	simm.s32 @!p1 $0x1082;
	[sflag:s4] =	ssyncset.s32 $0xFFFFF086  }
0x25: {  	[simem:s6], [sflag:s4] =	dma.local [hbm:s3], $0xF7A  }
0x26: {  	[smem:$0x3F97] =	sst s1;
	(tag) =	ssettag s2;
	_ =	strace s9  }
0x27: {  	s1 =	sld [smem:$0x3FA7]  }
0x28: {  	s2 =	sld [smem:$0x3FA8]  }
0x29: {  	s4 =	sld [smem:$0x3FAA]  }
0x2a: {  	p0 =	seq.s32 s5, $0x0;
	s5 =	sld [smem:$0x3FAB]  }
0x2b: {  	s6 =	sld [smem:$0x3FAC]  }
0x2c: {  	s7 =	sld [smem:$0x3FAD]  }
0x2d: {  	s3 =	simm.s32 $0x108;
	s8 =	sld [smem:$0x3FAE]  }
0x2e: {  	s3 =	simm.s32 @!p0 $0x1082;
	s9 =	sld [smem:$0x3FAF]  }
0x2f: {  	lr =	sadd.s32 s0, s3;
	s0 =	sld [smem:$0x3FA6]  }
0x30: {  	s3 =	sld [smem:$0x3FA9]  }
0x31: {  	[smem:$0x3FB2] =	sst s10  }
0x32: {  	s10 =	sld [smem:$0x3FB0];
	_ =	sdelay $0x3  }
0x33: {  	p0 =	seq.s32 s10, $0x1;
	s10 =	sld [smem:$0x3FB2];
	_ =	sdelay $0x3  }
0x34: {  	[smem:$0x3FB2] =	sst s10  }
0x35: {  	s10 =	sld [smem:$0x3FB1];
	_ =	sdelay $0x3  }
0x36: {  	p1 =	seq.s32 s10, $0x1;
	s10 =	sld [smem:$0x3FB2];
	_ =	sdelay $0x3  }
0x37: {  	[smem:$0x3FB2] =	sst s10  }
0x38: {  	s10 =	sld [smem:$0x3FB3]  }
0x39: {  	_ = 	snop;
	(pc) =	sbr.ind lr, $3  }
0x3a: {  	_ = 	snop  }
0x3b: {  	_ = 	snop  }
0x3c: {  	p2 =	seq.s32 s10, $0x1;
	s10 =	sld [smem:$0x3FB2]  }
0x3d: {  	_ =	shalt  }
0x3e: {  	_ =	shalt  }
0x3f: {  	_ =	shalt  }
0x40: {  	_ =	shalt  }
0x41: {  	_ =	shalt  }
0x42: {  	_ =	shalt  }
0x43: {  	_ =	shalt  }
0x44: {  	_ =	shalt  }
0x45: {  	_ =	shalt  }
0x46: {  	_ =	shalt  }
0x47: {  	_ =	shalt  }
0x48: {  	_ =	shalt  }
0x49: {  	_ =	shalt  }
0x4a: {  	_ =	shalt  }
0x4b: {  	_ =	shalt  }
0x4c: {  	_ =	shalt  }
0x4d: {  	_ =	shalt  }
0x4e: {  	_ =	shalt  }
0x4f: {  	_ =	shalt  }
0x50: {  	_ =	shalt  }
0x51: {  	_ =	shalt  }
0x52: {  	_ =	shalt  }
0x53: {  	_ =	shalt  }
0x54: {  	_ =	shalt  }
0x55: {  	_ =	shalt  }
0x56: {  	_ =	shalt  }
0x57: {  	_ =	shalt  }
0x58: {  	_ =	shalt  }
0x59: {  	_ =	shalt  }
0x5a: {  	_ =	shalt  }
0x5b: {  	_ =	shalt  }
0x5c: {  	_ =	shalt  }
0x5d: {  	_ =	shalt  }
0x5e: {  	_ =	shalt  }
0x5f: {  	_ =	shalt  }
0x60: {  	_ =	shalt  }
0x61: {  	_ =	shalt  }
0x62: {  	_ =	shalt  }
0x63: {  	_ =	shalt  }
0x64: {  	_ =	shalt  }
0x65: {  	_ =	shalt  }
0x66: {  	_ =	shalt  }
0x67: {  	_ =	shalt  }
0x68: {  	_ =	shalt  }
0x69: {  	_ =	shalt  }
0x6a: {  	_ =	shalt  }
0x6b: {  	_ =	shalt  }
0x6c: {  	_ =	shalt  }
0x6d: {  	_ =	shalt  }
0x6e: {  	_ =	shalt  }
0x6f: {  	_ =	shalt  }
0x70: {  	_ =	shalt  }
0x71: {  	_ =	shalt  }
0x72: {  	_ =	shalt  }
0x73: {  	_ =	shalt  }
0x74: {  	_ =	shalt  }
0x75: {  	_ =	shalt  }
0x76: {  	_ =	shalt  }
0x77: {  	_ =	shalt  }
0x78: {  	_ =	shalt  }
0x79: {  	_ =	shalt  }
0x7a: {  	_ =	shalt  }
0x7b: {  	_ =	shalt  }
0x7c: {  	_ =	shalt  }
0x7d: {  	_ =	shalt  }
0x7e: {  	_ =	shalt  }
0x7f: {  	_ =	shalt  }
0x80: {  	_ =	shalt  }
0x81: {  	_ =	shalt  }
0x82: {  	_ =	shalt  }
0x83: {  	_ =	shalt  }
0x84: {  	_ =	shalt  }
0x85: {  	_ =	shalt  }
0x86: {  	_ =	shalt  }
0x87: {  	_ =	shalt  }
.Lfunc_end0:
.L_simem_size_0:
called_computation.1_lowered:
.L_overlay_start_0:
0x88: {  	s2 =	sld [smem:$0x3FD9]  }
0x89: {  	s3 =	sld [smem:$0x3FFE];
	_ =	sdelay $0x1  }
0x8a: {  	s1 =	srdreg.scid  }
0x8b: {  	s0 =	sand.u32 $0x1, s1  }
0x8c: {  	s16 =	sshll.u32 s0, $0xA;
	s2 =	sadd.s32 s3, s2  }
0x8d: {  	s2 =	sadd.s32 s2, s16  }
0x8e: {  	[smem:$0x3FBE] =	sst s2  }
0x8f: {  	_ = 	snop  }
0x90: {  	(tm) =	ssettm $0x1  }
0x91: {  	s17 =	sld [smem:$0x3FFB];
	_ =	sdelay $0x3  }
0x92: {  	_ =	strace s17  }
0x93: {  	s2 =	sld [smem:$0x3FFC];
	_ =	sdelay $0x3  }
0x94: {  	_ =	strace s2  }
0x95: {  	s2 =	sld [smem:$0x3FFD];
	_ =	sdelay $0x3  }
0x96: {  	_ =	strace s2  }
0x97: {  	_ =	strace $0x8FFFFFFF  }
0x98: {  	s18 =	sld [smem:$0x3FDB];
	_ =	sdelay $0x1  }
0x99: {  	s19 =	simm.s32 $_scs_section_size  }
0x9a: {  	s4 =	simm.s32 $_size__tile_overlayer_lowered;
	s5 =	simm.s32 $_tile_overlayer_lowered  }
0x9b: {  	s22 =	simm.s32 $0x1BFF;
	s21 =	sshll.u32 s5, $0x1;
	s2 =	sadd.s32 s19, s18  }
0x9c: {  	s6 =	simm.s32 $0x0;
	s20 =	sshll.u32 s4, $0x1;
	s4 =	sadd.s32 s21, s2  }
0x9d: {  	[timem:s6], [sflag:s22] =	dma.local [hbm:s4], s20  }
0x9e: {  	_ =	swait.ge [sflag:s22], s20  }
0x9f: {  	s3 =	ssub.s32 $0x0, s20;
	[sflag:s22] =	ssyncset.done $0x0  }
0xa0: {  	[sflag:s22] =	ssyncadd.s32 s3;
	_ =	sdelay $0x1  }
0xa1: {  	s23 =	simm.s32 $0x1B8B  }
0xa2: {  	_ =	swait.ge [sflag:s23], $0x1  }
0xa3: {  	[sflag:s23] =	ssyncset.done $0x0  }
0xa4: {  	s25 =	simm.s32 $0x1B8E;
	s24 =	sld [smem:$0x3FFE];
	[sflag:s23] =	ssyncadd.s32 $0xFFFFFFFF  }
0xa5: {  	s26 =	simm.s32 $execute0_lowered;
	[smem:$0x3FD2] =	sst s25  }
0xa6: {  	s4 =	sshll.u32 s26, $0x1;
	_ =	strace $0x80000049;
	[dreg:$0x1] =	wrdreg $0xFFFFFFFF  }
0xa7: {  	s28 =	simm.s32 $_size_execute0_lowered;
	s2 =	sadd.s32 s2, s4;
	[dreg:$0x0] =	wrdreg $0x0  }
0xa8: {  	s4 =	sshll.u32 s28, $0x1;
	[dreg:$0x2] =	wrdreg s2  }
0xa9: {  	[dreg:$0x3] =	wrdreg s4  }
0xaa: {  	[dreg:$0x4] =	wrdreg $0xC0  }
0xab: {  	_ =	task [dreg:s6], $0x5FFFF  }
0xac: {  	[dreg:$0x1] =	wrdreg $0xFFFFFFFF  }
0xad: {  	[dreg:$0x0] =	wrdreg $0x60  }
0xae: {  	[dreg:$0x2] =	wrdreg s24  }
0xaf: {  	[dreg:$0x3] =	wrdreg $0xD0000  }
0xb0: {  	[dreg:$0x4] =	wrdreg $0x9  }
0xb1: {  	_ =	task.clear_ibuf [dreg:s6], $0x5FFFF;
	_ =	strace $0x90000049  }
0xb2: {  	s29 =	simm.s32 $0x9;
	_ =	strace $0x8000004B  }
0xb3: {  	_ =	swait.ge [sflag:s29], $0x1  }
0xb4: {  	[sflag:s29] =	ssyncadd.s32 $0xFFFFFFFF  }
0xb5: {  	_ =	strace $0x9000004B  }
0xb6: {  	_ =	sfence  }
0xb7: {  	s30 =	sld [smem:$0x0];
	_ =	sdelay $0x2  }
0xb8: {  	s31 =	sshll.u32 s1, $0xD;
	s1 =	sshrl.u32 s1, $0x2  }
0xb9: {  	s3 =	sand.u32 $0x4000, s31;
	s1 =	sadd.s32 s1, s30  }
0xba: {  	s0 =	sor.u32 s3, s0;
	s1 =	sshll.u32 s1, $0x11  }
0xbb: {  	s0 =	sor.u32 s1, s0  }
0xbc: {  	s0 =	sadd.s32 $0x8F2B, s0  }
0xbd: {  	[sflag:s0] =	ssyncadd.remote.s32 $0x1  }
0xbe: {  	_ =	sfence.sel $0xFFFF  }
0xbf: {  	[dreg:$0x0] =	wrdreg $0xFFFFFFFF;
	(pc) =	sbr.abs _section_cstart, $3  }
0xc0: {  	[dreg:$0x1] =	wrdreg $0xFFFFFFFF  }
0xc1: {  	_ =	task.clear_ibuf [dreg:s6], $0x2FFFF;
	_ =	strace $0x9FFFFFFF  }
0xc2: {  	(tm) =	ssettm $0x7FFFFFFF  }
0xc3: {  	_ =	shalt  }
tec
execute0_lowered:
.L_overlay_start_1:
0x0: {  	(tag) =	ssettag $0x1  }
0x1: {  	s0 =	srdreg.scid;
	s1 =	rddreg [dreg:$0x0]  }
0x2: {  	s7 =	stileid.u32;
	s2 =	rddreg [dreg:$0x1]  }
0x3: {  	s21 =	simm.s32 $0x5000;
	s28 =	simm.s32 $0x7000;
	s29 =	simm.s32 $0xC0  }
0x4: {  	s30 =	simm.s32 $0xB000;
	s31 =	simm.s32 $0x1;
	s5 =	smul.u32 $0x4C00, s7  }
0x5: {  	s0 =	sand.u32 $0x1, s0;
	s6 =	smul.u32 $0x248, s7;
	s8 =	sadd.s32 $0xB600, s1  }
0x6: {  	s3 =	sshll.u32 s0, $0x4;
	s23 =	smul.u32 $0x2480, s0;
	s0 =	ssub.s32 $0x2, s0  }
0x7: {  	s4 =	sor.u32 s7, s3;
	s3 =	simm.s32 $0x0;
	s7 =	smul.u32 $0x49000, s7  }
0x8: {  	s22 =	sshrl.u32 s5, $0x3;
	s24 =	sshrl.u32 s0, $0x1;
	s4 =	smul.u32 $0x4C00, s4  }
0x9: {  	[smem:$0x7FF] =	sst s3;
	s14 =	sadd.s32 s22, s1;
	s5 =	sadd.s32 s6, s23  }
0xa: {  	s0 =	ssub.s32 s0, s24;
	s22 =	simm.s32 $0x3;
	s23 =	simm.s32 $0x2800  }
0xb: {  	s24 =	simm.s32 $0x40;
	_ =	strace $0x8000004A;
	[dreg:$0x3] =	wrdreg s8  }
0xc: {  	s5 =	sshll.u32 s5, $0x4;
	s7 =	sshrl.u32 s7, $0x2;
	s26 =	sadd.s32 $0x1E00, s14  }
0xd: {  	s14 =	sadd.s32 $0x2300, s14;
	s20 =	smax.u32 s0, $0x1;
	s0 =	simm.s32 $0x0  }
0xe: {  	s4 =	sshrl.u32 s4, $0x3;
	s6 =	sadd.s32 s7, s2;
	[dreg:$0x5] =	wrdreg s26  }
0xf: {  	s26 =	simm.s32 $0x9000;
	s11 =	sadd.s32 s4, s1;
	s4 =	sadd.s32 $0x29000, s1  }
0x10: {  	s1 =	sadd.s32 s5, s1;
	s7 =	sadd.s32 $0x4000, s6;
	s8 =	sadd.s32 $0x8000, s6  }
0x11: {  	s9 =	sadd.s32 $0xC000, s6;
	s10 =	sadd.s32 $0x10000, s6;
	s25 =	sadd.s32 $0x16000, s11  }
0x12: {  	s13 =	sadd.s32 $0x16500, s11;
	s15 =	sadd.s32 $0x72000, s1;
	s16 =	sadd.s32 $0x72800, s1  }
0x13: {  	s17 =	sadd.s32 $0x73000, s1;
	s18 =	sadd.s32 $0x73800, s1;
	s19 =	sadd.s32 $0x74000, s1  }
0x14: {  	s1 =	simm.s32 $0x2;
	[dreg:$0x4] =	wrdreg s25;
	s25 =	simm.s32 $0x80  }
.LBB2_1:
0x15: {  	s5 =	rddreg [dreg:$0x3]  }
0x16: {  	[tilespmem:s21], [sflag:$0x3] =	stream.linear.gather [hbm4b:s5+s3], $0x4000, $0x38;
	[tilespmem:$0x1F400] =	vst v63  }
0x17: {  	_ =	swait.ge [sflag:s22], $0x4000  }
0x18: {  	[sflag:s22] =	ssyncset.done $0x0  }
0x19: {  	[sflag:s22] =	ssyncadd.s32 $0xFFFFC000  }
0x1a: {  	[spmem:s6] =	stream.linear.scatter [tilespmem:s21], [sflag:$0x3], $0x4000, $0x38;
	[tilespmem:$0x1F400] =	vst v63  }
0x1b: {  	_ =	swait.ge [sflag:s22], $0x4000  }
0x1c: {  	[sflag:s22] =	ssyncset.done $0x0  }
0x1d: {  	[sflag:s22] =	ssyncadd.s32 $0xFFFFC000  }
0x1e: {  	[spmem:s7] =	stream.linear.scatter [tilespmem:s21], [sflag:$0x3], $0x4000, $0x38;
	[tilespmem:$0x1F400] =	vst v63  }
0x1f: {  	_ =	swait.ge [sflag:s22], $0x4000  }
0x20: {  	[sflag:s22] =	ssyncset.done $0x0  }
0x21: {  	[sflag:s22] =	ssyncadd.s32 $0xFFFFC000  }
0x22: {  	[spmem:s8] =	stream.linear.scatter [tilespmem:s21], [sflag:$0x3], $0x4000, $0x38;
	[tilespmem:$0x1F400] =	vst v63  }
0x23: {  	_ =	swait.ge [sflag:s22], $0x4000  }
0x24: {  	[sflag:s22] =	ssyncset.done $0x0  }
0x25: {  	[sflag:s22] =	ssyncadd.s32 $0xFFFFC000  }
0x26: {  	[spmem:s9] =	stream.linear.scatter [tilespmem:s21], [sflag:$0x3], $0x4000, $0x38;
	[tilespmem:$0x1F400] =	vst v63  }
0x27: {  	_ =	swait.ge [sflag:s22], $0x4000  }
0x28: {  	[sflag:s22] =	ssyncset.done $0x0  }
0x29: {  	[sflag:s22] =	ssyncadd.s32 $0xFFFFC000  }
0x2a: {  	[spmem:s10] =	stream.linear.scatter [tilespmem:s21], [sflag:$0x3], $0x2400, $0x38;
	[tilespmem:$0x1F400] =	vst v63  }
0x2b: {  	_ =	swait.ge [sflag:s22], $0x2400  }
0x2c: {  	[sflag:s22] =	ssyncset.done $0x0  }
0x2d: {  	[sflag:s22] =	ssyncadd.s32 $0xFFFFDC00  }
0x2e: {  	[bflag:$0x0] =	sbarrier.arrive $0xFFFF  }
0x2f: {  	s12 =	rddreg [dreg:$0x4]  }
0x30: {  	[tilespmem:s3], [sflag:$0x3] =	stream.linear.gather [hbm4b:s12+s3], $0x2800, $0x38;
	[tilespmem:$0x1F400] =	vst v63  }
0x31: {  	_ =	swait.ge [sflag:s22], $0x2800  }
0x32: {  	[sflag:s22] =	ssyncset.done $0x0  }
0x33: {  	s11 =	rddreg [dreg:$0x5];
	[sflag:s22] =	ssyncadd.s32 $0xFFFFD800  }
0x34: {  	[tilespmem:s23], [sflag:$0x3] =	stream.linear.gather [hbm4b:s11+s3], $0x2800, $0x38;
	[tilespmem:$0x1F400] =	vst v63  }
0x35: {  	_ =	swait.ge [sflag:s22], $0x2800  }
0x36: {  	[sflag:s22] =	ssyncset.done $0x0  }
0x37: {  	[sflag:s22] =	ssyncadd.s32 $0xFFFFD800  }
0x38: {  	[tilespmem:s21], [sflag:$0x1] =	stream.indirect.gather [hbm4b:s4+s24], $0x80, s3, s24, $0xb8;
	[tilespmem:$0x1F400] =	vst v63  }
0x39: {  	_ = 	snop  }
0x3a: {  	[tilespmem:s26], [sflag:$0x2] =	stream.indirect.gather [hbm4b:s4+s24], $0x80, s25, s24, $0xb8;
	[tilespmem:$0x1F400] =	vst v63  }
0x3b: {  	_ = 	snop  }
0x3c: {  	[tilespmem:s28], [sflag:$0x1] =	stream.indirect.gather [hbm4b:s4+s24], $0x80, s24, s24, $0xb8;
	[tilespmem:$0x1F400] =	vst v63  }
0x3d: {  	_ = 	snop  }
0x3e: {  	[tilespmem:s30], [sflag:$0x2] =	stream.indirect.gather [hbm4b:s4+s24], $0x80, s29, s24, $0xb8;
	[tilespmem:$0x1F400] =	vst v63  }
0x3f: {  	_ =	swait.ge [sflag:s31], $0x4000  }
0x40: {  	[sflag:s31] =	ssyncset.done $0x0  }
0x41: {  	s12 =	simm.s32 $0x2800;
	[sflag:s31] =	ssyncadd.s32 $0xFFFFC000  }
0x42: {  	[spmem:s2] =	stream.indirect.scatter.add.f32 [tilespmem:s21], [sflag:$0x3], $0x80, s12, s25, $0xb8;
	[tilespmem:$0x1F400] =	vst v63  }
0x43: {  	_ =	swait.ge [sflag:s22], $0x4000  }
0x44: {  	[sflag:s22] =	ssyncset.done $0x0  }
0x45: {  	s11 =	simm.s32 $0x100;
	[sflag:s22] =	ssyncadd.s32 $0xFFFFC000  }
0x46: {  	[tilespmem:s21], [sflag:$0x1] =	stream.indirect.gather [hbm4b:s4+s24], $0x80, s11, s24, $0xb8;
	[tilespmem:$0x1F400] =	vst v63  }
0x47: {  	s12 =	simm.s32 $0x140  }
0x48: {  	[tilespmem:s28], [sflag:$0x1] =	stream.indirect.gather [hbm4b:s4+s24], $0x80, s12, s24, $0xb8;
	[tilespmem:$0x1F400] =	vst v63  }
0x49: {  	_ =	swait.ge [sflag:s1], $0x4000  }
0x4a: {  	[sflag:s1] =	ssyncset.done $0x0  }
0x4b: {  	s11 =	simm.s32 $0x2880;
	[sflag:s1] =	ssyncadd.s32 $0xFFFFC000  }
0x4c: {  	[spmem:s2] =	stream.indirect.scatter.add.f32 [tilespmem:s26], [sflag:$0x3], $0x80, s11, s25, $0xb8;
	[tilespmem:$0x1F400] =	vst v63  }
0x4d: {  	_ =	swait.ge [sflag:s22], $0x4000  }
0x4e: {  	s5 =	simm.s32 $0x400;
	[sflag:s22] =	ssyncset.done $0x0  }
0x4f: {  	s12 =	simm.s32 $0x180;
	s11 =	simm.s32 $0x1C0;
	[sflag:s22] =	ssyncadd.s32 $0xFFFFC000  }
0x50: {  	[tilespmem:s26], [sflag:$0x2] =	stream.indirect.gather [hbm4b:s4+s24], $0x80, s12, s24, $0xb8;
	[tilespmem:$0x1F400] =	vst v63  }
.LBB2_2:
0x51: {  	[tilespmem:s30], [sflag:$0x2] =	stream.indirect.gather [hbm4b:s4+s24], $0x80, s11, s24, $0xb8;
	[tilespmem:$0x1F400] =	vst v63  }
0x52: {  	s11 =	smov.u32 s5  }
0x53: {  	p0 =	sne.s32 s5, $0x9800;
	s5 =	sadd.s32 $0x400, s5;
	_ =	swait.ge [sflag:s31], $0x4000  }
0x54: {  	s11 =	sshra.s32 s11, $0x2;
	[sflag:s31] =	ssyncset.done $0x0  }
0x55: {  	s12 =	sadd.s32 $0x2800, s11;
	[sflag:s31] =	ssyncadd.s32 $0xFFFFC000  }
0x56: {  	[spmem:s2] =	stream.indirect.scatter.add.f32 [tilespmem:s21], [sflag:$0x3], $0x80, s12, s25, $0xb8;
	[tilespmem:$0x1F400] =	vst v63  }
0x57: {  	_ =	swait.ge [sflag:s22], $0x4000  }
0x58: {  	[sflag:s22] =	ssyncset.done $0x0  }
0x59: {  	s12 =	sadd.s32 $0x100, s11;
	[sflag:s22] =	ssyncadd.s32 $0xFFFFC000  }
0x5a: {  	[tilespmem:s21], [sflag:$0x1] =	stream.indirect.gather [hbm4b:s4+s24], $0x80, s12, s24, $0xb8;
	[tilespmem:$0x1F400] =	vst v63  }
0x5b: {  	s12 =	sadd.s32 $0x140, s11  }
0x5c: {  	[tilespmem:s28], [sflag:$0x1] =	stream.indirect.gather [hbm4b:s4+s24], $0x80, s12, s24, $0xb8;
	[tilespmem:$0x1F400] =	vst v63  }
0x5d: {  	_ =	swait.ge [sflag:s1], $0x4000  }
0x5e: {  	[sflag:s1] =	ssyncset.done $0x0  }
0x5f: {  	s12 =	sadd.s32 $0x2880, s11;
	[sflag:s1] =	ssyncadd.s32 $0xFFFFC000  }
0x60: {  	[spmem:s2] =	stream.indirect.scatter.add.f32 [tilespmem:s26], [sflag:$0x3], $0x80, s12, s25, $0xb8;
	[tilespmem:$0x1F400] =	vst v63  }
.Ltmp0:
0x61: {  	_ =	swait.ge [sflag:s22], $0x4000;
	(pc) =	sbr.rel @p0 .LBB2_2-.Ltmp0, $4  }
0x62: {  	[sflag:s22] =	ssyncset.done $0x0  }
0x63: {  	s12 =	sadd.s32 $0x180, s11;
	[sflag:s22] =	ssyncadd.s32 $0xFFFFC000  }
0x64: {  	[tilespmem:s26], [sflag:$0x2] =	stream.indirect.gather [hbm4b:s4+s24], $0x80, s12, s24, $0xb8;
	[tilespmem:$0x1F400] =	vst v63  }
0x65: {  	s11 =	sadd.s32 $0x1C0, s11  }
0x66: {  	[tilespmem:s30], [sflag:$0x2] =	stream.indirect.gather [hbm4b:s4+s24], $0x80, s11, s24, $0xb8;
	[tilespmem:$0x1F400] =	vst v63  }
0x67: {  	_ =	swait.ge [sflag:s31], $0x4000  }
0x68: {  	[sflag:s31] =	ssyncset.done $0x0  }
0x69: {  	s5 =	simm.s32 $0x4F00;
	[sflag:s31] =	ssyncadd.s32 $0xFFFFC000  }
0x6a: {  	[spmem:s2] =	stream.indirect.scatter.add.f32 [tilespmem:s21], [sflag:$0x3], $0x80, s5, s25, $0xb8;
	[tilespmem:$0x1F400] =	vst v63  }
0x6b: {  	_ =	swait.ge [sflag:s22], $0x4000  }
0x6c: {  	[sflag:s22] =	ssyncset.done $0x0  }
0x6d: {  	[sflag:s22] =	ssyncadd.s32 $0xFFFFC000  }
0x6e: {  	_ =	swait.ge [sflag:s1], $0x4000  }
0x6f: {  	[sflag:s1] =	ssyncset.done $0x0  }
0x70: {  	s12 =	simm.s32 $0x4F80;
	[sflag:s1] =	ssyncadd.s32 $0xFFFFC000  }
0x71: {  	[spmem:s2] =	stream.indirect.scatter.add.f32 [tilespmem:s26], [sflag:$0x3], $0x80, s12, s25, $0xb8;
	[tilespmem:$0x1F400] =	vst v63  }
0x72: {  	_ =	swait.ge [sflag:s22], $0x4000  }
0x73: {  	[sflag:s22] =	ssyncset.done $0x0  }
0x74: {  	s11 =	simm.s32 $0x0;
	[sflag:s22] =	ssyncadd.s32 $0xFFFFC000  }
0x75: {  	[tilespmem:s11], [sflag:$0x3] =	stream.linear.gather [hbm4b:s13+s11], $0x2400, $0x38;
	[tilespmem:$0x1F400] =	vst v63  }
0x76: {  	_ =	swait.ge [sflag:s22], $0x2400  }
0x77: {  	[sflag:s22] =	ssyncset.done $0x0  }
0x78: {  	[sflag:s22] =	ssyncadd.s32 $0xFFFFDC00  }
0x79: {  	[tilespmem:s23], [sflag:$0x3] =	stream.linear.gather [hbm4b:s14+s11], $0x2400, $0x38;
	[tilespmem:$0x1F400] =	vst v63  }
0x7a: {  	_ =	swait.ge [sflag:s22], $0x2400  }
0x7b: {  	[sflag:s22] =	ssyncset.done $0x0  }
0x7c: {  	[sflag:s22] =	ssyncadd.s32 $0xFFFFDC00  }
0x7d: {  	[tilespmem:s21], [sflag:$0x1] =	stream.indirect.gather [hbm4b:s4+s24], $0x80, s11, s24, $0xb8;
	[tilespmem:$0x1F400] =	vst v63  }
0x7e: {  	_ = 	snop  }
0x7f: {  	[tilespmem:s26], [sflag:$0x2] =	stream.indirect.gather [hbm4b:s4+s24], $0x80, s25, s24, $0xb8;
	[tilespmem:$0x1F400] =	vst v63  }
0x80: {  	_ = 	snop  }
0x81: {  	[tilespmem:s28], [sflag:$0x1] =	stream.indirect.gather [hbm4b:s4+s24], $0x80, s24, s24, $0xb8;
	[tilespmem:$0x1F400] =	vst v63  }
0x82: {  	_ = 	snop  }
0x83: {  	[tilespmem:s30], [sflag:$0x2] =	stream.indirect.gather [hbm4b:s4+s24], $0x80, s29, s24, $0xb8;
	[tilespmem:$0x1F400] =	vst v63  }
0x84: {  	_ =	swait.ge [sflag:s31], $0x4000  }
0x85: {  	[sflag:s31] =	ssyncset.done $0x0  }
0x86: {  	s12 =	simm.s32 $0x2800;
	[sflag:s31] =	ssyncadd.s32 $0xFFFFC000  }
0x87: {  	[spmem:s2] =	stream.indirect.scatter.add.f32 [tilespmem:s21], [sflag:$0x3], $0x80, s12, s25, $0xb8;
	[tilespmem:$0x1F400] =	vst v63  }
0x88: {  	_ =	swait.ge [sflag:s22], $0x4000  }
0x89: {  	[sflag:s22] =	ssyncset.done $0x0  }
0x8a: {  	s11 =	simm.s32 $0x100;
	[sflag:s22] =	ssyncadd.s32 $0xFFFFC000  }
0x8b: {  	[tilespmem:s21], [sflag:$0x1] =	stream.indirect.gather [hbm4b:s4+s24], $0x80, s11, s24, $0xb8;
	[tilespmem:$0x1F400] =	vst v63  }
0x8c: {  	s12 =	simm.s32 $0x140  }
0x8d: {  	[tilespmem:s28], [sflag:$0x1] =	stream.indirect.gather [hbm4b:s4+s24], $0x80, s12, s24, $0xb8;
	[tilespmem:$0x1F400] =	vst v63  }
0x8e: {  	_ =	swait.ge [sflag:s1], $0x4000  }
0x8f: {  	[sflag:s1] =	ssyncset.done $0x0  }
0x90: {  	s11 =	simm.s32 $0x2880;
	[sflag:s1] =	ssyncadd.s32 $0xFFFFC000  }
0x91: {  	[spmem:s2] =	stream.indirect.scatter.add.f32 [tilespmem:s26], [sflag:$0x3], $0x80, s11, s25, $0xb8;
	[tilespmem:$0x1F400] =	vst v63  }
0x92: {  	_ =	swait.ge [sflag:s22], $0x4000  }
0x93: {  	s5 =	simm.s32 $0x400;
	[sflag:s22] =	ssyncset.done $0x0  }
0x94: {  	s12 =	simm.s32 $0x180;
	s11 =	simm.s32 $0x1C0;
	[sflag:s22] =	ssyncadd.s32 $0xFFFFC000  }
0x95: {  	[tilespmem:s26], [sflag:$0x2] =	stream.indirect.gather [hbm4b:s4+s24], $0x80, s12, s24, $0xb8;
	[tilespmem:$0x1F400] =	vst v63  }
.LBB2_4:
0x96: {  	[tilespmem:s30], [sflag:$0x2] =	stream.indirect.gather [hbm4b:s4+s24], $0x80, s11, s24, $0xb8;
	[tilespmem:$0x1F400] =	vst v63  }
0x97: {  	s11 =	smov.u32 s5  }
0x98: {  	p0 =	sne.s32 s5, $0x8800;
	s5 =	sadd.s32 $0x400, s5;
	_ =	swait.ge [sflag:s31], $0x4000  }
0x99: {  	s11 =	sshra.s32 s11, $0x2;
	[sflag:s31] =	ssyncset.done $0x0  }
0x9a: {  	s12 =	sadd.s32 $0x2800, s11;
	[sflag:s31] =	ssyncadd.s32 $0xFFFFC000  }
0x9b: {  	[spmem:s2] =	stream.indirect.scatter.add.f32 [tilespmem:s21], [sflag:$0x3], $0x80, s12, s25, $0xb8;
	[tilespmem:$0x1F400] =	vst v63  }
0x9c: {  	_ =	swait.ge [sflag:s22], $0x4000  }
0x9d: {  	[sflag:s22] =	ssyncset.done $0x0  }
0x9e: {  	s12 =	sadd.s32 $0x100, s11;
	[sflag:s22] =	ssyncadd.s32 $0xFFFFC000  }
0x9f: {  	[tilespmem:s21], [sflag:$0x1] =	stream.indirect.gather [hbm4b:s4+s24], $0x80, s12, s24, $0xb8;
	[tilespmem:$0x1F400] =	vst v63  }
0xa0: {  	s12 =	sadd.s32 $0x140, s11  }
0xa1: {  	[tilespmem:s28], [sflag:$0x1] =	stream.indirect.gather [hbm4b:s4+s24], $0x80, s12, s24, $0xb8;
	[tilespmem:$0x1F400] =	vst v63  }
0xa2: {  	_ =	swait.ge [sflag:s1], $0x4000  }
0xa3: {  	[sflag:s1] =	ssyncset.done $0x0  }
0xa4: {  	s12 =	sadd.s32 $0x2880, s11;
	[sflag:s1] =	ssyncadd.s32 $0xFFFFC000  }
0xa5: {  	[spmem:s2] =	stream.indirect.scatter.add.f32 [tilespmem:s26], [sflag:$0x3], $0x80, s12, s25, $0xb8;
	[tilespmem:$0x1F400] =	vst v63  }
.Ltmp1:
0xa6: {  	_ =	swait.ge [sflag:s22], $0x4000;
	(pc) =	sbr.rel @p0 .LBB2_4-.Ltmp1, $4  }
0xa7: {  	[sflag:s22] =	ssyncset.done $0x0  }
0xa8: {  	s12 =	sadd.s32 $0x180, s11;
	[sflag:s22] =	ssyncadd.s32 $0xFFFFC000  }
0xa9: {  	[tilespmem:s26], [sflag:$0x2] =	stream.indirect.gather [hbm4b:s4+s24], $0x80, s12, s24, $0xb8;
	[tilespmem:$0x1F400] =	vst v63  }
0xaa: {  	s11 =	sadd.s32 $0x1C0, s11  }
0xab: {  	[tilespmem:s30], [sflag:$0x2] =	stream.indirect.gather [hbm4b:s4+s24], $0x80, s11, s24, $0xb8;
	[tilespmem:$0x1F400] =	vst v63  }
0xac: {  	_ =	swait.ge [sflag:s31], $0x4000  }
0xad: {  	[sflag:s31] =	ssyncset.done $0x0  }
0xae: {  	s5 =	simm.s32 $0x4B00;
	[sflag:s31] =	ssyncadd.s32 $0xFFFFC000  }
0xaf: {  	[spmem:s2] =	stream.indirect.scatter.add.f32 [tilespmem:s21], [sflag:$0x3], $0x80, s5, s25, $0xb8;
	[tilespmem:$0x1F400] =	vst v63  }
0xb0: {  	_ =	swait.ge [sflag:s22], $0x4000  }
0xb1: {  	[sflag:s22] =	ssyncset.done $0x0  }
0xb2: {  	[sflag:s22] =	ssyncadd.s32 $0xFFFFC000  }
0xb3: {  	_ =	swait.ge [sflag:s1], $0x4000  }
0xb4: {  	[sflag:s1] =	ssyncset.done $0x0  }
0xb5: {  	s12 =	simm.s32 $0x4B80;
	[sflag:s1] =	ssyncadd.s32 $0xFFFFC000  }
0xb6: {  	[spmem:s2] =	stream.indirect.scatter.add.f32 [tilespmem:s26], [sflag:$0x3], $0x80, s12, s25, $0xb8;
	[tilespmem:$0x1F400] =	vst v63  }
0xb7: {  	_ =	swait.ge [sflag:s22], $0x4000  }
0xb8: {  	[sflag:s22] =	ssyncset.done $0x0  }
0xb9: {  	[sflag:s22] =	ssyncadd.s32 $0xFFFFC000  }
0xba: {  	[bflag:$0x0] =	sbarrier.arrive $0xFFFF  }
0xbb: {  	[tilespmem:s21], [sflag:$0x3] =	stream.linear.gather [spmem:s6], $0x4000, $0x38;
	[tilespmem:$0x1F400] =	vst v63  }
0xbc: {  	_ =	swait.ge [sflag:s22], $0x4000  }
0xbd: {  	[sflag:s22] =	ssyncset.done $0x0  }
0xbe: {  	[sflag:s22] =	ssyncadd.s32 $0xFFFFC000  }
0xbf: {  	[hbm4b:s15+s3] =	stream.linear.scatter [tilespmem:s21], [sflag:$0x3], $0x4000, $0x38;
	[tilespmem:$0x1F400] =	vst v63  }
0xc0: {  	_ =	swait.ge [sflag:s22], $0x4000  }
0xc1: {  	[sflag:s22] =	ssyncset.done $0x0  }
0xc2: {  	[sflag:s22] =	ssyncadd.s32 $0xFFFFC000  }
0xc3: {  	[tilespmem:s21], [sflag:$0x3] =	stream.linear.gather [spmem:s7], $0x4000, $0x38;
	[tilespmem:$0x1F400] =	vst v63  }
0xc4: {  	_ =	swait.ge [sflag:s22], $0x4000  }
0xc5: {  	[sflag:s22] =	ssyncset.done $0x0  }
0xc6: {  	[sflag:s22] =	ssyncadd.s32 $0xFFFFC000  }
0xc7: {  	[hbm4b:s16+s3] =	stream.linear.scatter [tilespmem:s21], [sflag:$0x3], $0x4000, $0x38;
	[tilespmem:$0x1F400] =	vst v63  }
0xc8: {  	_ =	swait.ge [sflag:s22], $0x4000  }
0xc9: {  	[sflag:s22] =	ssyncset.done $0x0  }
0xca: {  	[sflag:s22] =	ssyncadd.s32 $0xFFFFC000  }
0xcb: {  	[tilespmem:s21], [sflag:$0x3] =	stream.linear.gather [spmem:s8], $0x4000, $0x38;
	[tilespmem:$0x1F400] =	vst v63  }
0xcc: {  	_ =	swait.ge [sflag:s22], $0x4000  }
0xcd: {  	[sflag:s22] =	ssyncset.done $0x0  }
0xce: {  	[sflag:s22] =	ssyncadd.s32 $0xFFFFC000  }
0xcf: {  	[hbm4b:s17+s3] =	stream.linear.scatter [tilespmem:s21], [sflag:$0x3], $0x4000, $0x38;
	[tilespmem:$0x1F400] =	vst v63  }
0xd0: {  	_ =	swait.ge [sflag:s22], $0x4000  }
0xd1: {  	[sflag:s22] =	ssyncset.done $0x0  }
0xd2: {  	[sflag:s22] =	ssyncadd.s32 $0xFFFFC000  }
0xd3: {  	[tilespmem:s21], [sflag:$0x3] =	stream.linear.gather [spmem:s9], $0x4000, $0x38;
	[tilespmem:$0x1F400] =	vst v63  }
0xd4: {  	_ =	swait.ge [sflag:s22], $0x4000  }
0xd5: {  	[sflag:s22] =	ssyncset.done $0x0  }
0xd6: {  	[sflag:s22] =	ssyncadd.s32 $0xFFFFC000  }
0xd7: {  	[hbm4b:s18+s3] =	stream.linear.scatter [tilespmem:s21], [sflag:$0x3], $0x4000, $0x38;
	[tilespmem:$0x1F400] =	vst v63  }
0xd8: {  	_ =	swait.ge [sflag:s22], $0x4000  }
0xd9: {  	[sflag:s22] =	ssyncset.done $0x0  }
0xda: {  	[sflag:s22] =	ssyncadd.s32 $0xFFFFC000  }
0xdb: {  	[tilespmem:s21], [sflag:$0x3] =	stream.linear.gather [spmem:s10], $0x2400, $0x38;
	[tilespmem:$0x1F400] =	vst v63  }
0xdc: {  	s0 =	sadd.s32 $0x1, s0;
	_ =	swait.ge [sflag:s22], $0x2400  }
0xdd: {  	p0 =	sne.s32 s0, s20;
	[sflag:s22] =	ssyncset.done $0x0  }
.Ltmp2:
0xde: {  	[sflag:s22] =	ssyncadd.s32 $0xFFFFDC00;
	(pc) =	sbr.rel @p0 .LBB2_1-.Ltmp2, $4  }
0xdf: {  	[hbm4b:s19+s3] =	stream.linear.scatter [tilespmem:s21], [sflag:$0x3], $0x2400, $0x38;
	[tilespmem:$0x1F400] =	vst v63  }
0xe0: {  	_ =	swait.ge [sflag:s22], $0x2400  }
0xe1: {  	[sflag:s22] =	ssyncset.done $0x0  }
0xe2: {  	[sflag:s22] =	ssyncadd.s32 $0xFFFFDC00  }
0xe3: {  	_ =	sfence.sel $0x180000  }
0xe4: {  	[bflag:$0x0] =	sbarrier.arrive $0xFFFF  }
0xe5: {  	_ =	strace $0x9000004A  }
0xe6: {  	s0 =	stileid.u32;
	[bflag:$0x2] =	sbarrier.arrive $0xFFFF  }
0xe7: {  	p0 =	sne.s32 s0, $0x0;
	s0 =	rddreg [dreg:$0x2]  }
0xe8: {  	s0 =	sadd.s32 @!p0 $0x100000, s0  }
0xe9: {  	[sflag:s0] =	ssyncadd.tile.s32 @!p0 $0x1;
	_ =	shalt  }
.Lfunc_end2:
_tile_overlayer_lowered:
.L_overlay_start_2:
0xea: {  	(tag) =	ssettag $0x2  }
0xeb: {  	s0 =	rddreg [dreg:$0x0];
	s2 =	stileid.u32  }
0xec: {  	s1 =	rddreg [dreg:$0x1];
	p0 =	sne.s32 s2, $0x0  }
0xed: {  	s3 =	rddreg [dreg:$0x2];
	[bflag:$0x3] =	sbarrier.arrive $0xFFFF;
	s2 =	simm.s32 @!p0 $0x1C03  }
0xee: {  	[timem:s3], [sflag:s2] =	dma.local @!p0 [hbm:s0], s1  }
0xef: {  	s0 =	simm.s32 @!p0 $0x3  }
0xf0: {  	_ =	swait.ge @!p0 [sflag:s0], s1  }
0xf1: {  	s1 =	ssub.s32 @!p0 $0x0, s1;
	[sflag:s0] =	ssyncset.done @!p0 $0x0  }
0xf2: {  	[sflag:s0] =	ssyncadd.s32 @!p0 s1  }
0xf3: {  	[bflag:$0x3] =	sbarrier.arrive $0xFFFF  }
0xf4: {  	_ =	shalt  }

// kernel: kernel.14.cloned.1.call-start
scs
__scs_entry_jumppad:
0x0: {  	(pc) =	sbr.rel $0x88, $3  }
0x1: {  	(tag) =	ssettag $0x0;
	lr =	simm.s32 $0x1  }
0x2: {  	[smem:$0x3F97] =	sst lr;
	_ =	strace $0xD0000000  }
0x3: {  	_ = 	snop  }
0x4: {  	_ = 	snop  }
0x5: {  	_ = 	snop  }
0x6: {  	_ = 	snop  }
0x7: {  	_ = 	snop  }
__scs_overlays_trampoline_lowered:
0x8: {  	[smem:$0x3FA6] =	sst s0  }
0x9: {  	[smem:$0x3FA7] =	sst s1  }
0xa: {  	[smem:$0x3FA8] =	sst s2  }
0xb: {  	[smem:$0x3FA9] =	sst s3  }
0xc: {  	[smem:$0x3FAA] =	sst s4  }
0xd: {  	[smem:$0x3FAB] =	sst s5  }
0xe: {  	[smem:$0x3FAC] =	sst s6  }
0xf: {  	[smem:$0x3FAD] =	sst s7  }
0x10: {  	[smem:$0x3FAE] =	sst s8  }
0x11: {  	[smem:$0x3FAF] =	sst s9;
	s0 =	simm.s32 @!p0 $0x0  }
0x12: {  	s1 =	sld [smem:$0x3F95];
	s0 =	simm.s32 @p0 $0x1  }
0x13: {  	[smem:$0x3FB0] =	sst s0;
	s0 =	simm.s32 @!p1 $0x0  }
0x14: {  	s2 =	sld [smem:$0x3F94];
	s0 =	simm.s32 @p1 $0x1  }
0x15: {  	[smem:$0x3FB1] =	sst s0;
	s0 =	simm.s32 @!p2 $0x0  }
0x16: {  	s3 =	sld [smem:$0x3FDB];
	s0 =	simm.s32 @p2 $0x1  }
0x17: {  	s4 =	simm.s32 $0x1BF5;
	[smem:$0x3FB3] =	sst s0  }
0x18: {  	s0 =	sld [smem:$0x3F96];
	_ =	swait.ge [sflag:s4], $0x0  }
0x19: {  	s7 =	sld [smem:$0x3F97]  }
0x1a: {  	s8 =	sadd.s32 $0xFFFFE003, lr  }
0x1b: {  	s9 =	sadd.s32 $0xFFFFFEF7, lr;
	s5 =	simm.s32 $0xFFFFFFFF;
	p2 =	slt.u32 s8, $0xFFFFF086  }
0x1c: {  	p1 =	slt.u32 s9, $0xF7A;
	s5 =	simm.s32 @!p2 $0x0  }
0x1d: {  	s5 =	simm.s32 @p1 $0x1;
	p0 =	seq.s32 s7, s2  }
0x1e: {  	s7 =	smul.u32 @!p0 $0xF7A, s2;
	p2 =	seq.s32 @!p0 s5, $0x0  }
0x1f: {  	s9 =	smul.u32 $0xF7A, s1;
	s8 =	simm.s32 @!p0 $0x1BF5;
	p2 =	por !p2, p0  }
0x20: {  	[sflag:s8] =	ssyncset.s32 @!p0 $0xFFFFF086;
	s6 =	sadd.s32 @!p0 s3, s7;
	s7 =	simm.s32 @!p0 $0x108  }
0x21: {  	s3 =	sadd.s32 s3, s9;
	s6 =	sadd.s32 @!p0 $0x88, s6;
	s7 =	simm.s32 @p2 $0x1082  }
0x22: {  	[simem:s7], [sflag:s8] =	dma.local @!p0 [hbm:s6], $0xF7A  }
0x23: {  	s9 =	sor.u32 $0xD0000000, s2;
	s6 =	simm.s32 $0x108;
	_ =	swait.ge @!p0 [sflag:s8], $0x0  }
0x24: {  	s3 =	sadd.s32 $0x88, s3;
	s6 =	simm.s32 @!p1 $0x1082;
	[sflag:s4] =	ssyncset.s32 $0xFFFFF086  }
0x25: {  	[simem:s6], [sflag:s4] =	dma.local [hbm:s3], $0xF7A  }
0x26: {  	[smem:$0x3F97] =	sst s1;
	(tag) =	ssettag s2;
	_ =	strace s9  }
0x27: {  	s1 =	sld [smem:$0x3FA7]  }
0x28: {  	s2 =	sld [smem:$0x3FA8]  }
0x29: {  	s4 =	sld [smem:$0x3FAA]  }
0x2a: {  	p0 =	seq.s32 s5, $0x0;
	s5 =	sld [smem:$0x3FAB]  }
0x2b: {  	s6 =	sld [smem:$0x3FAC]  }
0x2c: {  	s7 =	sld [smem:$0x3FAD]  }
0x2d: {  	s3 =	simm.s32 $0x108;
	s8 =	sld [smem:$0x3FAE]  }
0x2e: {  	s3 =	simm.s32 @!p0 $0x1082;
	s9 =	sld [smem:$0x3FAF]  }
0x2f: {  	lr =	sadd.s32 s0, s3;
	s0 =	sld [smem:$0x3FA6]  }
0x30: {  	s3 =	sld [smem:$0x3FA9]  }
0x31: {  	[smem:$0x3FB2] =	sst s10  }
0x32: {  	s10 =	sld [smem:$0x3FB0];
	_ =	sdelay $0x3  }
0x33: {  	p0 =	seq.s32 s10, $0x1;
	s10 =	sld [smem:$0x3FB2];
	_ =	sdelay $0x3  }
0x34: {  	[smem:$0x3FB2] =	sst s10  }
0x35: {  	s10 =	sld [smem:$0x3FB1];
	_ =	sdelay $0x3  }
0x36: {  	p1 =	seq.s32 s10, $0x1;
	s10 =	sld [smem:$0x3FB2];
	_ =	sdelay $0x3  }
0x37: {  	[smem:$0x3FB2] =	sst s10  }
0x38: {  	s10 =	sld [smem:$0x3FB3]  }
0x39: {  	_ = 	snop;
	(pc) =	sbr.ind lr, $3  }
0x3a: {  	_ = 	snop  }
0x3b: {  	_ = 	snop  }
0x3c: {  	p2 =	seq.s32 s10, $0x1;
	s10 =	sld [smem:$0x3FB2]  }
0x3d: {  	_ =	shalt  }
0x3e: {  	_ =	shalt  }
0x3f: {  	_ =	shalt  }
0x40: {  	_ =	shalt  }
0x41: {  	_ =	shalt  }
0x42: {  	_ =	shalt  }
0x43: {  	_ =	shalt  }
0x44: {  	_ =	shalt  }
0x45: {  	_ =	shalt  }
0x46: {  	_ =	shalt  }
0x47: {  	_ =	shalt  }
0x48: {  	_ =	shalt  }
0x49: {  	_ =	shalt  }
0x4a: {  	_ =	shalt  }
0x4b: {  	_ =	shalt  }
0x4c: {  	_ =	shalt  }
0x4d: {  	_ =	shalt  }
0x4e: {  	_ =	shalt  }
0x4f: {  	_ =	shalt  }
0x50: {  	_ =	shalt  }
0x51: {  	_ =	shalt  }
0x52: {  	_ =	shalt  }
0x53: {  	_ =	shalt  }
0x54: {  	_ =	shalt  }
0x55: {  	_ =	shalt  }
0x56: {  	_ =	shalt  }
0x57: {  	_ =	shalt  }
0x58: {  	_ =	shalt  }
0x59: {  	_ =	shalt  }
0x5a: {  	_ =	shalt  }
0x5b: {  	_ =	shalt  }
0x5c: {  	_ =	shalt  }
0x5d: {  	_ =	shalt  }
0x5e: {  	_ =	shalt  }
0x5f: {  	_ =	shalt  }
0x60: {  	_ =	shalt  }
0x61: {  	_ =	shalt  }
0x62: {  	_ =	shalt  }
0x63: {  	_ =	shalt  }
0x64: {  	_ =	shalt  }
0x65: {  	_ =	shalt  }
0x66: {  	_ =	shalt  }
0x67: {  	_ =	shalt  }
0x68: {  	_ =	shalt  }
0x69: {  	_ =	shalt  }
0x6a: {  	_ =	shalt  }
0x6b: {  	_ =	shalt  }
0x6c: {  	_ =	shalt  }
0x6d: {  	_ =	shalt  }
0x6e: {  	_ =	shalt  }
0x6f: {  	_ =	shalt  }
0x70: {  	_ =	shalt  }
0x71: {  	_ =	shalt  }
0x72: {  	_ =	shalt  }
0x73: {  	_ =	shalt  }
0x74: {  	_ =	shalt  }
0x75: {  	_ =	shalt  }
0x76: {  	_ =	shalt  }
0x77: {  	_ =	shalt  }
0x78: {  	_ =	shalt  }
0x79: {  	_ =	shalt  }
0x7a: {  	_ =	shalt  }
0x7b: {  	_ =	shalt  }
0x7c: {  	_ =	shalt  }
0x7d: {  	_ =	shalt  }
0x7e: {  	_ =	shalt  }
0x7f: {  	_ =	shalt  }
0x80: {  	_ =	shalt  }
0x81: {  	_ =	shalt  }
0x82: {  	_ =	shalt  }
0x83: {  	_ =	shalt  }
0x84: {  	_ =	shalt  }
0x85: {  	_ =	shalt  }
0x86: {  	_ =	shalt  }
0x87: {  	_ =	shalt  }
.Lfunc_end0:
.L_simem_size_0:
called_computation.2_lowered:
.L_overlay_start_0:
0x88: {  	s2 =	sld [smem:$0x3FD9]  }
0x89: {  	s3 =	sld [smem:$0x3FFE];
	_ =	sdelay $0x1  }
0x8a: {  	s1 =	srdreg.scid  }
0x8b: {  	s0 =	sand.u32 $0x1, s1  }
0x8c: {  	s16 =	sshll.u32 s0, $0xA;
	s2 =	sadd.s32 s3, s2  }
0x8d: {  	s2 =	sadd.s32 s2, s16  }
0x8e: {  	[smem:$0x3FBE] =	sst s2  }
0x8f: {  	_ = 	snop  }
0x90: {  	(tm) =	ssettm $0x1  }
0x91: {  	s17 =	sld [smem:$0x3FFB];
	_ =	sdelay $0x3  }
0x92: {  	_ =	strace s17  }
0x93: {  	s2 =	sld [smem:$0x3FFC];
	_ =	sdelay $0x3  }
0x94: {  	_ =	strace s2  }
0x95: {  	s2 =	sld [smem:$0x3FFD];
	_ =	sdelay $0x3  }
0x96: {  	_ =	strace s2  }
0x97: {  	_ =	strace $0x8FFFFFFF  }
0x98: {  	s18 =	sld [smem:$0x3FDB];
	_ =	sdelay $0x1  }
0x99: {  	s19 =	simm.s32 $_scs_section_size  }
0x9a: {  	s4 =	simm.s32 $_size__tile_overlayer_lowered;
	s5 =	simm.s32 $_tile_overlayer_lowered  }
0x9b: {  	s22 =	simm.s32 $0x1BFF;
	s21 =	sshll.u32 s5, $0x1;
	s2 =	sadd.s32 s19, s18  }
0x9c: {  	s6 =	simm.s32 $0x0;
	s20 =	sshll.u32 s4, $0x1;
	s4 =	sadd.s32 s21, s2  }
0x9d: {  	[timem:s6], [sflag:s22] =	dma.local [hbm:s4], s20  }
0x9e: {  	_ =	swait.ge [sflag:s22], s20  }
0x9f: {  	s3 =	ssub.s32 $0x0, s20;
	[sflag:s22] =	ssyncset.done $0x0  }
0xa0: {  	[sflag:s22] =	ssyncadd.s32 s3;
	_ =	sdelay $0x1  }
0xa1: {  	s23 =	simm.s32 $0x1B8B  }
0xa2: {  	_ =	swait.ge [sflag:s23], $0x1  }
0xa3: {  	[sflag:s23] =	ssyncset.done $0x0  }
0xa4: {  	s25 =	simm.s32 $0x1B8E;
	s24 =	sld [smem:$0x3FFE];
	[sflag:s23] =	ssyncadd.s32 $0xFFFFFFFF  }
0xa5: {  	s26 =	simm.s32 $execute0_lowered;
	[smem:$0x3FD2] =	sst s25  }
0xa6: {  	s4 =	sshll.u32 s26, $0x1;
	_ =	strace $0x8000004C;
	[dreg:$0x1] =	wrdreg $0xFFFFFFFF  }
0xa7: {  	s28 =	simm.s32 $_size_execute0_lowered;
	s2 =	sadd.s32 s2, s4;
	[dreg:$0x0] =	wrdreg $0x0  }
0xa8: {  	s4 =	sshll.u32 s28, $0x1;
	[dreg:$0x2] =	wrdreg s2  }
0xa9: {  	[dreg:$0x3] =	wrdreg s4  }
0xaa: {  	[dreg:$0x4] =	wrdreg $0xC0  }
0xab: {  	_ =	task [dreg:s6], $0x5FFFF  }
0xac: {  	[dreg:$0x1] =	wrdreg $0xFFFFFFFF  }
0xad: {  	[dreg:$0x0] =	wrdreg $0x60  }
0xae: {  	[dreg:$0x2] =	wrdreg s24  }
0xaf: {  	[dreg:$0x3] =	wrdreg $0xD0000  }
0xb0: {  	[dreg:$0x4] =	wrdreg $0x9  }
0xb1: {  	_ =	task.clear_ibuf [dreg:s6], $0x5FFFF;
	_ =	strace $0x9000004C  }
0xb2: {  	s29 =	simm.s32 $0x9;
	_ =	strace $0x8000004E  }
0xb3: {  	_ =	swait.ge [sflag:s29], $0x1  }
0xb4: {  	[sflag:s29] =	ssyncadd.s32 $0xFFFFFFFF  }
0xb5: {  	_ =	strace $0x9000004E  }
0xb6: {  	_ =	sfence  }
0xb7: {  	s30 =	sld [smem:$0x0];
	_ =	sdelay $0x2  }
0xb8: {  	s31 =	sshll.u32 s1, $0xD;
	s1 =	sshrl.u32 s1, $0x2  }
0xb9: {  	s3 =	sand.u32 $0x4000, s31;
	s1 =	sadd.s32 s1, s30  }
0xba: {  	s0 =	sor.u32 s3, s0;
	s1 =	sshll.u32 s1, $0x11  }
0xbb: {  	s0 =	sor.u32 s1, s0  }
0xbc: {  	s0 =	sadd.s32 $0x8F2B, s0  }
0xbd: {  	[sflag:s0] =	ssyncadd.remote.s32 $0x1  }
0xbe: {  	_ =	sfence.sel $0xFFFF  }
0xbf: {  	[dreg:$0x0] =	wrdreg $0xFFFFFFFF;
	(pc) =	sbr.abs _section_cstart, $3  }
0xc0: {  	[dreg:$0x1] =	wrdreg $0xFFFFFFFF  }
0xc1: {  	_ =	task.clear_ibuf [dreg:s6], $0x2FFFF;
	_ =	strace $0x9FFFFFFF  }
0xc2: {  	(tm) =	ssettm $0x7FFFFFFF  }
0xc3: {  	_ =	shalt  }
tec
execute0_lowered:
.L_overlay_start_1:
0x0: {  	(tag) =	ssettag $0x1  }
0x1: {  	s0 =	srdreg.scid;
	s1 =	rddreg [dreg:$0x0]  }
0x2: {  	s7 =	stileid.u32;
	s2 =	rddreg [dreg:$0x1]  }
0x3: {  	s21 =	simm.s32 $0x5000;
	s28 =	simm.s32 $0x7000;
	s29 =	simm.s32 $0xC0  }
0x4: {  	s30 =	simm.s32 $0xB000;
	s31 =	simm.s32 $0x1;
	s5 =	smul.u32 $0x4C00, s7  }
0x5: {  	s0 =	sand.u32 $0x1, s0;
	s6 =	smul.u32 $0x248, s7;
	s8 =	sadd.s32 $0xB600, s1  }
0x6: {  	s3 =	sshll.u32 s0, $0x4;
	s23 =	smul.u32 $0x2480, s0;
	s0 =	ssub.s32 $0x2, s0  }
0x7: {  	s4 =	sor.u32 s7, s3;
	s3 =	simm.s32 $0x0;
	s7 =	smul.u32 $0x49000, s7  }
0x8: {  	s22 =	sshrl.u32 s5, $0x3;
	s24 =	sshrl.u32 s0, $0x1;
	s4 =	smul.u32 $0x4C00, s4  }
0x9: {  	[smem:$0x7FF] =	sst s3;
	s14 =	sadd.s32 s22, s1;
	s5 =	sadd.s32 s6, s23  }
0xa: {  	s0 =	ssub.s32 s0, s24;
	s22 =	simm.s32 $0x3;
	s23 =	simm.s32 $0x2800  }
0xb: {  	s24 =	simm.s32 $0x40;
	_ =	strace $0x8000004D;
	[dreg:$0x3] =	wrdreg s8  }
0xc: {  	s5 =	sshll.u32 s5, $0x4;
	s7 =	sshrl.u32 s7, $0x2;
	s26 =	sadd.s32 $0x1E00, s14  }
0xd: {  	s14 =	sadd.s32 $0x2300, s14;
	s20 =	smax.u32 s0, $0x1;
	s0 =	simm.s32 $0x0  }
0xe: {  	s4 =	sshrl.u32 s4, $0x3;
	s6 =	sadd.s32 s7, s2;
	[dreg:$0x5] =	wrdreg s26  }
0xf: {  	s26 =	simm.s32 $0x9000;
	s11 =	sadd.s32 s4, s1;
	s4 =	sadd.s32 $0x29000, s1  }
0x10: {  	s1 =	sadd.s32 s5, s1;
	s7 =	sadd.s32 $0x4000, s6;
	s8 =	sadd.s32 $0x8000, s6  }
0x11: {  	s9 =	sadd.s32 $0xC000, s6;
	s10 =	sadd.s32 $0x10000, s6;
	s25 =	sadd.s32 $0x16000, s11  }
0x12: {  	s13 =	sadd.s32 $0x16500, s11;
	s15 =	sadd.s32 $0x72000, s1;
	s16 =	sadd.s32 $0x72800, s1  }
0x13: {  	s17 =	sadd.s32 $0x73000, s1;
	s18 =	sadd.s32 $0x73800, s1;
	s19 =	sadd.s32 $0x74000, s1  }
0x14: {  	s1 =	simm.s32 $0x2;
	[dreg:$0x4] =	wrdreg s25;
	s25 =	simm.s32 $0x80  }
.LBB2_1:
0x15: {  	s5 =	rddreg [dreg:$0x3]  }
0x16: {  	[tilespmem:s21], [sflag:$0x3] =	stream.linear.gather [hbm4b:s5+s3], $0x4000, $0x38;
	[tilespmem:$0x1F400] =	vst v63  }
0x17: {  	_ =	swait.ge [sflag:s22], $0x4000  }
0x18: {  	[sflag:s22] =	ssyncset.done $0x0  }
0x19: {  	[sflag:s22] =	ssyncadd.s32 $0xFFFFC000  }
0x1a: {  	[spmem:s6] =	stream.linear.scatter [tilespmem:s21], [sflag:$0x3], $0x4000, $0x38;
	[tilespmem:$0x1F400] =	vst v63  }
0x1b: {  	_ =	swait.ge [sflag:s22], $0x4000  }
0x1c: {  	[sflag:s22] =	ssyncset.done $0x0  }
0x1d: {  	[sflag:s22] =	ssyncadd.s32 $0xFFFFC000  }
0x1e: {  	[spmem:s7] =	stream.linear.scatter [tilespmem:s21], [sflag:$0x3], $0x4000, $0x38;
	[tilespmem:$0x1F400] =	vst v63  }
0x1f: {  	_ =	swait.ge [sflag:s22], $0x4000  }
0x20: {  	[sflag:s22] =	ssyncset.done $0x0  }
0x21: {  	[sflag:s22] =	ssyncadd.s32 $0xFFFFC000  }
0x22: {  	[spmem:s8] =	stream.linear.scatter [tilespmem:s21], [sflag:$0x3], $0x4000, $0x38;
	[tilespmem:$0x1F400] =	vst v63  }
0x23: {  	_ =	swait.ge [sflag:s22], $0x4000  }
0x24: {  	[sflag:s22] =	ssyncset.done $0x0  }
0x25: {  	[sflag:s22] =	ssyncadd.s32 $0xFFFFC000  }
0x26: {  	[spmem:s9] =	stream.linear.scatter [tilespmem:s21], [sflag:$0x3], $0x4000, $0x38;
	[tilespmem:$0x1F400] =	vst v63  }
0x27: {  	_ =	swait.ge [sflag:s22], $0x4000  }
0x28: {  	[sflag:s22] =	ssyncset.done $0x0  }
0x29: {  	[sflag:s22] =	ssyncadd.s32 $0xFFFFC000  }
0x2a: {  	[spmem:s10] =	stream.linear.scatter [tilespmem:s21], [sflag:$0x3], $0x2400, $0x38;
	[tilespmem:$0x1F400] =	vst v63  }
0x2b: {  	_ =	swait.ge [sflag:s22], $0x2400  }
0x2c: {  	[sflag:s22] =	ssyncset.done $0x0  }
0x2d: {  	[sflag:s22] =	ssyncadd.s32 $0xFFFFDC00  }
0x2e: {  	[bflag:$0x0] =	sbarrier.arrive $0xFFFF  }
0x2f: {  	s12 =	rddreg [dreg:$0x4]  }
0x30: {  	[tilespmem:s3], [sflag:$0x3] =	stream.linear.gather [hbm4b:s12+s3], $0x2800, $0x38;
	[tilespmem:$0x1F400] =	vst v63  }
0x31: {  	_ =	swait.ge [sflag:s22], $0x2800  }
0x32: {  	[sflag:s22] =	ssyncset.done $0x0  }
0x33: {  	s11 =	rddreg [dreg:$0x5];
	[sflag:s22] =	ssyncadd.s32 $0xFFFFD800  }
0x34: {  	[tilespmem:s23], [sflag:$0x3] =	stream.linear.gather [hbm4b:s11+s3], $0x2800, $0x38;
	[tilespmem:$0x1F400] =	vst v63  }
0x35: {  	_ =	swait.ge [sflag:s22], $0x2800  }
0x36: {  	[sflag:s22] =	ssyncset.done $0x0  }
0x37: {  	[sflag:s22] =	ssyncadd.s32 $0xFFFFD800  }
0x38: {  	[tilespmem:s21], [sflag:$0x1] =	stream.indirect.gather [hbm4b:s4+s24], $0x80, s3, s24, $0xb8;
	[tilespmem:$0x1F400] =	vst v63  }
0x39: {  	_ = 	snop  }
0x3a: {  	[tilespmem:s26], [sflag:$0x2] =	stream.indirect.gather [hbm4b:s4+s24], $0x80, s25, s24, $0xb8;
	[tilespmem:$0x1F400] =	vst v63  }
0x3b: {  	_ = 	snop  }
0x3c: {  	[tilespmem:s28], [sflag:$0x1] =	stream.indirect.gather [hbm4b:s4+s24], $0x80, s24, s24, $0xb8;
	[tilespmem:$0x1F400] =	vst v63  }
0x3d: {  	_ = 	snop  }
0x3e: {  	[tilespmem:s30], [sflag:$0x2] =	stream.indirect.gather [hbm4b:s4+s24], $0x80, s29, s24, $0xb8;
	[tilespmem:$0x1F400] =	vst v63  }
0x3f: {  	_ =	swait.ge [sflag:s31], $0x4000  }
0x40: {  	[sflag:s31] =	ssyncset.done $0x0  }
0x41: {  	s12 =	simm.s32 $0x2800;
	[sflag:s31] =	ssyncadd.s32 $0xFFFFC000  }
0x42: {  	[spmem:s2] =	stream.indirect.scatter.add.f32 [tilespmem:s21], [sflag:$0x3], $0x80, s12, s25, $0xb8;
	[tilespmem:$0x1F400] =	vst v63  }
0x43: {  	_ =	swait.ge [sflag:s22], $0x4000  }
0x44: {  	[sflag:s22] =	ssyncset.done $0x0  }
0x45: {  	s11 =	simm.s32 $0x100;
	[sflag:s22] =	ssyncadd.s32 $0xFFFFC000  }
0x46: {  	[tilespmem:s21], [sflag:$0x1] =	stream.indirect.gather [hbm4b:s4+s24], $0x80, s11, s24, $0xb8;
	[tilespmem:$0x1F400] =	vst v63  }
0x47: {  	s12 =	simm.s32 $0x140  }
0x48: {  	[tilespmem:s28], [sflag:$0x1] =	stream.indirect.gather [hbm4b:s4+s24], $0x80, s12, s24, $0xb8;
	[tilespmem:$0x1F400] =	vst v63  }
0x49: {  	_ =	swait.ge [sflag:s1], $0x4000  }
0x4a: {  	[sflag:s1] =	ssyncset.done $0x0  }
0x4b: {  	s11 =	simm.s32 $0x2880;
	[sflag:s1] =	ssyncadd.s32 $0xFFFFC000  }
0x4c: {  	[spmem:s2] =	stream.indirect.scatter.add.f32 [tilespmem:s26], [sflag:$0x3], $0x80, s11, s25, $0xb8;
	[tilespmem:$0x1F400] =	vst v63  }
0x4d: {  	_ =	swait.ge [sflag:s22], $0x4000  }
0x4e: {  	s5 =	simm.s32 $0x400;
	[sflag:s22] =	ssyncset.done $0x0  }
0x4f: {  	s12 =	simm.s32 $0x180;
	s11 =	simm.s32 $0x1C0;
	[sflag:s22] =	ssyncadd.s32 $0xFFFFC000  }
0x50: {  	[tilespmem:s26], [sflag:$0x2] =	stream.indirect.gather [hbm4b:s4+s24], $0x80, s12, s24, $0xb8;
	[tilespmem:$0x1F400] =	vst v63  }
.LBB2_2:
0x51: {  	[tilespmem:s30], [sflag:$0x2] =	stream.indirect.gather [hbm4b:s4+s24], $0x80, s11, s24, $0xb8;
	[tilespmem:$0x1F400] =	vst v63  }
0x52: {  	s11 =	smov.u32 s5  }
0x53: {  	p0 =	sne.s32 s5, $0x9800;
	s5 =	sadd.s32 $0x400, s5;
	_ =	swait.ge [sflag:s31], $0x4000  }
0x54: {  	s11 =	sshra.s32 s11, $0x2;
	[sflag:s31] =	ssyncset.done $0x0  }
0x55: {  	s12 =	sadd.s32 $0x2800, s11;
	[sflag:s31] =	ssyncadd.s32 $0xFFFFC000  }
0x56: {  	[spmem:s2] =	stream.indirect.scatter.add.f32 [tilespmem:s21], [sflag:$0x3], $0x80, s12, s25, $0xb8;
	[tilespmem:$0x1F400] =	vst v63  }
0x57: {  	_ =	swait.ge [sflag:s22], $0x4000  }
0x58: {  	[sflag:s22] =	ssyncset.done $0x0  }
0x59: {  	s12 =	sadd.s32 $0x100, s11;
	[sflag:s22] =	ssyncadd.s32 $0xFFFFC000  }
0x5a: {  	[tilespmem:s21], [sflag:$0x1] =	stream.indirect.gather [hbm4b:s4+s24], $0x80, s12, s24, $0xb8;
	[tilespmem:$0x1F400] =	vst v63  }
0x5b: {  	s12 =	sadd.s32 $0x140, s11  }
0x5c: {  	[tilespmem:s28], [sflag:$0x1] =	stream.indirect.gather [hbm4b:s4+s24], $0x80, s12, s24, $0xb8;
	[tilespmem:$0x1F400] =	vst v63  }
0x5d: {  	_ =	swait.ge [sflag:s1], $0x4000  }
0x5e: {  	[sflag:s1] =	ssyncset.done $0x0  }
0x5f: {  	s12 =	sadd.s32 $0x2880, s11;
	[sflag:s1] =	ssyncadd.s32 $0xFFFFC000  }
0x60: {  	[spmem:s2] =	stream.indirect.scatter.add.f32 [tilespmem:s26], [sflag:$0x3], $0x80, s12, s25, $0xb8;
	[tilespmem:$0x1F400] =	vst v63  }
.Ltmp0:
0x61: {  	_ =	swait.ge [sflag:s22], $0x4000;
	(pc) =	sbr.rel @p0 .LBB2_2-.Ltmp0, $4  }
0x62: {  	[sflag:s22] =	ssyncset.done $0x0  }
0x63: {  	s12 =	sadd.s32 $0x180, s11;
	[sflag:s22] =	ssyncadd.s32 $0xFFFFC000  }
0x64: {  	[tilespmem:s26], [sflag:$0x2] =	stream.indirect.gather [hbm4b:s4+s24], $0x80, s12, s24, $0xb8;
	[tilespmem:$0x1F400] =	vst v63  }
0x65: {  	s11 =	sadd.s32 $0x1C0, s11  }
0x66: {  	[tilespmem:s30], [sflag:$0x2] =	stream.indirect.gather [hbm4b:s4+s24], $0x80, s11, s24, $0xb8;
	[tilespmem:$0x1F400] =	vst v63  }
0x67: {  	_ =	swait.ge [sflag:s31], $0x4000  }
0x68: {  	[sflag:s31] =	ssyncset.done $0x0  }
0x69: {  	s5 =	simm.s32 $0x4F00;
	[sflag:s31] =	ssyncadd.s32 $0xFFFFC000  }
0x6a: {  	[spmem:s2] =	stream.indirect.scatter.add.f32 [tilespmem:s21], [sflag:$0x3], $0x80, s5, s25, $0xb8;
	[tilespmem:$0x1F400] =	vst v63  }
0x6b: {  	_ =	swait.ge [sflag:s22], $0x4000  }
0x6c: {  	[sflag:s22] =	ssyncset.done $0x0  }
0x6d: {  	[sflag:s22] =	ssyncadd.s32 $0xFFFFC000  }
0x6e: {  	_ =	swait.ge [sflag:s1], $0x4000  }
0x6f: {  	[sflag:s1] =	ssyncset.done $0x0  }
0x70: {  	s12 =	simm.s32 $0x4F80;
	[sflag:s1] =	ssyncadd.s32 $0xFFFFC000  }
0x71: {  	[spmem:s2] =	stream.indirect.scatter.add.f32 [tilespmem:s26], [sflag:$0x3], $0x80, s12, s25, $0xb8;
	[tilespmem:$0x1F400] =	vst v63  }
0x72: {  	_ =	swait.ge [sflag:s22], $0x4000  }
0x73: {  	[sflag:s22] =	ssyncset.done $0x0  }
0x74: {  	s11 =	simm.s32 $0x0;
	[sflag:s22] =	ssyncadd.s32 $0xFFFFC000  }
0x75: {  	[tilespmem:s11], [sflag:$0x3] =	stream.linear.gather [hbm4b:s13+s11], $0x2400, $0x38;
	[tilespmem:$0x1F400] =	vst v63  }
0x76: {  	_ =	swait.ge [sflag:s22], $0x2400  }
0x77: {  	[sflag:s22] =	ssyncset.done $0x0  }
0x78: {  	[sflag:s22] =	ssyncadd.s32 $0xFFFFDC00  }
0x79: {  	[tilespmem:s23], [sflag:$0x3] =	stream.linear.gather [hbm4b:s14+s11], $0x2400, $0x38;
	[tilespmem:$0x1F400] =	vst v63  }
0x7a: {  	_ =	swait.ge [sflag:s22], $0x2400  }
0x7b: {  	[sflag:s22] =	ssyncset.done $0x0  }
0x7c: {  	[sflag:s22] =	ssyncadd.s32 $0xFFFFDC00  }
0x7d: {  	[tilespmem:s21], [sflag:$0x1] =	stream.indirect.gather [hbm4b:s4+s24], $0x80, s11, s24, $0xb8;
	[tilespmem:$0x1F400] =	vst v63  }
0x7e: {  	_ = 	snop  }
0x7f: {  	[tilespmem:s26], [sflag:$0x2] =	stream.indirect.gather [hbm4b:s4+s24], $0x80, s25, s24, $0xb8;
	[tilespmem:$0x1F400] =	vst v63  }
0x80: {  	_ = 	snop  }
0x81: {  	[tilespmem:s28], [sflag:$0x1] =	stream.indirect.gather [hbm4b:s4+s24], $0x80, s24, s24, $0xb8;
	[tilespmem:$0x1F400] =	vst v63  }
0x82: {  	_ = 	snop  }
0x83: {  	[tilespmem:s30], [sflag:$0x2] =	stream.indirect.gather [hbm4b:s4+s24], $0x80, s29, s24, $0xb8;
	[tilespmem:$0x1F400] =	vst v63  }
0x84: {  	_ =	swait.ge [sflag:s31], $0x4000  }
0x85: {  	[sflag:s31] =	ssyncset.done $0x0  }
0x86: {  	s12 =	simm.s32 $0x2800;
	[sflag:s31] =	ssyncadd.s32 $0xFFFFC000  }
0x87: {  	[spmem:s2] =	stream.indirect.scatter.add.f32 [tilespmem:s21], [sflag:$0x3], $0x80, s12, s25, $0xb8;
	[tilespmem:$0x1F400] =	vst v63  }
0x88: {  	_ =	swait.ge [sflag:s22], $0x4000  }
0x89: {  	[sflag:s22] =	ssyncset.done $0x0  }
0x8a: {  	s11 =	simm.s32 $0x100;
	[sflag:s22] =	ssyncadd.s32 $0xFFFFC000  }
0x8b: {  	[tilespmem:s21], [sflag:$0x1] =	stream.indirect.gather [hbm4b:s4+s24], $0x80, s11, s24, $0xb8;
	[tilespmem:$0x1F400] =	vst v63  }
0x8c: {  	s12 =	simm.s32 $0x140  }
0x8d: {  	[tilespmem:s28], [sflag:$0x1] =	stream.indirect.gather [hbm4b:s4+s24], $0x80, s12, s24, $0xb8;
	[tilespmem:$0x1F400] =	vst v63  }
0x8e: {  	_ =	swait.ge [sflag:s1], $0x4000  }
0x8f: {  	[sflag:s1] =	ssyncset.done $0x0  }
0x90: {  	s11 =	simm.s32 $0x2880;
	[sflag:s1] =	ssyncadd.s32 $0xFFFFC000  }
0x91: {  	[spmem:s2] =	stream.indirect.scatter.add.f32 [tilespmem:s26], [sflag:$0x3], $0x80, s11, s25, $0xb8;
	[tilespmem:$0x1F400] =	vst v63  }
0x92: {  	_ =	swait.ge [sflag:s22], $0x4000  }
0x93: {  	s5 =	simm.s32 $0x400;
	[sflag:s22] =	ssyncset.done $0x0  }
0x94: {  	s12 =	simm.s32 $0x180;
	s11 =	simm.s32 $0x1C0;
	[sflag:s22] =	ssyncadd.s32 $0xFFFFC000  }
0x95: {  	[tilespmem:s26], [sflag:$0x2] =	stream.indirect.gather [hbm4b:s4+s24], $0x80, s12, s24, $0xb8;
	[tilespmem:$0x1F400] =	vst v63  }
.LBB2_4:
0x96: {  	[tilespmem:s30], [sflag:$0x2] =	stream.indirect.gather [hbm4b:s4+s24], $0x80, s11, s24, $0xb8;
	[tilespmem:$0x1F400] =	vst v63  }
0x97: {  	s11 =	smov.u32 s5  }
0x98: {  	p0 =	sne.s32 s5, $0x8800;
	s5 =	sadd.s32 $0x400, s5;
	_ =	swait.ge [sflag:s31], $0x4000  }
0x99: {  	s11 =	sshra.s32 s11, $0x2;
	[sflag:s31] =	ssyncset.done $0x0  }
0x9a: {  	s12 =	sadd.s32 $0x2800, s11;
	[sflag:s31] =	ssyncadd.s32 $0xFFFFC000  }
0x9b: {  	[spmem:s2] =	stream.indirect.scatter.add.f32 [tilespmem:s21], [sflag:$0x3], $0x80, s12, s25, $0xb8;
	[tilespmem:$0x1F400] =	vst v63  }
0x9c: {  	_ =	swait.ge [sflag:s22], $0x4000  }
0x9d: {  	[sflag:s22] =	ssyncset.done $0x0  }
0x9e: {  	s12 =	sadd.s32 $0x100, s11;
	[sflag:s22] =	ssyncadd.s32 $0xFFFFC000  }
0x9f: {  	[tilespmem:s21], [sflag:$0x1] =	stream.indirect.gather [hbm4b:s4+s24], $0x80, s12, s24, $0xb8;
	[tilespmem:$0x1F400] =	vst v63  }
0xa0: {  	s12 =	sadd.s32 $0x140, s11  }
0xa1: {  	[tilespmem:s28], [sflag:$0x1] =	stream.indirect.gather [hbm4b:s4+s24], $0x80, s12, s24, $0xb8;
	[tilespmem:$0x1F400] =	vst v63  }
0xa2: {  	_ =	swait.ge [sflag:s1], $0x4000  }
0xa3: {  	[sflag:s1] =	ssyncset.done $0x0  }
0xa4: {  	s12 =	sadd.s32 $0x2880, s11;
	[sflag:s1] =	ssyncadd.s32 $0xFFFFC000  }
0xa5: {  	[spmem:s2] =	stream.indirect.scatter.add.f32 [tilespmem:s26], [sflag:$0x3], $0x80, s12, s25, $0xb8;
	[tilespmem:$0x1F400] =	vst v63  }
.Ltmp1:
0xa6: {  	_ =	swait.ge [sflag:s22], $0x4000;
	(pc) =	sbr.rel @p0 .LBB2_4-.Ltmp1, $4  }
0xa7: {  	[sflag:s22] =	ssyncset.done $0x0  }
0xa8: {  	s12 =	sadd.s32 $0x180, s11;
	[sflag:s22] =	ssyncadd.s32 $0xFFFFC000  }
0xa9: {  	[tilespmem:s26], [sflag:$0x2] =	stream.indirect.gather [hbm4b:s4+s24], $0x80, s12, s24, $0xb8;
	[tilespmem:$0x1F400] =	vst v63  }
0xaa: {  	s11 =	sadd.s32 $0x1C0, s11  }
0xab: {  	[tilespmem:s30], [sflag:$0x2] =	stream.indirect.gather [hbm4b:s4+s24], $0x80, s11, s24, $0xb8;
	[tilespmem:$0x1F400] =	vst v63  }
0xac: {  	_ =	swait.ge [sflag:s31], $0x4000  }
0xad: {  	[sflag:s31] =	ssyncset.done $0x0  }
0xae: {  	s5 =	simm.s32 $0x4B00;
	[sflag:s31] =	ssyncadd.s32 $0xFFFFC000  }
0xaf: {  	[spmem:s2] =	stream.indirect.scatter.add.f32 [tilespmem:s21], [sflag:$0x3], $0x80, s5, s25, $0xb8;
	[tilespmem:$0x1F400] =	vst v63  }
0xb0: {  	_ =	swait.ge [sflag:s22], $0x4000  }
0xb1: {  	[sflag:s22] =	ssyncset.done $0x0  }
0xb2: {  	[sflag:s22] =	ssyncadd.s32 $0xFFFFC000  }
0xb3: {  	_ =	swait.ge [sflag:s1], $0x4000  }
0xb4: {  	[sflag:s1] =	ssyncset.done $0x0  }
0xb5: {  	s12 =	simm.s32 $0x4B80;
	[sflag:s1] =	ssyncadd.s32 $0xFFFFC000  }
0xb6: {  	[spmem:s2] =	stream.indirect.scatter.add.f32 [tilespmem:s26], [sflag:$0x3], $0x80, s12, s25, $0xb8;
	[tilespmem:$0x1F400] =	vst v63  }
0xb7: {  	_ =	swait.ge [sflag:s22], $0x4000  }
0xb8: {  	[sflag:s22] =	ssyncset.done $0x0  }
0xb9: {  	[sflag:s22] =	ssyncadd.s32 $0xFFFFC000  }
0xba: {  	[bflag:$0x0] =	sbarrier.arrive $0xFFFF  }
0xbb: {  	[tilespmem:s21], [sflag:$0x3] =	stream.linear.gather [spmem:s6], $0x4000, $0x38;
	[tilespmem:$0x1F400] =	vst v63  }
0xbc: {  	_ =	swait.ge [sflag:s22], $0x4000  }
0xbd: {  	[sflag:s22] =	ssyncset.done $0x0  }
0xbe: {  	[sflag:s22] =	ssyncadd.s32 $0xFFFFC000  }
0xbf: {  	[hbm4b:s15+s3] =	stream.linear.scatter [tilespmem:s21], [sflag:$0x3], $0x4000, $0x38;
	[tilespmem:$0x1F400] =	vst v63  }
0xc0: {  	_ =	swait.ge [sflag:s22], $0x4000  }
0xc1: {  	[sflag:s22] =	ssyncset.done $0x0  }
0xc2: {  	[sflag:s22] =	ssyncadd.s32 $0xFFFFC000  }
0xc3: {  	[tilespmem:s21], [sflag:$0x3] =	stream.linear.gather [spmem:s7], $0x4000, $0x38;
	[tilespmem:$0x1F400] =	vst v63  }
0xc4: {  	_ =	swait.ge [sflag:s22], $0x4000  }
0xc5: {  	[sflag:s22] =	ssyncset.done $0x0  }
0xc6: {  	[sflag:s22] =	ssyncadd.s32 $0xFFFFC000  }
0xc7: {  	[hbm4b:s16+s3] =	stream.linear.scatter [tilespmem:s21], [sflag:$0x3], $0x4000, $0x38;
	[tilespmem:$0x1F400] =	vst v63  }
0xc8: {  	_ =	swait.ge [sflag:s22], $0x4000  }
0xc9: {  	[sflag:s22] =	ssyncset.done $0x0  }
0xca: {  	[sflag:s22] =	ssyncadd.s32 $0xFFFFC000  }
0xcb: {  	[tilespmem:s21], [sflag:$0x3] =	stream.linear.gather [spmem:s8], $0x4000, $0x38;
	[tilespmem:$0x1F400] =	vst v63  }
0xcc: {  	_ =	swait.ge [sflag:s22], $0x4000  }
0xcd: {  	[sflag:s22] =	ssyncset.done $0x0  }
0xce: {  	[sflag:s22] =	ssyncadd.s32 $0xFFFFC000  }
0xcf: {  	[hbm4b:s17+s3] =	stream.linear.scatter [tilespmem:s21], [sflag:$0x3], $0x4000, $0x38;
	[tilespmem:$0x1F400] =	vst v63  }
0xd0: {  	_ =	swait.ge [sflag:s22], $0x4000  }
0xd1: {  	[sflag:s22] =	ssyncset.done $0x0  }
0xd2: {  	[sflag:s22] =	ssyncadd.s32 $0xFFFFC000  }
0xd3: {  	[tilespmem:s21], [sflag:$0x3] =	stream.linear.gather [spmem:s9], $0x4000, $0x38;
	[tilespmem:$0x1F400] =	vst v63  }
0xd4: {  	_ =	swait.ge [sflag:s22], $0x4000  }
0xd5: {  	[sflag:s22] =	ssyncset.done $0x0  }
0xd6: {  	[sflag:s22] =	ssyncadd.s32 $0xFFFFC000  }
0xd7: {  	[hbm4b:s18+s3] =	stream.linear.scatter [tilespmem:s21], [sflag:$0x3], $0x4000, $0x38;
	[tilespmem:$0x1F400] =	vst v63  }
0xd8: {  	_ =	swait.ge [sflag:s22], $0x4000  }
0xd9: {  	[sflag:s22] =	ssyncset.done $0x0  }
0xda: {  	[sflag:s22] =	ssyncadd.s32 $0xFFFFC000  }
0xdb: {  	[tilespmem:s21], [sflag:$0x3] =	stream.linear.gather [spmem:s10], $0x2400, $0x38;
	[tilespmem:$0x1F400] =	vst v63  }
0xdc: {  	s0 =	sadd.s32 $0x1, s0;
	_ =	swait.ge [sflag:s22], $0x2400  }
0xdd: {  	p0 =	sne.s32 s0, s20;
	[sflag:s22] =	ssyncset.done $0x0  }
.Ltmp2:
0xde: {  	[sflag:s22] =	ssyncadd.s32 $0xFFFFDC00;
	(pc) =	sbr.rel @p0 .LBB2_1-.Ltmp2, $4  }
0xdf: {  	[hbm4b:s19+s3] =	stream.linear.scatter [tilespmem:s21], [sflag:$0x3], $0x2400, $0x38;
	[tilespmem:$0x1F400] =	vst v63  }
0xe0: {  	_ =	swait.ge [sflag:s22], $0x2400  }
0xe1: {  	[sflag:s22] =	ssyncset.done $0x0  }
0xe2: {  	[sflag:s22] =	ssyncadd.s32 $0xFFFFDC00  }
0xe3: {  	_ =	sfence.sel $0x180000  }
0xe4: {  	[bflag:$0x0] =	sbarrier.arrive $0xFFFF  }
0xe5: {  	_ =	strace $0x9000004D  }
0xe6: {  	s0 =	stileid.u32;
	[bflag:$0x2] =	sbarrier.arrive $0xFFFF  }
0xe7: {  	p0 =	sne.s32 s0, $0x0;
	s0 =	rddreg [dreg:$0x2]  }
0xe8: {  	s0 =	sadd.s32 @!p0 $0x100000, s0  }
0xe9: {  	[sflag:s0] =	ssyncadd.tile.s32 @!p0 $0x1;
	_ =	shalt  }
.Lfunc_end2:
_tile_overlayer_lowered:
.L_overlay_start_2:
0xea: {  	(tag) =	ssettag $0x2  }
0xeb: {  	s0 =	rddreg [dreg:$0x0];
	s2 =	stileid.u32  }
0xec: {  	s1 =	rddreg [dreg:$0x1];
	p0 =	sne.s32 s2, $0x0  }
0xed: {  	s3 =	rddreg [dreg:$0x2];
	[bflag:$0x3] =	sbarrier.arrive $0xFFFF;
	s2 =	simm.s32 @!p0 $0x1C03  }
0xee: {  	[timem:s3], [sflag:s2] =	dma.local @!p0 [hbm:s0], s1  }
0xef: {  	s0 =	simm.s32 @!p0 $0x3  }
0xf0: {  	_ =	swait.ge @!p0 [sflag:s0], s1  }
0xf1: {  	s1 =	ssub.s32 @!p0 $0x0, s1;
	[sflag:s0] =	ssyncset.done @!p0 $0x0  }
0xf2: {  	[sflag:s0] =	ssyncadd.s32 @!p0 s1  }
0xf3: {  	[bflag:$0x3] =	sbarrier.arrive $0xFFFF  }
0xf4: {  	_ =	shalt  }

// kernel: kernel.8.cloned.1.call-start
scs
__scs_entry_jumppad:
0x0: {  	(pc) =	sbr.rel $0x88, $3  }
0x1: {  	(tag) =	ssettag $0x0;
	lr =	simm.s32 $0x1  }
0x2: {  	[smem:$0x3F97] =	sst lr;
	_ =	strace $0xD0000000  }
0x3: {  	_ = 	snop  }
0x4: {  	_ = 	snop  }
0x5: {  	_ = 	snop  }
0x6: {  	_ = 	snop  }
0x7: {  	_ = 	snop  }
__scs_overlays_trampoline_lowered:
0x8: {  	[smem:$0x3FA6] =	sst s0  }
0x9: {  	[smem:$0x3FA7] =	sst s1  }
0xa: {  	[smem:$0x3FA8] =	sst s2  }
0xb: {  	[smem:$0x3FA9] =	sst s3  }
0xc: {  	[smem:$0x3FAA] =	sst s4  }
0xd: {  	[smem:$0x3FAB] =	sst s5  }
0xe: {  	[smem:$0x3FAC] =	sst s6  }
0xf: {  	[smem:$0x3FAD] =	sst s7  }
0x10: {  	[smem:$0x3FAE] =	sst s8  }
0x11: {  	[smem:$0x3FAF] =	sst s9;
	s0 =	simm.s32 @!p0 $0x0  }
0x12: {  	s1 =	sld [smem:$0x3F95];
	s0 =	simm.s32 @p0 $0x1  }
0x13: {  	[smem:$0x3FB0] =	sst s0;
	s0 =	simm.s32 @!p1 $0x0  }
0x14: {  	s2 =	sld [smem:$0x3F94];
	s0 =	simm.s32 @p1 $0x1  }
0x15: {  	[smem:$0x3FB1] =	sst s0;
	s0 =	simm.s32 @!p2 $0x0  }
0x16: {  	s3 =	sld [smem:$0x3FDB];
	s0 =	simm.s32 @p2 $0x1  }
0x17: {  	s4 =	simm.s32 $0x1BF5;
	[smem:$0x3FB3] =	sst s0  }
0x18: {  	s0 =	sld [smem:$0x3F96];
	_ =	swait.ge [sflag:s4], $0x0  }
0x19: {  	s7 =	sld [smem:$0x3F97]  }
0x1a: {  	s8 =	sadd.s32 $0xFFFFE003, lr  }
0x1b: {  	s9 =	sadd.s32 $0xFFFFFEF7, lr;
	s5 =	simm.s32 $0xFFFFFFFF;
	p2 =	slt.u32 s8, $0xFFFFF086  }
0x1c: {  	p1 =	slt.u32 s9, $0xF7A;
	s5 =	simm.s32 @!p2 $0x0  }
0x1d: {  	s5 =	simm.s32 @p1 $0x1;
	p0 =	seq.s32 s7, s2  }
0x1e: {  	s7 =	smul.u32 @!p0 $0xF7A, s2;
	p2 =	seq.s32 @!p0 s5, $0x0  }
0x1f: {  	s9 =	smul.u32 $0xF7A, s1;
	s8 =	simm.s32 @!p0 $0x1BF5;
	p2 =	por !p2, p0  }
0x20: {  	[sflag:s8] =	ssyncset.s32 @!p0 $0xFFFFF086;
	s6 =	sadd.s32 @!p0 s3, s7;
	s7 =	simm.s32 @!p0 $0x108  }
0x21: {  	s3 =	sadd.s32 s3, s9;
	s6 =	sadd.s32 @!p0 $0x88, s6;
	s7 =	simm.s32 @p2 $0x1082  }
0x22: {  	[simem:s7], [sflag:s8] =	dma.local @!p0 [hbm:s6], $0xF7A  }
0x23: {  	s9 =	sor.u32 $0xD0000000, s2;
	s6 =	simm.s32 $0x108;
	_ =	swait.ge @!p0 [sflag:s8], $0x0  }
0x24: {  	s3 =	sadd.s32 $0x88, s3;
	s6 =	simm.s32 @!p1 $0x1082;
	[sflag:s4] =	ssyncset.s32 $0xFFFFF086  }
0x25: {  	[simem:s6], [sflag:s4] =	dma.local [hbm:s3], $0xF7A  }
0x26: {  	[smem:$0x3F97] =	sst s1;
	(tag) =	ssettag s2;
	_ =	strace s9  }
0x27: {  	s1 =	sld [smem:$0x3FA7]  }
0x28: {  	s2 =	sld [smem:$0x3FA8]  }
0x29: {  	s4 =	sld [smem:$0x3FAA]  }
0x2a: {  	p0 =	seq.s32 s5, $0x0;
	s5 =	sld [smem:$0x3FAB]  }
0x2b: {  	s6 =	sld [smem:$0x3FAC]  }
0x2c: {  	s7 =	sld [smem:$0x3FAD]  }
0x2d: {  	s3 =	simm.s32 $0x108;
	s8 =	sld [smem:$0x3FAE]  }
0x2e: {  	s3 =	simm.s32 @!p0 $0x1082;
	s9 =	sld [smem:$0x3FAF]  }
0x2f: {  	lr =	sadd.s32 s0, s3;
	s0 =	sld [smem:$0x3FA6]  }
0x30: {  	s3 =	sld [smem:$0x3FA9]  }
0x31: {  	[smem:$0x3FB2] =	sst s10  }
0x32: {  	s10 =	sld [smem:$0x3FB0];
	_ =	sdelay $0x3  }
0x33: {  	p0 =	seq.s32 s10, $0x1;
	s10 =	sld [smem:$0x3FB2];
	_ =	sdelay $0x3  }
0x34: {  	[smem:$0x3FB2] =	sst s10  }
0x35: {  	s10 =	sld [smem:$0x3FB1];
	_ =	sdelay $0x3  }
0x36: {  	p1 =	seq.s32 s10, $0x1;
	s10 =	sld [smem:$0x3FB2];
	_ =	sdelay $0x3  }
0x37: {  	[smem:$0x3FB2] =	sst s10  }
0x38: {  	s10 =	sld [smem:$0x3FB3]  }
0x39: {  	_ = 	snop;
	(pc) =	sbr.ind lr, $3  }
0x3a: {  	_ = 	snop  }
0x3b: {  	_ = 	snop  }
0x3c: {  	p2 =	seq.s32 s10, $0x1;
	s10 =	sld [smem:$0x3FB2]  }
0x3d: {  	_ =	shalt  }
0x3e: {  	_ =	shalt  }
0x3f: {  	_ =	shalt  }
0x40: {  	_ =	shalt  }
0x41: {  	_ =	shalt  }
0x42: {  	_ =	shalt  }
0x43: {  	_ =	shalt  }
0x44: {  	_ =	shalt  }
0x45: {  	_ =	shalt  }
0x46: {  	_ =	shalt  }
0x47: {  	_ =	shalt  }
0x48: {  	_ =	shalt  }
0x49: {  	_ =	shalt  }
0x4a: {  	_ =	shalt  }
0x4b: {  	_ =	shalt  }
0x4c: {  	_ =	shalt  }
0x4d: {  	_ =	shalt  }
0x4e: {  	_ =	shalt  }
0x4f: {  	_ =	shalt  }
0x50: {  	_ =	shalt  }
0x51: {  	_ =	shalt  }
0x52: {  	_ =	shalt  }
0x53: {  	_ =	shalt  }
0x54: {  	_ =	shalt  }
0x55: {  	_ =	shalt  }
0x56: {  	_ =	shalt  }
0x57: {  	_ =	shalt  }
0x58: {  	_ =	shalt  }
0x59: {  	_ =	shalt  }
0x5a: {  	_ =	shalt  }
0x5b: {  	_ =	shalt  }
0x5c: {  	_ =	shalt  }
0x5d: {  	_ =	shalt  }
0x5e: {  	_ =	shalt  }
0x5f: {  	_ =	shalt  }
0x60: {  	_ =	shalt  }
0x61: {  	_ =	shalt  }
0x62: {  	_ =	shalt  }
0x63: {  	_ =	shalt  }
0x64: {  	_ =	shalt  }
0x65: {  	_ =	shalt  }
0x66: {  	_ =	shalt  }
0x67: {  	_ =	shalt  }
0x68: {  	_ =	shalt  }
0x69: {  	_ =	shalt  }
0x6a: {  	_ =	shalt  }
0x6b: {  	_ =	shalt  }
0x6c: {  	_ =	shalt  }
0x6d: {  	_ =	shalt  }
0x6e: {  	_ =	shalt  }
0x6f: {  	_ =	shalt  }
0x70: {  	_ =	shalt  }
0x71: {  	_ =	shalt  }
0x72: {  	_ =	shalt  }
0x73: {  	_ =	shalt  }
0x74: {  	_ =	shalt  }
0x75: {  	_ =	shalt  }
0x76: {  	_ =	shalt  }
0x77: {  	_ =	shalt  }
0x78: {  	_ =	shalt  }
0x79: {  	_ =	shalt  }
0x7a: {  	_ =	shalt  }
0x7b: {  	_ =	shalt  }
0x7c: {  	_ =	shalt  }
0x7d: {  	_ =	shalt  }
0x7e: {  	_ =	shalt  }
0x7f: {  	_ =	shalt  }
0x80: {  	_ =	shalt  }
0x81: {  	_ =	shalt  }
0x82: {  	_ =	shalt  }
0x83: {  	_ =	shalt  }
0x84: {  	_ =	shalt  }
0x85: {  	_ =	shalt  }
0x86: {  	_ =	shalt  }
0x87: {  	_ =	shalt  }
.Lfunc_end0:
.L_simem_size_0:
called_computation_lowered:
.L_overlay_start_0:
0x88: {  	s2 =	sld [smem:$0x3FD9]  }
0x89: {  	s3 =	sld [smem:$0x3FFE];
	_ =	sdelay $0x1  }
0x8a: {  	s1 =	srdreg.scid  }
0x8b: {  	s0 =	sand.u32 $0x1, s1  }
0x8c: {  	s16 =	sshll.u32 s0, $0xA;
	s2 =	sadd.s32 s3, s2  }
0x8d: {  	s2 =	sadd.s32 s2, s16  }
0x8e: {  	[smem:$0x3FBE] =	sst s2  }
0x8f: {  	_ = 	snop  }
0x90: {  	(tm) =	ssettm $0x1  }
0x91: {  	s17 =	sld [smem:$0x3FFB];
	_ =	sdelay $0x3  }
0x92: {  	_ =	strace s17  }
0x93: {  	s2 =	sld [smem:$0x3FFC];
	_ =	sdelay $0x3  }
0x94: {  	_ =	strace s2  }
0x95: {  	s2 =	sld [smem:$0x3FFD];
	_ =	sdelay $0x3  }
0x96: {  	_ =	strace s2  }
0x97: {  	_ =	strace $0x8FFFFFFF  }
0x98: {  	s18 =	sld [smem:$0x3FDB];
	_ =	sdelay $0x1  }
0x99: {  	s19 =	simm.s32 $_scs_section_size  }
0x9a: {  	s4 =	simm.s32 $_size__tile_overlayer_lowered;
	s5 =	simm.s32 $_tile_overlayer_lowered  }
0x9b: {  	s22 =	simm.s32 $0x1BFF;
	s21 =	sshll.u32 s5, $0x1;
	s2 =	sadd.s32 s19, s18  }
0x9c: {  	s6 =	simm.s32 $0x0;
	s20 =	sshll.u32 s4, $0x1;
	s4 =	sadd.s32 s21, s2  }
0x9d: {  	[timem:s6], [sflag:s22] =	dma.local [hbm:s4], s20  }
0x9e: {  	_ =	swait.ge [sflag:s22], s20  }
0x9f: {  	s3 =	ssub.s32 $0x0, s20;
	[sflag:s22] =	ssyncset.done $0x0  }
0xa0: {  	[sflag:s22] =	ssyncadd.s32 s3;
	_ =	sdelay $0x1  }
0xa1: {  	s23 =	simm.s32 $0x1B8B  }
0xa2: {  	_ =	swait.ge [sflag:s23], $0x1  }
0xa3: {  	[sflag:s23] =	ssyncset.done $0x0  }
0xa4: {  	s25 =	simm.s32 $0x1B8E;
	s24 =	sld [smem:$0x3FFE];
	[sflag:s23] =	ssyncadd.s32 $0xFFFFFFFF  }
0xa5: {  	s26 =	simm.s32 $execute0_lowered;
	[smem:$0x3FD2] =	sst s25  }
0xa6: {  	s4 =	sshll.u32 s26, $0x1;
	_ =	strace $0x80000046;
	[dreg:$0x1] =	wrdreg $0xFFFFFFFF  }
0xa7: {  	s28 =	simm.s32 $_size_execute0_lowered;
	s2 =	sadd.s32 s2, s4;
	[dreg:$0x0] =	wrdreg $0x0  }
0xa8: {  	s4 =	sshll.u32 s28, $0x1;
	[dreg:$0x2] =	wrdreg s2  }
0xa9: {  	[dreg:$0x3] =	wrdreg s4  }
0xaa: {  	[dreg:$0x4] =	wrdreg $0xC0  }
0xab: {  	_ =	task [dreg:s6], $0x5FFFF  }
0xac: {  	[dreg:$0x1] =	wrdreg $0xFFFFFFFF  }
0xad: {  	[dreg:$0x0] =	wrdreg $0x60  }
0xae: {  	[dreg:$0x2] =	wrdreg s24  }
0xaf: {  	[dreg:$0x3] =	wrdreg $0x2B000  }
0xb0: {  	[dreg:$0x4] =	wrdreg $0x9  }
0xb1: {  	_ =	task.clear_ibuf [dreg:s6], $0x5FFFF;
	_ =	strace $0x90000046  }
0xb2: {  	s29 =	simm.s32 $0x9;
	_ =	strace $0x80000048  }
0xb3: {  	_ =	swait.ge [sflag:s29], $0x1  }
0xb4: {  	[sflag:s29] =	ssyncadd.s32 $0xFFFFFFFF  }
0xb5: {  	_ =	strace $0x90000048  }
0xb6: {  	_ =	sfence  }
0xb7: {  	s30 =	sld [smem:$0x0];
	_ =	sdelay $0x2  }
0xb8: {  	s31 =	sshll.u32 s1, $0xD;
	s1 =	sshrl.u32 s1, $0x2  }
0xb9: {  	s3 =	sand.u32 $0x4000, s31;
	s1 =	sadd.s32 s1, s30  }
0xba: {  	s0 =	sor.u32 s3, s0;
	s1 =	sshll.u32 s1, $0x11  }
0xbb: {  	s0 =	sor.u32 s1, s0  }
0xbc: {  	s0 =	sadd.s32 $0x8F2B, s0  }
0xbd: {  	[sflag:s0] =	ssyncadd.remote.s32 $0x1  }
0xbe: {  	_ =	sfence.sel $0xFFFF  }
0xbf: {  	[dreg:$0x0] =	wrdreg $0xFFFFFFFF;
	(pc) =	sbr.abs _section_cstart, $3  }
0xc0: {  	[dreg:$0x1] =	wrdreg $0xFFFFFFFF  }
0xc1: {  	_ =	task.clear_ibuf [dreg:s6], $0x2FFFF;
	_ =	strace $0x9FFFFFFF  }
0xc2: {  	(tm) =	ssettm $0x7FFFFFFF  }
0xc3: {  	_ =	shalt  }
tec
execute0_lowered:
.L_overlay_start_1:
0x0: {  	(tag) =	ssettag $0x1  }
0x1: {  	s4 =	rddreg [dreg:$0x0]  }
0x2: {  	s2 =	rddreg [dreg:$0x1];
	s3 =	srdreg.scid  }
0x3: {  	s1 =	stileid.u32;
	s0 =	rddreg [dreg:$0x2];
	s10 =	simm.s32 $0x80  }
0x4: {  	s11 =	simm.s32 $0x2800;
	s5 =	sand.u32 $0x1, s3;
	s6 =	smul.u32 $0x248, s1  }
0x5: {  	s3 =	simm.s32 $0x0;
	s7 =	sshll.u32 s1, $0x1;
	s8 =	smul.u32 $0x2480, s5  }
0x6: {  	s12 =	simm.s32 $0x0;
	[smem:$0x7FF] =	sst s3;
	s7 =	sor.u32 s5, s7  }
0x7: {  	s5 =	ssub.s32 $0x2, s5;
	s7 =	smul.u32 $0x500, s7;
	s8 =	sadd.s32 s6, s8  }
0x8: {  	_ =	strace $0x80000047;
	s9 =	sshrl.u32 s5, $0x1;
	s8 =	sshrl.u32 s8, $0x3  }
0x9: {  	s9 =	ssub.s32 s5, s9;
	s7 =	sadd.s32 s7, s4;
	s8 =	sadd.s32 s8, s4  }
0xa: {  	s4 =	sadd.s32 s6, s2;
	s5 =	sadd.s32 $0xB600, s7;
	s7 =	smax.u32 s9, $0x1  }
0xb: {  	v0 =	vimm.f32 $0.0e+00;
	v1 =	vimm.f32 $1.000000000e+00;
	s9 =	simm.s32 $0x1;
	s6 =	sadd.s32 $0x15600, s8;
	s8 =	simm.s32 $0x2880  }
.LBB2_1:
0xc: {  	[tilespmem:$0x2880] =	vst v0  }
0xd: {  	[tilespmem:$0x2890] =	vst v0  }
0xe: {  	[tilespmem:$0x28A0] =	vst v0  }
0xf: {  	[tilespmem:$0x28B0] =	vst v0  }
0x10: {  	[tilespmem:$0x28C0] =	vst v0  }
0x11: {  	[tilespmem:$0x28D0] =	vst v0  }
0x12: {  	[tilespmem:$0x28E0] =	vst v0  }
0x13: {  	[tilespmem:$0x28F0] =	vst v0  }
0x14: {  	[tilespmem:$0x2900] =	vst v0  }
0x15: {  	[tilespmem:$0x2910] =	vst v0  }
0x16: {  	[tilespmem:$0x2920] =	vst v0  }
0x17: {  	[tilespmem:$0x2930] =	vst v0  }
0x18: {  	[tilespmem:$0x2940] =	vst v0  }
0x19: {  	[tilespmem:$0x2950] =	vst v0  }
0x1a: {  	[tilespmem:$0x2960] =	vst v0  }
0x1b: {  	[tilespmem:$0x2970] =	vst v0  }
0x1c: {  	[tilespmem:$0x2980] =	vst v0  }
0x1d: {  	[tilespmem:$0x2990] =	vst v0  }
0x1e: {  	[tilespmem:$0x29A0] =	vst v0  }
0x1f: {  	[tilespmem:$0x29B0] =	vst v0  }
0x20: {  	[tilespmem:$0x29C0] =	vst v0  }
0x21: {  	[tilespmem:$0x29D0] =	vst v0  }
0x22: {  	[tilespmem:$0x29E0] =	vst v0  }
0x23: {  	[tilespmem:$0x29F0] =	vst v0  }
0x24: {  	[tilespmem:$0x2A00] =	vst v0  }
0x25: {  	[tilespmem:$0x2A10] =	vst v0  }
0x26: {  	[tilespmem:$0x2A20] =	vst v0  }
0x27: {  	[tilespmem:$0x2A30] =	vst v0  }
0x28: {  	[tilespmem:$0x2A40] =	vst v0  }
0x29: {  	[tilespmem:$0x2A50] =	vst v0  }
0x2a: {  	[tilespmem:$0x2A60] =	vst v0  }
0x2b: {  	[tilespmem:$0x2A70] =	vst v0  }
0x2c: {  	[tilespmem:$0x2A80] =	vst v0  }
0x2d: {  	[tilespmem:$0x2A90] =	vst v0  }
0x2e: {  	[tilespmem:$0x2AA0] =	vst v0  }
0x2f: {  	[tilespmem:$0x2AB0] =	vst v0  }
0x30: {  	[tilespmem:$0x2AC0] =	vst v0  }
0x31: {  	[spmem:s4] =	stream.linear.scatter [tilespmem:s8], [sflag:$0x1], $0x248, $0x38;
	[tilespmem:$0x2D48] =	vst v63  }
0x32: {  	_ =	swait.ge [sflag:s9], $0x248  }
0x33: {  	[sflag:s9] =	ssyncset.done $0x0  }
0x34: {  	[sflag:s9] =	ssyncadd.s32 $0xFFFFFDB8  }
0x35: {  	[tilespmem:s3], [sflag:$0x1] =	stream.linear.gather [hbm4b:s5+s3], $0x2600, $0x38;
	[tilespmem:$0x2D48] =	vst v63  }
0x36: {  	_ =	swait.ge [sflag:s9], $0x2600  }
0x37: {  	[sflag:s9] =	ssyncset.done $0x0  }
0x38: {  	[sflag:s9] =	ssyncadd.s32 $0xFFFFDA00  }
0x39: {  	[tilespmem:$0x2800] =	vst v1  }
0x3a: {  	[tilespmem:$0x2810] =	vst v1  }
0x3b: {  	[tilespmem:$0x2820] =	vst v1  }
0x3c: {  	[tilespmem:$0x2830] =	vst v1  }
0x3d: {  	[tilespmem:$0x2840] =	vst v1  }
0x3e: {  	[tilespmem:$0x2850] =	vst v1  }
0x3f: {  	[tilespmem:$0x2860] =	vst v1  }
0x40: {  	[tilespmem:$0x2870] =	vst v1  }
0x41: {  	s13 =	simm.s32 $0x0;
	[bflag:$0x0] =	sbarrier.arrive $0xFFFF  }
0x42: {  	[spmem:s2] =	stream.indirect.scatter.add.f32 [tilespmem:s11], [sflag:$0x1], $0x1, s13, s10, $0xb8;
	[tilespmem:$0x2D48] =	vst v63  }
0x43: {  	_ =	swait.ge [sflag:s9], $0x80  }
0x44: {  	s13 =	simm.s32 $0x200;
	[sflag:s9] =	ssyncset.done $0x0  }
.LBB2_2:
0x45: {  	s14 =	sshra.s32 s13, $0x2;
	[sflag:s9] =	ssyncadd.s32 $0xFFFFFF80;
	p0 =	sne.s32 s13, $0x9600  }
0x46: {  	[spmem:s2] =	stream.indirect.scatter.add.f32 [tilespmem:s11], [sflag:$0x1], $0x1, s14, s10, $0xb8;
	[tilespmem:$0x2D48] =	vst v63  }
.Ltmp0:
0x47: {  	_ = 	snop;
	(pc) =	sbr.rel @p0 .LBB2_2-.Ltmp0, $4  }
0x48: {  	_ = 	snop  }
0x49: {  	s13 =	sadd.s32 $0x200, s13  }
0x4a: {  	_ =	swait.ge [sflag:s9], $0x80  }
0x4b: {  	[sflag:s9] =	ssyncset.done $0x0  }
0x4c: {  	[sflag:s9] =	ssyncadd.s32 $0xFFFFFF80  }
0x4d: {  	[bflag:$0x0] =	sbarrier.arrive $0xFFFF  }
0x4e: {  	[tilespmem:s8], [sflag:$0x1] =	stream.linear.gather [spmem:s4], $0x248, $0x38;
	[tilespmem:$0x2D48] =	vst v63  }
0x4f: {  	s12 =	sadd.s32 $0x1, s12;
	_ =	swait.ge [sflag:s9], $0x248  }
0x50: {  	p0 =	sne.s32 s12, s7;
	[sflag:s9] =	ssyncset.done $0x0  }
.Ltmp1:
0x51: {  	[sflag:s9] =	ssyncadd.s32 $0xFFFFFDB8;
	(pc) =	sbr.rel @p0 .LBB2_1-.Ltmp1, $4  }
0x52: {  	[hbm4b:s6+s3] =	stream.linear.scatter [tilespmem:s8], [sflag:$0x1], $0x248, $0x38;
	[tilespmem:$0x2D48] =	vst v63  }
0x53: {  	_ =	swait.ge [sflag:s9], $0x248  }
0x54: {  	[sflag:s9] =	ssyncset.done $0x0  }
0x55: {  	[sflag:s9] =	ssyncadd.s32 $0xFFFFFDB8  }
0x56: {  	_ =	sfence.sel $0x180000  }
0x57: {  	[bflag:$0x0] =	sbarrier.arrive $0xFFFF  }
0x58: {  	p0 =	sne.s32 s1, $0x0;
	_ =	strace $0x90000047  }
0x59: {  	s0 =	sadd.s32 @!p0 $0x100000, s0;
	[bflag:$0x2] =	sbarrier.arrive $0xFFFF  }
0x5a: {  	[sflag:s0] =	ssyncadd.tile.s32 @!p0 $0x1;
	_ =	shalt  }
.Lfunc_end2:
_tile_overlayer_lowered:
.L_overlay_start_2:
0x5b: {  	(tag) =	ssettag $0x2  }
0x5c: {  	s0 =	rddreg [dreg:$0x0];
	s2 =	stileid.u32  }
0x5d: {  	s1 =	rddreg [dreg:$0x1];
	p0 =	sne.s32 s2, $0x0  }
0x5e: {  	s3 =	rddreg [dreg:$0x2];
	[bflag:$0x3] =	sbarrier.arrive $0xFFFF;
	s2 =	simm.s32 @!p0 $0x1C01  }
0x5f: {  	[timem:s3], [sflag:s2] =	dma.local @!p0 [hbm:s0], s1  }
0x60: {  	s0 =	simm.s32 @!p0 $0x1  }
0x61: {  	_ =	swait.ge @!p0 [sflag:s0], s1  }
0x62: {  	s1 =	ssub.s32 @!p0 $0x0, s1;
	[sflag:s0] =	ssyncset.done @!p0 $0x0  }
0x63: {  	[sflag:s0] =	ssyncadd.s32 @!p0 s1  }
0x64: {  	[bflag:$0x3] =	sbarrier.arrive $0xFFFF  }
0x65: {  	_ =	shalt  }

</sc_bundles>
